<compile_context>
chip_gen: v7x
topology: tpu7x:2x2x1
jax: 0.10.2.dev20260603
libtpu: 0.0.44.dev20260713+nightly
codegen_flags: <defaults>
</compile_context>

<pallas_src>
import functools

import jax
import jax.numpy as jnp
from jax import lax
from jax.experimental import pallas as pl
from jax.experimental.pallas import tpu as pltpu
from jax.experimental.pallas import tpu_sc as plsc

N = 10000
DIN = 128
FEAT = 128
ACCW = 144
NTILE = 16
NSC = 2
NPAD = 10240
ANROWS = 10016
ZROWS = 626
OROWS = 625
EDGE_K = 56
NCHUNK = 186
PER_TILE = EDGE_K * NCHUNK
EPAD = PER_TILE * NTILE * NSC
TOTCHUNK = NCHUNK * NTILE * NSC
TCB = 512


def _make_edge_kernel(heads):
    mesh = plsc.VectorSubcoreMesh(core_axis_name="c", subcore_axis_name="s")

    @functools.partial(
        pl.kernel, mesh=mesh,
        compiler_params=pltpu.CompilerParams(use_tc_tiling_on_sc=False),
        out_type=jax.ShapeDtypeStruct((NSC, NPAD, ACCW), jnp.float32),
        scratch_types=[
            pltpu.VMEM((3, 2, EDGE_K), jnp.int32),
            pltpu.VMEM((2, EDGE_K, FEAT), jnp.float32),
            pltpu.VMEM((2, EDGE_K, FEAT), jnp.float32),
            pltpu.VMEM((EDGE_K, ACCW), jnp.float32),
            pltpu.VMEM((FEAT,), jnp.float32),
            pltpu.VMEM_SHARED((ANROWS, ACCW), jnp.float32),
            pltpu.SemaphoreType.DMA((2,)),
            pltpu.SemaphoreType.DMA((2,)),
        ],
    )
    def edge_kernel(xl_hbm, xr_hbm, edges_hbm, att_hbm, out_hbm,
                    eb_v, g1_v, g2_v, con_v, att_v, acc_sh,
                    semi, semg):
        cid = lax.axis_index("c")
        tid = lax.axis_index("s")
        wid = cid * NTILE + tid

        def zrow(r, carry):
            for j in range(ACCW // 16):
                con_v[r, pl.ds(j * 16, 16)] = jnp.zeros((16,), jnp.float32)
            return carry
        lax.fori_loop(0, EDGE_K, zrow, 0)
        zrow0 = tid * ZROWS
        for b in range(ZROWS // EDGE_K):
            pltpu.sync_copy(con_v,
                            acc_sh.at[pl.ds(zrow0 + b * EDGE_K, EDGE_K)])
        ztail = ZROWS % EDGE_K
        pltpu.sync_copy(con_v.at[pl.ds(0, ztail)],
                        acc_sh.at[pl.ds(zrow0 + ZROWS - ztail, ztail)])
        plsc.subcore_barrier()

        pltpu.sync_copy(att_hbm, att_v)
        att = [att_v[pl.ds(j * 16, 16)] for j in range(8)]
        lane = lax.iota(jnp.int32, 16)
        onehot = [jnp.where(lane == h, 1.0, 0.0).astype(jnp.float32)
                  for h in range(heads)]
        perms = [(lane ^ (1 << k)).reshape(16, 1) for k in range(4)]
        dnums = lax.GatherDimensionNumbers(
            offset_dims=(), collapsed_slice_dims=(0,), start_index_map=(0,))

        def G(x, p):
            return lax.gather(x, p, dnums, (1,),
                              mode=lax.GatherScatterMode.PROMISE_IN_BOUNDS)

        def vsum_bcast(t):
            for p in perms:
                t = t + G(t, p)
            return t

        cbase = wid * NCHUNK

        def start_idx(c):
            pltpu.async_copy(edges_hbm.at[cbase + c], eb_v.at[lax.rem(c, 3)],
                             semi.at[lax.rem(c, 2)])

        def wait_idx(c):
            pltpu.make_async_copy(edges_hbm.at[cbase + c],
                                  eb_v.at[lax.rem(c, 3)],
                                  semi.at[lax.rem(c, 2)]).wait()

        def start_gathers(c):
            s2, s3 = lax.rem(c, 2), lax.rem(c, 3)
            pltpu.async_copy(xl_hbm.at[eb_v.at[s3, 0]], g1_v.at[s2], semg.at[s2])
            pltpu.async_copy(xr_hbm.at[eb_v.at[s3, 1]], g2_v.at[s2], semg.at[s2])

        def wait_gathers(c):
            s2, s3 = lax.rem(c, 2), lax.rem(c, 3)
            pltpu.make_async_copy(xl_hbm.at[eb_v.at[s3, 0]], g1_v.at[s2],
                                  semg.at[s2]).wait()
            pltpu.make_async_copy(xr_hbm.at[eb_v.at[s3, 1]], g2_v.at[s2],
                                  semg.at[s2]).wait()

        def run_scatter(c):
            s3 = lax.rem(c, 3)
            pltpu.sync_copy(con_v, acc_sh.at[eb_v.at[s3, 1]], add=True)

        pltpu.sync_copy(edges_hbm.at[cbase + 0], eb_v.at[0])
        start_gathers(0)
        start_idx(1)
        start_idx(2)

        def chunk_body(c, carry):
            cur = lax.rem(c, 2)

            @pl.when(c + 1 < NCHUNK)
            def _():
                wait_idx(c + 1)
                start_gathers(c + 1)

            @pl.when(jnp.logical_and(c >= 1, c + 2 < NCHUNK))
            def _():
                start_idx(c + 2)

            wait_gathers(c)

            @plsc.parallel_loop(0, EDGE_K, unroll=4)
            def edge_body(e):
                g1 = [g1_v[cur, e, pl.ds(j * 16, 16)] for j in range(8)]
                g2 = [g2_v[cur, e, pl.ds(j * 16, 16)] for j in range(8)]
                t = []
                for j in range(8):
                    m = g1[j] + g2[j]
                    t.append(jnp.maximum(m, 0.2 * m) * att[j])
                wvec = jnp.zeros((16,), jnp.float32)
                if heads == 8:
                    for h in range(8):
                        wb = jnp.exp(vsum_bcast(t[h]))
                        wvec = wvec + wb * onehot[h]
                        con_v[e, pl.ds(h * 16, 16)] = g1[h] * wb
                else:
                    while len(t) > 1:
                        t = [a + b for a, b in zip(t[::2], t[1::2])]
                    wb = jnp.exp(vsum_bcast(t[0]))
                    wvec = wb * onehot[0]
                    for j in range(8):
                        con_v[e, pl.ds(j * 16, 16)] = g1[j] * wb
                con_v[e, pl.ds(128, 16)] = wvec

            run_scatter(c)
            return carry

        lax.fori_loop(0, NCHUNK, chunk_body, 0)
        plsc.subcore_barrier()

        orow0 = tid * OROWS
        pltpu.sync_copy(acc_sh.at[pl.ds(orow0, OROWS)],
                        out_hbm.at[cid, pl.ds(orow0, OROWS)])

    return edge_kernel


_edge_l1 = _make_edge_kernel(8)
_edge_l2 = _make_edge_kernel(1)


def _mm2_body(x_ref, wl_ref, wr_ref, ol_ref, or_ref):
    xb = x_ref[...]
    ol_ref[...] = jnp.dot(xb, wl_ref[...], preferred_element_type=jnp.float32)
    or_ref[...] = jnp.dot(xb, wr_ref[...], preferred_element_type=jnp.float32)


def _mm2(x_pad, wl, wr):
    return pl.pallas_call(
        _mm2_body,
        grid=(NPAD // TCB,),
        in_specs=[pl.BlockSpec((TCB, DIN), lambda i: (i, 0)),
                  pl.BlockSpec((DIN, FEAT), lambda i: (0, 0)),
                  pl.BlockSpec((DIN, FEAT), lambda i: (0, 0))],
        out_specs=[pl.BlockSpec((TCB, FEAT), lambda i: (i, 0)),
                   pl.BlockSpec((TCB, FEAT), lambda i: (i, 0))],
        out_shape=[jax.ShapeDtypeStruct((NPAD, FEAT), jnp.float32)] * 2,
    )(x_pad, wl, wr)


def _combine_mm_body(a0_ref, a1_ref, b_ref, wl_ref, wr_ref, ol_ref, or_ref):
    a = a0_ref[...] + a1_ref[...]
    num = a[:, :FEAT]
    den8 = a[:, FEAT:FEAT + 8]
    col = lax.broadcasted_iota(jnp.int32, (8, FEAT), 1)
    row = lax.broadcasted_iota(jnp.int32, (8, FEAT), 0)
    expand = jnp.where(col // 16 == row, 1.0, 0.0).astype(jnp.float32)
    den = jnp.dot(den8, expand, preferred_element_type=jnp.float32) + 1e-16
    h = jnp.maximum(num / den + b_ref[...], 0.0)
    ol_ref[...] = jnp.dot(h, wl_ref[...], preferred_element_type=jnp.float32)
    or_ref[...] = jnp.dot(h, wr_ref[...], preferred_element_type=jnp.float32)


def _combine_mm(a0, a1, b1, wl, wr):
    return pl.pallas_call(
        _combine_mm_body,
        grid=(NPAD // TCB,),
        in_specs=[pl.BlockSpec((TCB, ACCW), lambda i: (i, 0)),
                  pl.BlockSpec((TCB, ACCW), lambda i: (i, 0)),
                  pl.BlockSpec((1, FEAT), lambda i: (0, 0)),
                  pl.BlockSpec((FEAT, FEAT), lambda i: (0, 0)),
                  pl.BlockSpec((FEAT, FEAT), lambda i: (0, 0))],
        out_specs=[pl.BlockSpec((TCB, FEAT), lambda i: (i, 0)),
                   pl.BlockSpec((TCB, FEAT), lambda i: (i, 0))],
        out_shape=[jax.ShapeDtypeStruct((NPAD, FEAT), jnp.float32)] * 2,
    )(a0, a1, b1, wl, wr)


def _final_body(a0_ref, a1_ref, b_ref, o_ref):
    a = a0_ref[...] + a1_ref[...]
    den = a[:, FEAT:FEAT + 1] + 1e-16
    o_ref[...] = jnp.maximum(a[:, :FEAT] / den + b_ref[...], 0.0)


def _final(a0, a1, b2):
    return pl.pallas_call(
        _final_body,
        grid=(NPAD // TCB,),
        in_specs=[pl.BlockSpec((TCB, ACCW), lambda i: (i, 0)),
                  pl.BlockSpec((TCB, ACCW), lambda i: (i, 0)),
                  pl.BlockSpec((1, FEAT), lambda i: (0, 0))],
        out_specs=pl.BlockSpec((TCB, FEAT), lambda i: (i, 0)),
        out_shape=jax.ShapeDtypeStruct((NPAD, FEAT), jnp.float32),
    )(a0, a1, b2)


def kernel(x, edge_index, Wl1, Wr1, att1, b1, Wl2, Wr2, att2, b2):
    E = edge_index.shape[1]
    loops = jnp.arange(N, dtype=jnp.int32)
    src = jnp.concatenate([edge_index[0].astype(jnp.int32), loops])
    dst = jnp.concatenate([edge_index[1].astype(jnp.int32), loops])
    npad_e = EPAD - (E + N)
    pad_rows = N + (jnp.arange(npad_e, dtype=jnp.int32) % 8)
    src = jnp.concatenate([src, pad_rows])
    dst = jnp.concatenate([dst, pad_rows])
    edges = jnp.stack([src.reshape(TOTCHUNK, EDGE_K),
                       dst.reshape(TOTCHUNK, EDGE_K)], axis=1)

    x_pad = jnp.zeros((NPAD, DIN), jnp.float32).at[:N].set(x)
    xl1, xr1 = _mm2(x_pad, Wl1, Wr1)
    acc1 = _edge_l1(xl1, xr1, edges, att1.reshape(FEAT))
    xl2, xr2 = _combine_mm(acc1[0], acc1[1], b1.reshape(1, FEAT), Wl2, Wr2)
    acc2 = _edge_l2(xl2, xr2, edges, att2.reshape(FEAT))
    out_pad = _final(acc2[0], acc2[1], b2.reshape(1, FEAT))
    return out_pad[:N]

# --- scband reference (transcript-rebuilt; emitter-appended) ---
"""Pipeline reference for scband-gat-2layer-22582938042902 (READ-ONLY COPY).

The authoritative reference and input builder live on the scoring server;
editing this copy changes nothing except your own understanding.
"""

import jax, jax.numpy as jnp
import numpy as np

N = 10000
E = 320000
DIN = 128
H1, C1 = 8, 16
DOUT = 128


def setup_inputs(seed: int = 0) -> dict:
    key = jax.random.key(seed)
    ks = jax.random.split(key, 12)
    x = jax.random.normal(ks[0], (N, DIN), dtype=jnp.float32)
    edge_index = jax.random.randint(ks[1], (2, E), 0, N, dtype=jnp.int32)
    s = 0.1
    Wl1 = jax.random.normal(ks[2], (DIN, H1 * C1), dtype=jnp.float32) * s
    Wr1 = jax.random.normal(ks[3], (DIN, H1 * C1), dtype=jnp.float32) * s
    att1 = jax.random.normal(ks[4], (H1, C1), dtype=jnp.float32) * s
    b1 = jnp.zeros((H1 * C1,), dtype=jnp.float32)
    Wl2 = jax.random.normal(ks[5], (H1 * C1, DOUT), dtype=jnp.float32) * s
    Wr2 = jax.random.normal(ks[6], (H1 * C1, DOUT), dtype=jnp.float32) * s
    att2 = jax.random.normal(ks[7], (1, DOUT), dtype=jnp.float32) * s
    b2 = jnp.zeros((DOUT,), dtype=jnp.float32)
    return {"x": x, "edge_index": edge_index, "Wl1": Wl1, "Wr1": Wr1, "att1": att1, "b1": b1,
            "Wl2": Wl2, "Wr2": Wr2, "att2": att2, "b2": b2}


def _gatv2_layer(x, src, dst, Wl, Wr, att, bias, heads, ch, concat, n):
    # GATv2Conv (PyG semantics): lin_l on source, lin_r on target,
    # e_ij = att . leaky_relu(x_i' + x_j'), softmax over incoming edges of dst.
    xl = (x @ Wl).reshape(-1, heads, ch)
    xr = (x @ Wr).reshape(-1, heads, ch)
    m = xl[src] + xr[dst]                      # [E, H, C]
    e = jax.nn.leaky_relu(m, negative_slope=0.2)
    logits = jnp.einsum("ehc,hc->eh", e, att)  # [E, H]
    lmax = jax.ops.segment_max(logits, dst, num_segments=n)
    lmax = jax.lax.stop_gradient(lmax)
    ex = jnp.exp(logits - lmax[dst])
    denom = jax.ops.segment_sum(ex, dst, num_segments=n)
    alpha = ex / (denom[dst] + 1e-16)          # [E, H]
    out = jax.ops.segment_sum(alpha[:, :, None] * xl[src], dst, num_segments=n)  # [N, H, C]
    if concat:
        out = out.reshape(n, heads * ch)
    else:
        out = out.mean(axis=1)
    return out + bias


def reference(x, edge_index, Wl1, Wr1, att1, b1, Wl2, Wr2, att2, b2):
    # dropout layers are identity in eval mode
    loops = jnp.arange(N, dtype=edge_index.dtype)
    src = jnp.concatenate([edge_index[0], loops])  # PyG add_self_loops=True
    dst = jnp.concatenate([edge_index[1], loops])
    h = _gatv2_layer(x, src, dst, Wl1, Wr1, att1, b1, H1, C1, True, N)
    h = jax.nn.relu(h)
    out = _gatv2_layer(h, src, dst, Wl2, Wr2, att2, b2, 1, DOUT, False, N)
    return jax.nn.relu(out)

if __name__ == "__main__":
    import jax
    _d = setup_inputs()
    print(jax.jit(kernel)(*tuple(_d.values())))

</pallas_src>

<mosaic_0001>
#map = affine_map<(d0, d1) -> (0, 0)>
#map1 = affine_map<(d0, d1) -> (0, 0, 0)>
#map2 = affine_map<(d0, d1) -> (0)>
module attributes {stable_mosaic.version = 14 : i64} {
  func.func @edge_kernel(%arg0: i32, %arg1: i32, %arg2: memref<10240x128xf32, #tpu.memory_space<hbm>>, %arg3: memref<10240x128xf32, #tpu.memory_space<hbm>>, %arg4: memref<5952x2x56xi32, #tpu.memory_space<hbm>>, %arg5: memref<128xf32, #tpu.memory_space<hbm>>, %arg6: memref<2x10240x144xf32, #tpu.memory_space<hbm>>, %arg7: memref<3x2x56xi32, #tpu.memory_space<vmem>>, %arg8: memref<2x56x128xf32, #tpu.memory_space<vmem>>, %arg9: memref<2x56x128xf32, #tpu.memory_space<vmem>>, %arg10: memref<56x144xf32, #tpu.memory_space<vmem>>, %arg11: memref<128xf32, #tpu.memory_space<vmem>>, %arg12: memref<10016x144xf32, #tpu.memory_space<vmem_shared>>, %arg13: memref<2x!tpu.dma_semaphore, #tpu.memory_space<semaphore_mem>>, %arg14: memref<2x!tpu.dma_semaphore, #tpu.memory_space<semaphore_mem>>) attributes {dimension_semantics = [#tpu.dimension_semantics<core_parallel>, #tpu.dimension_semantics<subcore_parallel>], iteration_bounds = array<i64: 2, 16>, scalar_prefetch = 0 : i64, scratch_operands = 8 : i64, tpu.core_type = #tpu.core_type<sc_vector_subcore>, window_params = [{transform_indices = #map}, {transform_indices = #map}, {transform_indices = #map1}, {transform_indices = #map2}, {transform_indices = #map1}]} {
    %mul3A = arith.constant 16 : i32
    %mul3A_0 = arith.muli %arg0, %mul3A : i32
    %add3A = arith.addi %mul3A_0, %arg1 : i32
    %scan3A = arith.constant 0 : i32
    %scan3A_1 = arith.constant 0 : i32
    %scan3A_2 = arith.constant 56 : i32
    %scan3A_3 = arith.addi %scan3A_1, %scan3A_2 : i32
    %scan3A_4 = arith.constant 1 : i32
    scf.for %scan3A_169 = %scan3A_1 to %scan3A_3 step %scan3A_4  : i32 {
      %broadcast_in_dim3A_170 = arith.constant 0.000000e+00 : f32
      %broadcast_in_dim3A_171 = vector.broadcast %broadcast_in_dim3A_170 : f32 to vector<16xf32>
      %swap3A = arith.index_cast %scan3A_169 : i32 to index
      %swap3A_172 = arith.constant 0 : index
      %swap3A_173 = tpu.vector_load %arg10[%swap3A, %swap3A_172] {strides = array<i32>} : memref<56x144xf32, #tpu.memory_space<vmem>>, vector<1x16xf32>,
      %swap3A_174 = vector.shape_cast %swap3A_173 : vector<1x16xf32> to vector<16xf32>
      %swap3A_175 = vector.shape_cast %broadcast_in_dim3A_171 : vector<16xf32> to vector<1x16xf32>
      tpu.vector_store %arg10[%swap3A, %swap3A_172], %swap3A_175 {strides = array<i32>} : memref<56x144xf32, #tpu.memory_space<vmem>>, vector<1x16xf32>,
      %broadcast_in_dim3A_176 = arith.constant 0.000000e+00 : f32
      %broadcast_in_dim3A_177 = vector.broadcast %broadcast_in_dim3A_176 : f32 to vector<16xf32>
      %swap3A_178 = arith.index_cast %scan3A_169 : i32 to index
      %swap3A_179 = arith.constant 16 : index
      %swap3A_180 = tpu.vector_load %arg10[%swap3A_178, %swap3A_179] {strides = array<i32>} : memref<56x144xf32, #tpu.memory_space<vmem>>, vector<1x16xf32>,
      %swap3A_181 = vector.shape_cast %swap3A_180 : vector<1x16xf32> to vector<16xf32>
      %swap3A_182 = vector.shape_cast %broadcast_in_dim3A_177 : vector<16xf32> to vector<1x16xf32>
      tpu.vector_store %arg10[%swap3A_178, %swap3A_179], %swap3A_182 {strides = array<i32>} : memref<56x144xf32, #tpu.memory_space<vmem>>, vector<1x16xf32>,
      %broadcast_in_dim3A_183 = arith.constant 0.000000e+00 : f32
      %broadcast_in_dim3A_184 = vector.broadcast %broadcast_in_dim3A_183 : f32 to vector<16xf32>
      %swap3A_185 = arith.index_cast %scan3A_169 : i32 to index
      %swap3A_186 = arith.constant 32 : index
      %swap3A_187 = tpu.vector_load %arg10[%swap3A_185, %swap3A_186] {strides = array<i32>} : memref<56x144xf32, #tpu.memory_space<vmem>>, vector<1x16xf32>,
      %swap3A_188 = vector.shape_cast %swap3A_187 : vector<1x16xf32> to vector<16xf32>
      %swap3A_189 = vector.shape_cast %broadcast_in_dim3A_184 : vector<16xf32> to vector<1x16xf32>
      tpu.vector_store %arg10[%swap3A_185, %swap3A_186], %swap3A_189 {strides = array<i32>} : memref<56x144xf32, #tpu.memory_space<vmem>>, vector<1x16xf32>,
      %broadcast_in_dim3A_190 = arith.constant 0.000000e+00 : f32
      %broadcast_in_dim3A_191 = vector.broadcast %broadcast_in_dim3A_190 : f32 to vector<16xf32>
      %swap3A_192 = arith.index_cast %scan3A_169 : i32 to index
      %swap3A_193 = arith.constant 48 : index
      %swap3A_194 = tpu.vector_load %arg10[%swap3A_192, %swap3A_193] {strides = array<i32>} : memref<56x144xf32, #tpu.memory_space<vmem>>, vector<1x16xf32>,
      %swap3A_195 = vector.shape_cast %swap3A_194 : vector<1x16xf32> to vector<16xf32>
      %swap3A_196 = vector.shape_cast %broadcast_in_dim3A_191 : vector<16xf32> to vector<1x16xf32>
      tpu.vector_store %arg10[%swap3A_192, %swap3A_193], %swap3A_196 {strides = array<i32>} : memref<56x144xf32, #tpu.memory_space<vmem>>, vector<1x16xf32>,
      %broadcast_in_dim3A_197 = arith.constant 0.000000e+00 : f32
      %broadcast_in_dim3A_198 = vector.broadcast %broadcast_in_dim3A_197 : f32 to vector<16xf32>
      %swap3A_199 = arith.index_cast %scan3A_169 : i32 to index
      %swap3A_200 = arith.constant 64 : index
      %swap3A_201 = tpu.vector_load %arg10[%swap3A_199, %swap3A_200] {strides = array<i32>} : memref<56x144xf32, #tpu.memory_space<vmem>>, vector<1x16xf32>,
      %swap3A_202 = vector.shape_cast %swap3A_201 : vector<1x16xf32> to vector<16xf32>
      %swap3A_203 = vector.shape_cast %broadcast_in_dim3A_198 : vector<16xf32> to vector<1x16xf32>
      tpu.vector_store %arg10[%swap3A_199, %swap3A_200], %swap3A_203 {strides = array<i32>} : memref<56x144xf32, #tpu.memory_space<vmem>>, vector<1x16xf32>,
      %broadcast_in_dim3A_204 = arith.constant 0.000000e+00 : f32
      %broadcast_in_dim3A_205 = vector.broadcast %broadcast_in_dim3A_204 : f32 to vector<16xf32>
      %swap3A_206 = arith.index_cast %scan3A_169 : i32 to index
      %swap3A_207 = arith.constant 80 : index
      %swap3A_208 = tpu.vector_load %arg10[%swap3A_206, %swap3A_207] {strides = array<i32>} : memref<56x144xf32, #tpu.memory_space<vmem>>, vector<1x16xf32>,
      %swap3A_209 = vector.shape_cast %swap3A_208 : vector<1x16xf32> to vector<16xf32>
      %swap3A_210 = vector.shape_cast %broadcast_in_dim3A_205 : vector<16xf32> to vector<1x16xf32>
      tpu.vector_store %arg10[%swap3A_206, %swap3A_207], %swap3A_210 {strides = array<i32>} : memref<56x144xf32, #tpu.memory_space<vmem>>, vector<1x16xf32>,
      %broadcast_in_dim3A_211 = arith.constant 0.000000e+00 : f32
      %broadcast_in_dim3A_212 = vector.broadcast %broadcast_in_dim3A_211 : f32 to vector<16xf32>
      %swap3A_213 = arith.index_cast %scan3A_169 : i32 to index
      %swap3A_214 = arith.constant 96 : index
      %swap3A_215 = tpu.vector_load %arg10[%swap3A_213, %swap3A_214] {strides = array<i32>} : memref<56x144xf32, #tpu.memory_space<vmem>>, vector<1x16xf32>,
      %swap3A_216 = vector.shape_cast %swap3A_215 : vector<1x16xf32> to vector<16xf32>
      %swap3A_217 = vector.shape_cast %broadcast_in_dim3A_212 : vector<16xf32> to vector<1x16xf32>
      tpu.vector_store %arg10[%swap3A_213, %swap3A_214], %swap3A_217 {strides = array<i32>} : memref<56x144xf32, #tpu.memory_space<vmem>>, vector<1x16xf32>,
      %broadcast_in_dim3A_218 = arith.constant 0.000000e+00 : f32
      %broadcast_in_dim3A_219 = vector.broadcast %broadcast_in_dim3A_218 : f32 to vector<16xf32>
      %swap3A_220 = arith.index_cast %scan3A_169 : i32 to index
      %swap3A_221 = arith.constant 112 : index
      %swap3A_222 = tpu.vector_load %arg10[%swap3A_220, %swap3A_221] {strides = array<i32>} : memref<56x144xf32, #tpu.memory_space<vmem>>, vector<1x16xf32>,
      %swap3A_223 = vector.shape_cast %swap3A_222 : vector<1x16xf32> to vector<16xf32>
      %swap3A_224 = vector.shape_cast %broadcast_in_dim3A_219 : vector<16xf32> to vector<1x16xf32>
      tpu.vector_store %arg10[%swap3A_220, %swap3A_221], %swap3A_224 {strides = array<i32>} : memref<56x144xf32, #tpu.memory_space<vmem>>, vector<1x16xf32>,
      %broadcast_in_dim3A_225 = arith.constant 0.000000e+00 : f32
      %broadcast_in_dim3A_226 = vector.broadcast %broadcast_in_dim3A_225 : f32 to vector<16xf32>
      %swap3A_227 = arith.index_cast %scan3A_169 : i32 to index
      %swap3A_228 = arith.constant 128 : index
      %swap3A_229 = tpu.vector_load %arg10[%swap3A_227, %swap3A_228] {strides = array<i32>} : memref<56x144xf32, #tpu.memory_space<vmem>>, vector<1x16xf32>,
      %swap3A_230 = vector.shape_cast %swap3A_229 : vector<1x16xf32> to vector<16xf32>
      %swap3A_231 = vector.shape_cast %broadcast_in_dim3A_226 : vector<16xf32> to vector<1x16xf32>
      tpu.vector_store %arg10[%swap3A_227, %swap3A_228], %swap3A_231 {strides = array<i32>} : memref<56x144xf32, #tpu.memory_space<vmem>>, vector<1x16xf32>,
    }
    %scan3A_5 = arith.constant 56 : i32
    %mul3A_6 = arith.constant 626 : i32
    %mul3A_7 = arith.muli %arg1, %mul3A_6 : i32
    %add3A_8 = arith.constant 0 : i32
    %add3A_9 = arith.addi %mul3A_7, %add3A_8 : i32
    "tpu.region"() ({
      %run_scoped3A_169 = tpu.sem_alloc : memref<!tpu.dma_semaphore, #tpu.memory_space<semaphore_mem>>
      %dma_start3A_170 = arith.constant 0 : i32
      %dma_start3A_171 = tpu.memref_slice %arg12[%add3A_9, %dma_start3A_170] : memref<10016x144xf32, #tpu.memory_space<vmem_shared>> -> memref<56x144xf32, #tpu.memory_space<vmem_shared>>
      %dma_start3A_172 = arith.constant 0 : i32
      %dma_start3A_173 = tpu.memref_slice %arg12[%add3A_9, %dma_start3A_172] : memref<10016x144xf32, #tpu.memory_space<vmem_shared>> -> memref<56x144xf32, #tpu.memory_space<vmem_shared>>
      tpu.enqueue_dma source(%arg10 : memref<56x144xf32, #tpu.memory_space<vmem>>) target(%dma_start3A_173 : memref<56x144xf32, #tpu.memory_space<vmem_shared>>) target_semaphore(%run_scoped3A_169 : memref<!tpu.dma_semaphore, #tpu.memory_space<semaphore_mem>>)
      %dma_wait3A = arith.constant 0 : i32
      %dma_wait3A_174 = tpu.memref_slice %arg12[%add3A_9, %dma_wait3A] : memref<10016x144xf32, #tpu.memory_space<vmem_shared>> -> memref<56x144xf32, #tpu.memory_space<vmem_shared>>
      %dma_wait3A_175 = arith.constant 0 : i32
      %dma_wait3A_176 = tpu.memref_slice %arg12[%add3A_9, %dma_wait3A_175] : memref<10016x144xf32, #tpu.memory_space<vmem_shared>> -> memref<56x144xf32, #tpu.memory_space<vmem_shared>>
      tpu.wait_dma2 semaphore(%run_scoped3A_169 : memref<!tpu.dma_semaphore, #tpu.memory_space<semaphore_mem>>) src(%arg10 : memref<56x144xf32, #tpu.memory_space<vmem>>) dst(%dma_wait3A_176 : memref<56x144xf32, #tpu.memory_space<vmem_shared>>)
      tpu.yield
    }) : () -> ()
    %add3A_10 = arith.constant 56 : i32
    %add3A_11 = arith.addi %mul3A_7, %add3A_10 : i32
    "tpu.region"() ({
      %run_scoped3A_169 = tpu.sem_alloc : memref<!tpu.dma_semaphore, #tpu.memory_space<semaphore_mem>>
      %dma_start3A_170 = arith.constant 0 : i32
      %dma_start3A_171 = tpu.memref_slice %arg12[%add3A_11, %dma_start3A_170] : memref<10016x144xf32, #tpu.memory_space<vmem_shared>> -> memref<56x144xf32, #tpu.memory_space<vmem_shared>>
      %dma_start3A_172 = arith.constant 0 : i32
      %dma_start3A_173 = tpu.memref_slice %arg12[%add3A_11, %dma_start3A_172] : memref<10016x144xf32, #tpu.memory_space<vmem_shared>> -> memref<56x144xf32, #tpu.memory_space<vmem_shared>>
      tpu.enqueue_dma source(%arg10 : memref<56x144xf32, #tpu.memory_space<vmem>>) target(%dma_start3A_173 : memref<56x144xf32, #tpu.memory_space<vmem_shared>>) target_semaphore(%run_scoped3A_169 : memref<!tpu.dma_semaphore, #tpu.memory_space<semaphore_mem>>)
      %dma_wait3A = arith.constant 0 : i32
      %dma_wait3A_174 = tpu.memref_slice %arg12[%add3A_11, %dma_wait3A] : memref<10016x144xf32, #tpu.memory_space<vmem_shared>> -> memref<56x144xf32, #tpu.memory_space<vmem_shared>>
      %dma_wait3A_175 = arith.constant 0 : i32
      %dma_wait3A_176 = tpu.memref_slice %arg12[%add3A_11, %dma_wait3A_175] : memref<10016x144xf32, #tpu.memory_space<vmem_shared>> -> memref<56x144xf32, #tpu.memory_space<vmem_shared>>
      tpu.wait_dma2 semaphore(%run_scoped3A_169 : memref<!tpu.dma_semaphore, #tpu.memory_space<semaphore_mem>>) src(%arg10 : memref<56x144xf32, #tpu.memory_space<vmem>>) dst(%dma_wait3A_176 : memref<56x144xf32, #tpu.memory_space<vmem_shared>>)
      tpu.yield
    }) : () -> ()
    %add3A_12 = arith.constant 112 : i32
    %add3A_13 = arith.addi %mul3A_7, %add3A_12 : i32
    "tpu.region"() ({
      %run_scoped3A_169 = tpu.sem_alloc : memref<!tpu.dma_semaphore, #tpu.memory_space<semaphore_mem>>
      %dma_start3A_170 = arith.constant 0 : i32
      %dma_start3A_171 = tpu.memref_slice %arg12[%add3A_13, %dma_start3A_170] : memref<10016x144xf32, #tpu.memory_space<vmem_shared>> -> memref<56x144xf32, #tpu.memory_space<vmem_shared>>
      %dma_start3A_172 = arith.constant 0 : i32
      %dma_start3A_173 = tpu.memref_slice %arg12[%add3A_13, %dma_start3A_172] : memref<10016x144xf32, #tpu.memory_space<vmem_shared>> -> memref<56x144xf32, #tpu.memory_space<vmem_shared>>
      tpu.enqueue_dma source(%arg10 : memref<56x144xf32, #tpu.memory_space<vmem>>) target(%dma_start3A_173 : memref<56x144xf32, #tpu.memory_space<vmem_shared>>) target_semaphore(%run_scoped3A_169 : memref<!tpu.dma_semaphore, #tpu.memory_space<semaphore_mem>>)
      %dma_wait3A = arith.constant 0 : i32
      %dma_wait3A_174 = tpu.memref_slice %arg12[%add3A_13, %dma_wait3A] : memref<10016x144xf32, #tpu.memory_space<vmem_shared>> -> memref<56x144xf32, #tpu.memory_space<vmem_shared>>
      %dma_wait3A_175 = arith.constant 0 : i32
      %dma_wait3A_176 = tpu.memref_slice %arg12[%add3A_13, %dma_wait3A_175] : memref<10016x144xf32, #tpu.memory_space<vmem_shared>> -> memref<56x144xf32, #tpu.memory_space<vmem_shared>>
      tpu.wait_dma2 semaphore(%run_scoped3A_169 : memref<!tpu.dma_semaphore, #tpu.memory_space<semaphore_mem>>) src(%arg10 : memref<56x144xf32, #tpu.memory_space<vmem>>) dst(%dma_wait3A_176 : memref<56x144xf32, #tpu.memory_space<vmem_shared>>)
      tpu.yield
    }) : () -> ()
    %add3A_14 = arith.constant 168 : i32
    %add3A_15 = arith.addi %mul3A_7, %add3A_14 : i32
    "tpu.region"() ({
      %run_scoped3A_169 = tpu.sem_alloc : memref<!tpu.dma_semaphore, #tpu.memory_space<semaphore_mem>>
      %dma_start3A_170 = arith.constant 0 : i32
      %dma_start3A_171 = tpu.memref_slice %arg12[%add3A_15, %dma_start3A_170] : memref<10016x144xf32, #tpu.memory_space<vmem_shared>> -> memref<56x144xf32, #tpu.memory_space<vmem_shared>>
      %dma_start3A_172 = arith.constant 0 : i32
      %dma_start3A_173 = tpu.memref_slice %arg12[%add3A_15, %dma_start3A_172] : memref<10016x144xf32, #tpu.memory_space<vmem_shared>> -> memref<56x144xf32, #tpu.memory_space<vmem_shared>>
      tpu.enqueue_dma source(%arg10 : memref<56x144xf32, #tpu.memory_space<vmem>>) target(%dma_start3A_173 : memref<56x144xf32, #tpu.memory_space<vmem_shared>>) target_semaphore(%run_scoped3A_169 : memref<!tpu.dma_semaphore, #tpu.memory_space<semaphore_mem>>)
      %dma_wait3A = arith.constant 0 : i32
      %dma_wait3A_174 = tpu.memref_slice %arg12[%add3A_15, %dma_wait3A] : memref<10016x144xf32, #tpu.memory_space<vmem_shared>> -> memref<56x144xf32, #tpu.memory_space<vmem_shared>>
      %dma_wait3A_175 = arith.constant 0 : i32
      %dma_wait3A_176 = tpu.memref_slice %arg12[%add3A_15, %dma_wait3A_175] : memref<10016x144xf32, #tpu.memory_space<vmem_shared>> -> memref<56x144xf32, #tpu.memory_space<vmem_shared>>
      tpu.wait_dma2 semaphore(%run_scoped3A_169 : memref<!tpu.dma_semaphore, #tpu.memory_space<semaphore_mem>>) src(%arg10 : memref<56x144xf32, #tpu.memory_space<vmem>>) dst(%dma_wait3A_176 : memref<56x144xf32, #tpu.memory_space<vmem_shared>>)
      tpu.yield
    }) : () -> ()
    %add3A_16 = arith.constant 224 : i32
    %add3A_17 = arith.addi %mul3A_7, %add3A_16 : i32
    "tpu.region"() ({
      %run_scoped3A_169 = tpu.sem_alloc : memref<!tpu.dma_semaphore, #tpu.memory_space<semaphore_mem>>
      %dma_start3A_170 = arith.constant 0 : i32
      %dma_start3A_171 = tpu.memref_slice %arg12[%add3A_17, %dma_start3A_170] : memref<10016x144xf32, #tpu.memory_space<vmem_shared>> -> memref<56x144xf32, #tpu.memory_space<vmem_shared>>
      %dma_start3A_172 = arith.constant 0 : i32
      %dma_start3A_173 = tpu.memref_slice %arg12[%add3A_17, %dma_start3A_172] : memref<10016x144xf32, #tpu.memory_space<vmem_shared>> -> memref<56x144xf32, #tpu.memory_space<vmem_shared>>
      tpu.enqueue_dma source(%arg10 : memref<56x144xf32, #tpu.memory_space<vmem>>) target(%dma_start3A_173 : memref<56x144xf32, #tpu.memory_space<vmem_shared>>) target_semaphore(%run_scoped3A_169 : memref<!tpu.dma_semaphore, #tpu.memory_space<semaphore_mem>>)
      %dma_wait3A = arith.constant 0 : i32
      %dma_wait3A_174 = tpu.memref_slice %arg12[%add3A_17, %dma_wait3A] : memref<10016x144xf32, #tpu.memory_space<vmem_shared>> -> memref<56x144xf32, #tpu.memory_space<vmem_shared>>
      %dma_wait3A_175 = arith.constant 0 : i32
      %dma_wait3A_176 = tpu.memref_slice %arg12[%add3A_17, %dma_wait3A_175] : memref<10016x144xf32, #tpu.memory_space<vmem_shared>> -> memref<56x144xf32, #tpu.memory_space<vmem_shared>>
      tpu.wait_dma2 semaphore(%run_scoped3A_169 : memref<!tpu.dma_semaphore, #tpu.memory_space<semaphore_mem>>) src(%arg10 : memref<56x144xf32, #tpu.memory_space<vmem>>) dst(%dma_wait3A_176 : memref<56x144xf32, #tpu.memory_space<vmem_shared>>)
      tpu.yield
    }) : () -> ()
    %add3A_18 = arith.constant 280 : i32
    %add3A_19 = arith.addi %mul3A_7, %add3A_18 : i32
    "tpu.region"() ({
      %run_scoped3A_169 = tpu.sem_alloc : memref<!tpu.dma_semaphore, #tpu.memory_space<semaphore_mem>>
      %dma_start3A_170 = arith.constant 0 : i32
      %dma_start3A_171 = tpu.memref_slice %arg12[%add3A_19, %dma_start3A_170] : memref<10016x144xf32, #tpu.memory_space<vmem_shared>> -> memref<56x144xf32, #tpu.memory_space<vmem_shared>>
      %dma_start3A_172 = arith.constant 0 : i32
      %dma_start3A_173 = tpu.memref_slice %arg12[%add3A_19, %dma_start3A_172] : memref<10016x144xf32, #tpu.memory_space<vmem_shared>> -> memref<56x144xf32, #tpu.memory_space<vmem_shared>>
      tpu.enqueue_dma source(%arg10 : memref<56x144xf32, #tpu.memory_space<vmem>>) target(%dma_start3A_173 : memref<56x144xf32, #tpu.memory_space<vmem_shared>>) target_semaphore(%run_scoped3A_169 : memref<!tpu.dma_semaphore, #tpu.memory_space<semaphore_mem>>)
      %dma_wait3A = arith.constant 0 : i32
      %dma_wait3A_174 = tpu.memref_slice %arg12[%add3A_19, %dma_wait3A] : memref<10016x144xf32, #tpu.memory_space<vmem_shared>> -> memref<56x144xf32, #tpu.memory_space<vmem_shared>>
      %dma_wait3A_175 = arith.constant 0 : i32
      %dma_wait3A_176 = tpu.memref_slice %arg12[%add3A_19, %dma_wait3A_175] : memref<10016x144xf32, #tpu.memory_space<vmem_shared>> -> memref<56x144xf32, #tpu.memory_space<vmem_shared>>
      tpu.wait_dma2 semaphore(%run_scoped3A_169 : memref<!tpu.dma_semaphore, #tpu.memory_space<semaphore_mem>>) src(%arg10 : memref<56x144xf32, #tpu.memory_space<vmem>>) dst(%dma_wait3A_176 : memref<56x144xf32, #tpu.memory_space<vmem_shared>>)
      tpu.yield
    }) : () -> ()
    %add3A_20 = arith.constant 336 : i32
    %add3A_21 = arith.addi %mul3A_7, %add3A_20 : i32
    "tpu.region"() ({
      %run_scoped3A_169 = tpu.sem_alloc : memref<!tpu.dma_semaphore, #tpu.memory_space<semaphore_mem>>
      %dma_start3A_170 = arith.constant 0 : i32
      %dma_start3A_171 = tpu.memref_slice %arg12[%add3A_21, %dma_start3A_170] : memref<10016x144xf32, #tpu.memory_space<vmem_shared>> -> memref<56x144xf32, #tpu.memory_space<vmem_shared>>
      %dma_start3A_172 = arith.constant 0 : i32
      %dma_start3A_173 = tpu.memref_slice %arg12[%add3A_21, %dma_start3A_172] : memref<10016x144xf32, #tpu.memory_space<vmem_shared>> -> memref<56x144xf32, #tpu.memory_space<vmem_shared>>
      tpu.enqueue_dma source(%arg10 : memref<56x144xf32, #tpu.memory_space<vmem>>) target(%dma_start3A_173 : memref<56x144xf32, #tpu.memory_space<vmem_shared>>) target_semaphore(%run_scoped3A_169 : memref<!tpu.dma_semaphore, #tpu.memory_space<semaphore_mem>>)
      %dma_wait3A = arith.constant 0 : i32
      %dma_wait3A_174 = tpu.memref_slice %arg12[%add3A_21, %dma_wait3A] : memref<10016x144xf32, #tpu.memory_space<vmem_shared>> -> memref<56x144xf32, #tpu.memory_space<vmem_shared>>
      %dma_wait3A_175 = arith.constant 0 : i32
      %dma_wait3A_176 = tpu.memref_slice %arg12[%add3A_21, %dma_wait3A_175] : memref<10016x144xf32, #tpu.memory_space<vmem_shared>> -> memref<56x144xf32, #tpu.memory_space<vmem_shared>>
      tpu.wait_dma2 semaphore(%run_scoped3A_169 : memref<!tpu.dma_semaphore, #tpu.memory_space<semaphore_mem>>) src(%arg10 : memref<56x144xf32, #tpu.memory_space<vmem>>) dst(%dma_wait3A_176 : memref<56x144xf32, #tpu.memory_space<vmem_shared>>)
      tpu.yield
    }) : () -> ()
    %add3A_22 = arith.constant 392 : i32
    %add3A_23 = arith.addi %mul3A_7, %add3A_22 : i32
    "tpu.region"() ({
      %run_scoped3A_169 = tpu.sem_alloc : memref<!tpu.dma_semaphore, #tpu.memory_space<semaphore_mem>>
      %dma_start3A_170 = arith.constant 0 : i32
      %dma_start3A_171 = tpu.memref_slice %arg12[%add3A_23, %dma_start3A_170] : memref<10016x144xf32, #tpu.memory_space<vmem_shared>> -> memref<56x144xf32, #tpu.memory_space<vmem_shared>>
      %dma_start3A_172 = arith.constant 0 : i32
      %dma_start3A_173 = tpu.memref_slice %arg12[%add3A_23, %dma_start3A_172] : memref<10016x144xf32, #tpu.memory_space<vmem_shared>> -> memref<56x144xf32, #tpu.memory_space<vmem_shared>>
      tpu.enqueue_dma source(%arg10 : memref<56x144xf32, #tpu.memory_space<vmem>>) target(%dma_start3A_173 : memref<56x144xf32, #tpu.memory_space<vmem_shared>>) target_semaphore(%run_scoped3A_169 : memref<!tpu.dma_semaphore, #tpu.memory_space<semaphore_mem>>)
      %dma_wait3A = arith.constant 0 : i32
      %dma_wait3A_174 = tpu.memref_slice %arg12[%add3A_23, %dma_wait3A] : memref<10016x144xf32, #tpu.memory_space<vmem_shared>> -> memref<56x144xf32, #tpu.memory_space<vmem_shared>>
      %dma_wait3A_175 = arith.constant 0 : i32
      %dma_wait3A_176 = tpu.memref_slice %arg12[%add3A_23, %dma_wait3A_175] : memref<10016x144xf32, #tpu.memory_space<vmem_shared>> -> memref<56x144xf32, #tpu.memory_space<vmem_shared>>
      tpu.wait_dma2 semaphore(%run_scoped3A_169 : memref<!tpu.dma_semaphore, #tpu.memory_space<semaphore_mem>>) src(%arg10 : memref<56x144xf32, #tpu.memory_space<vmem>>) dst(%dma_wait3A_176 : memref<56x144xf32, #tpu.memory_space<vmem_shared>>)
      tpu.yield
    }) : () -> ()
    %add3A_24 = arith.constant 448 : i32
    %add3A_25 = arith.addi %mul3A_7, %add3A_24 : i32
    "tpu.region"() ({
      %run_scoped3A_169 = tpu.sem_alloc : memref<!tpu.dma_semaphore, #tpu.memory_space<semaphore_mem>>
      %dma_start3A_170 = arith.constant 0 : i32
      %dma_start3A_171 = tpu.memref_slice %arg12[%add3A_25, %dma_start3A_170] : memref<10016x144xf32, #tpu.memory_space<vmem_shared>> -> memref<56x144xf32, #tpu.memory_space<vmem_shared>>
      %dma_start3A_172 = arith.constant 0 : i32
      %dma_start3A_173 = tpu.memref_slice %arg12[%add3A_25, %dma_start3A_172] : memref<10016x144xf32, #tpu.memory_space<vmem_shared>> -> memref<56x144xf32, #tpu.memory_space<vmem_shared>>
      tpu.enqueue_dma source(%arg10 : memref<56x144xf32, #tpu.memory_space<vmem>>) target(%dma_start3A_173 : memref<56x144xf32, #tpu.memory_space<vmem_shared>>) target_semaphore(%run_scoped3A_169 : memref<!tpu.dma_semaphore, #tpu.memory_space<semaphore_mem>>)
      %dma_wait3A = arith.constant 0 : i32
      %dma_wait3A_174 = tpu.memref_slice %arg12[%add3A_25, %dma_wait3A] : memref<10016x144xf32, #tpu.memory_space<vmem_shared>> -> memref<56x144xf32, #tpu.memory_space<vmem_shared>>
      %dma_wait3A_175 = arith.constant 0 : i32
      %dma_wait3A_176 = tpu.memref_slice %arg12[%add3A_25, %dma_wait3A_175] : memref<10016x144xf32, #tpu.memory_space<vmem_shared>> -> memref<56x144xf32, #tpu.memory_space<vmem_shared>>
      tpu.wait_dma2 semaphore(%run_scoped3A_169 : memref<!tpu.dma_semaphore, #tpu.memory_space<semaphore_mem>>) src(%arg10 : memref<56x144xf32, #tpu.memory_space<vmem>>) dst(%dma_wait3A_176 : memref<56x144xf32, #tpu.memory_space<vmem_shared>>)
      tpu.yield
    }) : () -> ()
    %add3A_26 = arith.constant 504 : i32
    %add3A_27 = arith.addi %mul3A_7, %add3A_26 : i32
    "tpu.region"() ({
      %run_scoped3A_169 = tpu.sem_alloc : memref<!tpu.dma_semaphore, #tpu.memory_space<semaphore_mem>>
      %dma_start3A_170 = arith.constant 0 : i32
      %dma_start3A_171 = tpu.memref_slice %arg12[%add3A_27, %dma_start3A_170] : memref<10016x144xf32, #tpu.memory_space<vmem_shared>> -> memref<56x144xf32, #tpu.memory_space<vmem_shared>>
      %dma_start3A_172 = arith.constant 0 : i32
      %dma_start3A_173 = tpu.memref_slice %arg12[%add3A_27, %dma_start3A_172] : memref<10016x144xf32, #tpu.memory_space<vmem_shared>> -> memref<56x144xf32, #tpu.memory_space<vmem_shared>>
      tpu.enqueue_dma source(%arg10 : memref<56x144xf32, #tpu.memory_space<vmem>>) target(%dma_start3A_173 : memref<56x144xf32, #tpu.memory_space<vmem_shared>>) target_semaphore(%run_scoped3A_169 : memref<!tpu.dma_semaphore, #tpu.memory_space<semaphore_mem>>)
      %dma_wait3A = arith.constant 0 : i32
      %dma_wait3A_174 = tpu.memref_slice %arg12[%add3A_27, %dma_wait3A] : memref<10016x144xf32, #tpu.memory_space<vmem_shared>> -> memref<56x144xf32, #tpu.memory_space<vmem_shared>>
      %dma_wait3A_175 = arith.constant 0 : i32
      %dma_wait3A_176 = tpu.memref_slice %arg12[%add3A_27, %dma_wait3A_175] : memref<10016x144xf32, #tpu.memory_space<vmem_shared>> -> memref<56x144xf32, #tpu.memory_space<vmem_shared>>
      tpu.wait_dma2 semaphore(%run_scoped3A_169 : memref<!tpu.dma_semaphore, #tpu.memory_space<semaphore_mem>>) src(%arg10 : memref<56x144xf32, #tpu.memory_space<vmem>>) dst(%dma_wait3A_176 : memref<56x144xf32, #tpu.memory_space<vmem_shared>>)
      tpu.yield
    }) : () -> ()
    %add3A_28 = arith.constant 560 : i32
    %add3A_29 = arith.addi %mul3A_7, %add3A_28 : i32
    "tpu.region"() ({
      %run_scoped3A_169 = tpu.sem_alloc : memref<!tpu.dma_semaphore, #tpu.memory_space<semaphore_mem>>
      %dma_start3A_170 = arith.constant 0 : i32
      %dma_start3A_171 = tpu.memref_slice %arg12[%add3A_29, %dma_start3A_170] : memref<10016x144xf32, #tpu.memory_space<vmem_shared>> -> memref<56x144xf32, #tpu.memory_space<vmem_shared>>
      %dma_start3A_172 = arith.constant 0 : i32
      %dma_start3A_173 = tpu.memref_slice %arg12[%add3A_29, %dma_start3A_172] : memref<10016x144xf32, #tpu.memory_space<vmem_shared>> -> memref<56x144xf32, #tpu.memory_space<vmem_shared>>
      tpu.enqueue_dma source(%arg10 : memref<56x144xf32, #tpu.memory_space<vmem>>) target(%dma_start3A_173 : memref<56x144xf32, #tpu.memory_space<vmem_shared>>) target_semaphore(%run_scoped3A_169 : memref<!tpu.dma_semaphore, #tpu.memory_space<semaphore_mem>>)
      %dma_wait3A = arith.constant 0 : i32
      %dma_wait3A_174 = tpu.memref_slice %arg12[%add3A_29, %dma_wait3A] : memref<10016x144xf32, #tpu.memory_space<vmem_shared>> -> memref<56x144xf32, #tpu.memory_space<vmem_shared>>
      %dma_wait3A_175 = arith.constant 0 : i32
      %dma_wait3A_176 = tpu.memref_slice %arg12[%add3A_29, %dma_wait3A_175] : memref<10016x144xf32, #tpu.memory_space<vmem_shared>> -> memref<56x144xf32, #tpu.memory_space<vmem_shared>>
      tpu.wait_dma2 semaphore(%run_scoped3A_169 : memref<!tpu.dma_semaphore, #tpu.memory_space<semaphore_mem>>) src(%arg10 : memref<56x144xf32, #tpu.memory_space<vmem>>) dst(%dma_wait3A_176 : memref<56x144xf32, #tpu.memory_space<vmem_shared>>)
      tpu.yield
    }) : () -> ()
    %add3A_30 = arith.constant 626 : i32
    %add3A_31 = arith.addi %mul3A_7, %add3A_30 : i32
    %sub3A = arith.constant 10 : i32
    %sub3A_32 = arith.subi %add3A_31, %sub3A : i32
    "tpu.region"() ({
      %run_scoped3A_169 = tpu.sem_alloc : memref<!tpu.dma_semaphore, #tpu.memory_space<semaphore_mem>>
      %dma_start3A_170 = arith.constant 0 : i32
      %dma_start3A_171 = arith.constant 0 : i32
      %dma_start3A_172 = tpu.memref_slice %arg10[%dma_start3A_170, %dma_start3A_171] : memref<56x144xf32, #tpu.memory_space<vmem>> -> memref<10x144xf32, #tpu.memory_space<vmem>>
      %dma_start3A_173 = arith.constant 0 : i32
      %dma_start3A_174 = tpu.memref_slice %arg12[%sub3A_32, %dma_start3A_173] : memref<10016x144xf32, #tpu.memory_space<vmem_shared>> -> memref<10x144xf32, #tpu.memory_space<vmem_shared>>
      %dma_start3A_175 = arith.constant 0 : i32
      %dma_start3A_176 = tpu.memref_slice %arg12[%sub3A_32, %dma_start3A_175] : memref<10016x144xf32, #tpu.memory_space<vmem_shared>> -> memref<10x144xf32, #tpu.memory_space<vmem_shared>>
      %dma_start3A_177 = arith.constant 0 : i32
      %dma_start3A_178 = arith.constant 0 : i32
      %dma_start3A_179 = tpu.memref_slice %arg10[%dma_start3A_177, %dma_start3A_178] : memref<56x144xf32, #tpu.memory_space<vmem>> -> memref<10x144xf32, #tpu.memory_space<vmem>>
      tpu.enqueue_dma source(%dma_start3A_179 : memref<10x144xf32, #tpu.memory_space<vmem>>) target(%dma_start3A_176 : memref<10x144xf32, #tpu.memory_space<vmem_shared>>) target_semaphore(%run_scoped3A_169 : memref<!tpu.dma_semaphore, #tpu.memory_space<semaphore_mem>>)
      %dma_wait3A = arith.constant 0 : i32
      %dma_wait3A_180 = arith.constant 0 : i32
      %dma_wait3A_181 = tpu.memref_slice %arg10[%dma_wait3A, %dma_wait3A_180] : memref<56x144xf32, #tpu.memory_space<vmem>> -> memref<10x144xf32, #tpu.memory_space<vmem>>
      %dma_wait3A_182 = arith.constant 0 : i32
      %dma_wait3A_183 = tpu.memref_slice %arg12[%sub3A_32, %dma_wait3A_182] : memref<10016x144xf32, #tpu.memory_space<vmem_shared>> -> memref<10x144xf32, #tpu.memory_space<vmem_shared>>
      %dma_wait3A_184 = arith.constant 0 : i32
      %dma_wait3A_185 = tpu.memref_slice %arg12[%sub3A_32, %dma_wait3A_184] : memref<10016x144xf32, #tpu.memory_space<vmem_shared>> -> memref<10x144xf32, #tpu.memory_space<vmem_shared>>
      %dma_wait3A_186 = arith.constant 0 : i32
      %dma_wait3A_187 = arith.constant 0 : i32
      %dma_wait3A_188 = tpu.memref_slice %arg10[%dma_wait3A_186, %dma_wait3A_187] : memref<56x144xf32, #tpu.memory_space<vmem>> -> memref<10x144xf32, #tpu.memory_space<vmem>>
      tpu.wait_dma2 semaphore(%run_scoped3A_169 : memref<!tpu.dma_semaphore, #tpu.memory_space<semaphore_mem>>) src(%dma_wait3A_188 : memref<10x144xf32, #tpu.memory_space<vmem>>) dst(%dma_wait3A_185 : memref<10x144xf32, #tpu.memory_space<vmem_shared>>)
      tpu.yield
    }) : () -> ()
    %barrier3A = arith.constant 0 : index
    tpu.barrier barrier_id(%barrier3A)
    "tpu.region"() ({
      %run_scoped3A_169 = tpu.sem_alloc : memref<!tpu.dma_semaphore, #tpu.memory_space<semaphore_mem>>
      tpu.enqueue_dma source(%arg5 : memref<128xf32, #tpu.memory_space<hbm>>) target(%arg11 : memref<128xf32, #tpu.memory_space<vmem>>) target_semaphore(%run_scoped3A_169 : memref<!tpu.dma_semaphore, #tpu.memory_space<semaphore_mem>>)
      tpu.wait_dma2 semaphore(%run_scoped3A_169 : memref<!tpu.dma_semaphore, #tpu.memory_space<semaphore_mem>>) src(%arg5 : memref<128xf32, #tpu.memory_space<hbm>>) dst(%arg11 : memref<128xf32, #tpu.memory_space<vmem>>)
      tpu.yield
    }) : () -> ()
    %get3A = arith.constant 0 : index
    %get3A_33 = tpu.vector_load %arg11[%get3A] {strides = array<i32>} : memref<128xf32, #tpu.memory_space<vmem>>, vector<16xf32>,
    %get3A_34 = vector.shape_cast %get3A_33 : vector<16xf32> to vector<16xf32>
    %get3A_35 = arith.constant 16 : index
    %get3A_36 = tpu.vector_load %arg11[%get3A_35] {strides = array<i32>} : memref<128xf32, #tpu.memory_space<vmem>>, vector<16xf32>,
    %get3A_37 = vector.shape_cast %get3A_36 : vector<16xf32> to vector<16xf32>
    %get3A_38 = arith.constant 32 : index
    %get3A_39 = tpu.vector_load %arg11[%get3A_38] {strides = array<i32>} : memref<128xf32, #tpu.memory_space<vmem>>, vector<16xf32>,
    %get3A_40 = vector.shape_cast %get3A_39 : vector<16xf32> to vector<16xf32>
    %get3A_41 = arith.constant 48 : index
    %get3A_42 = tpu.vector_load %arg11[%get3A_41] {strides = array<i32>} : memref<128xf32, #tpu.memory_space<vmem>>, vector<16xf32>,
    %get3A_43 = vector.shape_cast %get3A_42 : vector<16xf32> to vector<16xf32>
    %get3A_44 = arith.constant 64 : index
    %get3A_45 = tpu.vector_load %arg11[%get3A_44] {strides = array<i32>} : memref<128xf32, #tpu.memory_space<vmem>>, vector<16xf32>,
    %get3A_46 = vector.shape_cast %get3A_45 : vector<16xf32> to vector<16xf32>
    %get3A_47 = arith.constant 80 : index
    %get3A_48 = tpu.vector_load %arg11[%get3A_47] {strides = array<i32>} : memref<128xf32, #tpu.memory_space<vmem>>, vector<16xf32>,
    %get3A_49 = vector.shape_cast %get3A_48 : vector<16xf32> to vector<16xf32>
    %get3A_50 = arith.constant 96 : index
    %get3A_51 = tpu.vector_load %arg11[%get3A_50] {strides = array<i32>} : memref<128xf32, #tpu.memory_space<vmem>>, vector<16xf32>,
    %get3A_52 = vector.shape_cast %get3A_51 : vector<16xf32> to vector<16xf32>
    %get3A_53 = arith.constant 112 : index
    %get3A_54 = tpu.vector_load %arg11[%get3A_53] {strides = array<i32>} : memref<128xf32, #tpu.memory_space<vmem>>, vector<16xf32>,
    %get3A_55 = vector.shape_cast %get3A_54 : vector<16xf32> to vector<16xf32>
    %iota3A = tpu.iota {dimensions = array<i32: 0>} : vector<16xi32>
    %eq3A = arith.constant 0 : i32
    %eq3A_56 = vector.broadcast %eq3A : i32 to vector<16xi32>
    %eq3A_57 = arith.cmpi eq, %iota3A, %eq3A_56 : vector<16xi32>
    %jit3A = arith.constant 1.000000e+00 : f32
    %jit3A_58 = arith.constant 0.000000e+00 : f32
    %broadcast_in_dim3A = vector.broadcast %jit3A : f32 to vector<16xf32>
    %broadcast_in_dim3A_59 = vector.broadcast %jit3A_58 : f32 to vector<16xf32>
    %select_n3A = arith.select %eq3A_57, %broadcast_in_dim3A, %broadcast_in_dim3A_59 : vector<16xi1>, vector<16xf32>
    %xor3A = arith.constant 1 : i32
    %xor3A_60 = vector.broadcast %xor3A : i32 to vector<16xi32>
    %xor3A_61 = arith.xori %iota3A, %xor3A_60 : vector<16xi32>
    %reshape3A = vector.shape_cast %xor3A_61 : vector<16xi32> to vector<16x1xi32>
    %xor3A_62 = arith.constant 2 : i32
    %xor3A_63 = vector.broadcast %xor3A_62 : i32 to vector<16xi32>
    %xor3A_64 = arith.xori %iota3A, %xor3A_63 : vector<16xi32>
    %reshape3A_65 = vector.shape_cast %xor3A_64 : vector<16xi32> to vector<16x1xi32>
    %xor3A_66 = arith.constant 4 : i32
    %xor3A_67 = vector.broadcast %xor3A_66 : i32 to vector<16xi32>
    %xor3A_68 = arith.xori %iota3A, %xor3A_67 : vector<16xi32>
    %reshape3A_69 = vector.shape_cast %xor3A_68 : vector<16xi32> to vector<16x1xi32>
    %xor3A_70 = arith.constant 8 : i32
    %xor3A_71 = vector.broadcast %xor3A_70 : i32 to vector<16xi32>
    %xor3A_72 = arith.xori %iota3A, %xor3A_71 : vector<16xi32>
    %reshape3A_73 = vector.shape_cast %xor3A_72 : vector<16xi32> to vector<16x1xi32>
    %mul3A_74 = arith.constant 186 : i32
    %mul3A_75 = arith.muli %add3A, %mul3A_74 : i32
    %add3A_76 = arith.constant 0 : i32
    %add3A_77 = arith.addi %mul3A_75, %add3A_76 : i32
    %run_scoped3A = arith.constant 0 : i32
    "tpu.region"() ({
      %run_scoped3A_169 = tpu.sem_alloc : memref<!tpu.dma_semaphore, #tpu.memory_space<semaphore_mem>>
      %dma_start3A_170 = arith.constant 0 : i32
      %dma_start3A_171 = arith.constant 0 : i32
      %dma_start3A_172 = tpu.memref_slice %arg7[%run_scoped3A, %dma_start3A_170, %dma_start3A_171] : memref<3x2x56xi32, #tpu.memory_space<vmem>> -> memref<1x2x56xi32, #tpu.memory_space<vmem>>
      %dma_start3A_173 = tpu.memref_squeeze %dma_start3A_172 : memref<1x2x56xi32, #tpu.memory_space<vmem>> -> memref<2x56xi32, #tpu.memory_space<vmem>>
      %dma_start3A_174 = arith.constant 0 : i32
      %dma_start3A_175 = arith.constant 0 : i32
      %dma_start3A_176 = tpu.memref_slice %arg4[%add3A_77, %dma_start3A_174, %dma_start3A_175] : memref<5952x2x56xi32, #tpu.memory_space<hbm>> -> memref<1x2x56xi32, #tpu.memory_space<hbm>>
      %dma_start3A_177 = tpu.memref_squeeze %dma_start3A_176 : memref<1x2x56xi32, #tpu.memory_space<hbm>> -> memref<2x56xi32, #tpu.memory_space<hbm>>
      %dma_start3A_178 = arith.constant 0 : i32
      %dma_start3A_179 = arith.constant 0 : i32
      %dma_start3A_180 = tpu.memref_slice %arg7[%run_scoped3A, %dma_start3A_178, %dma_start3A_179] : memref<3x2x56xi32, #tpu.memory_space<vmem>> -> memref<1x2x56xi32, #tpu.memory_space<vmem>>
      %dma_start3A_181 = tpu.memref_squeeze %dma_start3A_180 : memref<1x2x56xi32, #tpu.memory_space<vmem>> -> memref<2x56xi32, #tpu.memory_space<vmem>>
      %dma_start3A_182 = arith.constant 0 : i32
      %dma_start3A_183 = arith.constant 0 : i32
      %dma_start3A_184 = tpu.memref_slice %arg4[%add3A_77, %dma_start3A_182, %dma_start3A_183] : memref<5952x2x56xi32, #tpu.memory_space<hbm>> -> memref<1x2x56xi32, #tpu.memory_space<hbm>>
      %dma_start3A_185 = tpu.memref_squeeze %dma_start3A_184 : memref<1x2x56xi32, #tpu.memory_space<hbm>> -> memref<2x56xi32, #tpu.memory_space<hbm>>
      tpu.enqueue_dma source(%dma_start3A_185 : memref<2x56xi32, #tpu.memory_space<hbm>>) target(%dma_start3A_181 : memref<2x56xi32, #tpu.memory_space<vmem>>) target_semaphore(%run_scoped3A_169 : memref<!tpu.dma_semaphore, #tpu.memory_space<semaphore_mem>>)
      %dma_wait3A = arith.constant 0 : i32
      %dma_wait3A_186 = arith.constant 0 : i32
      %dma_wait3A_187 = tpu.memref_slice %arg7[%run_scoped3A, %dma_wait3A, %dma_wait3A_186] : memref<3x2x56xi32, #tpu.memory_space<vmem>> -> memref<1x2x56xi32, #tpu.memory_space<vmem>>
      %dma_wait3A_188 = tpu.memref_squeeze %dma_wait3A_187 : memref<1x2x56xi32, #tpu.memory_space<vmem>> -> memref<2x56xi32, #tpu.memory_space<vmem>>
      %dma_wait3A_189 = arith.constant 0 : i32
      %dma_wait3A_190 = arith.constant 0 : i32
      %dma_wait3A_191 = tpu.memref_slice %arg4[%add3A_77, %dma_wait3A_189, %dma_wait3A_190] : memref<5952x2x56xi32, #tpu.memory_space<hbm>> -> memref<1x2x56xi32, #tpu.memory_space<hbm>>
      %dma_wait3A_192 = tpu.memref_squeeze %dma_wait3A_191 : memref<1x2x56xi32, #tpu.memory_space<hbm>> -> memref<2x56xi32, #tpu.memory_space<hbm>>
      %dma_wait3A_193 = arith.constant 0 : i32
      %dma_wait3A_194 = arith.constant 0 : i32
      %dma_wait3A_195 = tpu.memref_slice %arg7[%run_scoped3A, %dma_wait3A_193, %dma_wait3A_194] : memref<3x2x56xi32, #tpu.memory_space<vmem>> -> memref<1x2x56xi32, #tpu.memory_space<vmem>>
      %dma_wait3A_196 = tpu.memref_squeeze %dma_wait3A_195 : memref<1x2x56xi32, #tpu.memory_space<vmem>> -> memref<2x56xi32, #tpu.memory_space<vmem>>
      %dma_wait3A_197 = arith.constant 0 : i32
      %dma_wait3A_198 = arith.constant 0 : i32
      %dma_wait3A_199 = tpu.memref_slice %arg4[%add3A_77, %dma_wait3A_197, %dma_wait3A_198] : memref<5952x2x56xi32, #tpu.memory_space<hbm>> -> memref<1x2x56xi32, #tpu.memory_space<hbm>>
      %dma_wait3A_200 = tpu.memref_squeeze %dma_wait3A_199 : memref<1x2x56xi32, #tpu.memory_space<hbm>> -> memref<2x56xi32, #tpu.memory_space<hbm>>
      tpu.wait_dma2 semaphore(%run_scoped3A_169 : memref<!tpu.dma_semaphore, #tpu.memory_space<semaphore_mem>>) src(%dma_wait3A_200 : memref<2x56xi32, #tpu.memory_space<hbm>>) dst(%dma_wait3A_196 : memref<2x56xi32, #tpu.memory_space<vmem>>)
      tpu.yield
    }) : () -> ()
    %rem3A = arith.constant 0 : i32
    %rem3A_78 = arith.constant 2 : i32
    %rem3A_79 = arith.remsi %rem3A, %rem3A_78 : i32
    %rem3A_80 = arith.constant 0 : i32
    %rem3A_81 = arith.constant 3 : i32
    %rem3A_82 = arith.remsi %rem3A_80, %rem3A_81 : i32
    %dma_start3A = arith.constant 0 : i32
    %dma_start3A_83 = arith.constant 0 : i32
    %dma_start3A_84 = arith.constant 0 : i32
    %dma_start3A_85 = tpu.memref_slice %arg8[%rem3A_79, %dma_start3A_83, %dma_start3A_84] : memref<2x56x128xf32, #tpu.memory_space<vmem>> -> memref<1x56x128xf32, #tpu.memory_space<vmem>>
    %dma_start3A_86 = tpu.memref_squeeze %dma_start3A_85 : memref<1x56x128xf32, #tpu.memory_space<vmem>> -> memref<56x128xf32, #tpu.memory_space<vmem>>
    %dma_start3A_87 = arith.constant 0 : i32
    %dma_start3A_88 = tpu.memref_slice %arg7[%rem3A_82, %dma_start3A, %dma_start3A_87] : memref<3x2x56xi32, #tpu.memory_space<vmem>> -> memref<1x1x56xi32, #tpu.memory_space<vmem>>
    %dma_start3A_89 = tpu.memref_squeeze %dma_start3A_88 : memref<1x1x56xi32, #tpu.memory_space<vmem>> -> memref<56xi32, #tpu.memory_space<vmem>>
    %dma_start3A_90 = arith.constant 0 : i32
    %dma_start3A_91 = arith.constant 0 : i32
    %dma_start3A_92 = tpu.memref_slice %arg2[%dma_start3A_90, %dma_start3A_91] : memref<10240x128xf32, #tpu.memory_space<hbm>> -> memref<10240x128xf32, #tpu.memory_space<hbm>>
    %dma_start3A_93 = tpu.memref_slice %arg14[%rem3A_79] : memref<2x!tpu.dma_semaphore, #tpu.memory_space<semaphore_mem>> -> memref<1x!tpu.dma_semaphore, #tpu.memory_space<semaphore_mem>>
    %dma_start3A_94 = tpu.memref_squeeze %dma_start3A_93 : memref<1x!tpu.dma_semaphore, #tpu.memory_space<semaphore_mem>> -> memref<!tpu.dma_semaphore, #tpu.memory_space<semaphore_mem>>
    tpu.enqueue_indirect_dma source(%dma_start3A_92 : memref<10240x128xf32, #tpu.memory_space<hbm>>) target(%dma_start3A_86 : memref<56x128xf32, #tpu.memory_space<vmem>>) offsets(%dma_start3A_89 : memref<56xi32, #tpu.memory_space<vmem>>) semaphore(%dma_start3A_94 : memref<!tpu.dma_semaphore, #tpu.memory_space<semaphore_mem>>)
    %dma_start3A_95 = arith.constant 1 : i32
    %dma_start3A_96 = arith.constant 0 : i32
    %dma_start3A_97 = arith.constant 0 : i32
    %dma_start3A_98 = tpu.memref_slice %arg9[%rem3A_79, %dma_start3A_96, %dma_start3A_97] : memref<2x56x128xf32, #tpu.memory_space<vmem>> -> memref<1x56x128xf32, #tpu.memory_space<vmem>>
    %dma_start3A_99 = tpu.memref_squeeze %dma_start3A_98 : memref<1x56x128xf32, #tpu.memory_space<vmem>> -> memref<56x128xf32, #tpu.memory_space<vmem>>
    %dma_start3A_100 = arith.constant 0 : i32
    %dma_start3A_101 = tpu.memref_slice %arg7[%rem3A_82, %dma_start3A_95, %dma_start3A_100] : memref<3x2x56xi32, #tpu.memory_space<vmem>> -> memref<1x1x56xi32, #tpu.memory_space<vmem>>
    %dma_start3A_102 = tpu.memref_squeeze %dma_start3A_101 : memref<1x1x56xi32, #tpu.memory_space<vmem>> -> memref<56xi32, #tpu.memory_space<vmem>>
    %dma_start3A_103 = arith.constant 0 : i32
    %dma_start3A_104 = arith.constant 0 : i32
    %dma_start3A_105 = tpu.memref_slice %arg3[%dma_start3A_103, %dma_start3A_104] : memref<10240x128xf32, #tpu.memory_space<hbm>> -> memref<10240x128xf32, #tpu.memory_space<hbm>>
    %dma_start3A_106 = tpu.memref_slice %arg14[%rem3A_79] : memref<2x!tpu.dma_semaphore, #tpu.memory_space<semaphore_mem>> -> memref<1x!tpu.dma_semaphore, #tpu.memory_space<semaphore_mem>>
    %dma_start3A_107 = tpu.memref_squeeze %dma_start3A_106 : memref<1x!tpu.dma_semaphore, #tpu.memory_space<semaphore_mem>> -> memref<!tpu.dma_semaphore, #tpu.memory_space<semaphore_mem>>
    tpu.enqueue_indirect_dma source(%dma_start3A_105 : memref<10240x128xf32, #tpu.memory_space<hbm>>) target(%dma_start3A_99 : memref<56x128xf32, #tpu.memory_space<vmem>>) offsets(%dma_start3A_102 : memref<56xi32, #tpu.memory_space<vmem>>) semaphore(%dma_start3A_107 : memref<!tpu.dma_semaphore, #tpu.memory_space<semaphore_mem>>)
    %add3A_108 = arith.constant 1 : i32
    %add3A_109 = arith.addi %mul3A_75, %add3A_108 : i32
    %rem3A_110 = arith.constant 1 : i32
    %rem3A_111 = arith.constant 3 : i32
    %rem3A_112 = arith.remsi %rem3A_110, %rem3A_111 : i32
    %rem3A_113 = arith.constant 1 : i32
    %rem3A_114 = arith.constant 2 : i32
    %rem3A_115 = arith.remsi %rem3A_113, %rem3A_114 : i32
    %dma_start3A_116 = arith.constant 0 : i32
    %dma_start3A_117 = arith.constant 0 : i32
    %dma_start3A_118 = tpu.memref_slice %arg7[%rem3A_112, %dma_start3A_116, %dma_start3A_117] : memref<3x2x56xi32, #tpu.memory_space<vmem>> -> memref<1x2x56xi32, #tpu.memory_space<vmem>>
    %dma_start3A_119 = tpu.memref_squeeze %dma_start3A_118 : memref<1x2x56xi32, #tpu.memory_space<vmem>> -> memref<2x56xi32, #tpu.memory_space<vmem>>
    %dma_start3A_120 = arith.constant 0 : i32
    %dma_start3A_121 = arith.constant 0 : i32
    %dma_start3A_122 = tpu.memref_slice %arg4[%add3A_109, %dma_start3A_120, %dma_start3A_121] : memref<5952x2x56xi32, #tpu.memory_space<hbm>> -> memref<1x2x56xi32, #tpu.memory_space<hbm>>
    %dma_start3A_123 = tpu.memref_squeeze %dma_start3A_122 : memref<1x2x56xi32, #tpu.memory_space<hbm>> -> memref<2x56xi32, #tpu.memory_space<hbm>>
    %dma_start3A_124 = tpu.memref_slice %arg13[%rem3A_115] : memref<2x!tpu.dma_semaphore, #tpu.memory_space<semaphore_mem>> -> memref<1x!tpu.dma_semaphore, #tpu.memory_space<semaphore_mem>>
    %dma_start3A_125 = tpu.memref_squeeze %dma_start3A_124 : memref<1x!tpu.dma_semaphore, #tpu.memory_space<semaphore_mem>> -> memref<!tpu.dma_semaphore, #tpu.memory_space<semaphore_mem>>
    %dma_start3A_126 = arith.constant 0 : i32
    %dma_start3A_127 = arith.constant 0 : i32
    %dma_start3A_128 = tpu.memref_slice %arg7[%rem3A_112, %dma_start3A_126, %dma_start3A_127] : memref<3x2x56xi32, #tpu.memory_space<vmem>> -> memref<1x2x56xi32, #tpu.memory_space<vmem>>
    %dma_start3A_129 = tpu.memref_squeeze %dma_start3A_128 : memref<1x2x56xi32, #tpu.memory_space<vmem>> -> memref<2x56xi32, #tpu.memory_space<vmem>>
    %dma_start3A_130 = arith.constant 0 : i32
    %dma_start3A_131 = arith.constant 0 : i32
    %dma_start3A_132 = tpu.memref_slice %arg4[%add3A_109, %dma_start3A_130, %dma_start3A_131] : memref<5952x2x56xi32, #tpu.memory_space<hbm>> -> memref<1x2x56xi32, #tpu.memory_space<hbm>>
    %dma_start3A_133 = tpu.memref_squeeze %dma_start3A_132 : memref<1x2x56xi32, #tpu.memory_space<hbm>> -> memref<2x56xi32, #tpu.memory_space<hbm>>
    tpu.enqueue_dma source(%dma_start3A_133 : memref<2x56xi32, #tpu.memory_space<hbm>>) target(%dma_start3A_129 : memref<2x56xi32, #tpu.memory_space<vmem>>) target_semaphore(%dma_start3A_125 : memref<!tpu.dma_semaphore, #tpu.memory_space<semaphore_mem>>)
    %add3A_134 = arith.constant 2 : i32
    %add3A_135 = arith.addi %mul3A_75, %add3A_134 : i32
    %rem3A_136 = arith.constant 2 : i32
    %rem3A_137 = arith.constant 3 : i32
    %rem3A_138 = arith.remsi %rem3A_136, %rem3A_137 : i32
    %rem3A_139 = arith.constant 2 : i32
    %rem3A_140 = arith.constant 2 : i32
    %rem3A_141 = arith.remsi %rem3A_139, %rem3A_140 : i32
    %dma_start3A_142 = arith.constant 0 : i32
    %dma_start3A_143 = arith.constant 0 : i32
    %dma_start3A_144 = tpu.memref_slice %arg7[%rem3A_138, %dma_start3A_142, %dma_start3A_143] : memref<3x2x56xi32, #tpu.memory_space<vmem>> -> memref<1x2x56xi32, #tpu.memory_space<vmem>>
    %dma_start3A_145 = tpu.memref_squeeze %dma_start3A_144 : memref<1x2x56xi32, #tpu.memory_space<vmem>> -> memref<2x56xi32, #tpu.memory_space<vmem>>
    %dma_start3A_146 = arith.constant 0 : i32
    %dma_start3A_147 = arith.constant 0 : i32
    %dma_start3A_148 = tpu.memref_slice %arg4[%add3A_135, %dma_start3A_146, %dma_start3A_147] : memref<5952x2x56xi32, #tpu.memory_space<hbm>> -> memref<1x2x56xi32, #tpu.memory_space<hbm>>
    %dma_start3A_149 = tpu.memref_squeeze %dma_start3A_148 : memref<1x2x56xi32, #tpu.memory_space<hbm>> -> memref<2x56xi32, #tpu.memory_space<hbm>>
    %dma_start3A_150 = tpu.memref_slice %arg13[%rem3A_141] : memref<2x!tpu.dma_semaphore, #tpu.memory_space<semaphore_mem>> -> memref<1x!tpu.dma_semaphore, #tpu.memory_space<semaphore_mem>>
    %dma_start3A_151 = tpu.memref_squeeze %dma_start3A_150 : memref<1x!tpu.dma_semaphore, #tpu.memory_space<semaphore_mem>> -> memref<!tpu.dma_semaphore, #tpu.memory_space<semaphore_mem>>
    %dma_start3A_152 = arith.constant 0 : i32
    %dma_start3A_153 = arith.constant 0 : i32
    %dma_start3A_154 = tpu.memref_slice %arg7[%rem3A_138, %dma_start3A_152, %dma_start3A_153] : memref<3x2x56xi32, #tpu.memory_space<vmem>> -> memref<1x2x56xi32, #tpu.memory_space<vmem>>
    %dma_start3A_155 = tpu.memref_squeeze %dma_start3A_154 : memref<1x2x56xi32, #tpu.memory_space<vmem>> -> memref<2x56xi32, #tpu.memory_space<vmem>>
    %dma_start3A_156 = arith.constant 0 : i32
    %dma_start3A_157 = arith.constant 0 : i32
    %dma_start3A_158 = tpu.memref_slice %arg4[%add3A_135, %dma_start3A_156, %dma_start3A_157] : memref<5952x2x56xi32, #tpu.memory_space<hbm>> -> memref<1x2x56xi32, #tpu.memory_space<hbm>>
    %dma_start3A_159 = tpu.memref_squeeze %dma_start3A_158 : memref<1x2x56xi32, #tpu.memory_space<hbm>> -> memref<2x56xi32, #tpu.memory_space<hbm>>
    tpu.enqueue_dma source(%dma_start3A_159 : memref<2x56xi32, #tpu.memory_space<hbm>>) target(%dma_start3A_155 : memref<2x56xi32, #tpu.memory_space<vmem>>) target_semaphore(%dma_start3A_151 : memref<!tpu.dma_semaphore, #tpu.memory_space<semaphore_mem>>)
    %scan3A_160 = arith.constant 0 : i32
    %scan3A_161 = arith.constant 0 : i32
    %scan3A_162 = arith.constant 186 : i32
    %scan3A_163 = arith.addi %scan3A_161, %scan3A_162 : i32
    %scan3A_164 = arith.constant 1 : i32
    scf.for %scan3A_169 = %scan3A_161 to %scan3A_163 step %scan3A_164  : i32 {
      %rem3A_170 = arith.constant 2 : i32
      %rem3A_171 = arith.remsi %scan3A_169, %rem3A_170 : i32
      %add3A_172 = arith.constant 1 : i32
      %add3A_173 = arith.addi %scan3A_169, %add3A_172 : i32
      %lt3A = arith.constant 186 : i32
      %lt3A_174 = arith.cmpi slt, %add3A_173, %lt3A : i32
      %convert_element_type3A = arith.extui %lt3A_174 : i1 to i32
      %cond3A = arith.constant 0 : i32
      %cond3A_175 = arith.cmpi ne, %convert_element_type3A, %cond3A : i32
      scf.if %cond3A_175 {
        %add3A_218 = arith.constant 1 : i32
        %add3A_219 = arith.addi %scan3A_169, %add3A_218 : i32
        %add3A_220 = arith.addi %mul3A_75, %add3A_219 : i32
        %rem3A_221 = arith.constant 3 : i32
        %rem3A_222 = arith.remsi %add3A_219, %rem3A_221 : i32
        %rem3A_223 = arith.constant 2 : i32
        %rem3A_224 = arith.remsi %add3A_219, %rem3A_223 : i32
        %dma_wait3A_225 = arith.constant 0 : i32
        %dma_wait3A_226 = arith.constant 0 : i32
        %dma_wait3A_227 = tpu.memref_slice %arg7[%rem3A_222, %dma_wait3A_225, %dma_wait3A_226] : memref<3x2x56xi32, #tpu.memory_space<vmem>> -> memref<1x2x56xi32, #tpu.memory_space<vmem>>
        %dma_wait3A_228 = tpu.memref_squeeze %dma_wait3A_227 : memref<1x2x56xi32, #tpu.memory_space<vmem>> -> memref<2x56xi32, #tpu.memory_space<vmem>>
        %dma_wait3A_229 = arith.constant 0 : i32
        %dma_wait3A_230 = arith.constant 0 : i32
        %dma_wait3A_231 = tpu.memref_slice %arg4[%add3A_220, %dma_wait3A_229, %dma_wait3A_230] : memref<5952x2x56xi32, #tpu.memory_space<hbm>> -> memref<1x2x56xi32, #tpu.memory_space<hbm>>
        %dma_wait3A_232 = tpu.memref_squeeze %dma_wait3A_231 : memref<1x2x56xi32, #tpu.memory_space<hbm>> -> memref<2x56xi32, #tpu.memory_space<hbm>>
        %dma_wait3A_233 = tpu.memref_slice %arg13[%rem3A_224] : memref<2x!tpu.dma_semaphore, #tpu.memory_space<semaphore_mem>> -> memref<1x!tpu.dma_semaphore, #tpu.memory_space<semaphore_mem>>
        %dma_wait3A_234 = tpu.memref_squeeze %dma_wait3A_233 : memref<1x!tpu.dma_semaphore, #tpu.memory_space<semaphore_mem>> -> memref<!tpu.dma_semaphore, #tpu.memory_space<semaphore_mem>>
        %dma_wait3A_235 = arith.constant 0 : i32
        %dma_wait3A_236 = arith.constant 0 : i32
        %dma_wait3A_237 = tpu.memref_slice %arg7[%rem3A_222, %dma_wait3A_235, %dma_wait3A_236] : memref<3x2x56xi32, #tpu.memory_space<vmem>> -> memref<1x2x56xi32, #tpu.memory_space<vmem>>
        %dma_wait3A_238 = tpu.memref_squeeze %dma_wait3A_237 : memref<1x2x56xi32, #tpu.memory_space<vmem>> -> memref<2x56xi32, #tpu.memory_space<vmem>>
        %dma_wait3A_239 = arith.constant 0 : i32
        %dma_wait3A_240 = arith.constant 0 : i32
        %dma_wait3A_241 = tpu.memref_slice %arg4[%add3A_220, %dma_wait3A_239, %dma_wait3A_240] : memref<5952x2x56xi32, #tpu.memory_space<hbm>> -> memref<1x2x56xi32, #tpu.memory_space<hbm>>
        %dma_wait3A_242 = tpu.memref_squeeze %dma_wait3A_241 : memref<1x2x56xi32, #tpu.memory_space<hbm>> -> memref<2x56xi32, #tpu.memory_space<hbm>>
        tpu.wait_dma2 semaphore(%dma_wait3A_234 : memref<!tpu.dma_semaphore, #tpu.memory_space<semaphore_mem>>) src(%dma_wait3A_242 : memref<2x56xi32, #tpu.memory_space<hbm>>) dst(%dma_wait3A_238 : memref<2x56xi32, #tpu.memory_space<vmem>>)
        %add3A_243 = arith.constant 1 : i32
        %add3A_244 = arith.addi %scan3A_169, %add3A_243 : i32
        %rem3A_245 = arith.constant 2 : i32
        %rem3A_246 = arith.remsi %add3A_244, %rem3A_245 : i32
        %rem3A_247 = arith.constant 3 : i32
        %rem3A_248 = arith.remsi %add3A_244, %rem3A_247 : i32
        %dma_start3A_249 = arith.constant 0 : i32
        %dma_start3A_250 = arith.constant 0 : i32
        %dma_start3A_251 = arith.constant 0 : i32
        %dma_start3A_252 = tpu.memref_slice %arg8[%rem3A_246, %dma_start3A_250, %dma_start3A_251] : memref<2x56x128xf32, #tpu.memory_space<vmem>> -> memref<1x56x128xf32, #tpu.memory_space<vmem>>
        %dma_start3A_253 = tpu.memref_squeeze %dma_start3A_252 : memref<1x56x128xf32, #tpu.memory_space<vmem>> -> memref<56x128xf32, #tpu.memory_space<vmem>>
        %dma_start3A_254 = arith.constant 0 : i32
        %dma_start3A_255 = tpu.memref_slice %arg7[%rem3A_248, %dma_start3A_249, %dma_start3A_254] : memref<3x2x56xi32, #tpu.memory_space<vmem>> -> memref<1x1x56xi32, #tpu.memory_space<vmem>>
        %dma_start3A_256 = tpu.memref_squeeze %dma_start3A_255 : memref<1x1x56xi32, #tpu.memory_space<vmem>> -> memref<56xi32, #tpu.memory_space<vmem>>
        %dma_start3A_257 = arith.constant 0 : i32
        %dma_start3A_258 = arith.constant 0 : i32
        %dma_start3A_259 = tpu.memref_slice %arg2[%dma_start3A_257, %dma_start3A_258] : memref<10240x128xf32, #tpu.memory_space<hbm>> -> memref<10240x128xf32, #tpu.memory_space<hbm>>
        %dma_start3A_260 = tpu.memref_slice %arg14[%rem3A_246] : memref<2x!tpu.dma_semaphore, #tpu.memory_space<semaphore_mem>> -> memref<1x!tpu.dma_semaphore, #tpu.memory_space<semaphore_mem>>
        %dma_start3A_261 = tpu.memref_squeeze %dma_start3A_260 : memref<1x!tpu.dma_semaphore, #tpu.memory_space<semaphore_mem>> -> memref<!tpu.dma_semaphore, #tpu.memory_space<semaphore_mem>>
        tpu.enqueue_indirect_dma source(%dma_start3A_259 : memref<10240x128xf32, #tpu.memory_space<hbm>>) target(%dma_start3A_253 : memref<56x128xf32, #tpu.memory_space<vmem>>) offsets(%dma_start3A_256 : memref<56xi32, #tpu.memory_space<vmem>>) semaphore(%dma_start3A_261 : memref<!tpu.dma_semaphore, #tpu.memory_space<semaphore_mem>>)
        %dma_start3A_262 = arith.constant 1 : i32
        %dma_start3A_263 = arith.constant 0 : i32
        %dma_start3A_264 = arith.constant 0 : i32
        %dma_start3A_265 = tpu.memref_slice %arg9[%rem3A_246, %dma_start3A_263, %dma_start3A_264] : memref<2x56x128xf32, #tpu.memory_space<vmem>> -> memref<1x56x128xf32, #tpu.memory_space<vmem>>
        %dma_start3A_266 = tpu.memref_squeeze %dma_start3A_265 : memref<1x56x128xf32, #tpu.memory_space<vmem>> -> memref<56x128xf32, #tpu.memory_space<vmem>>
        %dma_start3A_267 = arith.constant 0 : i32
        %dma_start3A_268 = tpu.memref_slice %arg7[%rem3A_248, %dma_start3A_262, %dma_start3A_267] : memref<3x2x56xi32, #tpu.memory_space<vmem>> -> memref<1x1x56xi32, #tpu.memory_space<vmem>>
        %dma_start3A_269 = tpu.memref_squeeze %dma_start3A_268 : memref<1x1x56xi32, #tpu.memory_space<vmem>> -> memref<56xi32, #tpu.memory_space<vmem>>
        %dma_start3A_270 = arith.constant 0 : i32
        %dma_start3A_271 = arith.constant 0 : i32
        %dma_start3A_272 = tpu.memref_slice %arg3[%dma_start3A_270, %dma_start3A_271] : memref<10240x128xf32, #tpu.memory_space<hbm>> -> memref<10240x128xf32, #tpu.memory_space<hbm>>
        %dma_start3A_273 = tpu.memref_slice %arg14[%rem3A_246] : memref<2x!tpu.dma_semaphore, #tpu.memory_space<semaphore_mem>> -> memref<1x!tpu.dma_semaphore, #tpu.memory_space<semaphore_mem>>
        %dma_start3A_274 = tpu.memref_squeeze %dma_start3A_273 : memref<1x!tpu.dma_semaphore, #tpu.memory_space<semaphore_mem>> -> memref<!tpu.dma_semaphore, #tpu.memory_space<semaphore_mem>>
        tpu.enqueue_indirect_dma source(%dma_start3A_272 : memref<10240x128xf32, #tpu.memory_space<hbm>>) target(%dma_start3A_266 : memref<56x128xf32, #tpu.memory_space<vmem>>) offsets(%dma_start3A_269 : memref<56xi32, #tpu.memory_space<vmem>>) semaphore(%dma_start3A_274 : memref<!tpu.dma_semaphore, #tpu.memory_space<semaphore_mem>>)
      } else {
      }
      %ge3A = arith.constant 1 : i32
      %ge3A_176 = arith.cmpi sge, %scan3A_169, %ge3A : i32
      %add3A_177 = arith.constant 2 : i32
      %add3A_178 = arith.addi %scan3A_169, %add3A_177 : i32
      %lt3A_179 = arith.constant 186 : i32
      %lt3A_180 = arith.cmpi slt, %add3A_178, %lt3A_179 : i32
      %and3A = arith.andi %ge3A_176, %lt3A_180 : i1
      %convert_element_type3A_181 = arith.extui %and3A : i1 to i32
      %cond3A_182 = arith.constant 0 : i32
      %cond3A_183 = arith.cmpi ne, %convert_element_type3A_181, %cond3A_182 : i32
      scf.if %cond3A_183 {
        %add3A_218 = arith.constant 2 : i32
        %add3A_219 = arith.addi %scan3A_169, %add3A_218 : i32
        %add3A_220 = arith.addi %mul3A_75, %add3A_219 : i32
        %rem3A_221 = arith.constant 3 : i32
        %rem3A_222 = arith.remsi %add3A_219, %rem3A_221 : i32
        %rem3A_223 = arith.constant 2 : i32
        %rem3A_224 = arith.remsi %add3A_219, %rem3A_223 : i32
        %dma_start3A_225 = arith.constant 0 : i32
        %dma_start3A_226 = arith.constant 0 : i32
        %dma_start3A_227 = tpu.memref_slice %arg7[%rem3A_222, %dma_start3A_225, %dma_start3A_226] : memref<3x2x56xi32, #tpu.memory_space<vmem>> -> memref<1x2x56xi32, #tpu.memory_space<vmem>>
        %dma_start3A_228 = tpu.memref_squeeze %dma_start3A_227 : memref<1x2x56xi32, #tpu.memory_space<vmem>> -> memref<2x56xi32, #tpu.memory_space<vmem>>
        %dma_start3A_229 = arith.constant 0 : i32
        %dma_start3A_230 = arith.constant 0 : i32
        %dma_start3A_231 = tpu.memref_slice %arg4[%add3A_220, %dma_start3A_229, %dma_start3A_230] : memref<5952x2x56xi32, #tpu.memory_space<hbm>> -> memref<1x2x56xi32, #tpu.memory_space<hbm>>
        %dma_start3A_232 = tpu.memref_squeeze %dma_start3A_231 : memref<1x2x56xi32, #tpu.memory_space<hbm>> -> memref<2x56xi32, #tpu.memory_space<hbm>>
        %dma_start3A_233 = tpu.memref_slice %arg13[%rem3A_224] : memref<2x!tpu.dma_semaphore, #tpu.memory_space<semaphore_mem>> -> memref<1x!tpu.dma_semaphore, #tpu.memory_space<semaphore_mem>>
        %dma_start3A_234 = tpu.memref_squeeze %dma_start3A_233 : memref<1x!tpu.dma_semaphore, #tpu.memory_space<semaphore_mem>> -> memref<!tpu.dma_semaphore, #tpu.memory_space<semaphore_mem>>
        %dma_start3A_235 = arith.constant 0 : i32
        %dma_start3A_236 = arith.constant 0 : i32
        %dma_start3A_237 = tpu.memref_slice %arg7[%rem3A_222, %dma_start3A_235, %dma_start3A_236] : memref<3x2x56xi32, #tpu.memory_space<vmem>> -> memref<1x2x56xi32, #tpu.memory_space<vmem>>
        %dma_start3A_238 = tpu.memref_squeeze %dma_start3A_237 : memref<1x2x56xi32, #tpu.memory_space<vmem>> -> memref<2x56xi32, #tpu.memory_space<vmem>>
        %dma_start3A_239 = arith.constant 0 : i32
        %dma_start3A_240 = arith.constant 0 : i32
        %dma_start3A_241 = tpu.memref_slice %arg4[%add3A_220, %dma_start3A_239, %dma_start3A_240] : memref<5952x2x56xi32, #tpu.memory_space<hbm>> -> memref<1x2x56xi32, #tpu.memory_space<hbm>>
        %dma_start3A_242 = tpu.memref_squeeze %dma_start3A_241 : memref<1x2x56xi32, #tpu.memory_space<hbm>> -> memref<2x56xi32, #tpu.memory_space<hbm>>
        tpu.enqueue_dma source(%dma_start3A_242 : memref<2x56xi32, #tpu.memory_space<hbm>>) target(%dma_start3A_238 : memref<2x56xi32, #tpu.memory_space<vmem>>) target_semaphore(%dma_start3A_234 : memref<!tpu.dma_semaphore, #tpu.memory_space<semaphore_mem>>)
      } else {
      }
      %rem3A_184 = arith.constant 2 : i32
      %rem3A_185 = arith.remsi %scan3A_169, %rem3A_184 : i32
      %rem3A_186 = arith.constant 3 : i32
      %rem3A_187 = arith.remsi %scan3A_169, %rem3A_186 : i32
      %dma_wait3A = arith.constant 0 : i32
      %dma_wait3A_188 = arith.constant 0 : i32
      %dma_wait3A_189 = arith.constant 0 : i32
      %dma_wait3A_190 = tpu.memref_slice %arg8[%rem3A_185, %dma_wait3A_188, %dma_wait3A_189] : memref<2x56x128xf32, #tpu.memory_space<vmem>> -> memref<1x56x128xf32, #tpu.memory_space<vmem>>
      %dma_wait3A_191 = tpu.memref_squeeze %dma_wait3A_190 : memref<1x56x128xf32, #tpu.memory_space<vmem>> -> memref<56x128xf32, #tpu.memory_space<vmem>>
      %dma_wait3A_192 = arith.constant 0 : i32
      %dma_wait3A_193 = tpu.memref_slice %arg7[%rem3A_187, %dma_wait3A, %dma_wait3A_192] : memref<3x2x56xi32, #tpu.memory_space<vmem>> -> memref<1x1x56xi32, #tpu.memory_space<vmem>>
      %dma_wait3A_194 = tpu.memref_squeeze %dma_wait3A_193 : memref<1x1x56xi32, #tpu.memory_space<vmem>> -> memref<56xi32, #tpu.memory_space<vmem>>
      %dma_wait3A_195 = arith.constant 0 : i32
      %dma_wait3A_196 = arith.constant 0 : i32
      %dma_wait3A_197 = tpu.memref_slice %arg2[%dma_wait3A_195, %dma_wait3A_196] : memref<10240x128xf32, #tpu.memory_space<hbm>> -> memref<10240x128xf32, #tpu.memory_space<hbm>>
      %dma_wait3A_198 = tpu.memref_slice %arg14[%rem3A_185] : memref<2x!tpu.dma_semaphore, #tpu.memory_space<semaphore_mem>> -> memref<1x!tpu.dma_semaphore, #tpu.memory_space<semaphore_mem>>
      %dma_wait3A_199 = tpu.memref_squeeze %dma_wait3A_198 : memref<1x!tpu.dma_semaphore, #tpu.memory_space<semaphore_mem>> -> memref<!tpu.dma_semaphore, #tpu.memory_space<semaphore_mem>>
      tpu.wait_indirect_dma semaphore(%dma_wait3A_199 : memref<!tpu.dma_semaphore, #tpu.memory_space<semaphore_mem>>) src(%dma_wait3A_197 : memref<10240x128xf32, #tpu.memory_space<hbm>>) dst(%dma_wait3A_191 : memref<56x128xf32, #tpu.memory_space<vmem>>)
      %dma_wait3A_200 = arith.constant 1 : i32
      %dma_wait3A_201 = arith.constant 0 : i32
      %dma_wait3A_202 = arith.constant 0 : i32
      %dma_wait3A_203 = tpu.memref_slice %arg9[%rem3A_185, %dma_wait3A_201, %dma_wait3A_202] : memref<2x56x128xf32, #tpu.memory_space<vmem>> -> memref<1x56x128xf32, #tpu.memory_space<vmem>>
      %dma_wait3A_204 = tpu.memref_squeeze %dma_wait3A_203 : memref<1x56x128xf32, #tpu.memory_space<vmem>> -> memref<56x128xf32, #tpu.memory_space<vmem>>
      %dma_wait3A_205 = arith.constant 0 : i32
      %dma_wait3A_206 = tpu.memref_slice %arg7[%rem3A_187, %dma_wait3A_200, %dma_wait3A_205] : memref<3x2x56xi32, #tpu.memory_space<vmem>> -> memref<1x1x56xi32, #tpu.memory_space<vmem>>
      %dma_wait3A_207 = tpu.memref_squeeze %dma_wait3A_206 : memref<1x1x56xi32, #tpu.memory_space<vmem>> -> memref<56xi32, #tpu.memory_space<vmem>>
      %dma_wait3A_208 = arith.constant 0 : i32
      %dma_wait3A_209 = arith.constant 0 : i32
      %dma_wait3A_210 = tpu.memref_slice %arg3[%dma_wait3A_208, %dma_wait3A_209] : memref<10240x128xf32, #tpu.memory_space<hbm>> -> memref<10240x128xf32, #tpu.memory_space<hbm>>
      %dma_wait3A_211 = tpu.memref_slice %arg14[%rem3A_185] : memref<2x!tpu.dma_semaphore, #tpu.memory_space<semaphore_mem>> -> memref<1x!tpu.dma_semaphore, #tpu.memory_space<semaphore_mem>>
      %dma_wait3A_212 = tpu.memref_squeeze %dma_wait3A_211 : memref<1x!tpu.dma_semaphore, #tpu.memory_space<semaphore_mem>> -> memref<!tpu.dma_semaphore, #tpu.memory_space<semaphore_mem>>
      tpu.wait_indirect_dma semaphore(%dma_wait3A_212 : memref<!tpu.dma_semaphore, #tpu.memory_space<semaphore_mem>>) src(%dma_wait3A_210 : memref<10240x128xf32, #tpu.memory_space<hbm>>) dst(%dma_wait3A_204 : memref<56x128xf32, #tpu.memory_space<vmem>>)
      %parallel_loop3A = arith.constant 0 : i32
      %parallel_loop3A_213 = arith.constant 56 : i32
      %parallel_loop3A_214 = arith.constant 1 : i32
      scf.for %parallel_loop3A_218 = %parallel_loop3A to %parallel_loop3A_213 step %parallel_loop3A_214  : i32 {
        %parallel_loop3A_219 = arith.index_cast %rem3A_171 : i32 to index
        %parallel_loop3A_220 = arith.index_cast %parallel_loop3A_218 : i32 to index
        %parallel_loop3A_221 = arith.constant 0 : index
        %parallel_loop3A_222 = tpu.vector_load %arg8[%parallel_loop3A_219, %parallel_loop3A_220, %parallel_loop3A_221] {strides = array<i32>} : memref<2x56x128xf32, #tpu.memory_space<vmem>>, vector<1x1x16xf32>,
        %parallel_loop3A_223 = vector.shape_cast %parallel_loop3A_222 : vector<1x1x16xf32> to vector<16xf32>
        %parallel_loop3A_224 = arith.index_cast %rem3A_171 : i32 to index
        %parallel_loop3A_225 = arith.index_cast %parallel_loop3A_218 : i32 to index
        %parallel_loop3A_226 = arith.constant 16 : index
        %parallel_loop3A_227 = tpu.vector_load %arg8[%parallel_loop3A_224, %parallel_loop3A_225, %parallel_loop3A_226] {strides = array<i32>} : memref<2x56x128xf32, #tpu.memory_space<vmem>>, vector<1x1x16xf32>,
        %parallel_loop3A_228 = vector.shape_cast %parallel_loop3A_227 : vector<1x1x16xf32> to vector<16xf32>
        %parallel_loop3A_229 = arith.index_cast %rem3A_171 : i32 to index
        %parallel_loop3A_230 = arith.index_cast %parallel_loop3A_218 : i32 to index
        %parallel_loop3A_231 = arith.constant 32 : index
        %parallel_loop3A_232 = tpu.vector_load %arg8[%parallel_loop3A_229, %parallel_loop3A_230, %parallel_loop3A_231] {strides = array<i32>} : memref<2x56x128xf32, #tpu.memory_space<vmem>>, vector<1x1x16xf32>,
        %parallel_loop3A_233 = vector.shape_cast %parallel_loop3A_232 : vector<1x1x16xf32> to vector<16xf32>
        %parallel_loop3A_234 = arith.index_cast %rem3A_171 : i32 to index
        %parallel_loop3A_235 = arith.index_cast %parallel_loop3A_218 : i32 to index
        %parallel_loop3A_236 = arith.constant 48 : index
        %parallel_loop3A_237 = tpu.vector_load %arg8[%parallel_loop3A_234, %parallel_loop3A_235, %parallel_loop3A_236] {strides = array<i32>} : memref<2x56x128xf32, #tpu.memory_space<vmem>>, vector<1x1x16xf32>,
        %parallel_loop3A_238 = vector.shape_cast %parallel_loop3A_237 : vector<1x1x16xf32> to vector<16xf32>
        %parallel_loop3A_239 = arith.index_cast %rem3A_171 : i32 to index
        %parallel_loop3A_240 = arith.index_cast %parallel_loop3A_218 : i32 to index
        %parallel_loop3A_241 = arith.constant 64 : index
        %parallel_loop3A_242 = tpu.vector_load %arg8[%parallel_loop3A_239, %parallel_loop3A_240, %parallel_loop3A_241] {strides = array<i32>} : memref<2x56x128xf32, #tpu.memory_space<vmem>>, vector<1x1x16xf32>,
        %parallel_loop3A_243 = vector.shape_cast %parallel_loop3A_242 : vector<1x1x16xf32> to vector<16xf32>
        %parallel_loop3A_244 = arith.index_cast %rem3A_171 : i32 to index
        %parallel_loop3A_245 = arith.index_cast %parallel_loop3A_218 : i32 to index
        %parallel_loop3A_246 = arith.constant 80 : index
        %parallel_loop3A_247 = tpu.vector_load %arg8[%parallel_loop3A_244, %parallel_loop3A_245, %parallel_loop3A_246] {strides = array<i32>} : memref<2x56x128xf32, #tpu.memory_space<vmem>>, vector<1x1x16xf32>,
        %parallel_loop3A_248 = vector.shape_cast %parallel_loop3A_247 : vector<1x1x16xf32> to vector<16xf32>
        %parallel_loop3A_249 = arith.index_cast %rem3A_171 : i32 to index
        %parallel_loop3A_250 = arith.index_cast %parallel_loop3A_218 : i32 to index
        %parallel_loop3A_251 = arith.constant 96 : index
        %parallel_loop3A_252 = tpu.vector_load %arg8[%parallel_loop3A_249, %parallel_loop3A_250, %parallel_loop3A_251] {strides = array<i32>} : memref<2x56x128xf32, #tpu.memory_space<vmem>>, vector<1x1x16xf32>,
        %parallel_loop3A_253 = vector.shape_cast %parallel_loop3A_252 : vector<1x1x16xf32> to vector<16xf32>
        %parallel_loop3A_254 = arith.index_cast %rem3A_171 : i32 to index
        %parallel_loop3A_255 = arith.index_cast %parallel_loop3A_218 : i32 to index
        %parallel_loop3A_256 = arith.constant 112 : index
        %parallel_loop3A_257 = tpu.vector_load %arg8[%parallel_loop3A_254, %parallel_loop3A_255, %parallel_loop3A_256] {strides = array<i32>} : memref<2x56x128xf32, #tpu.memory_space<vmem>>, vector<1x1x16xf32>,
        %parallel_loop3A_258 = vector.shape_cast %parallel_loop3A_257 : vector<1x1x16xf32> to vector<16xf32>
        %parallel_loop3A_259 = arith.index_cast %rem3A_171 : i32 to index
        %parallel_loop3A_260 = arith.index_cast %parallel_loop3A_218 : i32 to index
        %parallel_loop3A_261 = arith.constant 0 : index
        %parallel_loop3A_262 = tpu.vector_load %arg9[%parallel_loop3A_259, %parallel_loop3A_260, %parallel_loop3A_261] {strides = array<i32>} : memref<2x56x128xf32, #tpu.memory_space<vmem>>, vector<1x1x16xf32>,
        %parallel_loop3A_263 = vector.shape_cast %parallel_loop3A_262 : vector<1x1x16xf32> to vector<16xf32>
        %parallel_loop3A_264 = arith.index_cast %rem3A_171 : i32 to index
        %parallel_loop3A_265 = arith.index_cast %parallel_loop3A_218 : i32 to index
        %parallel_loop3A_266 = arith.constant 16 : index
        %parallel_loop3A_267 = tpu.vector_load %arg9[%parallel_loop3A_264, %parallel_loop3A_265, %parallel_loop3A_266] {strides = array<i32>} : memref<2x56x128xf32, #tpu.memory_space<vmem>>, vector<1x1x16xf32>,
        %parallel_loop3A_268 = vector.shape_cast %parallel_loop3A_267 : vector<1x1x16xf32> to vector<16xf32>
        %parallel_loop3A_269 = arith.index_cast %rem3A_171 : i32 to index
        %parallel_loop3A_270 = arith.index_cast %parallel_loop3A_218 : i32 to index
        %parallel_loop3A_271 = arith.constant 32 : index
        %parallel_loop3A_272 = tpu.vector_load %arg9[%parallel_loop3A_269, %parallel_loop3A_270, %parallel_loop3A_271] {strides = array<i32>} : memref<2x56x128xf32, #tpu.memory_space<vmem>>, vector<1x1x16xf32>,
        %parallel_loop3A_273 = vector.shape_cast %parallel_loop3A_272 : vector<1x1x16xf32> to vector<16xf32>
        %parallel_loop3A_274 = arith.index_cast %rem3A_171 : i32 to index
        %parallel_loop3A_275 = arith.index_cast %parallel_loop3A_218 : i32 to index
        %parallel_loop3A_276 = arith.constant 48 : index
        %parallel_loop3A_277 = tpu.vector_load %arg9[%parallel_loop3A_274, %parallel_loop3A_275, %parallel_loop3A_276] {strides = array<i32>} : memref<2x56x128xf32, #tpu.memory_space<vmem>>, vector<1x1x16xf32>,
        %parallel_loop3A_278 = vector.shape_cast %parallel_loop3A_277 : vector<1x1x16xf32> to vector<16xf32>
        %parallel_loop3A_279 = arith.index_cast %rem3A_171 : i32 to index
        %parallel_loop3A_280 = arith.index_cast %parallel_loop3A_218 : i32 to index
        %parallel_loop3A_281 = arith.constant 64 : index
        %parallel_loop3A_282 = tpu.vector_load %arg9[%parallel_loop3A_279, %parallel_loop3A_280, %parallel_loop3A_281] {strides = array<i32>} : memref<2x56x128xf32, #tpu.memory_space<vmem>>, vector<1x1x16xf32>,
        %parallel_loop3A_283 = vector.shape_cast %parallel_loop3A_282 : vector<1x1x16xf32> to vector<16xf32>
        %parallel_loop3A_284 = arith.index_cast %rem3A_171 : i32 to index
        %parallel_loop3A_285 = arith.index_cast %parallel_loop3A_218 : i32 to index
        %parallel_loop3A_286 = arith.constant 80 : index
        %parallel_loop3A_287 = tpu.vector_load %arg9[%parallel_loop3A_284, %parallel_loop3A_285, %parallel_loop3A_286] {strides = array<i32>} : memref<2x56x128xf32, #tpu.memory_space<vmem>>, vector<1x1x16xf32>,
        %parallel_loop3A_288 = vector.shape_cast %parallel_loop3A_287 : vector<1x1x16xf32> to vector<16xf32>
        %parallel_loop3A_289 = arith.index_cast %rem3A_171 : i32 to index
        %parallel_loop3A_290 = arith.index_cast %parallel_loop3A_218 : i32 to index
        %parallel_loop3A_291 = arith.constant 96 : index
        %parallel_loop3A_292 = tpu.vector_load %arg9[%parallel_loop3A_289, %parallel_loop3A_290, %parallel_loop3A_291] {strides = array<i32>} : memref<2x56x128xf32, #tpu.memory_space<vmem>>, vector<1x1x16xf32>,
        %parallel_loop3A_293 = vector.shape_cast %parallel_loop3A_292 : vector<1x1x16xf32> to vector<16xf32>
        %parallel_loop3A_294 = arith.index_cast %rem3A_171 : i32 to index
        %parallel_loop3A_295 = arith.index_cast %parallel_loop3A_218 : i32 to index
        %parallel_loop3A_296 = arith.constant 112 : index
        %parallel_loop3A_297 = tpu.vector_load %arg9[%parallel_loop3A_294, %parallel_loop3A_295, %parallel_loop3A_296] {strides = array<i32>} : memref<2x56x128xf32, #tpu.memory_space<vmem>>, vector<1x1x16xf32>,
        %parallel_loop3A_298 = vector.shape_cast %parallel_loop3A_297 : vector<1x1x16xf32> to vector<16xf32>
        %parallel_loop3A_299 = arith.addf %parallel_loop3A_223, %parallel_loop3A_263 : vector<16xf32>
        %parallel_loop3A_300 = arith.constant 2.000000e-01 : f32
        %parallel_loop3A_301 = vector.broadcast %parallel_loop3A_300 : f32 to vector<16xf32>
        %parallel_loop3A_302 = arith.mulf %parallel_loop3A_301, %parallel_loop3A_299 : vector<16xf32>
        %parallel_loop3A_303 = arith.maximumf %parallel_loop3A_299, %parallel_loop3A_302 : vector<16xf32>
        %parallel_loop3A_304 = arith.mulf %parallel_loop3A_303, %get3A_34 : vector<16xf32>
        %parallel_loop3A_305 = arith.addf %parallel_loop3A_228, %parallel_loop3A_268 : vector<16xf32>
        %parallel_loop3A_306 = arith.constant 2.000000e-01 : f32
        %parallel_loop3A_307 = vector.broadcast %parallel_loop3A_306 : f32 to vector<16xf32>
        %parallel_loop3A_308 = arith.mulf %parallel_loop3A_307, %parallel_loop3A_305 : vector<16xf32>
        %parallel_loop3A_309 = arith.maximumf %parallel_loop3A_305, %parallel_loop3A_308 : vector<16xf32>
        %parallel_loop3A_310 = arith.mulf %parallel_loop3A_309, %get3A_37 : vector<16xf32>
        %parallel_loop3A_311 = arith.addf %parallel_loop3A_233, %parallel_loop3A_273 : vector<16xf32>
        %parallel_loop3A_312 = arith.constant 2.000000e-01 : f32
        %parallel_loop3A_313 = vector.broadcast %parallel_loop3A_312 : f32 to vector<16xf32>
        %parallel_loop3A_314 = arith.mulf %parallel_loop3A_313, %parallel_loop3A_311 : vector<16xf32>
        %parallel_loop3A_315 = arith.maximumf %parallel_loop3A_311, %parallel_loop3A_314 : vector<16xf32>
        %parallel_loop3A_316 = arith.mulf %parallel_loop3A_315, %get3A_40 : vector<16xf32>
        %parallel_loop3A_317 = arith.addf %parallel_loop3A_238, %parallel_loop3A_278 : vector<16xf32>
        %parallel_loop3A_318 = arith.constant 2.000000e-01 : f32
        %parallel_loop3A_319 = vector.broadcast %parallel_loop3A_318 : f32 to vector<16xf32>
        %parallel_loop3A_320 = arith.mulf %parallel_loop3A_319, %parallel_loop3A_317 : vector<16xf32>
        %parallel_loop3A_321 = arith.maximumf %parallel_loop3A_317, %parallel_loop3A_320 : vector<16xf32>
        %parallel_loop3A_322 = arith.mulf %parallel_loop3A_321, %get3A_43 : vector<16xf32>
        %parallel_loop3A_323 = arith.addf %parallel_loop3A_243, %parallel_loop3A_283 : vector<16xf32>
        %parallel_loop3A_324 = arith.constant 2.000000e-01 : f32
        %parallel_loop3A_325 = vector.broadcast %parallel_loop3A_324 : f32 to vector<16xf32>
        %parallel_loop3A_326 = arith.mulf %parallel_loop3A_325, %parallel_loop3A_323 : vector<16xf32>
        %parallel_loop3A_327 = arith.maximumf %parallel_loop3A_323, %parallel_loop3A_326 : vector<16xf32>
        %parallel_loop3A_328 = arith.mulf %parallel_loop3A_327, %get3A_46 : vector<16xf32>
        %parallel_loop3A_329 = arith.addf %parallel_loop3A_248, %parallel_loop3A_288 : vector<16xf32>
        %parallel_loop3A_330 = arith.constant 2.000000e-01 : f32
        %parallel_loop3A_331 = vector.broadcast %parallel_loop3A_330 : f32 to vector<16xf32>
        %parallel_loop3A_332 = arith.mulf %parallel_loop3A_331, %parallel_loop3A_329 : vector<16xf32>
        %parallel_loop3A_333 = arith.maximumf %parallel_loop3A_329, %parallel_loop3A_332 : vector<16xf32>
        %parallel_loop3A_334 = arith.mulf %parallel_loop3A_333, %get3A_49 : vector<16xf32>
        %parallel_loop3A_335 = arith.addf %parallel_loop3A_253, %parallel_loop3A_293 : vector<16xf32>
        %parallel_loop3A_336 = arith.constant 2.000000e-01 : f32
        %parallel_loop3A_337 = vector.broadcast %parallel_loop3A_336 : f32 to vector<16xf32>
        %parallel_loop3A_338 = arith.mulf %parallel_loop3A_337, %parallel_loop3A_335 : vector<16xf32>
        %parallel_loop3A_339 = arith.maximumf %parallel_loop3A_335, %parallel_loop3A_338 : vector<16xf32>
        %parallel_loop3A_340 = arith.mulf %parallel_loop3A_339, %get3A_52 : vector<16xf32>
        %parallel_loop3A_341 = arith.addf %parallel_loop3A_258, %parallel_loop3A_298 : vector<16xf32>
        %parallel_loop3A_342 = arith.constant 2.000000e-01 : f32
        %parallel_loop3A_343 = vector.broadcast %parallel_loop3A_342 : f32 to vector<16xf32>
        %parallel_loop3A_344 = arith.mulf %parallel_loop3A_343, %parallel_loop3A_341 : vector<16xf32>
        %parallel_loop3A_345 = arith.maximumf %parallel_loop3A_341, %parallel_loop3A_344 : vector<16xf32>
        %parallel_loop3A_346 = arith.mulf %parallel_loop3A_345, %get3A_55 : vector<16xf32>
        %parallel_loop3A_347 = arith.constant 0.000000e+00 : f32
        %parallel_loop3A_348 = vector.broadcast %parallel_loop3A_347 : f32 to vector<16xf32>
        %parallel_loop3A_349 = arith.addf %parallel_loop3A_304, %parallel_loop3A_310 : vector<16xf32>
        %parallel_loop3A_350 = arith.addf %parallel_loop3A_316, %parallel_loop3A_322 : vector<16xf32>
        %parallel_loop3A_351 = arith.addf %parallel_loop3A_328, %parallel_loop3A_334 : vector<16xf32>
        %parallel_loop3A_352 = arith.addf %parallel_loop3A_340, %parallel_loop3A_346 : vector<16xf32>
        %parallel_loop3A_353 = arith.addf %parallel_loop3A_349, %parallel_loop3A_350 : vector<16xf32>
        %parallel_loop3A_354 = arith.addf %parallel_loop3A_351, %parallel_loop3A_352 : vector<16xf32>
        %parallel_loop3A_355 = arith.addf %parallel_loop3A_353, %parallel_loop3A_354 : vector<16xf32>
        %parallel_loop3A_356 = vector.shape_cast %reshape3A : vector<16x1xi32> to vector<16xi32>
        %parallel_loop3A_357 = tpu.dynamic_gather %parallel_loop3A_355[%parallel_loop3A_356] in [0] : vector<16xf32>, vector<16xi32> -> vector<16xf32>
        %parallel_loop3A_358 = arith.addf %parallel_loop3A_355, %parallel_loop3A_357 : vector<16xf32>
        %parallel_loop3A_359 = vector.shape_cast %reshape3A_65 : vector<16x1xi32> to vector<16xi32>
        %parallel_loop3A_360 = tpu.dynamic_gather %parallel_loop3A_358[%parallel_loop3A_359] in [0] : vector<16xf32>, vector<16xi32> -> vector<16xf32>
        %parallel_loop3A_361 = arith.addf %parallel_loop3A_358, %parallel_loop3A_360 : vector<16xf32>
        %parallel_loop3A_362 = vector.shape_cast %reshape3A_69 : vector<16x1xi32> to vector<16xi32>
        %parallel_loop3A_363 = tpu.dynamic_gather %parallel_loop3A_361[%parallel_loop3A_362] in [0] : vector<16xf32>, vector<16xi32> -> vector<16xf32>
        %parallel_loop3A_364 = arith.addf %parallel_loop3A_361, %parallel_loop3A_363 : vector<16xf32>
        %parallel_loop3A_365 = vector.shape_cast %reshape3A_73 : vector<16x1xi32> to vector<16xi32>
        %parallel_loop3A_366 = tpu.dynamic_gather %parallel_loop3A_364[%parallel_loop3A_365] in [0] : vector<16xf32>, vector<16xi32> -> vector<16xf32>
        %parallel_loop3A_367 = arith.addf %parallel_loop3A_364, %parallel_loop3A_366 : vector<16xf32>
        %parallel_loop3A_368 = math.exp %parallel_loop3A_367 : vector<16xf32>
        %parallel_loop3A_369 = arith.mulf %parallel_loop3A_368, %select_n3A : vector<16xf32>
        %parallel_loop3A_370 = arith.mulf %parallel_loop3A_223, %parallel_loop3A_368 : vector<16xf32>
        %parallel_loop3A_371 = arith.index_cast %parallel_loop3A_218 : i32 to index
        %parallel_loop3A_372 = arith.constant 0 : index
        %parallel_loop3A_373 = tpu.vector_load %arg10[%parallel_loop3A_371, %parallel_loop3A_372] {strides = array<i32>} : memref<56x144xf32, #tpu.memory_space<vmem>>, vector<1x16xf32>,
        %parallel_loop3A_374 = vector.shape_cast %parallel_loop3A_373 : vector<1x16xf32> to vector<16xf32>
        %parallel_loop3A_375 = vector.shape_cast %parallel_loop3A_370 : vector<16xf32> to vector<1x16xf32>
        tpu.vector_store %arg10[%parallel_loop3A_371, %parallel_loop3A_372], %parallel_loop3A_375 {strides = array<i32>} : memref<56x144xf32, #tpu.memory_space<vmem>>, vector<1x16xf32>,
        %parallel_loop3A_376 = arith.mulf %parallel_loop3A_228, %parallel_loop3A_368 : vector<16xf32>
        %parallel_loop3A_377 = arith.index_cast %parallel_loop3A_218 : i32 to index
        %parallel_loop3A_378 = arith.constant 16 : index
        %parallel_loop3A_379 = tpu.vector_load %arg10[%parallel_loop3A_377, %parallel_loop3A_378] {strides = array<i32>} : memref<56x144xf32, #tpu.memory_space<vmem>>, vector<1x16xf32>,
        %parallel_loop3A_380 = vector.shape_cast %parallel_loop3A_379 : vector<1x16xf32> to vector<16xf32>
        %parallel_loop3A_381 = vector.shape_cast %parallel_loop3A_376 : vector<16xf32> to vector<1x16xf32>
        tpu.vector_store %arg10[%parallel_loop3A_377, %parallel_loop3A_378], %parallel_loop3A_381 {strides = array<i32>} : memref<56x144xf32, #tpu.memory_space<vmem>>, vector<1x16xf32>,
        %parallel_loop3A_382 = arith.mulf %parallel_loop3A_233, %parallel_loop3A_368 : vector<16xf32>
        %parallel_loop3A_383 = arith.index_cast %parallel_loop3A_218 : i32 to index
        %parallel_loop3A_384 = arith.constant 32 : index
        %parallel_loop3A_385 = tpu.vector_load %arg10[%parallel_loop3A_383, %parallel_loop3A_384] {strides = array<i32>} : memref<56x144xf32, #tpu.memory_space<vmem>>, vector<1x16xf32>,
        %parallel_loop3A_386 = vector.shape_cast %parallel_loop3A_385 : vector<1x16xf32> to vector<16xf32>
        %parallel_loop3A_387 = vector.shape_cast %parallel_loop3A_382 : vector<16xf32> to vector<1x16xf32>
        tpu.vector_store %arg10[%parallel_loop3A_383, %parallel_loop3A_384], %parallel_loop3A_387 {strides = array<i32>} : memref<56x144xf32, #tpu.memory_space<vmem>>, vector<1x16xf32>,
        %parallel_loop3A_388 = arith.mulf %parallel_loop3A_238, %parallel_loop3A_368 : vector<16xf32>
        %parallel_loop3A_389 = arith.index_cast %parallel_loop3A_218 : i32 to index
        %parallel_loop3A_390 = arith.constant 48 : index
        %parallel_loop3A_391 = tpu.vector_load %arg10[%parallel_loop3A_389, %parallel_loop3A_390] {strides = array<i32>} : memref<56x144xf32, #tpu.memory_space<vmem>>, vector<1x16xf32>,
        %parallel_loop3A_392 = vector.shape_cast %parallel_loop3A_391 : vector<1x16xf32> to vector<16xf32>
        %parallel_loop3A_393 = vector.shape_cast %parallel_loop3A_388 : vector<16xf32> to vector<1x16xf32>
        tpu.vector_store %arg10[%parallel_loop3A_389, %parallel_loop3A_390], %parallel_loop3A_393 {strides = array<i32>} : memref<56x144xf32, #tpu.memory_space<vmem>>, vector<1x16xf32>,
        %parallel_loop3A_394 = arith.mulf %parallel_loop3A_243, %parallel_loop3A_368 : vector<16xf32>
        %parallel_loop3A_395 = arith.index_cast %parallel_loop3A_218 : i32 to index
        %parallel_loop3A_396 = arith.constant 64 : index
        %parallel_loop3A_397 = tpu.vector_load %arg10[%parallel_loop3A_395, %parallel_loop3A_396] {strides = array<i32>} : memref<56x144xf32, #tpu.memory_space<vmem>>, vector<1x16xf32>,
        %parallel_loop3A_398 = vector.shape_cast %parallel_loop3A_397 : vector<1x16xf32> to vector<16xf32>
        %parallel_loop3A_399 = vector.shape_cast %parallel_loop3A_394 : vector<16xf32> to vector<1x16xf32>
        tpu.vector_store %arg10[%parallel_loop3A_395, %parallel_loop3A_396], %parallel_loop3A_399 {strides = array<i32>} : memref<56x144xf32, #tpu.memory_space<vmem>>, vector<1x16xf32>,
        %parallel_loop3A_400 = arith.mulf %parallel_loop3A_248, %parallel_loop3A_368 : vector<16xf32>
        %parallel_loop3A_401 = arith.index_cast %parallel_loop3A_218 : i32 to index
        %parallel_loop3A_402 = arith.constant 80 : index
        %parallel_loop3A_403 = tpu.vector_load %arg10[%parallel_loop3A_401, %parallel_loop3A_402] {strides = array<i32>} : memref<56x144xf32, #tpu.memory_space<vmem>>, vector<1x16xf32>,
        %parallel_loop3A_404 = vector.shape_cast %parallel_loop3A_403 : vector<1x16xf32> to vector<16xf32>
        %parallel_loop3A_405 = vector.shape_cast %parallel_loop3A_400 : vector<16xf32> to vector<1x16xf32>
        tpu.vector_store %arg10[%parallel_loop3A_401, %parallel_loop3A_402], %parallel_loop3A_405 {strides = array<i32>} : memref<56x144xf32, #tpu.memory_space<vmem>>, vector<1x16xf32>,
        %parallel_loop3A_406 = arith.mulf %parallel_loop3A_253, %parallel_loop3A_368 : vector<16xf32>
        %parallel_loop3A_407 = arith.index_cast %parallel_loop3A_218 : i32 to index
        %parallel_loop3A_408 = arith.constant 96 : index
        %parallel_loop3A_409 = tpu.vector_load %arg10[%parallel_loop3A_407, %parallel_loop3A_408] {strides = array<i32>} : memref<56x144xf32, #tpu.memory_space<vmem>>, vector<1x16xf32>,
        %parallel_loop3A_410 = vector.shape_cast %parallel_loop3A_409 : vector<1x16xf32> to vector<16xf32>
        %parallel_loop3A_411 = vector.shape_cast %parallel_loop3A_406 : vector<16xf32> to vector<1x16xf32>
        tpu.vector_store %arg10[%parallel_loop3A_407, %parallel_loop3A_408], %parallel_loop3A_411 {strides = array<i32>} : memref<56x144xf32, #tpu.memory_space<vmem>>, vector<1x16xf32>,
        %parallel_loop3A_412 = arith.mulf %parallel_loop3A_258, %parallel_loop3A_368 : vector<16xf32>
        %parallel_loop3A_413 = arith.index_cast %parallel_loop3A_218 : i32 to index
        %parallel_loop3A_414 = arith.constant 112 : index
        %parallel_loop3A_415 = tpu.vector_load %arg10[%parallel_loop3A_413, %parallel_loop3A_414] {strides = array<i32>} : memref<56x144xf32, #tpu.memory_space<vmem>>, vector<1x16xf32>,
        %parallel_loop3A_416 = vector.shape_cast %parallel_loop3A_415 : vector<1x16xf32> to vector<16xf32>
        %parallel_loop3A_417 = vector.shape_cast %parallel_loop3A_412 : vector<16xf32> to vector<1x16xf32>
        tpu.vector_store %arg10[%parallel_loop3A_413, %parallel_loop3A_414], %parallel_loop3A_417 {strides = array<i32>} : memref<56x144xf32, #tpu.memory_space<vmem>>, vector<1x16xf32>,
        %parallel_loop3A_418 = arith.index_cast %parallel_loop3A_218 : i32 to index
        %parallel_loop3A_419 = arith.constant 128 : index
        %parallel_loop3A_420 = tpu.vector_load %arg10[%parallel_loop3A_418, %parallel_loop3A_419] {strides = array<i32>} : memref<56x144xf32, #tpu.memory_space<vmem>>, vector<1x16xf32>,
        %parallel_loop3A_421 = vector.shape_cast %parallel_loop3A_420 : vector<1x16xf32> to vector<16xf32>
        %parallel_loop3A_422 = vector.shape_cast %parallel_loop3A_369 : vector<16xf32> to vector<1x16xf32>
        tpu.vector_store %arg10[%parallel_loop3A_418, %parallel_loop3A_419], %parallel_loop3A_422 {strides = array<i32>} : memref<56x144xf32, #tpu.memory_space<vmem>>, vector<1x16xf32>,
      } {sc.loop_unroll_factor = 4 : i64, sc.parallel_access}
      %rem3A_215 = arith.constant 3 : i32
      %rem3A_216 = arith.remsi %scan3A_169, %rem3A_215 : i32
      %run_scoped3A_217 = arith.constant 1 : i32
      "tpu.region"() ({
        %run_scoped3A_218 = tpu.sem_alloc : memref<!tpu.dma_semaphore, #tpu.memory_space<semaphore_mem>>
        %dma_start3A_219 = arith.constant 0 : i32
        %dma_start3A_220 = tpu.memref_slice %arg7[%rem3A_216, %run_scoped3A_217, %dma_start3A_219] : memref<3x2x56xi32, #tpu.memory_space<vmem>> -> memref<1x1x56xi32, #tpu.memory_space<vmem>>
        %dma_start3A_221 = tpu.memref_squeeze %dma_start3A_220 : memref<1x1x56xi32, #tpu.memory_space<vmem>> -> memref<56xi32, #tpu.memory_space<vmem>>
        %dma_start3A_222 = arith.constant 0 : i32
        %dma_start3A_223 = arith.constant 0 : i32
        %dma_start3A_224 = tpu.memref_slice %arg12[%dma_start3A_222, %dma_start3A_223] : memref<10016x144xf32, #tpu.memory_space<vmem_shared>> -> memref<10016x144xf32, #tpu.memory_space<vmem_shared>>
        tpu.enqueue_indirect_dma source(%arg10 : memref<56x144xf32, #tpu.memory_space<vmem>>) target(%dma_start3A_224 : memref<10016x144xf32, #tpu.memory_space<vmem_shared>>) offsets(%dma_start3A_221 : memref<56xi32, #tpu.memory_space<vmem>>) semaphore(%run_scoped3A_218 : memref<!tpu.dma_semaphore, #tpu.memory_space<semaphore_mem>>) {add = true}
        %dma_wait3A_225 = arith.constant 0 : i32
        %dma_wait3A_226 = tpu.memref_slice %arg7[%rem3A_216, %run_scoped3A_217, %dma_wait3A_225] : memref<3x2x56xi32, #tpu.memory_space<vmem>> -> memref<1x1x56xi32, #tpu.memory_space<vmem>>
        %dma_wait3A_227 = tpu.memref_squeeze %dma_wait3A_226 : memref<1x1x56xi32, #tpu.memory_space<vmem>> -> memref<56xi32, #tpu.memory_space<vmem>>
        %dma_wait3A_228 = arith.constant 0 : i32
        %dma_wait3A_229 = arith.constant 0 : i32
        %dma_wait3A_230 = tpu.memref_slice %arg12[%dma_wait3A_228, %dma_wait3A_229] : memref<10016x144xf32, #tpu.memory_space<vmem_shared>> -> memref<10016x144xf32, #tpu.memory_space<vmem_shared>>
        tpu.wait_indirect_dma semaphore(%run_scoped3A_218 : memref<!tpu.dma_semaphore, #tpu.memory_space<semaphore_mem>>) src(%arg10 : memref<56x144xf32, #tpu.memory_space<vmem>>) dst(%dma_wait3A_230 : memref<10016x144xf32, #tpu.memory_space<vmem_shared>>)
        tpu.yield
      }) : () -> ()
    }
    %scan3A_165 = arith.constant 186 : i32
    %barrier3A_166 = arith.constant 0 : index
    tpu.barrier barrier_id(%barrier3A_166)
    %mul3A_167 = arith.constant 625 : i32
    %mul3A_168 = arith.muli %arg1, %mul3A_167 : i32
    "tpu.region"() ({
      %run_scoped3A_169 = tpu.sem_alloc : memref<!tpu.dma_semaphore, #tpu.memory_space<semaphore_mem>>
      %dma_start3A_170 = arith.constant 0 : i32
      %dma_start3A_171 = tpu.memref_slice %arg6[%arg0, %mul3A_168, %dma_start3A_170] : memref<2x10240x144xf32, #tpu.memory_space<hbm>> -> memref<1x625x144xf32, #tpu.memory_space<hbm>>
      %dma_start3A_172 = tpu.memref_squeeze %dma_start3A_171 : memref<1x625x144xf32, #tpu.memory_space<hbm>> -> memref<625x144xf32, #tpu.memory_space<hbm>>
      %dma_start3A_173 = arith.constant 0 : i32
      %dma_start3A_174 = tpu.memref_slice %arg12[%mul3A_168, %dma_start3A_173] : memref<10016x144xf32, #tpu.memory_space<vmem_shared>> -> memref<625x144xf32, #tpu.memory_space<vmem_shared>>
      tpu.enqueue_dma source(%dma_start3A_174 : memref<625x144xf32, #tpu.memory_space<vmem_shared>>) target(%dma_start3A_172 : memref<625x144xf32, #tpu.memory_space<hbm>>) target_semaphore(%run_scoped3A_169 : memref<!tpu.dma_semaphore, #tpu.memory_space<semaphore_mem>>)
      %dma_wait3A = arith.constant 0 : i32
      %dma_wait3A_175 = tpu.memref_slice %arg6[%arg0, %mul3A_168, %dma_wait3A] : memref<2x10240x144xf32, #tpu.memory_space<hbm>> -> memref<1x625x144xf32, #tpu.memory_space<hbm>>
      %dma_wait3A_176 = tpu.memref_squeeze %dma_wait3A_175 : memref<1x625x144xf32, #tpu.memory_space<hbm>> -> memref<625x144xf32, #tpu.memory_space<hbm>>
      %dma_wait3A_177 = arith.constant 0 : i32
      %dma_wait3A_178 = tpu.memref_slice %arg12[%mul3A_168, %dma_wait3A_177] : memref<10016x144xf32, #tpu.memory_space<vmem_shared>> -> memref<625x144xf32, #tpu.memory_space<vmem_shared>>
      tpu.wait_dma2 semaphore(%run_scoped3A_169 : memref<!tpu.dma_semaphore, #tpu.memory_space<semaphore_mem>>) src(%dma_wait3A_178 : memref<625x144xf32, #tpu.memory_space<vmem_shared>>) dst(%dma_wait3A_176 : memref<625x144xf32, #tpu.memory_space<hbm>>)
      tpu.yield
    }) : () -> ()
    return
  }
}

#map = affine_map<(d0, d1) -> (0, 0)>
#map1 = affine_map<(d0, d1) -> (0, 0, 0)>
#map2 = affine_map<(d0, d1) -> (0)>
module attributes {stable_mosaic.version = 14 : i64} {
  func.func @edge_kernel(%arg0: i32, %arg1: i32, %arg2: memref<10240x128xf32, #tpu.memory_space<hbm>>, %arg3: memref<10240x128xf32, #tpu.memory_space<hbm>>, %arg4: memref<5952x2x56xi32, #tpu.memory_space<hbm>>, %arg5: memref<128xf32, #tpu.memory_space<hbm>>, %arg6: memref<2x10240x144xf32, #tpu.memory_space<hbm>>, %arg7: memref<3x2x56xi32, #tpu.memory_space<vmem>>, %arg8: memref<2x56x128xf32, #tpu.memory_space<vmem>>, %arg9: memref<2x56x128xf32, #tpu.memory_space<vmem>>, %arg10: memref<56x144xf32, #tpu.memory_space<vmem>>, %arg11: memref<128xf32, #tpu.memory_space<vmem>>, %arg12: memref<10016x144xf32, #tpu.memory_space<vmem_shared>>, %arg13: memref<2x!tpu.dma_semaphore, #tpu.memory_space<semaphore_mem>>, %arg14: memref<2x!tpu.dma_semaphore, #tpu.memory_space<semaphore_mem>>) attributes {dimension_semantics = [#tpu.dimension_semantics<core_parallel>, #tpu.dimension_semantics<subcore_parallel>], iteration_bounds = array<i64: 2, 16>, scalar_prefetch = 0 : i64, scratch_operands = 8 : i64, tpu.core_type = #tpu.core_type<sc_vector_subcore>, window_params = [{transform_indices = #map}, {transform_indices = #map}, {transform_indices = #map1}, {transform_indices = #map2}, {transform_indices = #map1}]} {
    %mul3A = arith.constant 16 : i32
    %mul3A_0 = arith.muli %arg0, %mul3A : i32
    %add3A = arith.addi %mul3A_0, %arg1 : i32
    %scan3A = arith.constant 0 : i32
    %scan3A_1 = arith.constant 0 : i32
    %scan3A_2 = arith.constant 56 : i32
    %scan3A_3 = arith.addi %scan3A_1, %scan3A_2 : i32
    %scan3A_4 = arith.constant 1 : i32
    scf.for %scan3A_225 = %scan3A_1 to %scan3A_3 step %scan3A_4  : i32 {
      %broadcast_in_dim3A_226 = arith.constant 0.000000e+00 : f32
      %broadcast_in_dim3A_227 = vector.broadcast %broadcast_in_dim3A_226 : f32 to vector<16xf32>
      %swap3A = arith.index_cast %scan3A_225 : i32 to index
      %swap3A_228 = arith.constant 0 : index
      %swap3A_229 = tpu.vector_load %arg10[%swap3A, %swap3A_228] {strides = array<i32>} : memref<56x144xf32, #tpu.memory_space<vmem>>, vector<1x16xf32>,
      %swap3A_230 = vector.shape_cast %swap3A_229 : vector<1x16xf32> to vector<16xf32>
      %swap3A_231 = vector.shape_cast %broadcast_in_dim3A_227 : vector<16xf32> to vector<1x16xf32>
      tpu.vector_store %arg10[%swap3A, %swap3A_228], %swap3A_231 {strides = array<i32>} : memref<56x144xf32, #tpu.memory_space<vmem>>, vector<1x16xf32>,
      %broadcast_in_dim3A_232 = arith.constant 0.000000e+00 : f32
      %broadcast_in_dim3A_233 = vector.broadcast %broadcast_in_dim3A_232 : f32 to vector<16xf32>
      %swap3A_234 = arith.index_cast %scan3A_225 : i32 to index
      %swap3A_235 = arith.constant 16 : index
      %swap3A_236 = tpu.vector_load %arg10[%swap3A_234, %swap3A_235] {strides = array<i32>} : memref<56x144xf32, #tpu.memory_space<vmem>>, vector<1x16xf32>,
      %swap3A_237 = vector.shape_cast %swap3A_236 : vector<1x16xf32> to vector<16xf32>
      %swap3A_238 = vector.shape_cast %broadcast_in_dim3A_233 : vector<16xf32> to vector<1x16xf32>
      tpu.vector_store %arg10[%swap3A_234, %swap3A_235], %swap3A_238 {strides = array<i32>} : memref<56x144xf32, #tpu.memory_space<vmem>>, vector<1x16xf32>,
      %broadcast_in_dim3A_239 = arith.constant 0.000000e+00 : f32
      %broadcast_in_dim3A_240 = vector.broadcast %broadcast_in_dim3A_239 : f32 to vector<16xf32>
      %swap3A_241 = arith.index_cast %scan3A_225 : i32 to index
      %swap3A_242 = arith.constant 32 : index
      %swap3A_243 = tpu.vector_load %arg10[%swap3A_241, %swap3A_242] {strides = array<i32>} : memref<56x144xf32, #tpu.memory_space<vmem>>, vector<1x16xf32>,
      %swap3A_244 = vector.shape_cast %swap3A_243 : vector<1x16xf32> to vector<16xf32>
      %swap3A_245 = vector.shape_cast %broadcast_in_dim3A_240 : vector<16xf32> to vector<1x16xf32>
      tpu.vector_store %arg10[%swap3A_241, %swap3A_242], %swap3A_245 {strides = array<i32>} : memref<56x144xf32, #tpu.memory_space<vmem>>, vector<1x16xf32>,
      %broadcast_in_dim3A_246 = arith.constant 0.000000e+00 : f32
      %broadcast_in_dim3A_247 = vector.broadcast %broadcast_in_dim3A_246 : f32 to vector<16xf32>
      %swap3A_248 = arith.index_cast %scan3A_225 : i32 to index
      %swap3A_249 = arith.constant 48 : index
      %swap3A_250 = tpu.vector_load %arg10[%swap3A_248, %swap3A_249] {strides = array<i32>} : memref<56x144xf32, #tpu.memory_space<vmem>>, vector<1x16xf32>,
      %swap3A_251 = vector.shape_cast %swap3A_250 : vector<1x16xf32> to vector<16xf32>
      %swap3A_252 = vector.shape_cast %broadcast_in_dim3A_247 : vector<16xf32> to vector<1x16xf32>
      tpu.vector_store %arg10[%swap3A_248, %swap3A_249], %swap3A_252 {strides = array<i32>} : memref<56x144xf32, #tpu.memory_space<vmem>>, vector<1x16xf32>,
      %broadcast_in_dim3A_253 = arith.constant 0.000000e+00 : f32
      %broadcast_in_dim3A_254 = vector.broadcast %broadcast_in_dim3A_253 : f32 to vector<16xf32>
      %swap3A_255 = arith.index_cast %scan3A_225 : i32 to index
      %swap3A_256 = arith.constant 64 : index
      %swap3A_257 = tpu.vector_load %arg10[%swap3A_255, %swap3A_256] {strides = array<i32>} : memref<56x144xf32, #tpu.memory_space<vmem>>, vector<1x16xf32>,
      %swap3A_258 = vector.shape_cast %swap3A_257 : vector<1x16xf32> to vector<16xf32>
      %swap3A_259 = vector.shape_cast %broadcast_in_dim3A_254 : vector<16xf32> to vector<1x16xf32>
      tpu.vector_store %arg10[%swap3A_255, %swap3A_256], %swap3A_259 {strides = array<i32>} : memref<56x144xf32, #tpu.memory_space<vmem>>, vector<1x16xf32>,
      %broadcast_in_dim3A_260 = arith.constant 0.000000e+00 : f32
      %broadcast_in_dim3A_261 = vector.broadcast %broadcast_in_dim3A_260 : f32 to vector<16xf32>
      %swap3A_262 = arith.index_cast %scan3A_225 : i32 to index
      %swap3A_263 = arith.constant 80 : index
      %swap3A_264 = tpu.vector_load %arg10[%swap3A_262, %swap3A_263] {strides = array<i32>} : memref<56x144xf32, #tpu.memory_space<vmem>>, vector<1x16xf32>,
      %swap3A_265 = vector.shape_cast %swap3A_264 : vector<1x16xf32> to vector<16xf32>
      %swap3A_266 = vector.shape_cast %broadcast_in_dim3A_261 : vector<16xf32> to vector<1x16xf32>
      tpu.vector_store %arg10[%swap3A_262, %swap3A_263], %swap3A_266 {strides = array<i32>} : memref<56x144xf32, #tpu.memory_space<vmem>>, vector<1x16xf32>,
      %broadcast_in_dim3A_267 = arith.constant 0.000000e+00 : f32
      %broadcast_in_dim3A_268 = vector.broadcast %broadcast_in_dim3A_267 : f32 to vector<16xf32>
      %swap3A_269 = arith.index_cast %scan3A_225 : i32 to index
      %swap3A_270 = arith.constant 96 : index
      %swap3A_271 = tpu.vector_load %arg10[%swap3A_269, %swap3A_270] {strides = array<i32>} : memref<56x144xf32, #tpu.memory_space<vmem>>, vector<1x16xf32>,
      %swap3A_272 = vector.shape_cast %swap3A_271 : vector<1x16xf32> to vector<16xf32>
      %swap3A_273 = vector.shape_cast %broadcast_in_dim3A_268 : vector<16xf32> to vector<1x16xf32>
      tpu.vector_store %arg10[%swap3A_269, %swap3A_270], %swap3A_273 {strides = array<i32>} : memref<56x144xf32, #tpu.memory_space<vmem>>, vector<1x16xf32>,
      %broadcast_in_dim3A_274 = arith.constant 0.000000e+00 : f32
      %broadcast_in_dim3A_275 = vector.broadcast %broadcast_in_dim3A_274 : f32 to vector<16xf32>
      %swap3A_276 = arith.index_cast %scan3A_225 : i32 to index
      %swap3A_277 = arith.constant 112 : index
      %swap3A_278 = tpu.vector_load %arg10[%swap3A_276, %swap3A_277] {strides = array<i32>} : memref<56x144xf32, #tpu.memory_space<vmem>>, vector<1x16xf32>,
      %swap3A_279 = vector.shape_cast %swap3A_278 : vector<1x16xf32> to vector<16xf32>
      %swap3A_280 = vector.shape_cast %broadcast_in_dim3A_275 : vector<16xf32> to vector<1x16xf32>
      tpu.vector_store %arg10[%swap3A_276, %swap3A_277], %swap3A_280 {strides = array<i32>} : memref<56x144xf32, #tpu.memory_space<vmem>>, vector<1x16xf32>,
      %broadcast_in_dim3A_281 = arith.constant 0.000000e+00 : f32
      %broadcast_in_dim3A_282 = vector.broadcast %broadcast_in_dim3A_281 : f32 to vector<16xf32>
      %swap3A_283 = arith.index_cast %scan3A_225 : i32 to index
      %swap3A_284 = arith.constant 128 : index
      %swap3A_285 = tpu.vector_load %arg10[%swap3A_283, %swap3A_284] {strides = array<i32>} : memref<56x144xf32, #tpu.memory_space<vmem>>, vector<1x16xf32>,
      %swap3A_286 = vector.shape_cast %swap3A_285 : vector<1x16xf32> to vector<16xf32>
      %swap3A_287 = vector.shape_cast %broadcast_in_dim3A_282 : vector<16xf32> to vector<1x16xf32>
      tpu.vector_store %arg10[%swap3A_283, %swap3A_284], %swap3A_287 {strides = array<i32>} : memref<56x144xf32, #tpu.memory_space<vmem>>, vector<1x16xf32>,
    }
    %scan3A_5 = arith.constant 56 : i32
    %mul3A_6 = arith.constant 626 : i32
    %mul3A_7 = arith.muli %arg1, %mul3A_6 : i32
    %add3A_8 = arith.constant 0 : i32
    %add3A_9 = arith.addi %mul3A_7, %add3A_8 : i32
    "tpu.region"() ({
      %run_scoped3A_225 = tpu.sem_alloc : memref<!tpu.dma_semaphore, #tpu.memory_space<semaphore_mem>>
      %dma_start3A_226 = arith.constant 0 : i32
      %dma_start3A_227 = tpu.memref_slice %arg12[%add3A_9, %dma_start3A_226] : memref<10016x144xf32, #tpu.memory_space<vmem_shared>> -> memref<56x144xf32, #tpu.memory_space<vmem_shared>>
      %dma_start3A_228 = arith.constant 0 : i32
      %dma_start3A_229 = tpu.memref_slice %arg12[%add3A_9, %dma_start3A_228] : memref<10016x144xf32, #tpu.memory_space<vmem_shared>> -> memref<56x144xf32, #tpu.memory_space<vmem_shared>>
      tpu.enqueue_dma source(%arg10 : memref<56x144xf32, #tpu.memory_space<vmem>>) target(%dma_start3A_229 : memref<56x144xf32, #tpu.memory_space<vmem_shared>>) target_semaphore(%run_scoped3A_225 : memref<!tpu.dma_semaphore, #tpu.memory_space<semaphore_mem>>)
      %dma_wait3A = arith.constant 0 : i32
      %dma_wait3A_230 = tpu.memref_slice %arg12[%add3A_9, %dma_wait3A] : memref<10016x144xf32, #tpu.memory_space<vmem_shared>> -> memref<56x144xf32, #tpu.memory_space<vmem_shared>>
      %dma_wait3A_231 = arith.constant 0 : i32
      %dma_wait3A_232 = tpu.memref_slice %arg12[%add3A_9, %dma_wait3A_231] : memref<10016x144xf32, #tpu.memory_space<vmem_shared>> -> memref<56x144xf32, #tpu.memory_space<vmem_shared>>
      tpu.wait_dma2 semaphore(%run_scoped3A_225 : memref<!tpu.dma_semaphore, #tpu.memory_space<semaphore_mem>>) src(%arg10 : memref<56x144xf32, #tpu.memory_space<vmem>>) dst(%dma_wait3A_232 : memref<56x144xf32, #tpu.memory_space<vmem_shared>>)
      tpu.yield
    }) : () -> ()
    %add3A_10 = arith.constant 56 : i32
    %add3A_11 = arith.addi %mul3A_7, %add3A_10 : i32
    "tpu.region"() ({
      %run_scoped3A_225 = tpu.sem_alloc : memref<!tpu.dma_semaphore, #tpu.memory_space<semaphore_mem>>
      %dma_start3A_226 = arith.constant 0 : i32
      %dma_start3A_227 = tpu.memref_slice %arg12[%add3A_11, %dma_start3A_226] : memref<10016x144xf32, #tpu.memory_space<vmem_shared>> -> memref<56x144xf32, #tpu.memory_space<vmem_shared>>
      %dma_start3A_228 = arith.constant 0 : i32
      %dma_start3A_229 = tpu.memref_slice %arg12[%add3A_11, %dma_start3A_228] : memref<10016x144xf32, #tpu.memory_space<vmem_shared>> -> memref<56x144xf32, #tpu.memory_space<vmem_shared>>
      tpu.enqueue_dma source(%arg10 : memref<56x144xf32, #tpu.memory_space<vmem>>) target(%dma_start3A_229 : memref<56x144xf32, #tpu.memory_space<vmem_shared>>) target_semaphore(%run_scoped3A_225 : memref<!tpu.dma_semaphore, #tpu.memory_space<semaphore_mem>>)
      %dma_wait3A = arith.constant 0 : i32
      %dma_wait3A_230 = tpu.memref_slice %arg12[%add3A_11, %dma_wait3A] : memref<10016x144xf32, #tpu.memory_space<vmem_shared>> -> memref<56x144xf32, #tpu.memory_space<vmem_shared>>
      %dma_wait3A_231 = arith.constant 0 : i32
      %dma_wait3A_232 = tpu.memref_slice %arg12[%add3A_11, %dma_wait3A_231] : memref<10016x144xf32, #tpu.memory_space<vmem_shared>> -> memref<56x144xf32, #tpu.memory_space<vmem_shared>>
      tpu.wait_dma2 semaphore(%run_scoped3A_225 : memref<!tpu.dma_semaphore, #tpu.memory_space<semaphore_mem>>) src(%arg10 : memref<56x144xf32, #tpu.memory_space<vmem>>) dst(%dma_wait3A_232 : memref<56x144xf32, #tpu.memory_space<vmem_shared>>)
      tpu.yield
    }) : () -> ()
    %add3A_12 = arith.constant 112 : i32
    %add3A_13 = arith.addi %mul3A_7, %add3A_12 : i32
    "tpu.region"() ({
      %run_scoped3A_225 = tpu.sem_alloc : memref<!tpu.dma_semaphore, #tpu.memory_space<semaphore_mem>>
      %dma_start3A_226 = arith.constant 0 : i32
      %dma_start3A_227 = tpu.memref_slice %arg12[%add3A_13, %dma_start3A_226] : memref<10016x144xf32, #tpu.memory_space<vmem_shared>> -> memref<56x144xf32, #tpu.memory_space<vmem_shared>>
      %dma_start3A_228 = arith.constant 0 : i32
      %dma_start3A_229 = tpu.memref_slice %arg12[%add3A_13, %dma_start3A_228] : memref<10016x144xf32, #tpu.memory_space<vmem_shared>> -> memref<56x144xf32, #tpu.memory_space<vmem_shared>>
      tpu.enqueue_dma source(%arg10 : memref<56x144xf32, #tpu.memory_space<vmem>>) target(%dma_start3A_229 : memref<56x144xf32, #tpu.memory_space<vmem_shared>>) target_semaphore(%run_scoped3A_225 : memref<!tpu.dma_semaphore, #tpu.memory_space<semaphore_mem>>)
      %dma_wait3A = arith.constant 0 : i32
      %dma_wait3A_230 = tpu.memref_slice %arg12[%add3A_13, %dma_wait3A] : memref<10016x144xf32, #tpu.memory_space<vmem_shared>> -> memref<56x144xf32, #tpu.memory_space<vmem_shared>>
      %dma_wait3A_231 = arith.constant 0 : i32
      %dma_wait3A_232 = tpu.memref_slice %arg12[%add3A_13, %dma_wait3A_231] : memref<10016x144xf32, #tpu.memory_space<vmem_shared>> -> memref<56x144xf32, #tpu.memory_space<vmem_shared>>
      tpu.wait_dma2 semaphore(%run_scoped3A_225 : memref<!tpu.dma_semaphore, #tpu.memory_space<semaphore_mem>>) src(%arg10 : memref<56x144xf32, #tpu.memory_space<vmem>>) dst(%dma_wait3A_232 : memref<56x144xf32, #tpu.memory_space<vmem_shared>>)
      tpu.yield
    }) : () -> ()
    %add3A_14 = arith.constant 168 : i32
    %add3A_15 = arith.addi %mul3A_7, %add3A_14 : i32
    "tpu.region"() ({
      %run_scoped3A_225 = tpu.sem_alloc : memref<!tpu.dma_semaphore, #tpu.memory_space<semaphore_mem>>
      %dma_start3A_226 = arith.constant 0 : i32
      %dma_start3A_227 = tpu.memref_slice %arg12[%add3A_15, %dma_start3A_226] : memref<10016x144xf32, #tpu.memory_space<vmem_shared>> -> memref<56x144xf32, #tpu.memory_space<vmem_shared>>
      %dma_start3A_228 = arith.constant 0 : i32
      %dma_start3A_229 = tpu.memref_slice %arg12[%add3A_15, %dma_start3A_228] : memref<10016x144xf32, #tpu.memory_space<vmem_shared>> -> memref<56x144xf32, #tpu.memory_space<vmem_shared>>
      tpu.enqueue_dma source(%arg10 : memref<56x144xf32, #tpu.memory_space<vmem>>) target(%dma_start3A_229 : memref<56x144xf32, #tpu.memory_space<vmem_shared>>) target_semaphore(%run_scoped3A_225 : memref<!tpu.dma_semaphore, #tpu.memory_space<semaphore_mem>>)
      %dma_wait3A = arith.constant 0 : i32
      %dma_wait3A_230 = tpu.memref_slice %arg12[%add3A_15, %dma_wait3A] : memref<10016x144xf32, #tpu.memory_space<vmem_shared>> -> memref<56x144xf32, #tpu.memory_space<vmem_shared>>
      %dma_wait3A_231 = arith.constant 0 : i32
      %dma_wait3A_232 = tpu.memref_slice %arg12[%add3A_15, %dma_wait3A_231] : memref<10016x144xf32, #tpu.memory_space<vmem_shared>> -> memref<56x144xf32, #tpu.memory_space<vmem_shared>>
      tpu.wait_dma2 semaphore(%run_scoped3A_225 : memref<!tpu.dma_semaphore, #tpu.memory_space<semaphore_mem>>) src(%arg10 : memref<56x144xf32, #tpu.memory_space<vmem>>) dst(%dma_wait3A_232 : memref<56x144xf32, #tpu.memory_space<vmem_shared>>)
      tpu.yield
    }) : () -> ()
    %add3A_16 = arith.constant 224 : i32
    %add3A_17 = arith.addi %mul3A_7, %add3A_16 : i32
    "tpu.region"() ({
      %run_scoped3A_225 = tpu.sem_alloc : memref<!tpu.dma_semaphore, #tpu.memory_space<semaphore_mem>>
      %dma_start3A_226 = arith.constant 0 : i32
      %dma_start3A_227 = tpu.memref_slice %arg12[%add3A_17, %dma_start3A_226] : memref<10016x144xf32, #tpu.memory_space<vmem_shared>> -> memref<56x144xf32, #tpu.memory_space<vmem_shared>>
      %dma_start3A_228 = arith.constant 0 : i32
      %dma_start3A_229 = tpu.memref_slice %arg12[%add3A_17, %dma_start3A_228] : memref<10016x144xf32, #tpu.memory_space<vmem_shared>> -> memref<56x144xf32, #tpu.memory_space<vmem_shared>>
      tpu.enqueue_dma source(%arg10 : memref<56x144xf32, #tpu.memory_space<vmem>>) target(%dma_start3A_229 : memref<56x144xf32, #tpu.memory_space<vmem_shared>>) target_semaphore(%run_scoped3A_225 : memref<!tpu.dma_semaphore, #tpu.memory_space<semaphore_mem>>)
      %dma_wait3A = arith.constant 0 : i32
      %dma_wait3A_230 = tpu.memref_slice %arg12[%add3A_17, %dma_wait3A] : memref<10016x144xf32, #tpu.memory_space<vmem_shared>> -> memref<56x144xf32, #tpu.memory_space<vmem_shared>>
      %dma_wait3A_231 = arith.constant 0 : i32
      %dma_wait3A_232 = tpu.memref_slice %arg12[%add3A_17, %dma_wait3A_231] : memref<10016x144xf32, #tpu.memory_space<vmem_shared>> -> memref<56x144xf32, #tpu.memory_space<vmem_shared>>
      tpu.wait_dma2 semaphore(%run_scoped3A_225 : memref<!tpu.dma_semaphore, #tpu.memory_space<semaphore_mem>>) src(%arg10 : memref<56x144xf32, #tpu.memory_space<vmem>>) dst(%dma_wait3A_232 : memref<56x144xf32, #tpu.memory_space<vmem_shared>>)
      tpu.yield
    }) : () -> ()
    %add3A_18 = arith.constant 280 : i32
    %add3A_19 = arith.addi %mul3A_7, %add3A_18 : i32
    "tpu.region"() ({
      %run_scoped3A_225 = tpu.sem_alloc : memref<!tpu.dma_semaphore, #tpu.memory_space<semaphore_mem>>
      %dma_start3A_226 = arith.constant 0 : i32
      %dma_start3A_227 = tpu.memref_slice %arg12[%add3A_19, %dma_start3A_226] : memref<10016x144xf32, #tpu.memory_space<vmem_shared>> -> memref<56x144xf32, #tpu.memory_space<vmem_shared>>
      %dma_start3A_228 = arith.constant 0 : i32
      %dma_start3A_229 = tpu.memref_slice %arg12[%add3A_19, %dma_start3A_228] : memref<10016x144xf32, #tpu.memory_space<vmem_shared>> -> memref<56x144xf32, #tpu.memory_space<vmem_shared>>
      tpu.enqueue_dma source(%arg10 : memref<56x144xf32, #tpu.memory_space<vmem>>) target(%dma_start3A_229 : memref<56x144xf32, #tpu.memory_space<vmem_shared>>) target_semaphore(%run_scoped3A_225 : memref<!tpu.dma_semaphore, #tpu.memory_space<semaphore_mem>>)
      %dma_wait3A = arith.constant 0 : i32
      %dma_wait3A_230 = tpu.memref_slice %arg12[%add3A_19, %dma_wait3A] : memref<10016x144xf32, #tpu.memory_space<vmem_shared>> -> memref<56x144xf32, #tpu.memory_space<vmem_shared>>
      %dma_wait3A_231 = arith.constant 0 : i32
      %dma_wait3A_232 = tpu.memref_slice %arg12[%add3A_19, %dma_wait3A_231] : memref<10016x144xf32, #tpu.memory_space<vmem_shared>> -> memref<56x144xf32, #tpu.memory_space<vmem_shared>>
      tpu.wait_dma2 semaphore(%run_scoped3A_225 : memref<!tpu.dma_semaphore, #tpu.memory_space<semaphore_mem>>) src(%arg10 : memref<56x144xf32, #tpu.memory_space<vmem>>) dst(%dma_wait3A_232 : memref<56x144xf32, #tpu.memory_space<vmem_shared>>)
      tpu.yield
    }) : () -> ()
    %add3A_20 = arith.constant 336 : i32
    %add3A_21 = arith.addi %mul3A_7, %add3A_20 : i32
    "tpu.region"() ({
      %run_scoped3A_225 = tpu.sem_alloc : memref<!tpu.dma_semaphore, #tpu.memory_space<semaphore_mem>>
      %dma_start3A_226 = arith.constant 0 : i32
      %dma_start3A_227 = tpu.memref_slice %arg12[%add3A_21, %dma_start3A_226] : memref<10016x144xf32, #tpu.memory_space<vmem_shared>> -> memref<56x144xf32, #tpu.memory_space<vmem_shared>>
      %dma_start3A_228 = arith.constant 0 : i32
      %dma_start3A_229 = tpu.memref_slice %arg12[%add3A_21, %dma_start3A_228] : memref<10016x144xf32, #tpu.memory_space<vmem_shared>> -> memref<56x144xf32, #tpu.memory_space<vmem_shared>>
      tpu.enqueue_dma source(%arg10 : memref<56x144xf32, #tpu.memory_space<vmem>>) target(%dma_start3A_229 : memref<56x144xf32, #tpu.memory_space<vmem_shared>>) target_semaphore(%run_scoped3A_225 : memref<!tpu.dma_semaphore, #tpu.memory_space<semaphore_mem>>)
      %dma_wait3A = arith.constant 0 : i32
      %dma_wait3A_230 = tpu.memref_slice %arg12[%add3A_21, %dma_wait3A] : memref<10016x144xf32, #tpu.memory_space<vmem_shared>> -> memref<56x144xf32, #tpu.memory_space<vmem_shared>>
      %dma_wait3A_231 = arith.constant 0 : i32
      %dma_wait3A_232 = tpu.memref_slice %arg12[%add3A_21, %dma_wait3A_231] : memref<10016x144xf32, #tpu.memory_space<vmem_shared>> -> memref<56x144xf32, #tpu.memory_space<vmem_shared>>
      tpu.wait_dma2 semaphore(%run_scoped3A_225 : memref<!tpu.dma_semaphore, #tpu.memory_space<semaphore_mem>>) src(%arg10 : memref<56x144xf32, #tpu.memory_space<vmem>>) dst(%dma_wait3A_232 : memref<56x144xf32, #tpu.memory_space<vmem_shared>>)
      tpu.yield
    }) : () -> ()
    %add3A_22 = arith.constant 392 : i32
    %add3A_23 = arith.addi %mul3A_7, %add3A_22 : i32
    "tpu.region"() ({
      %run_scoped3A_225 = tpu.sem_alloc : memref<!tpu.dma_semaphore, #tpu.memory_space<semaphore_mem>>
      %dma_start3A_226 = arith.constant 0 : i32
      %dma_start3A_227 = tpu.memref_slice %arg12[%add3A_23, %dma_start3A_226] : memref<10016x144xf32, #tpu.memory_space<vmem_shared>> -> memref<56x144xf32, #tpu.memory_space<vmem_shared>>
      %dma_start3A_228 = arith.constant 0 : i32
      %dma_start3A_229 = tpu.memref_slice %arg12[%add3A_23, %dma_start3A_228] : memref<10016x144xf32, #tpu.memory_space<vmem_shared>> -> memref<56x144xf32, #tpu.memory_space<vmem_shared>>
      tpu.enqueue_dma source(%arg10 : memref<56x144xf32, #tpu.memory_space<vmem>>) target(%dma_start3A_229 : memref<56x144xf32, #tpu.memory_space<vmem_shared>>) target_semaphore(%run_scoped3A_225 : memref<!tpu.dma_semaphore, #tpu.memory_space<semaphore_mem>>)
      %dma_wait3A = arith.constant 0 : i32
      %dma_wait3A_230 = tpu.memref_slice %arg12[%add3A_23, %dma_wait3A] : memref<10016x144xf32, #tpu.memory_space<vmem_shared>> -> memref<56x144xf32, #tpu.memory_space<vmem_shared>>
      %dma_wait3A_231 = arith.constant 0 : i32
      %dma_wait3A_232 = tpu.memref_slice %arg12[%add3A_23, %dma_wait3A_231] : memref<10016x144xf32, #tpu.memory_space<vmem_shared>> -> memref<56x144xf32, #tpu.memory_space<vmem_shared>>
      tpu.wait_dma2 semaphore(%run_scoped3A_225 : memref<!tpu.dma_semaphore, #tpu.memory_space<semaphore_mem>>) src(%arg10 : memref<56x144xf32, #tpu.memory_space<vmem>>) dst(%dma_wait3A_232 : memref<56x144xf32, #tpu.memory_space<vmem_shared>>)
      tpu.yield
    }) : () -> ()
    %add3A_24 = arith.constant 448 : i32
    %add3A_25 = arith.addi %mul3A_7, %add3A_24 : i32
    "tpu.region"() ({
      %run_scoped3A_225 = tpu.sem_alloc : memref<!tpu.dma_semaphore, #tpu.memory_space<semaphore_mem>>
      %dma_start3A_226 = arith.constant 0 : i32
      %dma_start3A_227 = tpu.memref_slice %arg12[%add3A_25, %dma_start3A_226] : memref<10016x144xf32, #tpu.memory_space<vmem_shared>> -> memref<56x144xf32, #tpu.memory_space<vmem_shared>>
      %dma_start3A_228 = arith.constant 0 : i32
      %dma_start3A_229 = tpu.memref_slice %arg12[%add3A_25, %dma_start3A_228] : memref<10016x144xf32, #tpu.memory_space<vmem_shared>> -> memref<56x144xf32, #tpu.memory_space<vmem_shared>>
      tpu.enqueue_dma source(%arg10 : memref<56x144xf32, #tpu.memory_space<vmem>>) target(%dma_start3A_229 : memref<56x144xf32, #tpu.memory_space<vmem_shared>>) target_semaphore(%run_scoped3A_225 : memref<!tpu.dma_semaphore, #tpu.memory_space<semaphore_mem>>)
      %dma_wait3A = arith.constant 0 : i32
      %dma_wait3A_230 = tpu.memref_slice %arg12[%add3A_25, %dma_wait3A] : memref<10016x144xf32, #tpu.memory_space<vmem_shared>> -> memref<56x144xf32, #tpu.memory_space<vmem_shared>>
      %dma_wait3A_231 = arith.constant 0 : i32
      %dma_wait3A_232 = tpu.memref_slice %arg12[%add3A_25, %dma_wait3A_231] : memref<10016x144xf32, #tpu.memory_space<vmem_shared>> -> memref<56x144xf32, #tpu.memory_space<vmem_shared>>
      tpu.wait_dma2 semaphore(%run_scoped3A_225 : memref<!tpu.dma_semaphore, #tpu.memory_space<semaphore_mem>>) src(%arg10 : memref<56x144xf32, #tpu.memory_space<vmem>>) dst(%dma_wait3A_232 : memref<56x144xf32, #tpu.memory_space<vmem_shared>>)
      tpu.yield
    }) : () -> ()
    %add3A_26 = arith.constant 504 : i32
    %add3A_27 = arith.addi %mul3A_7, %add3A_26 : i32
    "tpu.region"() ({
      %run_scoped3A_225 = tpu.sem_alloc : memref<!tpu.dma_semaphore, #tpu.memory_space<semaphore_mem>>
      %dma_start3A_226 = arith.constant 0 : i32
      %dma_start3A_227 = tpu.memref_slice %arg12[%add3A_27, %dma_start3A_226] : memref<10016x144xf32, #tpu.memory_space<vmem_shared>> -> memref<56x144xf32, #tpu.memory_space<vmem_shared>>
      %dma_start3A_228 = arith.constant 0 : i32
      %dma_start3A_229 = tpu.memref_slice %arg12[%add3A_27, %dma_start3A_228] : memref<10016x144xf32, #tpu.memory_space<vmem_shared>> -> memref<56x144xf32, #tpu.memory_space<vmem_shared>>
      tpu.enqueue_dma source(%arg10 : memref<56x144xf32, #tpu.memory_space<vmem>>) target(%dma_start3A_229 : memref<56x144xf32, #tpu.memory_space<vmem_shared>>) target_semaphore(%run_scoped3A_225 : memref<!tpu.dma_semaphore, #tpu.memory_space<semaphore_mem>>)
      %dma_wait3A = arith.constant 0 : i32
      %dma_wait3A_230 = tpu.memref_slice %arg12[%add3A_27, %dma_wait3A] : memref<10016x144xf32, #tpu.memory_space<vmem_shared>> -> memref<56x144xf32, #tpu.memory_space<vmem_shared>>
      %dma_wait3A_231 = arith.constant 0 : i32
      %dma_wait3A_232 = tpu.memref_slice %arg12[%add3A_27, %dma_wait3A_231] : memref<10016x144xf32, #tpu.memory_space<vmem_shared>> -> memref<56x144xf32, #tpu.memory_space<vmem_shared>>
      tpu.wait_dma2 semaphore(%run_scoped3A_225 : memref<!tpu.dma_semaphore, #tpu.memory_space<semaphore_mem>>) src(%arg10 : memref<56x144xf32, #tpu.memory_space<vmem>>) dst(%dma_wait3A_232 : memref<56x144xf32, #tpu.memory_space<vmem_shared>>)
      tpu.yield
    }) : () -> ()
    %add3A_28 = arith.constant 560 : i32
    %add3A_29 = arith.addi %mul3A_7, %add3A_28 : i32
    "tpu.region"() ({
      %run_scoped3A_225 = tpu.sem_alloc : memref<!tpu.dma_semaphore, #tpu.memory_space<semaphore_mem>>
      %dma_start3A_226 = arith.constant 0 : i32
      %dma_start3A_227 = tpu.memref_slice %arg12[%add3A_29, %dma_start3A_226] : memref<10016x144xf32, #tpu.memory_space<vmem_shared>> -> memref<56x144xf32, #tpu.memory_space<vmem_shared>>
      %dma_start3A_228 = arith.constant 0 : i32
      %dma_start3A_229 = tpu.memref_slice %arg12[%add3A_29, %dma_start3A_228] : memref<10016x144xf32, #tpu.memory_space<vmem_shared>> -> memref<56x144xf32, #tpu.memory_space<vmem_shared>>
      tpu.enqueue_dma source(%arg10 : memref<56x144xf32, #tpu.memory_space<vmem>>) target(%dma_start3A_229 : memref<56x144xf32, #tpu.memory_space<vmem_shared>>) target_semaphore(%run_scoped3A_225 : memref<!tpu.dma_semaphore, #tpu.memory_space<semaphore_mem>>)
      %dma_wait3A = arith.constant 0 : i32
      %dma_wait3A_230 = tpu.memref_slice %arg12[%add3A_29, %dma_wait3A] : memref<10016x144xf32, #tpu.memory_space<vmem_shared>> -> memref<56x144xf32, #tpu.memory_space<vmem_shared>>
      %dma_wait3A_231 = arith.constant 0 : i32
      %dma_wait3A_232 = tpu.memref_slice %arg12[%add3A_29, %dma_wait3A_231] : memref<10016x144xf32, #tpu.memory_space<vmem_shared>> -> memref<56x144xf32, #tpu.memory_space<vmem_shared>>
      tpu.wait_dma2 semaphore(%run_scoped3A_225 : memref<!tpu.dma_semaphore, #tpu.memory_space<semaphore_mem>>) src(%arg10 : memref<56x144xf32, #tpu.memory_space<vmem>>) dst(%dma_wait3A_232 : memref<56x144xf32, #tpu.memory_space<vmem_shared>>)
      tpu.yield
    }) : () -> ()
    %add3A_30 = arith.constant 626 : i32
    %add3A_31 = arith.addi %mul3A_7, %add3A_30 : i32
    %sub3A = arith.constant 10 : i32
    %sub3A_32 = arith.subi %add3A_31, %sub3A : i32
    "tpu.region"() ({
      %run_scoped3A_225 = tpu.sem_alloc : memref<!tpu.dma_semaphore, #tpu.memory_space<semaphore_mem>>
      %dma_start3A_226 = arith.constant 0 : i32
      %dma_start3A_227 = arith.constant 0 : i32
      %dma_start3A_228 = tpu.memref_slice %arg10[%dma_start3A_226, %dma_start3A_227] : memref<56x144xf32, #tpu.memory_space<vmem>> -> memref<10x144xf32, #tpu.memory_space<vmem>>
      %dma_start3A_229 = arith.constant 0 : i32
      %dma_start3A_230 = tpu.memref_slice %arg12[%sub3A_32, %dma_start3A_229] : memref<10016x144xf32, #tpu.memory_space<vmem_shared>> -> memref<10x144xf32, #tpu.memory_space<vmem_shared>>
      %dma_start3A_231 = arith.constant 0 : i32
      %dma_start3A_232 = tpu.memref_slice %arg12[%sub3A_32, %dma_start3A_231] : memref<10016x144xf32, #tpu.memory_space<vmem_shared>> -> memref<10x144xf32, #tpu.memory_space<vmem_shared>>
      %dma_start3A_233 = arith.constant 0 : i32
      %dma_start3A_234 = arith.constant 0 : i32
      %dma_start3A_235 = tpu.memref_slice %arg10[%dma_start3A_233, %dma_start3A_234] : memref<56x144xf32, #tpu.memory_space<vmem>> -> memref<10x144xf32, #tpu.memory_space<vmem>>
      tpu.enqueue_dma source(%dma_start3A_235 : memref<10x144xf32, #tpu.memory_space<vmem>>) target(%dma_start3A_232 : memref<10x144xf32, #tpu.memory_space<vmem_shared>>) target_semaphore(%run_scoped3A_225 : memref<!tpu.dma_semaphore, #tpu.memory_space<semaphore_mem>>)
      %dma_wait3A = arith.constant 0 : i32
      %dma_wait3A_236 = arith.constant 0 : i32
      %dma_wait3A_237 = tpu.memref_slice %arg10[%dma_wait3A, %dma_wait3A_236] : memref<56x144xf32, #tpu.memory_space<vmem>> -> memref<10x144xf32, #tpu.memory_space<vmem>>
      %dma_wait3A_238 = arith.constant 0 : i32
      %dma_wait3A_239 = tpu.memref_slice %arg12[%sub3A_32, %dma_wait3A_238] : memref<10016x144xf32, #tpu.memory_space<vmem_shared>> -> memref<10x144xf32, #tpu.memory_space<vmem_shared>>
      %dma_wait3A_240 = arith.constant 0 : i32
      %dma_wait3A_241 = tpu.memref_slice %arg12[%sub3A_32, %dma_wait3A_240] : memref<10016x144xf32, #tpu.memory_space<vmem_shared>> -> memref<10x144xf32, #tpu.memory_space<vmem_shared>>
      %dma_wait3A_242 = arith.constant 0 : i32
      %dma_wait3A_243 = arith.constant 0 : i32
      %dma_wait3A_244 = tpu.memref_slice %arg10[%dma_wait3A_242, %dma_wait3A_243] : memref<56x144xf32, #tpu.memory_space<vmem>> -> memref<10x144xf32, #tpu.memory_space<vmem>>
      tpu.wait_dma2 semaphore(%run_scoped3A_225 : memref<!tpu.dma_semaphore, #tpu.memory_space<semaphore_mem>>) src(%dma_wait3A_244 : memref<10x144xf32, #tpu.memory_space<vmem>>) dst(%dma_wait3A_241 : memref<10x144xf32, #tpu.memory_space<vmem_shared>>)
      tpu.yield
    }) : () -> ()
    %barrier3A = arith.constant 0 : index
    tpu.barrier barrier_id(%barrier3A)
    "tpu.region"() ({
      %run_scoped3A_225 = tpu.sem_alloc : memref<!tpu.dma_semaphore, #tpu.memory_space<semaphore_mem>>
      tpu.enqueue_dma source(%arg5 : memref<128xf32, #tpu.memory_space<hbm>>) target(%arg11 : memref<128xf32, #tpu.memory_space<vmem>>) target_semaphore(%run_scoped3A_225 : memref<!tpu.dma_semaphore, #tpu.memory_space<semaphore_mem>>)
      tpu.wait_dma2 semaphore(%run_scoped3A_225 : memref<!tpu.dma_semaphore, #tpu.memory_space<semaphore_mem>>) src(%arg5 : memref<128xf32, #tpu.memory_space<hbm>>) dst(%arg11 : memref<128xf32, #tpu.memory_space<vmem>>)
      tpu.yield
    }) : () -> ()
    %get3A = arith.constant 0 : index
    %get3A_33 = tpu.vector_load %arg11[%get3A] {strides = array<i32>} : memref<128xf32, #tpu.memory_space<vmem>>, vector<16xf32>,
    %get3A_34 = vector.shape_cast %get3A_33 : vector<16xf32> to vector<16xf32>
    %get3A_35 = arith.constant 16 : index
    %get3A_36 = tpu.vector_load %arg11[%get3A_35] {strides = array<i32>} : memref<128xf32, #tpu.memory_space<vmem>>, vector<16xf32>,
    %get3A_37 = vector.shape_cast %get3A_36 : vector<16xf32> to vector<16xf32>
    %get3A_38 = arith.constant 32 : index
    %get3A_39 = tpu.vector_load %arg11[%get3A_38] {strides = array<i32>} : memref<128xf32, #tpu.memory_space<vmem>>, vector<16xf32>,
    %get3A_40 = vector.shape_cast %get3A_39 : vector<16xf32> to vector<16xf32>
    %get3A_41 = arith.constant 48 : index
    %get3A_42 = tpu.vector_load %arg11[%get3A_41] {strides = array<i32>} : memref<128xf32, #tpu.memory_space<vmem>>, vector<16xf32>,
    %get3A_43 = vector.shape_cast %get3A_42 : vector<16xf32> to vector<16xf32>
    %get3A_44 = arith.constant 64 : index
    %get3A_45 = tpu.vector_load %arg11[%get3A_44] {strides = array<i32>} : memref<128xf32, #tpu.memory_space<vmem>>, vector<16xf32>,
    %get3A_46 = vector.shape_cast %get3A_45 : vector<16xf32> to vector<16xf32>
    %get3A_47 = arith.constant 80 : index
    %get3A_48 = tpu.vector_load %arg11[%get3A_47] {strides = array<i32>} : memref<128xf32, #tpu.memory_space<vmem>>, vector<16xf32>,
    %get3A_49 = vector.shape_cast %get3A_48 : vector<16xf32> to vector<16xf32>
    %get3A_50 = arith.constant 96 : index
    %get3A_51 = tpu.vector_load %arg11[%get3A_50] {strides = array<i32>} : memref<128xf32, #tpu.memory_space<vmem>>, vector<16xf32>,
    %get3A_52 = vector.shape_cast %get3A_51 : vector<16xf32> to vector<16xf32>
    %get3A_53 = arith.constant 112 : index
    %get3A_54 = tpu.vector_load %arg11[%get3A_53] {strides = array<i32>} : memref<128xf32, #tpu.memory_space<vmem>>, vector<16xf32>,
    %get3A_55 = vector.shape_cast %get3A_54 : vector<16xf32> to vector<16xf32>
    %iota3A = tpu.iota {dimensions = array<i32: 0>} : vector<16xi32>
    %eq3A = arith.constant 0 : i32
    %eq3A_56 = vector.broadcast %eq3A : i32 to vector<16xi32>
    %eq3A_57 = arith.cmpi eq, %iota3A, %eq3A_56 : vector<16xi32>
    %jit3A = arith.constant 1.000000e+00 : f32
    %jit3A_58 = arith.constant 0.000000e+00 : f32
    %broadcast_in_dim3A = vector.broadcast %jit3A : f32 to vector<16xf32>
    %broadcast_in_dim3A_59 = vector.broadcast %jit3A_58 : f32 to vector<16xf32>
    %select_n3A = arith.select %eq3A_57, %broadcast_in_dim3A, %broadcast_in_dim3A_59 : vector<16xi1>, vector<16xf32>
    %eq3A_60 = arith.constant 1 : i32
    %eq3A_61 = vector.broadcast %eq3A_60 : i32 to vector<16xi32>
    %eq3A_62 = arith.cmpi eq, %iota3A, %eq3A_61 : vector<16xi32>
    %jit3A_63 = arith.constant 1.000000e+00 : f32
    %jit3A_64 = arith.constant 0.000000e+00 : f32
    %broadcast_in_dim3A_65 = vector.broadcast %jit3A_63 : f32 to vector<16xf32>
    %broadcast_in_dim3A_66 = vector.broadcast %jit3A_64 : f32 to vector<16xf32>
    %select_n3A_67 = arith.select %eq3A_62, %broadcast_in_dim3A_65, %broadcast_in_dim3A_66 : vector<16xi1>, vector<16xf32>
    %eq3A_68 = arith.constant 2 : i32
    %eq3A_69 = vector.broadcast %eq3A_68 : i32 to vector<16xi32>
    %eq3A_70 = arith.cmpi eq, %iota3A, %eq3A_69 : vector<16xi32>
    %jit3A_71 = arith.constant 1.000000e+00 : f32
    %jit3A_72 = arith.constant 0.000000e+00 : f32
    %broadcast_in_dim3A_73 = vector.broadcast %jit3A_71 : f32 to vector<16xf32>
    %broadcast_in_dim3A_74 = vector.broadcast %jit3A_72 : f32 to vector<16xf32>
    %select_n3A_75 = arith.select %eq3A_70, %broadcast_in_dim3A_73, %broadcast_in_dim3A_74 : vector<16xi1>, vector<16xf32>
    %eq3A_76 = arith.constant 3 : i32
    %eq3A_77 = vector.broadcast %eq3A_76 : i32 to vector<16xi32>
    %eq3A_78 = arith.cmpi eq, %iota3A, %eq3A_77 : vector<16xi32>
    %jit3A_79 = arith.constant 1.000000e+00 : f32
    %jit3A_80 = arith.constant 0.000000e+00 : f32
    %broadcast_in_dim3A_81 = vector.broadcast %jit3A_79 : f32 to vector<16xf32>
    %broadcast_in_dim3A_82 = vector.broadcast %jit3A_80 : f32 to vector<16xf32>
    %select_n3A_83 = arith.select %eq3A_78, %broadcast_in_dim3A_81, %broadcast_in_dim3A_82 : vector<16xi1>, vector<16xf32>
    %eq3A_84 = arith.constant 4 : i32
    %eq3A_85 = vector.broadcast %eq3A_84 : i32 to vector<16xi32>
    %eq3A_86 = arith.cmpi eq, %iota3A, %eq3A_85 : vector<16xi32>
    %jit3A_87 = arith.constant 1.000000e+00 : f32
    %jit3A_88 = arith.constant 0.000000e+00 : f32
    %broadcast_in_dim3A_89 = vector.broadcast %jit3A_87 : f32 to vector<16xf32>
    %broadcast_in_dim3A_90 = vector.broadcast %jit3A_88 : f32 to vector<16xf32>
    %select_n3A_91 = arith.select %eq3A_86, %broadcast_in_dim3A_89, %broadcast_in_dim3A_90 : vector<16xi1>, vector<16xf32>
    %eq3A_92 = arith.constant 5 : i32
    %eq3A_93 = vector.broadcast %eq3A_92 : i32 to vector<16xi32>
    %eq3A_94 = arith.cmpi eq, %iota3A, %eq3A_93 : vector<16xi32>
    %jit3A_95 = arith.constant 1.000000e+00 : f32
    %jit3A_96 = arith.constant 0.000000e+00 : f32
    %broadcast_in_dim3A_97 = vector.broadcast %jit3A_95 : f32 to vector<16xf32>
    %broadcast_in_dim3A_98 = vector.broadcast %jit3A_96 : f32 to vector<16xf32>
    %select_n3A_99 = arith.select %eq3A_94, %broadcast_in_dim3A_97, %broadcast_in_dim3A_98 : vector<16xi1>, vector<16xf32>
    %eq3A_100 = arith.constant 6 : i32
    %eq3A_101 = vector.broadcast %eq3A_100 : i32 to vector<16xi32>
    %eq3A_102 = arith.cmpi eq, %iota3A, %eq3A_101 : vector<16xi32>
    %jit3A_103 = arith.constant 1.000000e+00 : f32
    %jit3A_104 = arith.constant 0.000000e+00 : f32
    %broadcast_in_dim3A_105 = vector.broadcast %jit3A_103 : f32 to vector<16xf32>
    %broadcast_in_dim3A_106 = vector.broadcast %jit3A_104 : f32 to vector<16xf32>
    %select_n3A_107 = arith.select %eq3A_102, %broadcast_in_dim3A_105, %broadcast_in_dim3A_106 : vector<16xi1>, vector<16xf32>
    %eq3A_108 = arith.constant 7 : i32
    %eq3A_109 = vector.broadcast %eq3A_108 : i32 to vector<16xi32>
    %eq3A_110 = arith.cmpi eq, %iota3A, %eq3A_109 : vector<16xi32>
    %jit3A_111 = arith.constant 1.000000e+00 : f32
    %jit3A_112 = arith.constant 0.000000e+00 : f32
    %broadcast_in_dim3A_113 = vector.broadcast %jit3A_111 : f32 to vector<16xf32>
    %broadcast_in_dim3A_114 = vector.broadcast %jit3A_112 : f32 to vector<16xf32>
    %select_n3A_115 = arith.select %eq3A_110, %broadcast_in_dim3A_113, %broadcast_in_dim3A_114 : vector<16xi1>, vector<16xf32>
    %xor3A = arith.constant 1 : i32
    %xor3A_116 = vector.broadcast %xor3A : i32 to vector<16xi32>
    %xor3A_117 = arith.xori %iota3A, %xor3A_116 : vector<16xi32>
    %reshape3A = vector.shape_cast %xor3A_117 : vector<16xi32> to vector<16x1xi32>
    %xor3A_118 = arith.constant 2 : i32
    %xor3A_119 = vector.broadcast %xor3A_118 : i32 to vector<16xi32>
    %xor3A_120 = arith.xori %iota3A, %xor3A_119 : vector<16xi32>
    %reshape3A_121 = vector.shape_cast %xor3A_120 : vector<16xi32> to vector<16x1xi32>
    %xor3A_122 = arith.constant 4 : i32
    %xor3A_123 = vector.broadcast %xor3A_122 : i32 to vector<16xi32>
    %xor3A_124 = arith.xori %iota3A, %xor3A_123 : vector<16xi32>
    %reshape3A_125 = vector.shape_cast %xor3A_124 : vector<16xi32> to vector<16x1xi32>
    %xor3A_126 = arith.constant 8 : i32
    %xor3A_127 = vector.broadcast %xor3A_126 : i32 to vector<16xi32>
    %xor3A_128 = arith.xori %iota3A, %xor3A_127 : vector<16xi32>
    %reshape3A_129 = vector.shape_cast %xor3A_128 : vector<16xi32> to vector<16x1xi32>
    %mul3A_130 = arith.constant 186 : i32
    %mul3A_131 = arith.muli %add3A, %mul3A_130 : i32
    %add3A_132 = arith.constant 0 : i32
    %add3A_133 = arith.addi %mul3A_131, %add3A_132 : i32
    %run_scoped3A = arith.constant 0 : i32
    "tpu.region"() ({
      %run_scoped3A_225 = tpu.sem_alloc : memref<!tpu.dma_semaphore, #tpu.memory_space<semaphore_mem>>
      %dma_start3A_226 = arith.constant 0 : i32
      %dma_start3A_227 = arith.constant 0 : i32
      %dma_start3A_228 = tpu.memref_slice %arg7[%run_scoped3A, %dma_start3A_226, %dma_start3A_227] : memref<3x2x56xi32, #tpu.memory_space<vmem>> -> memref<1x2x56xi32, #tpu.memory_space<vmem>>
      %dma_start3A_229 = tpu.memref_squeeze %dma_start3A_228 : memref<1x2x56xi32, #tpu.memory_space<vmem>> -> memref<2x56xi32, #tpu.memory_space<vmem>>
      %dma_start3A_230 = arith.constant 0 : i32
      %dma_start3A_231 = arith.constant 0 : i32
      %dma_start3A_232 = tpu.memref_slice %arg4[%add3A_133, %dma_start3A_230, %dma_start3A_231] : memref<5952x2x56xi32, #tpu.memory_space<hbm>> -> memref<1x2x56xi32, #tpu.memory_space<hbm>>
      %dma_start3A_233 = tpu.memref_squeeze %dma_start3A_232 : memref<1x2x56xi32, #tpu.memory_space<hbm>> -> memref<2x56xi32, #tpu.memory_space<hbm>>
      %dma_start3A_234 = arith.constant 0 : i32
      %dma_start3A_235 = arith.constant 0 : i32
      %dma_start3A_236 = tpu.memref_slice %arg7[%run_scoped3A, %dma_start3A_234, %dma_start3A_235] : memref<3x2x56xi32, #tpu.memory_space<vmem>> -> memref<1x2x56xi32, #tpu.memory_space<vmem>>
      %dma_start3A_237 = tpu.memref_squeeze %dma_start3A_236 : memref<1x2x56xi32, #tpu.memory_space<vmem>> -> memref<2x56xi32, #tpu.memory_space<vmem>>
      %dma_start3A_238 = arith.constant 0 : i32
      %dma_start3A_239 = arith.constant 0 : i32
      %dma_start3A_240 = tpu.memref_slice %arg4[%add3A_133, %dma_start3A_238, %dma_start3A_239] : memref<5952x2x56xi32, #tpu.memory_space<hbm>> -> memref<1x2x56xi32, #tpu.memory_space<hbm>>
      %dma_start3A_241 = tpu.memref_squeeze %dma_start3A_240 : memref<1x2x56xi32, #tpu.memory_space<hbm>> -> memref<2x56xi32, #tpu.memory_space<hbm>>
      tpu.enqueue_dma source(%dma_start3A_241 : memref<2x56xi32, #tpu.memory_space<hbm>>) target(%dma_start3A_237 : memref<2x56xi32, #tpu.memory_space<vmem>>) target_semaphore(%run_scoped3A_225 : memref<!tpu.dma_semaphore, #tpu.memory_space<semaphore_mem>>)
      %dma_wait3A = arith.constant 0 : i32
      %dma_wait3A_242 = arith.constant 0 : i32
      %dma_wait3A_243 = tpu.memref_slice %arg7[%run_scoped3A, %dma_wait3A, %dma_wait3A_242] : memref<3x2x56xi32, #tpu.memory_space<vmem>> -> memref<1x2x56xi32, #tpu.memory_space<vmem>>
      %dma_wait3A_244 = tpu.memref_squeeze %dma_wait3A_243 : memref<1x2x56xi32, #tpu.memory_space<vmem>> -> memref<2x56xi32, #tpu.memory_space<vmem>>
      %dma_wait3A_245 = arith.constant 0 : i32
      %dma_wait3A_246 = arith.constant 0 : i32
      %dma_wait3A_247 = tpu.memref_slice %arg4[%add3A_133, %dma_wait3A_245, %dma_wait3A_246] : memref<5952x2x56xi32, #tpu.memory_space<hbm>> -> memref<1x2x56xi32, #tpu.memory_space<hbm>>
      %dma_wait3A_248 = tpu.memref_squeeze %dma_wait3A_247 : memref<1x2x56xi32, #tpu.memory_space<hbm>> -> memref<2x56xi32, #tpu.memory_space<hbm>>
      %dma_wait3A_249 = arith.constant 0 : i32
      %dma_wait3A_250 = arith.constant 0 : i32
      %dma_wait3A_251 = tpu.memref_slice %arg7[%run_scoped3A, %dma_wait3A_249, %dma_wait3A_250] : memref<3x2x56xi32, #tpu.memory_space<vmem>> -> memref<1x2x56xi32, #tpu.memory_space<vmem>>
      %dma_wait3A_252 = tpu.memref_squeeze %dma_wait3A_251 : memref<1x2x56xi32, #tpu.memory_space<vmem>> -> memref<2x56xi32, #tpu.memory_space<vmem>>
      %dma_wait3A_253 = arith.constant 0 : i32
      %dma_wait3A_254 = arith.constant 0 : i32
      %dma_wait3A_255 = tpu.memref_slice %arg4[%add3A_133, %dma_wait3A_253, %dma_wait3A_254] : memref<5952x2x56xi32, #tpu.memory_space<hbm>> -> memref<1x2x56xi32, #tpu.memory_space<hbm>>
      %dma_wait3A_256 = tpu.memref_squeeze %dma_wait3A_255 : memref<1x2x56xi32, #tpu.memory_space<hbm>> -> memref<2x56xi32, #tpu.memory_space<hbm>>
      tpu.wait_dma2 semaphore(%run_scoped3A_225 : memref<!tpu.dma_semaphore, #tpu.memory_space<semaphore_mem>>) src(%dma_wait3A_256 : memref<2x56xi32, #tpu.memory_space<hbm>>) dst(%dma_wait3A_252 : memref<2x56xi32, #tpu.memory_space<vmem>>)
      tpu.yield
    }) : () -> ()
    %rem3A = arith.constant 0 : i32
    %rem3A_134 = arith.constant 2 : i32
    %rem3A_135 = arith.remsi %rem3A, %rem3A_134 : i32
    %rem3A_136 = arith.constant 0 : i32
    %rem3A_137 = arith.constant 3 : i32
    %rem3A_138 = arith.remsi %rem3A_136, %rem3A_137 : i32
    %dma_start3A = arith.constant 0 : i32
    %dma_start3A_139 = arith.constant 0 : i32
    %dma_start3A_140 = arith.constant 0 : i32
    %dma_start3A_141 = tpu.memref_slice %arg8[%rem3A_135, %dma_start3A_139, %dma_start3A_140] : memref<2x56x128xf32, #tpu.memory_space<vmem>> -> memref<1x56x128xf32, #tpu.memory_space<vmem>>
    %dma_start3A_142 = tpu.memref_squeeze %dma_start3A_141 : memref<1x56x128xf32, #tpu.memory_space<vmem>> -> memref<56x128xf32, #tpu.memory_space<vmem>>
    %dma_start3A_143 = arith.constant 0 : i32
    %dma_start3A_144 = tpu.memref_slice %arg7[%rem3A_138, %dma_start3A, %dma_start3A_143] : memref<3x2x56xi32, #tpu.memory_space<vmem>> -> memref<1x1x56xi32, #tpu.memory_space<vmem>>
    %dma_start3A_145 = tpu.memref_squeeze %dma_start3A_144 : memref<1x1x56xi32, #tpu.memory_space<vmem>> -> memref<56xi32, #tpu.memory_space<vmem>>
    %dma_start3A_146 = arith.constant 0 : i32
    %dma_start3A_147 = arith.constant 0 : i32
    %dma_start3A_148 = tpu.memref_slice %arg2[%dma_start3A_146, %dma_start3A_147] : memref<10240x128xf32, #tpu.memory_space<hbm>> -> memref<10240x128xf32, #tpu.memory_space<hbm>>
    %dma_start3A_149 = tpu.memref_slice %arg14[%rem3A_135] : memref<2x!tpu.dma_semaphore, #tpu.memory_space<semaphore_mem>> -> memref<1x!tpu.dma_semaphore, #tpu.memory_space<semaphore_mem>>
    %dma_start3A_150 = tpu.memref_squeeze %dma_start3A_149 : memref<1x!tpu.dma_semaphore, #tpu.memory_space<semaphore_mem>> -> memref<!tpu.dma_semaphore, #tpu.memory_space<semaphore_mem>>
    tpu.enqueue_indirect_dma source(%dma_start3A_148 : memref<10240x128xf32, #tpu.memory_space<hbm>>) target(%dma_start3A_142 : memref<56x128xf32, #tpu.memory_space<vmem>>) offsets(%dma_start3A_145 : memref<56xi32, #tpu.memory_space<vmem>>) semaphore(%dma_start3A_150 : memref<!tpu.dma_semaphore, #tpu.memory_space<semaphore_mem>>)
    %dma_start3A_151 = arith.constant 1 : i32
    %dma_start3A_152 = arith.constant 0 : i32
    %dma_start3A_153 = arith.constant 0 : i32
    %dma_start3A_154 = tpu.memref_slice %arg9[%rem3A_135, %dma_start3A_152, %dma_start3A_153] : memref<2x56x128xf32, #tpu.memory_space<vmem>> -> memref<1x56x128xf32, #tpu.memory_space<vmem>>
    %dma_start3A_155 = tpu.memref_squeeze %dma_start3A_154 : memref<1x56x128xf32, #tpu.memory_space<vmem>> -> memref<56x128xf32, #tpu.memory_space<vmem>>
    %dma_start3A_156 = arith.constant 0 : i32
    %dma_start3A_157 = tpu.memref_slice %arg7[%rem3A_138, %dma_start3A_151, %dma_start3A_156] : memref<3x2x56xi32, #tpu.memory_space<vmem>> -> memref<1x1x56xi32, #tpu.memory_space<vmem>>
    %dma_start3A_158 = tpu.memref_squeeze %dma_start3A_157 : memref<1x1x56xi32, #tpu.memory_space<vmem>> -> memref<56xi32, #tpu.memory_space<vmem>>
    %dma_start3A_159 = arith.constant 0 : i32
    %dma_start3A_160 = arith.constant 0 : i32
    %dma_start3A_161 = tpu.memref_slice %arg3[%dma_start3A_159, %dma_start3A_160] : memref<10240x128xf32, #tpu.memory_space<hbm>> -> memref<10240x128xf32, #tpu.memory_space<hbm>>
    %dma_start3A_162 = tpu.memref_slice %arg14[%rem3A_135] : memref<2x!tpu.dma_semaphore, #tpu.memory_space<semaphore_mem>> -> memref<1x!tpu.dma_semaphore, #tpu.memory_space<semaphore_mem>>
    %dma_start3A_163 = tpu.memref_squeeze %dma_start3A_162 : memref<1x!tpu.dma_semaphore, #tpu.memory_space<semaphore_mem>> -> memref<!tpu.dma_semaphore, #tpu.memory_space<semaphore_mem>>
    tpu.enqueue_indirect_dma source(%dma_start3A_161 : memref<10240x128xf32, #tpu.memory_space<hbm>>) target(%dma_start3A_155 : memref<56x128xf32, #tpu.memory_space<vmem>>) offsets(%dma_start3A_158 : memref<56xi32, #tpu.memory_space<vmem>>) semaphore(%dma_start3A_163 : memref<!tpu.dma_semaphore, #tpu.memory_space<semaphore_mem>>)
    %add3A_164 = arith.constant 1 : i32
    %add3A_165 = arith.addi %mul3A_131, %add3A_164 : i32
    %rem3A_166 = arith.constant 1 : i32
    %rem3A_167 = arith.constant 3 : i32
    %rem3A_168 = arith.remsi %rem3A_166, %rem3A_167 : i32
    %rem3A_169 = arith.constant 1 : i32
    %rem3A_170 = arith.constant 2 : i32
    %rem3A_171 = arith.remsi %rem3A_169, %rem3A_170 : i32
    %dma_start3A_172 = arith.constant 0 : i32
    %dma_start3A_173 = arith.constant 0 : i32
    %dma_start3A_174 = tpu.memref_slice %arg7[%rem3A_168, %dma_start3A_172, %dma_start3A_173] : memref<3x2x56xi32, #tpu.memory_space<vmem>> -> memref<1x2x56xi32, #tpu.memory_space<vmem>>
    %dma_start3A_175 = tpu.memref_squeeze %dma_start3A_174 : memref<1x2x56xi32, #tpu.memory_space<vmem>> -> memref<2x56xi32, #tpu.memory_space<vmem>>
    %dma_start3A_176 = arith.constant 0 : i32
    %dma_start3A_177 = arith.constant 0 : i32
    %dma_start3A_178 = tpu.memref_slice %arg4[%add3A_165, %dma_start3A_176, %dma_start3A_177] : memref<5952x2x56xi32, #tpu.memory_space<hbm>> -> memref<1x2x56xi32, #tpu.memory_space<hbm>>
    %dma_start3A_179 = tpu.memref_squeeze %dma_start3A_178 : memref<1x2x56xi32, #tpu.memory_space<hbm>> -> memref<2x56xi32, #tpu.memory_space<hbm>>
    %dma_start3A_180 = tpu.memref_slice %arg13[%rem3A_171] : memref<2x!tpu.dma_semaphore, #tpu.memory_space<semaphore_mem>> -> memref<1x!tpu.dma_semaphore, #tpu.memory_space<semaphore_mem>>
    %dma_start3A_181 = tpu.memref_squeeze %dma_start3A_180 : memref<1x!tpu.dma_semaphore, #tpu.memory_space<semaphore_mem>> -> memref<!tpu.dma_semaphore, #tpu.memory_space<semaphore_mem>>
    %dma_start3A_182 = arith.constant 0 : i32
    %dma_start3A_183 = arith.constant 0 : i32
    %dma_start3A_184 = tpu.memref_slice %arg7[%rem3A_168, %dma_start3A_182, %dma_start3A_183] : memref<3x2x56xi32, #tpu.memory_space<vmem>> -> memref<1x2x56xi32, #tpu.memory_space<vmem>>
    %dma_start3A_185 = tpu.memref_squeeze %dma_start3A_184 : memref<1x2x56xi32, #tpu.memory_space<vmem>> -> memref<2x56xi32, #tpu.memory_space<vmem>>
    %dma_start3A_186 = arith.constant 0 : i32
    %dma_start3A_187 = arith.constant 0 : i32
    %dma_start3A_188 = tpu.memref_slice %arg4[%add3A_165, %dma_start3A_186, %dma_start3A_187] : memref<5952x2x56xi32, #tpu.memory_space<hbm>> -> memref<1x2x56xi32, #tpu.memory_space<hbm>>
    %dma_start3A_189 = tpu.memref_squeeze %dma_start3A_188 : memref<1x2x56xi32, #tpu.memory_space<hbm>> -> memref<2x56xi32, #tpu.memory_space<hbm>>
    tpu.enqueue_dma source(%dma_start3A_189 : memref<2x56xi32, #tpu.memory_space<hbm>>) target(%dma_start3A_185 : memref<2x56xi32, #tpu.memory_space<vmem>>) target_semaphore(%dma_start3A_181 : memref<!tpu.dma_semaphore, #tpu.memory_space<semaphore_mem>>)
    %add3A_190 = arith.constant 2 : i32
    %add3A_191 = arith.addi %mul3A_131, %add3A_190 : i32
    %rem3A_192 = arith.constant 2 : i32
    %rem3A_193 = arith.constant 3 : i32
    %rem3A_194 = arith.remsi %rem3A_192, %rem3A_193 : i32
    %rem3A_195 = arith.constant 2 : i32
    %rem3A_196 = arith.constant 2 : i32
    %rem3A_197 = arith.remsi %rem3A_195, %rem3A_196 : i32
    %dma_start3A_198 = arith.constant 0 : i32
    %dma_start3A_199 = arith.constant 0 : i32
    %dma_start3A_200 = tpu.memref_slice %arg7[%rem3A_194, %dma_start3A_198, %dma_start3A_199] : memref<3x2x56xi32, #tpu.memory_space<vmem>> -> memref<1x2x56xi32, #tpu.memory_space<vmem>>
    %dma_start3A_201 = tpu.memref_squeeze %dma_start3A_200 : memref<1x2x56xi32, #tpu.memory_space<vmem>> -> memref<2x56xi32, #tpu.memory_space<vmem>>
    %dma_start3A_202 = arith.constant 0 : i32
    %dma_start3A_203 = arith.constant 0 : i32
    %dma_start3A_204 = tpu.memref_slice %arg4[%add3A_191, %dma_start3A_202, %dma_start3A_203] : memref<5952x2x56xi32, #tpu.memory_space<hbm>> -> memref<1x2x56xi32, #tpu.memory_space<hbm>>
    %dma_start3A_205 = tpu.memref_squeeze %dma_start3A_204 : memref<1x2x56xi32, #tpu.memory_space<hbm>> -> memref<2x56xi32, #tpu.memory_space<hbm>>
    %dma_start3A_206 = tpu.memref_slice %arg13[%rem3A_197] : memref<2x!tpu.dma_semaphore, #tpu.memory_space<semaphore_mem>> -> memref<1x!tpu.dma_semaphore, #tpu.memory_space<semaphore_mem>>
    %dma_start3A_207 = tpu.memref_squeeze %dma_start3A_206 : memref<1x!tpu.dma_semaphore, #tpu.memory_space<semaphore_mem>> -> memref<!tpu.dma_semaphore, #tpu.memory_space<semaphore_mem>>
    %dma_start3A_208 = arith.constant 0 : i32
    %dma_start3A_209 = arith.constant 0 : i32
    %dma_start3A_210 = tpu.memref_slice %arg7[%rem3A_194, %dma_start3A_208, %dma_start3A_209] : memref<3x2x56xi32, #tpu.memory_space<vmem>> -> memref<1x2x56xi32, #tpu.memory_space<vmem>>
    %dma_start3A_211 = tpu.memref_squeeze %dma_start3A_210 : memref<1x2x56xi32, #tpu.memory_space<vmem>> -> memref<2x56xi32, #tpu.memory_space<vmem>>
    %dma_start3A_212 = arith.constant 0 : i32
    %dma_start3A_213 = arith.constant 0 : i32
    %dma_start3A_214 = tpu.memref_slice %arg4[%add3A_191, %dma_start3A_212, %dma_start3A_213] : memref<5952x2x56xi32, #tpu.memory_space<hbm>> -> memref<1x2x56xi32, #tpu.memory_space<hbm>>
    %dma_start3A_215 = tpu.memref_squeeze %dma_start3A_214 : memref<1x2x56xi32, #tpu.memory_space<hbm>> -> memref<2x56xi32, #tpu.memory_space<hbm>>
    tpu.enqueue_dma source(%dma_start3A_215 : memref<2x56xi32, #tpu.memory_space<hbm>>) target(%dma_start3A_211 : memref<2x56xi32, #tpu.memory_space<vmem>>) target_semaphore(%dma_start3A_207 : memref<!tpu.dma_semaphore, #tpu.memory_space<semaphore_mem>>)
    %scan3A_216 = arith.constant 0 : i32
    %scan3A_217 = arith.constant 0 : i32
    %scan3A_218 = arith.constant 186 : i32
    %scan3A_219 = arith.addi %scan3A_217, %scan3A_218 : i32
    %scan3A_220 = arith.constant 1 : i32
    scf.for %scan3A_225 = %scan3A_217 to %scan3A_219 step %scan3A_220  : i32 {
      %rem3A_226 = arith.constant 2 : i32
      %rem3A_227 = arith.remsi %scan3A_225, %rem3A_226 : i32
      %add3A_228 = arith.constant 1 : i32
      %add3A_229 = arith.addi %scan3A_225, %add3A_228 : i32
      %lt3A = arith.constant 186 : i32
      %lt3A_230 = arith.cmpi slt, %add3A_229, %lt3A : i32
      %convert_element_type3A = arith.extui %lt3A_230 : i1 to i32
      %cond3A = arith.constant 0 : i32
      %cond3A_231 = arith.cmpi ne, %convert_element_type3A, %cond3A : i32
      scf.if %cond3A_231 {
        %add3A_274 = arith.constant 1 : i32
        %add3A_275 = arith.addi %scan3A_225, %add3A_274 : i32
        %add3A_276 = arith.addi %mul3A_131, %add3A_275 : i32
        %rem3A_277 = arith.constant 3 : i32
        %rem3A_278 = arith.remsi %add3A_275, %rem3A_277 : i32
        %rem3A_279 = arith.constant 2 : i32
        %rem3A_280 = arith.remsi %add3A_275, %rem3A_279 : i32
        %dma_wait3A_281 = arith.constant 0 : i32
        %dma_wait3A_282 = arith.constant 0 : i32
        %dma_wait3A_283 = tpu.memref_slice %arg7[%rem3A_278, %dma_wait3A_281, %dma_wait3A_282] : memref<3x2x56xi32, #tpu.memory_space<vmem>> -> memref<1x2x56xi32, #tpu.memory_space<vmem>>
        %dma_wait3A_284 = tpu.memref_squeeze %dma_wait3A_283 : memref<1x2x56xi32, #tpu.memory_space<vmem>> -> memref<2x56xi32, #tpu.memory_space<vmem>>
        %dma_wait3A_285 = arith.constant 0 : i32
        %dma_wait3A_286 = arith.constant 0 : i32
        %dma_wait3A_287 = tpu.memref_slice %arg4[%add3A_276, %dma_wait3A_285, %dma_wait3A_286] : memref<5952x2x56xi32, #tpu.memory_space<hbm>> -> memref<1x2x56xi32, #tpu.memory_space<hbm>>
        %dma_wait3A_288 = tpu.memref_squeeze %dma_wait3A_287 : memref<1x2x56xi32, #tpu.memory_space<hbm>> -> memref<2x56xi32, #tpu.memory_space<hbm>>
        %dma_wait3A_289 = tpu.memref_slice %arg13[%rem3A_280] : memref<2x!tpu.dma_semaphore, #tpu.memory_space<semaphore_mem>> -> memref<1x!tpu.dma_semaphore, #tpu.memory_space<semaphore_mem>>
        %dma_wait3A_290 = tpu.memref_squeeze %dma_wait3A_289 : memref<1x!tpu.dma_semaphore, #tpu.memory_space<semaphore_mem>> -> memref<!tpu.dma_semaphore, #tpu.memory_space<semaphore_mem>>
        %dma_wait3A_291 = arith.constant 0 : i32
        %dma_wait3A_292 = arith.constant 0 : i32
        %dma_wait3A_293 = tpu.memref_slice %arg7[%rem3A_278, %dma_wait3A_291, %dma_wait3A_292] : memref<3x2x56xi32, #tpu.memory_space<vmem>> -> memref<1x2x56xi32, #tpu.memory_space<vmem>>
        %dma_wait3A_294 = tpu.memref_squeeze %dma_wait3A_293 : memref<1x2x56xi32, #tpu.memory_space<vmem>> -> memref<2x56xi32, #tpu.memory_space<vmem>>
        %dma_wait3A_295 = arith.constant 0 : i32
        %dma_wait3A_296 = arith.constant 0 : i32
        %dma_wait3A_297 = tpu.memref_slice %arg4[%add3A_276, %dma_wait3A_295, %dma_wait3A_296] : memref<5952x2x56xi32, #tpu.memory_space<hbm>> -> memref<1x2x56xi32, #tpu.memory_space<hbm>>
        %dma_wait3A_298 = tpu.memref_squeeze %dma_wait3A_297 : memref<1x2x56xi32, #tpu.memory_space<hbm>> -> memref<2x56xi32, #tpu.memory_space<hbm>>
        tpu.wait_dma2 semaphore(%dma_wait3A_290 : memref<!tpu.dma_semaphore, #tpu.memory_space<semaphore_mem>>) src(%dma_wait3A_298 : memref<2x56xi32, #tpu.memory_space<hbm>>) dst(%dma_wait3A_294 : memref<2x56xi32, #tpu.memory_space<vmem>>)
        %add3A_299 = arith.constant 1 : i32
        %add3A_300 = arith.addi %scan3A_225, %add3A_299 : i32
        %rem3A_301 = arith.constant 2 : i32
        %rem3A_302 = arith.remsi %add3A_300, %rem3A_301 : i32
        %rem3A_303 = arith.constant 3 : i32
        %rem3A_304 = arith.remsi %add3A_300, %rem3A_303 : i32
        %dma_start3A_305 = arith.constant 0 : i32
        %dma_start3A_306 = arith.constant 0 : i32
        %dma_start3A_307 = arith.constant 0 : i32
        %dma_start3A_308 = tpu.memref_slice %arg8[%rem3A_302, %dma_start3A_306, %dma_start3A_307] : memref<2x56x128xf32, #tpu.memory_space<vmem>> -> memref<1x56x128xf32, #tpu.memory_space<vmem>>
        %dma_start3A_309 = tpu.memref_squeeze %dma_start3A_308 : memref<1x56x128xf32, #tpu.memory_space<vmem>> -> memref<56x128xf32, #tpu.memory_space<vmem>>
        %dma_start3A_310 = arith.constant 0 : i32
        %dma_start3A_311 = tpu.memref_slice %arg7[%rem3A_304, %dma_start3A_305, %dma_start3A_310] : memref<3x2x56xi32, #tpu.memory_space<vmem>> -> memref<1x1x56xi32, #tpu.memory_space<vmem>>
        %dma_start3A_312 = tpu.memref_squeeze %dma_start3A_311 : memref<1x1x56xi32, #tpu.memory_space<vmem>> -> memref<56xi32, #tpu.memory_space<vmem>>
        %dma_start3A_313 = arith.constant 0 : i32
        %dma_start3A_314 = arith.constant 0 : i32
        %dma_start3A_315 = tpu.memref_slice %arg2[%dma_start3A_313, %dma_start3A_314] : memref<10240x128xf32, #tpu.memory_space<hbm>> -> memref<10240x128xf32, #tpu.memory_space<hbm>>
        %dma_start3A_316 = tpu.memref_slice %arg14[%rem3A_302] : memref<2x!tpu.dma_semaphore, #tpu.memory_space<semaphore_mem>> -> memref<1x!tpu.dma_semaphore, #tpu.memory_space<semaphore_mem>>
        %dma_start3A_317 = tpu.memref_squeeze %dma_start3A_316 : memref<1x!tpu.dma_semaphore, #tpu.memory_space<semaphore_mem>> -> memref<!tpu.dma_semaphore, #tpu.memory_space<semaphore_mem>>
        tpu.enqueue_indirect_dma source(%dma_start3A_315 : memref<10240x128xf32, #tpu.memory_space<hbm>>) target(%dma_start3A_309 : memref<56x128xf32, #tpu.memory_space<vmem>>) offsets(%dma_start3A_312 : memref<56xi32, #tpu.memory_space<vmem>>) semaphore(%dma_start3A_317 : memref<!tpu.dma_semaphore, #tpu.memory_space<semaphore_mem>>)
        %dma_start3A_318 = arith.constant 1 : i32
        %dma_start3A_319 = arith.constant 0 : i32
        %dma_start3A_320 = arith.constant 0 : i32
        %dma_start3A_321 = tpu.memref_slice %arg9[%rem3A_302, %dma_start3A_319, %dma_start3A_320] : memref<2x56x128xf32, #tpu.memory_space<vmem>> -> memref<1x56x128xf32, #tpu.memory_space<vmem>>
        %dma_start3A_322 = tpu.memref_squeeze %dma_start3A_321 : memref<1x56x128xf32, #tpu.memory_space<vmem>> -> memref<56x128xf32, #tpu.memory_space<vmem>>
        %dma_start3A_323 = arith.constant 0 : i32
        %dma_start3A_324 = tpu.memref_slice %arg7[%rem3A_304, %dma_start3A_318, %dma_start3A_323] : memref<3x2x56xi32, #tpu.memory_space<vmem>> -> memref<1x1x56xi32, #tpu.memory_space<vmem>>
        %dma_start3A_325 = tpu.memref_squeeze %dma_start3A_324 : memref<1x1x56xi32, #tpu.memory_space<vmem>> -> memref<56xi32, #tpu.memory_space<vmem>>
        %dma_start3A_326 = arith.constant 0 : i32
        %dma_start3A_327 = arith.constant 0 : i32
        %dma_start3A_328 = tpu.memref_slice %arg3[%dma_start3A_326, %dma_start3A_327] : memref<10240x128xf32, #tpu.memory_space<hbm>> -> memref<10240x128xf32, #tpu.memory_space<hbm>>
        %dma_start3A_329 = tpu.memref_slice %arg14[%rem3A_302] : memref<2x!tpu.dma_semaphore, #tpu.memory_space<semaphore_mem>> -> memref<1x!tpu.dma_semaphore, #tpu.memory_space<semaphore_mem>>
        %dma_start3A_330 = tpu.memref_squeeze %dma_start3A_329 : memref<1x!tpu.dma_semaphore, #tpu.memory_space<semaphore_mem>> -> memref<!tpu.dma_semaphore, #tpu.memory_space<semaphore_mem>>
        tpu.enqueue_indirect_dma source(%dma_start3A_328 : memref<10240x128xf32, #tpu.memory_space<hbm>>) target(%dma_start3A_322 : memref<56x128xf32, #tpu.memory_space<vmem>>) offsets(%dma_start3A_325 : memref<56xi32, #tpu.memory_space<vmem>>) semaphore(%dma_start3A_330 : memref<!tpu.dma_semaphore, #tpu.memory_space<semaphore_mem>>)
      } else {
      }
      %ge3A = arith.constant 1 : i32
      %ge3A_232 = arith.cmpi sge, %scan3A_225, %ge3A : i32
      %add3A_233 = arith.constant 2 : i32
      %add3A_234 = arith.addi %scan3A_225, %add3A_233 : i32
      %lt3A_235 = arith.constant 186 : i32
      %lt3A_236 = arith.cmpi slt, %add3A_234, %lt3A_235 : i32
      %and3A = arith.andi %ge3A_232, %lt3A_236 : i1
      %convert_element_type3A_237 = arith.extui %and3A : i1 to i32
      %cond3A_238 = arith.constant 0 : i32
      %cond3A_239 = arith.cmpi ne, %convert_element_type3A_237, %cond3A_238 : i32
      scf.if %cond3A_239 {
        %add3A_274 = arith.constant 2 : i32
        %add3A_275 = arith.addi %scan3A_225, %add3A_274 : i32
        %add3A_276 = arith.addi %mul3A_131, %add3A_275 : i32
        %rem3A_277 = arith.constant 3 : i32
        %rem3A_278 = arith.remsi %add3A_275, %rem3A_277 : i32
        %rem3A_279 = arith.constant 2 : i32
        %rem3A_280 = arith.remsi %add3A_275, %rem3A_279 : i32
        %dma_start3A_281 = arith.constant 0 : i32
        %dma_start3A_282 = arith.constant 0 : i32
        %dma_start3A_283 = tpu.memref_slice %arg7[%rem3A_278, %dma_start3A_281, %dma_start3A_282] : memref<3x2x56xi32, #tpu.memory_space<vmem>> -> memref<1x2x56xi32, #tpu.memory_space<vmem>>
        %dma_start3A_284 = tpu.memref_squeeze %dma_start3A_283 : memref<1x2x56xi32, #tpu.memory_space<vmem>> -> memref<2x56xi32, #tpu.memory_space<vmem>>
        %dma_start3A_285 = arith.constant 0 : i32
        %dma_start3A_286 = arith.constant 0 : i32
        %dma_start3A_287 = tpu.memref_slice %arg4[%add3A_276, %dma_start3A_285, %dma_start3A_286] : memref<5952x2x56xi32, #tpu.memory_space<hbm>> -> memref<1x2x56xi32, #tpu.memory_space<hbm>>
        %dma_start3A_288 = tpu.memref_squeeze %dma_start3A_287 : memref<1x2x56xi32, #tpu.memory_space<hbm>> -> memref<2x56xi32, #tpu.memory_space<hbm>>
        %dma_start3A_289 = tpu.memref_slice %arg13[%rem3A_280] : memref<2x!tpu.dma_semaphore, #tpu.memory_space<semaphore_mem>> -> memref<1x!tpu.dma_semaphore, #tpu.memory_space<semaphore_mem>>
        %dma_start3A_290 = tpu.memref_squeeze %dma_start3A_289 : memref<1x!tpu.dma_semaphore, #tpu.memory_space<semaphore_mem>> -> memref<!tpu.dma_semaphore, #tpu.memory_space<semaphore_mem>>
        %dma_start3A_291 = arith.constant 0 : i32
        %dma_start3A_292 = arith.constant 0 : i32
        %dma_start3A_293 = tpu.memref_slice %arg7[%rem3A_278, %dma_start3A_291, %dma_start3A_292] : memref<3x2x56xi32, #tpu.memory_space<vmem>> -> memref<1x2x56xi32, #tpu.memory_space<vmem>>
        %dma_start3A_294 = tpu.memref_squeeze %dma_start3A_293 : memref<1x2x56xi32, #tpu.memory_space<vmem>> -> memref<2x56xi32, #tpu.memory_space<vmem>>
        %dma_start3A_295 = arith.constant 0 : i32
        %dma_start3A_296 = arith.constant 0 : i32
        %dma_start3A_297 = tpu.memref_slice %arg4[%add3A_276, %dma_start3A_295, %dma_start3A_296] : memref<5952x2x56xi32, #tpu.memory_space<hbm>> -> memref<1x2x56xi32, #tpu.memory_space<hbm>>
        %dma_start3A_298 = tpu.memref_squeeze %dma_start3A_297 : memref<1x2x56xi32, #tpu.memory_space<hbm>> -> memref<2x56xi32, #tpu.memory_space<hbm>>
        tpu.enqueue_dma source(%dma_start3A_298 : memref<2x56xi32, #tpu.memory_space<hbm>>) target(%dma_start3A_294 : memref<2x56xi32, #tpu.memory_space<vmem>>) target_semaphore(%dma_start3A_290 : memref<!tpu.dma_semaphore, #tpu.memory_space<semaphore_mem>>)
      } else {
      }
      %rem3A_240 = arith.constant 2 : i32
      %rem3A_241 = arith.remsi %scan3A_225, %rem3A_240 : i32
      %rem3A_242 = arith.constant 3 : i32
      %rem3A_243 = arith.remsi %scan3A_225, %rem3A_242 : i32
      %dma_wait3A = arith.constant 0 : i32
      %dma_wait3A_244 = arith.constant 0 : i32
      %dma_wait3A_245 = arith.constant 0 : i32
      %dma_wait3A_246 = tpu.memref_slice %arg8[%rem3A_241, %dma_wait3A_244, %dma_wait3A_245] : memref<2x56x128xf32, #tpu.memory_space<vmem>> -> memref<1x56x128xf32, #tpu.memory_space<vmem>>
      %dma_wait3A_247 = tpu.memref_squeeze %dma_wait3A_246 : memref<1x56x128xf32, #tpu.memory_space<vmem>> -> memref<56x128xf32, #tpu.memory_space<vmem>>
      %dma_wait3A_248 = arith.constant 0 : i32
      %dma_wait3A_249 = tpu.memref_slice %arg7[%rem3A_243, %dma_wait3A, %dma_wait3A_248] : memref<3x2x56xi32, #tpu.memory_space<vmem>> -> memref<1x1x56xi32, #tpu.memory_space<vmem>>
      %dma_wait3A_250 = tpu.memref_squeeze %dma_wait3A_249 : memref<1x1x56xi32, #tpu.memory_space<vmem>> -> memref<56xi32, #tpu.memory_space<vmem>>
      %dma_wait3A_251 = arith.constant 0 : i32
      %dma_wait3A_252 = arith.constant 0 : i32
      %dma_wait3A_253 = tpu.memref_slice %arg2[%dma_wait3A_251, %dma_wait3A_252] : memref<10240x128xf32, #tpu.memory_space<hbm>> -> memref<10240x128xf32, #tpu.memory_space<hbm>>
      %dma_wait3A_254 = tpu.memref_slice %arg14[%rem3A_241] : memref<2x!tpu.dma_semaphore, #tpu.memory_space<semaphore_mem>> -> memref<1x!tpu.dma_semaphore, #tpu.memory_space<semaphore_mem>>
      %dma_wait3A_255 = tpu.memref_squeeze %dma_wait3A_254 : memref<1x!tpu.dma_semaphore, #tpu.memory_space<semaphore_mem>> -> memref<!tpu.dma_semaphore, #tpu.memory_space<semaphore_mem>>
      tpu.wait_indirect_dma semaphore(%dma_wait3A_255 : memref<!tpu.dma_semaphore, #tpu.memory_space<semaphore_mem>>) src(%dma_wait3A_253 : memref<10240x128xf32, #tpu.memory_space<hbm>>) dst(%dma_wait3A_247 : memref<56x128xf32, #tpu.memory_space<vmem>>)
      %dma_wait3A_256 = arith.constant 1 : i32
      %dma_wait3A_257 = arith.constant 0 : i32
      %dma_wait3A_258 = arith.constant 0 : i32
      %dma_wait3A_259 = tpu.memref_slice %arg9[%rem3A_241, %dma_wait3A_257, %dma_wait3A_258] : memref<2x56x128xf32, #tpu.memory_space<vmem>> -> memref<1x56x128xf32, #tpu.memory_space<vmem>>
      %dma_wait3A_260 = tpu.memref_squeeze %dma_wait3A_259 : memref<1x56x128xf32, #tpu.memory_space<vmem>> -> memref<56x128xf32, #tpu.memory_space<vmem>>
      %dma_wait3A_261 = arith.constant 0 : i32
      %dma_wait3A_262 = tpu.memref_slice %arg7[%rem3A_243, %dma_wait3A_256, %dma_wait3A_261] : memref<3x2x56xi32, #tpu.memory_space<vmem>> -> memref<1x1x56xi32, #tpu.memory_space<vmem>>
      %dma_wait3A_263 = tpu.memref_squeeze %dma_wait3A_262 : memref<1x1x56xi32, #tpu.memory_space<vmem>> -> memref<56xi32, #tpu.memory_space<vmem>>
      %dma_wait3A_264 = arith.constant 0 : i32
      %dma_wait3A_265 = arith.constant 0 : i32
      %dma_wait3A_266 = tpu.memref_slice %arg3[%dma_wait3A_264, %dma_wait3A_265] : memref<10240x128xf32, #tpu.memory_space<hbm>> -> memref<10240x128xf32, #tpu.memory_space<hbm>>
      %dma_wait3A_267 = tpu.memref_slice %arg14[%rem3A_241] : memref<2x!tpu.dma_semaphore, #tpu.memory_space<semaphore_mem>> -> memref<1x!tpu.dma_semaphore, #tpu.memory_space<semaphore_mem>>
      %dma_wait3A_268 = tpu.memref_squeeze %dma_wait3A_267 : memref<1x!tpu.dma_semaphore, #tpu.memory_space<semaphore_mem>> -> memref<!tpu.dma_semaphore, #tpu.memory_space<semaphore_mem>>
      tpu.wait_indirect_dma semaphore(%dma_wait3A_268 : memref<!tpu.dma_semaphore, #tpu.memory_space<semaphore_mem>>) src(%dma_wait3A_266 : memref<10240x128xf32, #tpu.memory_space<hbm>>) dst(%dma_wait3A_260 : memref<56x128xf32, #tpu.memory_space<vmem>>)
      %parallel_loop3A = arith.constant 0 : i32
      %parallel_loop3A_269 = arith.constant 56 : i32
      %parallel_loop3A_270 = arith.constant 1 : i32
      scf.for %parallel_loop3A_274 = %parallel_loop3A to %parallel_loop3A_269 step %parallel_loop3A_270  : i32 {
        %parallel_loop3A_275 = arith.index_cast %rem3A_227 : i32 to index
        %parallel_loop3A_276 = arith.index_cast %parallel_loop3A_274 : i32 to index
        %parallel_loop3A_277 = arith.constant 0 : index
        %parallel_loop3A_278 = tpu.vector_load %arg8[%parallel_loop3A_275, %parallel_loop3A_276, %parallel_loop3A_277] {strides = array<i32>} : memref<2x56x128xf32, #tpu.memory_space<vmem>>, vector<1x1x16xf32>,
        %parallel_loop3A_279 = vector.shape_cast %parallel_loop3A_278 : vector<1x1x16xf32> to vector<16xf32>
        %parallel_loop3A_280 = arith.index_cast %rem3A_227 : i32 to index
        %parallel_loop3A_281 = arith.index_cast %parallel_loop3A_274 : i32 to index
        %parallel_loop3A_282 = arith.constant 16 : index
        %parallel_loop3A_283 = tpu.vector_load %arg8[%parallel_loop3A_280, %parallel_loop3A_281, %parallel_loop3A_282] {strides = array<i32>} : memref<2x56x128xf32, #tpu.memory_space<vmem>>, vector<1x1x16xf32>,
        %parallel_loop3A_284 = vector.shape_cast %parallel_loop3A_283 : vector<1x1x16xf32> to vector<16xf32>
        %parallel_loop3A_285 = arith.index_cast %rem3A_227 : i32 to index
        %parallel_loop3A_286 = arith.index_cast %parallel_loop3A_274 : i32 to index
        %parallel_loop3A_287 = arith.constant 32 : index
        %parallel_loop3A_288 = tpu.vector_load %arg8[%parallel_loop3A_285, %parallel_loop3A_286, %parallel_loop3A_287] {strides = array<i32>} : memref<2x56x128xf32, #tpu.memory_space<vmem>>, vector<1x1x16xf32>,
        %parallel_loop3A_289 = vector.shape_cast %parallel_loop3A_288 : vector<1x1x16xf32> to vector<16xf32>
        %parallel_loop3A_290 = arith.index_cast %rem3A_227 : i32 to index
        %parallel_loop3A_291 = arith.index_cast %parallel_loop3A_274 : i32 to index
        %parallel_loop3A_292 = arith.constant 48 : index
        %parallel_loop3A_293 = tpu.vector_load %arg8[%parallel_loop3A_290, %parallel_loop3A_291, %parallel_loop3A_292] {strides = array<i32>} : memref<2x56x128xf32, #tpu.memory_space<vmem>>, vector<1x1x16xf32>,
        %parallel_loop3A_294 = vector.shape_cast %parallel_loop3A_293 : vector<1x1x16xf32> to vector<16xf32>
        %parallel_loop3A_295 = arith.index_cast %rem3A_227 : i32 to index
        %parallel_loop3A_296 = arith.index_cast %parallel_loop3A_274 : i32 to index
        %parallel_loop3A_297 = arith.constant 64 : index
        %parallel_loop3A_298 = tpu.vector_load %arg8[%parallel_loop3A_295, %parallel_loop3A_296, %parallel_loop3A_297] {strides = array<i32>} : memref<2x56x128xf32, #tpu.memory_space<vmem>>, vector<1x1x16xf32>,
        %parallel_loop3A_299 = vector.shape_cast %parallel_loop3A_298 : vector<1x1x16xf32> to vector<16xf32>
        %parallel_loop3A_300 = arith.index_cast %rem3A_227 : i32 to index
        %parallel_loop3A_301 = arith.index_cast %parallel_loop3A_274 : i32 to index
        %parallel_loop3A_302 = arith.constant 80 : index
        %parallel_loop3A_303 = tpu.vector_load %arg8[%parallel_loop3A_300, %parallel_loop3A_301, %parallel_loop3A_302] {strides = array<i32>} : memref<2x56x128xf32, #tpu.memory_space<vmem>>, vector<1x1x16xf32>,
        %parallel_loop3A_304 = vector.shape_cast %parallel_loop3A_303 : vector<1x1x16xf32> to vector<16xf32>
        %parallel_loop3A_305 = arith.index_cast %rem3A_227 : i32 to index
        %parallel_loop3A_306 = arith.index_cast %parallel_loop3A_274 : i32 to index
        %parallel_loop3A_307 = arith.constant 96 : index
        %parallel_loop3A_308 = tpu.vector_load %arg8[%parallel_loop3A_305, %parallel_loop3A_306, %parallel_loop3A_307] {strides = array<i32>} : memref<2x56x128xf32, #tpu.memory_space<vmem>>, vector<1x1x16xf32>,
        %parallel_loop3A_309 = vector.shape_cast %parallel_loop3A_308 : vector<1x1x16xf32> to vector<16xf32>
        %parallel_loop3A_310 = arith.index_cast %rem3A_227 : i32 to index
        %parallel_loop3A_311 = arith.index_cast %parallel_loop3A_274 : i32 to index
        %parallel_loop3A_312 = arith.constant 112 : index
        %parallel_loop3A_313 = tpu.vector_load %arg8[%parallel_loop3A_310, %parallel_loop3A_311, %parallel_loop3A_312] {strides = array<i32>} : memref<2x56x128xf32, #tpu.memory_space<vmem>>, vector<1x1x16xf32>,
        %parallel_loop3A_314 = vector.shape_cast %parallel_loop3A_313 : vector<1x1x16xf32> to vector<16xf32>
        %parallel_loop3A_315 = arith.index_cast %rem3A_227 : i32 to index
        %parallel_loop3A_316 = arith.index_cast %parallel_loop3A_274 : i32 to index
        %parallel_loop3A_317 = arith.constant 0 : index
        %parallel_loop3A_318 = tpu.vector_load %arg9[%parallel_loop3A_315, %parallel_loop3A_316, %parallel_loop3A_317] {strides = array<i32>} : memref<2x56x128xf32, #tpu.memory_space<vmem>>, vector<1x1x16xf32>,
        %parallel_loop3A_319 = vector.shape_cast %parallel_loop3A_318 : vector<1x1x16xf32> to vector<16xf32>
        %parallel_loop3A_320 = arith.index_cast %rem3A_227 : i32 to index
        %parallel_loop3A_321 = arith.index_cast %parallel_loop3A_274 : i32 to index
        %parallel_loop3A_322 = arith.constant 16 : index
        %parallel_loop3A_323 = tpu.vector_load %arg9[%parallel_loop3A_320, %parallel_loop3A_321, %parallel_loop3A_322] {strides = array<i32>} : memref<2x56x128xf32, #tpu.memory_space<vmem>>, vector<1x1x16xf32>,
        %parallel_loop3A_324 = vector.shape_cast %parallel_loop3A_323 : vector<1x1x16xf32> to vector<16xf32>
        %parallel_loop3A_325 = arith.index_cast %rem3A_227 : i32 to index
        %parallel_loop3A_326 = arith.index_cast %parallel_loop3A_274 : i32 to index
        %parallel_loop3A_327 = arith.constant 32 : index
        %parallel_loop3A_328 = tpu.vector_load %arg9[%parallel_loop3A_325, %parallel_loop3A_326, %parallel_loop3A_327] {strides = array<i32>} : memref<2x56x128xf32, #tpu.memory_space<vmem>>, vector<1x1x16xf32>,
        %parallel_loop3A_329 = vector.shape_cast %parallel_loop3A_328 : vector<1x1x16xf32> to vector<16xf32>
        %parallel_loop3A_330 = arith.index_cast %rem3A_227 : i32 to index
        %parallel_loop3A_331 = arith.index_cast %parallel_loop3A_274 : i32 to index
        %parallel_loop3A_332 = arith.constant 48 : index
        %parallel_loop3A_333 = tpu.vector_load %arg9[%parallel_loop3A_330, %parallel_loop3A_331, %parallel_loop3A_332] {strides = array<i32>} : memref<2x56x128xf32, #tpu.memory_space<vmem>>, vector<1x1x16xf32>,
        %parallel_loop3A_334 = vector.shape_cast %parallel_loop3A_333 : vector<1x1x16xf32> to vector<16xf32>
        %parallel_loop3A_335 = arith.index_cast %rem3A_227 : i32 to index
        %parallel_loop3A_336 = arith.index_cast %parallel_loop3A_274 : i32 to index
        %parallel_loop3A_337 = arith.constant 64 : index
        %parallel_loop3A_338 = tpu.vector_load %arg9[%parallel_loop3A_335, %parallel_loop3A_336, %parallel_loop3A_337] {strides = array<i32>} : memref<2x56x128xf32, #tpu.memory_space<vmem>>, vector<1x1x16xf32>,
        %parallel_loop3A_339 = vector.shape_cast %parallel_loop3A_338 : vector<1x1x16xf32> to vector<16xf32>
        %parallel_loop3A_340 = arith.index_cast %rem3A_227 : i32 to index
        %parallel_loop3A_341 = arith.index_cast %parallel_loop3A_274 : i32 to index
        %parallel_loop3A_342 = arith.constant 80 : index
        %parallel_loop3A_343 = tpu.vector_load %arg9[%parallel_loop3A_340, %parallel_loop3A_341, %parallel_loop3A_342] {strides = array<i32>} : memref<2x56x128xf32, #tpu.memory_space<vmem>>, vector<1x1x16xf32>,
        %parallel_loop3A_344 = vector.shape_cast %parallel_loop3A_343 : vector<1x1x16xf32> to vector<16xf32>
        %parallel_loop3A_345 = arith.index_cast %rem3A_227 : i32 to index
        %parallel_loop3A_346 = arith.index_cast %parallel_loop3A_274 : i32 to index
        %parallel_loop3A_347 = arith.constant 96 : index
        %parallel_loop3A_348 = tpu.vector_load %arg9[%parallel_loop3A_345, %parallel_loop3A_346, %parallel_loop3A_347] {strides = array<i32>} : memref<2x56x128xf32, #tpu.memory_space<vmem>>, vector<1x1x16xf32>,
        %parallel_loop3A_349 = vector.shape_cast %parallel_loop3A_348 : vector<1x1x16xf32> to vector<16xf32>
        %parallel_loop3A_350 = arith.index_cast %rem3A_227 : i32 to index
        %parallel_loop3A_351 = arith.index_cast %parallel_loop3A_274 : i32 to index
        %parallel_loop3A_352 = arith.constant 112 : index
        %parallel_loop3A_353 = tpu.vector_load %arg9[%parallel_loop3A_350, %parallel_loop3A_351, %parallel_loop3A_352] {strides = array<i32>} : memref<2x56x128xf32, #tpu.memory_space<vmem>>, vector<1x1x16xf32>,
        %parallel_loop3A_354 = vector.shape_cast %parallel_loop3A_353 : vector<1x1x16xf32> to vector<16xf32>
        %parallel_loop3A_355 = arith.addf %parallel_loop3A_279, %parallel_loop3A_319 : vector<16xf32>
        %parallel_loop3A_356 = arith.constant 2.000000e-01 : f32
        %parallel_loop3A_357 = vector.broadcast %parallel_loop3A_356 : f32 to vector<16xf32>
        %parallel_loop3A_358 = arith.mulf %parallel_loop3A_357, %parallel_loop3A_355 : vector<16xf32>
        %parallel_loop3A_359 = arith.maximumf %parallel_loop3A_355, %parallel_loop3A_358 : vector<16xf32>
        %parallel_loop3A_360 = arith.mulf %parallel_loop3A_359, %get3A_34 : vector<16xf32>
        %parallel_loop3A_361 = arith.addf %parallel_loop3A_284, %parallel_loop3A_324 : vector<16xf32>
        %parallel_loop3A_362 = arith.constant 2.000000e-01 : f32
        %parallel_loop3A_363 = vector.broadcast %parallel_loop3A_362 : f32 to vector<16xf32>
        %parallel_loop3A_364 = arith.mulf %parallel_loop3A_363, %parallel_loop3A_361 : vector<16xf32>
        %parallel_loop3A_365 = arith.maximumf %parallel_loop3A_361, %parallel_loop3A_364 : vector<16xf32>
        %parallel_loop3A_366 = arith.mulf %parallel_loop3A_365, %get3A_37 : vector<16xf32>
        %parallel_loop3A_367 = arith.addf %parallel_loop3A_289, %parallel_loop3A_329 : vector<16xf32>
        %parallel_loop3A_368 = arith.constant 2.000000e-01 : f32
        %parallel_loop3A_369 = vector.broadcast %parallel_loop3A_368 : f32 to vector<16xf32>
        %parallel_loop3A_370 = arith.mulf %parallel_loop3A_369, %parallel_loop3A_367 : vector<16xf32>
        %parallel_loop3A_371 = arith.maximumf %parallel_loop3A_367, %parallel_loop3A_370 : vector<16xf32>
        %parallel_loop3A_372 = arith.mulf %parallel_loop3A_371, %get3A_40 : vector<16xf32>
        %parallel_loop3A_373 = arith.addf %parallel_loop3A_294, %parallel_loop3A_334 : vector<16xf32>
        %parallel_loop3A_374 = arith.constant 2.000000e-01 : f32
        %parallel_loop3A_375 = vector.broadcast %parallel_loop3A_374 : f32 to vector<16xf32>
        %parallel_loop3A_376 = arith.mulf %parallel_loop3A_375, %parallel_loop3A_373 : vector<16xf32>
        %parallel_loop3A_377 = arith.maximumf %parallel_loop3A_373, %parallel_loop3A_376 : vector<16xf32>
        %parallel_loop3A_378 = arith.mulf %parallel_loop3A_377, %get3A_43 : vector<16xf32>
        %parallel_loop3A_379 = arith.addf %parallel_loop3A_299, %parallel_loop3A_339 : vector<16xf32>
        %parallel_loop3A_380 = arith.constant 2.000000e-01 : f32
        %parallel_loop3A_381 = vector.broadcast %parallel_loop3A_380 : f32 to vector<16xf32>
        %parallel_loop3A_382 = arith.mulf %parallel_loop3A_381, %parallel_loop3A_379 : vector<16xf32>
        %parallel_loop3A_383 = arith.maximumf %parallel_loop3A_379, %parallel_loop3A_382 : vector<16xf32>
        %parallel_loop3A_384 = arith.mulf %parallel_loop3A_383, %get3A_46 : vector<16xf32>
        %parallel_loop3A_385 = arith.addf %parallel_loop3A_304, %parallel_loop3A_344 : vector<16xf32>
        %parallel_loop3A_386 = arith.constant 2.000000e-01 : f32
        %parallel_loop3A_387 = vector.broadcast %parallel_loop3A_386 : f32 to vector<16xf32>
        %parallel_loop3A_388 = arith.mulf %parallel_loop3A_387, %parallel_loop3A_385 : vector<16xf32>
        %parallel_loop3A_389 = arith.maximumf %parallel_loop3A_385, %parallel_loop3A_388 : vector<16xf32>
        %parallel_loop3A_390 = arith.mulf %parallel_loop3A_389, %get3A_49 : vector<16xf32>
        %parallel_loop3A_391 = arith.addf %parallel_loop3A_309, %parallel_loop3A_349 : vector<16xf32>
        %parallel_loop3A_392 = arith.constant 2.000000e-01 : f32
        %parallel_loop3A_393 = vector.broadcast %parallel_loop3A_392 : f32 to vector<16xf32>
        %parallel_loop3A_394 = arith.mulf %parallel_loop3A_393, %parallel_loop3A_391 : vector<16xf32>
        %parallel_loop3A_395 = arith.maximumf %parallel_loop3A_391, %parallel_loop3A_394 : vector<16xf32>
        %parallel_loop3A_396 = arith.mulf %parallel_loop3A_395, %get3A_52 : vector<16xf32>
        %parallel_loop3A_397 = arith.addf %parallel_loop3A_314, %parallel_loop3A_354 : vector<16xf32>
        %parallel_loop3A_398 = arith.constant 2.000000e-01 : f32
        %parallel_loop3A_399 = vector.broadcast %parallel_loop3A_398 : f32 to vector<16xf32>
        %parallel_loop3A_400 = arith.mulf %parallel_loop3A_399, %parallel_loop3A_397 : vector<16xf32>
        %parallel_loop3A_401 = arith.maximumf %parallel_loop3A_397, %parallel_loop3A_400 : vector<16xf32>
        %parallel_loop3A_402 = arith.mulf %parallel_loop3A_401, %get3A_55 : vector<16xf32>
        %parallel_loop3A_403 = arith.constant 0.000000e+00 : f32
        %parallel_loop3A_404 = vector.broadcast %parallel_loop3A_403 : f32 to vector<16xf32>
        %parallel_loop3A_405 = vector.shape_cast %reshape3A : vector<16x1xi32> to vector<16xi32>
        %parallel_loop3A_406 = tpu.dynamic_gather %parallel_loop3A_360[%parallel_loop3A_405] in [0] : vector<16xf32>, vector<16xi32> -> vector<16xf32>
        %parallel_loop3A_407 = arith.addf %parallel_loop3A_360, %parallel_loop3A_406 : vector<16xf32>
        %parallel_loop3A_408 = vector.shape_cast %reshape3A_121 : vector<16x1xi32> to vector<16xi32>
        %parallel_loop3A_409 = tpu.dynamic_gather %parallel_loop3A_407[%parallel_loop3A_408] in [0] : vector<16xf32>, vector<16xi32> -> vector<16xf32>
        %parallel_loop3A_410 = arith.addf %parallel_loop3A_407, %parallel_loop3A_409 : vector<16xf32>
        %parallel_loop3A_411 = vector.shape_cast %reshape3A_125 : vector<16x1xi32> to vector<16xi32>
        %parallel_loop3A_412 = tpu.dynamic_gather %parallel_loop3A_410[%parallel_loop3A_411] in [0] : vector<16xf32>, vector<16xi32> -> vector<16xf32>
        %parallel_loop3A_413 = arith.addf %parallel_loop3A_410, %parallel_loop3A_412 : vector<16xf32>
        %parallel_loop3A_414 = vector.shape_cast %reshape3A_129 : vector<16x1xi32> to vector<16xi32>
        %parallel_loop3A_415 = tpu.dynamic_gather %parallel_loop3A_413[%parallel_loop3A_414] in [0] : vector<16xf32>, vector<16xi32> -> vector<16xf32>
        %parallel_loop3A_416 = arith.addf %parallel_loop3A_413, %parallel_loop3A_415 : vector<16xf32>
        %parallel_loop3A_417 = math.exp %parallel_loop3A_416 : vector<16xf32>
        %parallel_loop3A_418 = arith.mulf %parallel_loop3A_417, %select_n3A : vector<16xf32>
        %parallel_loop3A_419 = arith.addf %parallel_loop3A_404, %parallel_loop3A_418 : vector<16xf32>
        %parallel_loop3A_420 = arith.mulf %parallel_loop3A_279, %parallel_loop3A_417 : vector<16xf32>
        %parallel_loop3A_421 = arith.index_cast %parallel_loop3A_274 : i32 to index
        %parallel_loop3A_422 = arith.constant 0 : index
        %parallel_loop3A_423 = tpu.vector_load %arg10[%parallel_loop3A_421, %parallel_loop3A_422] {strides = array<i32>} : memref<56x144xf32, #tpu.memory_space<vmem>>, vector<1x16xf32>,
        %parallel_loop3A_424 = vector.shape_cast %parallel_loop3A_423 : vector<1x16xf32> to vector<16xf32>
        %parallel_loop3A_425 = vector.shape_cast %parallel_loop3A_420 : vector<16xf32> to vector<1x16xf32>
        tpu.vector_store %arg10[%parallel_loop3A_421, %parallel_loop3A_422], %parallel_loop3A_425 {strides = array<i32>} : memref<56x144xf32, #tpu.memory_space<vmem>>, vector<1x16xf32>,
        %parallel_loop3A_426 = vector.shape_cast %reshape3A : vector<16x1xi32> to vector<16xi32>
        %parallel_loop3A_427 = tpu.dynamic_gather %parallel_loop3A_366[%parallel_loop3A_426] in [0] : vector<16xf32>, vector<16xi32> -> vector<16xf32>
        %parallel_loop3A_428 = arith.addf %parallel_loop3A_366, %parallel_loop3A_427 : vector<16xf32>
        %parallel_loop3A_429 = vector.shape_cast %reshape3A_121 : vector<16x1xi32> to vector<16xi32>
        %parallel_loop3A_430 = tpu.dynamic_gather %parallel_loop3A_428[%parallel_loop3A_429] in [0] : vector<16xf32>, vector<16xi32> -> vector<16xf32>
        %parallel_loop3A_431 = arith.addf %parallel_loop3A_428, %parallel_loop3A_430 : vector<16xf32>
        %parallel_loop3A_432 = vector.shape_cast %reshape3A_125 : vector<16x1xi32> to vector<16xi32>
        %parallel_loop3A_433 = tpu.dynamic_gather %parallel_loop3A_431[%parallel_loop3A_432] in [0] : vector<16xf32>, vector<16xi32> -> vector<16xf32>
        %parallel_loop3A_434 = arith.addf %parallel_loop3A_431, %parallel_loop3A_433 : vector<16xf32>
        %parallel_loop3A_435 = vector.shape_cast %reshape3A_129 : vector<16x1xi32> to vector<16xi32>
        %parallel_loop3A_436 = tpu.dynamic_gather %parallel_loop3A_434[%parallel_loop3A_435] in [0] : vector<16xf32>, vector<16xi32> -> vector<16xf32>
        %parallel_loop3A_437 = arith.addf %parallel_loop3A_434, %parallel_loop3A_436 : vector<16xf32>
        %parallel_loop3A_438 = math.exp %parallel_loop3A_437 : vector<16xf32>
        %parallel_loop3A_439 = arith.mulf %parallel_loop3A_438, %select_n3A_67 : vector<16xf32>
        %parallel_loop3A_440 = arith.addf %parallel_loop3A_419, %parallel_loop3A_439 : vector<16xf32>
        %parallel_loop3A_441 = arith.mulf %parallel_loop3A_284, %parallel_loop3A_438 : vector<16xf32>
        %parallel_loop3A_442 = arith.index_cast %parallel_loop3A_274 : i32 to index
        %parallel_loop3A_443 = arith.constant 16 : index
        %parallel_loop3A_444 = tpu.vector_load %arg10[%parallel_loop3A_442, %parallel_loop3A_443] {strides = array<i32>} : memref<56x144xf32, #tpu.memory_space<vmem>>, vector<1x16xf32>,
        %parallel_loop3A_445 = vector.shape_cast %parallel_loop3A_444 : vector<1x16xf32> to vector<16xf32>
        %parallel_loop3A_446 = vector.shape_cast %parallel_loop3A_441 : vector<16xf32> to vector<1x16xf32>
        tpu.vector_store %arg10[%parallel_loop3A_442, %parallel_loop3A_443], %parallel_loop3A_446 {strides = array<i32>} : memref<56x144xf32, #tpu.memory_space<vmem>>, vector<1x16xf32>,
        %parallel_loop3A_447 = vector.shape_cast %reshape3A : vector<16x1xi32> to vector<16xi32>
        %parallel_loop3A_448 = tpu.dynamic_gather %parallel_loop3A_372[%parallel_loop3A_447] in [0] : vector<16xf32>, vector<16xi32> -> vector<16xf32>
        %parallel_loop3A_449 = arith.addf %parallel_loop3A_372, %parallel_loop3A_448 : vector<16xf32>
        %parallel_loop3A_450 = vector.shape_cast %reshape3A_121 : vector<16x1xi32> to vector<16xi32>
        %parallel_loop3A_451 = tpu.dynamic_gather %parallel_loop3A_449[%parallel_loop3A_450] in [0] : vector<16xf32>, vector<16xi32> -> vector<16xf32>
        %parallel_loop3A_452 = arith.addf %parallel_loop3A_449, %parallel_loop3A_451 : vector<16xf32>
        %parallel_loop3A_453 = vector.shape_cast %reshape3A_125 : vector<16x1xi32> to vector<16xi32>
        %parallel_loop3A_454 = tpu.dynamic_gather %parallel_loop3A_452[%parallel_loop3A_453] in [0] : vector<16xf32>, vector<16xi32> -> vector<16xf32>
        %parallel_loop3A_455 = arith.addf %parallel_loop3A_452, %parallel_loop3A_454 : vector<16xf32>
        %parallel_loop3A_456 = vector.shape_cast %reshape3A_129 : vector<16x1xi32> to vector<16xi32>
        %parallel_loop3A_457 = tpu.dynamic_gather %parallel_loop3A_455[%parallel_loop3A_456] in [0] : vector<16xf32>, vector<16xi32> -> vector<16xf32>
        %parallel_loop3A_458 = arith.addf %parallel_loop3A_455, %parallel_loop3A_457 : vector<16xf32>
        %parallel_loop3A_459 = math.exp %parallel_loop3A_458 : vector<16xf32>
        %parallel_loop3A_460 = arith.mulf %parallel_loop3A_459, %select_n3A_75 : vector<16xf32>
        %parallel_loop3A_461 = arith.addf %parallel_loop3A_440, %parallel_loop3A_460 : vector<16xf32>
        %parallel_loop3A_462 = arith.mulf %parallel_loop3A_289, %parallel_loop3A_459 : vector<16xf32>
        %parallel_loop3A_463 = arith.index_cast %parallel_loop3A_274 : i32 to index
        %parallel_loop3A_464 = arith.constant 32 : index
        %parallel_loop3A_465 = tpu.vector_load %arg10[%parallel_loop3A_463, %parallel_loop3A_464] {strides = array<i32>} : memref<56x144xf32, #tpu.memory_space<vmem>>, vector<1x16xf32>,
        %parallel_loop3A_466 = vector.shape_cast %parallel_loop3A_465 : vector<1x16xf32> to vector<16xf32>
        %parallel_loop3A_467 = vector.shape_cast %parallel_loop3A_462 : vector<16xf32> to vector<1x16xf32>
        tpu.vector_store %arg10[%parallel_loop3A_463, %parallel_loop3A_464], %parallel_loop3A_467 {strides = array<i32>} : memref<56x144xf32, #tpu.memory_space<vmem>>, vector<1x16xf32>,
        %parallel_loop3A_468 = vector.shape_cast %reshape3A : vector<16x1xi32> to vector<16xi32>
        %parallel_loop3A_469 = tpu.dynamic_gather %parallel_loop3A_378[%parallel_loop3A_468] in [0] : vector<16xf32>, vector<16xi32> -> vector<16xf32>
        %parallel_loop3A_470 = arith.addf %parallel_loop3A_378, %parallel_loop3A_469 : vector<16xf32>
        %parallel_loop3A_471 = vector.shape_cast %reshape3A_121 : vector<16x1xi32> to vector<16xi32>
        %parallel_loop3A_472 = tpu.dynamic_gather %parallel_loop3A_470[%parallel_loop3A_471] in [0] : vector<16xf32>, vector<16xi32> -> vector<16xf32>
        %parallel_loop3A_473 = arith.addf %parallel_loop3A_470, %parallel_loop3A_472 : vector<16xf32>
        %parallel_loop3A_474 = vector.shape_cast %reshape3A_125 : vector<16x1xi32> to vector<16xi32>
        %parallel_loop3A_475 = tpu.dynamic_gather %parallel_loop3A_473[%parallel_loop3A_474] in [0] : vector<16xf32>, vector<16xi32> -> vector<16xf32>
        %parallel_loop3A_476 = arith.addf %parallel_loop3A_473, %parallel_loop3A_475 : vector<16xf32>
        %parallel_loop3A_477 = vector.shape_cast %reshape3A_129 : vector<16x1xi32> to vector<16xi32>
        %parallel_loop3A_478 = tpu.dynamic_gather %parallel_loop3A_476[%parallel_loop3A_477] in [0] : vector<16xf32>, vector<16xi32> -> vector<16xf32>
        %parallel_loop3A_479 = arith.addf %parallel_loop3A_476, %parallel_loop3A_478 : vector<16xf32>
        %parallel_loop3A_480 = math.exp %parallel_loop3A_479 : vector<16xf32>
        %parallel_loop3A_481 = arith.mulf %parallel_loop3A_480, %select_n3A_83 : vector<16xf32>
        %parallel_loop3A_482 = arith.addf %parallel_loop3A_461, %parallel_loop3A_481 : vector<16xf32>
        %parallel_loop3A_483 = arith.mulf %parallel_loop3A_294, %parallel_loop3A_480 : vector<16xf32>
        %parallel_loop3A_484 = arith.index_cast %parallel_loop3A_274 : i32 to index
        %parallel_loop3A_485 = arith.constant 48 : index
        %parallel_loop3A_486 = tpu.vector_load %arg10[%parallel_loop3A_484, %parallel_loop3A_485] {strides = array<i32>} : memref<56x144xf32, #tpu.memory_space<vmem>>, vector<1x16xf32>,
        %parallel_loop3A_487 = vector.shape_cast %parallel_loop3A_486 : vector<1x16xf32> to vector<16xf32>
        %parallel_loop3A_488 = vector.shape_cast %parallel_loop3A_483 : vector<16xf32> to vector<1x16xf32>
        tpu.vector_store %arg10[%parallel_loop3A_484, %parallel_loop3A_485], %parallel_loop3A_488 {strides = array<i32>} : memref<56x144xf32, #tpu.memory_space<vmem>>, vector<1x16xf32>,
        %parallel_loop3A_489 = vector.shape_cast %reshape3A : vector<16x1xi32> to vector<16xi32>
        %parallel_loop3A_490 = tpu.dynamic_gather %parallel_loop3A_384[%parallel_loop3A_489] in [0] : vector<16xf32>, vector<16xi32> -> vector<16xf32>
        %parallel_loop3A_491 = arith.addf %parallel_loop3A_384, %parallel_loop3A_490 : vector<16xf32>
        %parallel_loop3A_492 = vector.shape_cast %reshape3A_121 : vector<16x1xi32> to vector<16xi32>
        %parallel_loop3A_493 = tpu.dynamic_gather %parallel_loop3A_491[%parallel_loop3A_492] in [0] : vector<16xf32>, vector<16xi32> -> vector<16xf32>
        %parallel_loop3A_494 = arith.addf %parallel_loop3A_491, %parallel_loop3A_493 : vector<16xf32>
        %parallel_loop3A_495 = vector.shape_cast %reshape3A_125 : vector<16x1xi32> to vector<16xi32>
        %parallel_loop3A_496 = tpu.dynamic_gather %parallel_loop3A_494[%parallel_loop3A_495] in [0] : vector<16xf32>, vector<16xi32> -> vector<16xf32>
        %parallel_loop3A_497 = arith.addf %parallel_loop3A_494, %parallel_loop3A_496 : vector<16xf32>
        %parallel_loop3A_498 = vector.shape_cast %reshape3A_129 : vector<16x1xi32> to vector<16xi32>
        %parallel_loop3A_499 = tpu.dynamic_gather %parallel_loop3A_497[%parallel_loop3A_498] in [0] : vector<16xf32>, vector<16xi32> -> vector<16xf32>
        %parallel_loop3A_500 = arith.addf %parallel_loop3A_497, %parallel_loop3A_499 : vector<16xf32>
        %parallel_loop3A_501 = math.exp %parallel_loop3A_500 : vector<16xf32>
        %parallel_loop3A_502 = arith.mulf %parallel_loop3A_501, %select_n3A_91 : vector<16xf32>
        %parallel_loop3A_503 = arith.addf %parallel_loop3A_482, %parallel_loop3A_502 : vector<16xf32>
        %parallel_loop3A_504 = arith.mulf %parallel_loop3A_299, %parallel_loop3A_501 : vector<16xf32>
        %parallel_loop3A_505 = arith.index_cast %parallel_loop3A_274 : i32 to index
        %parallel_loop3A_506 = arith.constant 64 : index
        %parallel_loop3A_507 = tpu.vector_load %arg10[%parallel_loop3A_505, %parallel_loop3A_506] {strides = array<i32>} : memref<56x144xf32, #tpu.memory_space<vmem>>, vector<1x16xf32>,
        %parallel_loop3A_508 = vector.shape_cast %parallel_loop3A_507 : vector<1x16xf32> to vector<16xf32>
        %parallel_loop3A_509 = vector.shape_cast %parallel_loop3A_504 : vector<16xf32> to vector<1x16xf32>
        tpu.vector_store %arg10[%parallel_loop3A_505, %parallel_loop3A_506], %parallel_loop3A_509 {strides = array<i32>} : memref<56x144xf32, #tpu.memory_space<vmem>>, vector<1x16xf32>,
        %parallel_loop3A_510 = vector.shape_cast %reshape3A : vector<16x1xi32> to vector<16xi32>
        %parallel_loop3A_511 = tpu.dynamic_gather %parallel_loop3A_390[%parallel_loop3A_510] in [0] : vector<16xf32>, vector<16xi32> -> vector<16xf32>
        %parallel_loop3A_512 = arith.addf %parallel_loop3A_390, %parallel_loop3A_511 : vector<16xf32>
        %parallel_loop3A_513 = vector.shape_cast %reshape3A_121 : vector<16x1xi32> to vector<16xi32>
        %parallel_loop3A_514 = tpu.dynamic_gather %parallel_loop3A_512[%parallel_loop3A_513] in [0] : vector<16xf32>, vector<16xi32> -> vector<16xf32>
        %parallel_loop3A_515 = arith.addf %parallel_loop3A_512, %parallel_loop3A_514 : vector<16xf32>
        %parallel_loop3A_516 = vector.shape_cast %reshape3A_125 : vector<16x1xi32> to vector<16xi32>
        %parallel_loop3A_517 = tpu.dynamic_gather %parallel_loop3A_515[%parallel_loop3A_516] in [0] : vector<16xf32>, vector<16xi32> -> vector<16xf32>
        %parallel_loop3A_518 = arith.addf %parallel_loop3A_515, %parallel_loop3A_517 : vector<16xf32>
        %parallel_loop3A_519 = vector.shape_cast %reshape3A_129 : vector<16x1xi32> to vector<16xi32>
        %parallel_loop3A_520 = tpu.dynamic_gather %parallel_loop3A_518[%parallel_loop3A_519] in [0] : vector<16xf32>, vector<16xi32> -> vector<16xf32>
        %parallel_loop3A_521 = arith.addf %parallel_loop3A_518, %parallel_loop3A_520 : vector<16xf32>
        %parallel_loop3A_522 = math.exp %parallel_loop3A_521 : vector<16xf32>
        %parallel_loop3A_523 = arith.mulf %parallel_loop3A_522, %select_n3A_99 : vector<16xf32>
        %parallel_loop3A_524 = arith.addf %parallel_loop3A_503, %parallel_loop3A_523 : vector<16xf32>
        %parallel_loop3A_525 = arith.mulf %parallel_loop3A_304, %parallel_loop3A_522 : vector<16xf32>
        %parallel_loop3A_526 = arith.index_cast %parallel_loop3A_274 : i32 to index
        %parallel_loop3A_527 = arith.constant 80 : index
        %parallel_loop3A_528 = tpu.vector_load %arg10[%parallel_loop3A_526, %parallel_loop3A_527] {strides = array<i32>} : memref<56x144xf32, #tpu.memory_space<vmem>>, vector<1x16xf32>,
        %parallel_loop3A_529 = vector.shape_cast %parallel_loop3A_528 : vector<1x16xf32> to vector<16xf32>
        %parallel_loop3A_530 = vector.shape_cast %parallel_loop3A_525 : vector<16xf32> to vector<1x16xf32>
        tpu.vector_store %arg10[%parallel_loop3A_526, %parallel_loop3A_527], %parallel_loop3A_530 {strides = array<i32>} : memref<56x144xf32, #tpu.memory_space<vmem>>, vector<1x16xf32>,
        %parallel_loop3A_531 = vector.shape_cast %reshape3A : vector<16x1xi32> to vector<16xi32>
        %parallel_loop3A_532 = tpu.dynamic_gather %parallel_loop3A_396[%parallel_loop3A_531] in [0] : vector<16xf32>, vector<16xi32> -> vector<16xf32>
        %parallel_loop3A_533 = arith.addf %parallel_loop3A_396, %parallel_loop3A_532 : vector<16xf32>
        %parallel_loop3A_534 = vector.shape_cast %reshape3A_121 : vector<16x1xi32> to vector<16xi32>
        %parallel_loop3A_535 = tpu.dynamic_gather %parallel_loop3A_533[%parallel_loop3A_534] in [0] : vector<16xf32>, vector<16xi32> -> vector<16xf32>
        %parallel_loop3A_536 = arith.addf %parallel_loop3A_533, %parallel_loop3A_535 : vector<16xf32>
        %parallel_loop3A_537 = vector.shape_cast %reshape3A_125 : vector<16x1xi32> to vector<16xi32>
        %parallel_loop3A_538 = tpu.dynamic_gather %parallel_loop3A_536[%parallel_loop3A_537] in [0] : vector<16xf32>, vector<16xi32> -> vector<16xf32>
        %parallel_loop3A_539 = arith.addf %parallel_loop3A_536, %parallel_loop3A_538 : vector<16xf32>
        %parallel_loop3A_540 = vector.shape_cast %reshape3A_129 : vector<16x1xi32> to vector<16xi32>
        %parallel_loop3A_541 = tpu.dynamic_gather %parallel_loop3A_539[%parallel_loop3A_540] in [0] : vector<16xf32>, vector<16xi32> -> vector<16xf32>
        %parallel_loop3A_542 = arith.addf %parallel_loop3A_539, %parallel_loop3A_541 : vector<16xf32>
        %parallel_loop3A_543 = math.exp %parallel_loop3A_542 : vector<16xf32>
        %parallel_loop3A_544 = arith.mulf %parallel_loop3A_543, %select_n3A_107 : vector<16xf32>
        %parallel_loop3A_545 = arith.addf %parallel_loop3A_524, %parallel_loop3A_544 : vector<16xf32>
        %parallel_loop3A_546 = arith.mulf %parallel_loop3A_309, %parallel_loop3A_543 : vector<16xf32>
        %parallel_loop3A_547 = arith.index_cast %parallel_loop3A_274 : i32 to index
        %parallel_loop3A_548 = arith.constant 96 : index
        %parallel_loop3A_549 = tpu.vector_load %arg10[%parallel_loop3A_547, %parallel_loop3A_548] {strides = array<i32>} : memref<56x144xf32, #tpu.memory_space<vmem>>, vector<1x16xf32>,
        %parallel_loop3A_550 = vector.shape_cast %parallel_loop3A_549 : vector<1x16xf32> to vector<16xf32>
        %parallel_loop3A_551 = vector.shape_cast %parallel_loop3A_546 : vector<16xf32> to vector<1x16xf32>
        tpu.vector_store %arg10[%parallel_loop3A_547, %parallel_loop3A_548], %parallel_loop3A_551 {strides = array<i32>} : memref<56x144xf32, #tpu.memory_space<vmem>>, vector<1x16xf32>,
        %parallel_loop3A_552 = vector.shape_cast %reshape3A : vector<16x1xi32> to vector<16xi32>
        %parallel_loop3A_553 = tpu.dynamic_gather %parallel_loop3A_402[%parallel_loop3A_552] in [0] : vector<16xf32>, vector<16xi32> -> vector<16xf32>
        %parallel_loop3A_554 = arith.addf %parallel_loop3A_402, %parallel_loop3A_553 : vector<16xf32>
        %parallel_loop3A_555 = vector.shape_cast %reshape3A_121 : vector<16x1xi32> to vector<16xi32>
        %parallel_loop3A_556 = tpu.dynamic_gather %parallel_loop3A_554[%parallel_loop3A_555] in [0] : vector<16xf32>, vector<16xi32> -> vector<16xf32>
        %parallel_loop3A_557 = arith.addf %parallel_loop3A_554, %parallel_loop3A_556 : vector<16xf32>
        %parallel_loop3A_558 = vector.shape_cast %reshape3A_125 : vector<16x1xi32> to vector<16xi32>
        %parallel_loop3A_559 = tpu.dynamic_gather %parallel_loop3A_557[%parallel_loop3A_558] in [0] : vector<16xf32>, vector<16xi32> -> vector<16xf32>
        %parallel_loop3A_560 = arith.addf %parallel_loop3A_557, %parallel_loop3A_559 : vector<16xf32>
        %parallel_loop3A_561 = vector.shape_cast %reshape3A_129 : vector<16x1xi32> to vector<16xi32>
        %parallel_loop3A_562 = tpu.dynamic_gather %parallel_loop3A_560[%parallel_loop3A_561] in [0] : vector<16xf32>, vector<16xi32> -> vector<16xf32>
        %parallel_loop3A_563 = arith.addf %parallel_loop3A_560, %parallel_loop3A_562 : vector<16xf32>
        %parallel_loop3A_564 = math.exp %parallel_loop3A_563 : vector<16xf32>
        %parallel_loop3A_565 = arith.mulf %parallel_loop3A_564, %select_n3A_115 : vector<16xf32>
        %parallel_loop3A_566 = arith.addf %parallel_loop3A_545, %parallel_loop3A_565 : vector<16xf32>
        %parallel_loop3A_567 = arith.mulf %parallel_loop3A_314, %parallel_loop3A_564 : vector<16xf32>
        %parallel_loop3A_568 = arith.index_cast %parallel_loop3A_274 : i32 to index
        %parallel_loop3A_569 = arith.constant 112 : index
        %parallel_loop3A_570 = tpu.vector_load %arg10[%parallel_loop3A_568, %parallel_loop3A_569] {strides = array<i32>} : memref<56x144xf32, #tpu.memory_space<vmem>>, vector<1x16xf32>,
        %parallel_loop3A_571 = vector.shape_cast %parallel_loop3A_570 : vector<1x16xf32> to vector<16xf32>
        %parallel_loop3A_572 = vector.shape_cast %parallel_loop3A_567 : vector<16xf32> to vector<1x16xf32>
        tpu.vector_store %arg10[%parallel_loop3A_568, %parallel_loop3A_569], %parallel_loop3A_572 {strides = array<i32>} : memref<56x144xf32, #tpu.memory_space<vmem>>, vector<1x16xf32>,
        %parallel_loop3A_573 = arith.index_cast %parallel_loop3A_274 : i32 to index
        %parallel_loop3A_574 = arith.constant 128 : index
        %parallel_loop3A_575 = tpu.vector_load %arg10[%parallel_loop3A_573, %parallel_loop3A_574] {strides = array<i32>} : memref<56x144xf32, #tpu.memory_space<vmem>>, vector<1x16xf32>,
        %parallel_loop3A_576 = vector.shape_cast %parallel_loop3A_575 : vector<1x16xf32> to vector<16xf32>
        %parallel_loop3A_577 = vector.shape_cast %parallel_loop3A_566 : vector<16xf32> to vector<1x16xf32>
        tpu.vector_store %arg10[%parallel_loop3A_573, %parallel_loop3A_574], %parallel_loop3A_577 {strides = array<i32>} : memref<56x144xf32, #tpu.memory_space<vmem>>, vector<1x16xf32>,
      } {sc.loop_unroll_factor = 4 : i64, sc.parallel_access}
      %rem3A_271 = arith.constant 3 : i32
      %rem3A_272 = arith.remsi %scan3A_225, %rem3A_271 : i32
      %run_scoped3A_273 = arith.constant 1 : i32
      "tpu.region"() ({
        %run_scoped3A_274 = tpu.sem_alloc : memref<!tpu.dma_semaphore, #tpu.memory_space<semaphore_mem>>
        %dma_start3A_275 = arith.constant 0 : i32
        %dma_start3A_276 = tpu.memref_slice %arg7[%rem3A_272, %run_scoped3A_273, %dma_start3A_275] : memref<3x2x56xi32, #tpu.memory_space<vmem>> -> memref<1x1x56xi32, #tpu.memory_space<vmem>>
        %dma_start3A_277 = tpu.memref_squeeze %dma_start3A_276 : memref<1x1x56xi32, #tpu.memory_space<vmem>> -> memref<56xi32, #tpu.memory_space<vmem>>
        %dma_start3A_278 = arith.constant 0 : i32
        %dma_start3A_279 = arith.constant 0 : i32
        %dma_start3A_280 = tpu.memref_slice %arg12[%dma_start3A_278, %dma_start3A_279] : memref<10016x144xf32, #tpu.memory_space<vmem_shared>> -> memref<10016x144xf32, #tpu.memory_space<vmem_shared>>
        tpu.enqueue_indirect_dma source(%arg10 : memref<56x144xf32, #tpu.memory_space<vmem>>) target(%dma_start3A_280 : memref<10016x144xf32, #tpu.memory_space<vmem_shared>>) offsets(%dma_start3A_277 : memref<56xi32, #tpu.memory_space<vmem>>) semaphore(%run_scoped3A_274 : memref<!tpu.dma_semaphore, #tpu.memory_space<semaphore_mem>>) {add = true}
        %dma_wait3A_281 = arith.constant 0 : i32
        %dma_wait3A_282 = tpu.memref_slice %arg7[%rem3A_272, %run_scoped3A_273, %dma_wait3A_281] : memref<3x2x56xi32, #tpu.memory_space<vmem>> -> memref<1x1x56xi32, #tpu.memory_space<vmem>>
        %dma_wait3A_283 = tpu.memref_squeeze %dma_wait3A_282 : memref<1x1x56xi32, #tpu.memory_space<vmem>> -> memref<56xi32, #tpu.memory_space<vmem>>
        %dma_wait3A_284 = arith.constant 0 : i32
        %dma_wait3A_285 = arith.constant 0 : i32
        %dma_wait3A_286 = tpu.memref_slice %arg12[%dma_wait3A_284, %dma_wait3A_285] : memref<10016x144xf32, #tpu.memory_space<vmem_shared>> -> memref<10016x144xf32, #tpu.memory_space<vmem_shared>>
        tpu.wait_indirect_dma semaphore(%run_scoped3A_274 : memref<!tpu.dma_semaphore, #tpu.memory_space<semaphore_mem>>) src(%arg10 : memref<56x144xf32, #tpu.memory_space<vmem>>) dst(%dma_wait3A_286 : memref<10016x144xf32, #tpu.memory_space<vmem_shared>>)
        tpu.yield
      }) : () -> ()
    }
    %scan3A_221 = arith.constant 186 : i32
    %barrier3A_222 = arith.constant 0 : index
    tpu.barrier barrier_id(%barrier3A_222)
    %mul3A_223 = arith.constant 625 : i32
    %mul3A_224 = arith.muli %arg1, %mul3A_223 : i32
    "tpu.region"() ({
      %run_scoped3A_225 = tpu.sem_alloc : memref<!tpu.dma_semaphore, #tpu.memory_space<semaphore_mem>>
      %dma_start3A_226 = arith.constant 0 : i32
      %dma_start3A_227 = tpu.memref_slice %arg6[%arg0, %mul3A_224, %dma_start3A_226] : memref<2x10240x144xf32, #tpu.memory_space<hbm>> -> memref<1x625x144xf32, #tpu.memory_space<hbm>>
      %dma_start3A_228 = tpu.memref_squeeze %dma_start3A_227 : memref<1x625x144xf32, #tpu.memory_space<hbm>> -> memref<625x144xf32, #tpu.memory_space<hbm>>
      %dma_start3A_229 = arith.constant 0 : i32
      %dma_start3A_230 = tpu.memref_slice %arg12[%mul3A_224, %dma_start3A_229] : memref<10016x144xf32, #tpu.memory_space<vmem_shared>> -> memref<625x144xf32, #tpu.memory_space<vmem_shared>>
      tpu.enqueue_dma source(%dma_start3A_230 : memref<625x144xf32, #tpu.memory_space<vmem_shared>>) target(%dma_start3A_228 : memref<625x144xf32, #tpu.memory_space<hbm>>) target_semaphore(%run_scoped3A_225 : memref<!tpu.dma_semaphore, #tpu.memory_space<semaphore_mem>>)
      %dma_wait3A = arith.constant 0 : i32
      %dma_wait3A_231 = tpu.memref_slice %arg6[%arg0, %mul3A_224, %dma_wait3A] : memref<2x10240x144xf32, #tpu.memory_space<hbm>> -> memref<1x625x144xf32, #tpu.memory_space<hbm>>
      %dma_wait3A_232 = tpu.memref_squeeze %dma_wait3A_231 : memref<1x625x144xf32, #tpu.memory_space<hbm>> -> memref<625x144xf32, #tpu.memory_space<hbm>>
      %dma_wait3A_233 = arith.constant 0 : i32
      %dma_wait3A_234 = tpu.memref_slice %arg12[%mul3A_224, %dma_wait3A_233] : memref<10016x144xf32, #tpu.memory_space<vmem_shared>> -> memref<625x144xf32, #tpu.memory_space<vmem_shared>>
      tpu.wait_dma2 semaphore(%run_scoped3A_225 : memref<!tpu.dma_semaphore, #tpu.memory_space<semaphore_mem>>) src(%dma_wait3A_234 : memref<625x144xf32, #tpu.memory_space<vmem_shared>>) dst(%dma_wait3A_232 : memref<625x144xf32, #tpu.memory_space<hbm>>)
      tpu.yield
    }) : () -> ()
    return
  }
}

module attributes {stable_mosaic.version = 14 : i64} {
  func.func @_mm2_body(%arg0: i32, %arg1: memref<512x128xf32, #tpu.memory_space<vmem>>, %arg2: memref<128x128xf32, #tpu.memory_space<vmem>>, %arg3: memref<128x128xf32, #tpu.memory_space<vmem>>, %arg4: memref<512x128xf32, #tpu.memory_space<vmem>>, %arg5: memref<512x128xf32, #tpu.memory_space<vmem>>) attributes {dimension_semantics = [#tpu.dimension_semantics<arbitrary>], iteration_bounds = array<i64: 20>, scalar_prefetch = 0 : i64, scratch_operands = 0 : i64, tpu.core_type = #tpu.core_type<tc>, window_params = [{transform_indices = @transform_0, window_bounds = array<i64: 512, 128>}, {pipeline_mode = #tpu.pipeline_mode<synchronous>, transform_indices = @transform_1, window_bounds = array<i64: 128, 128>}, {pipeline_mode = #tpu.pipeline_mode<synchronous>, transform_indices = @transform_2, window_bounds = array<i64: 128, 128>}, {transform_indices = @transform_3, window_bounds = array<i64: 512, 128>}, {transform_indices = @transform_4, window_bounds = array<i64: 512, 128>}]} {
    %get3A = arith.constant 0 : index
    %get3A_0 = arith.constant 0 : index
    %get3A_1 = vector.load %arg1[%get3A, %get3A_0] : memref<512x128xf32, #tpu.memory_space<vmem>>, vector<512x128xf32>
    %get3A_2 = arith.constant 0 : index
    %get3A_3 = arith.constant 0 : index
    %get3A_4 = vector.load %arg2[%get3A_2, %get3A_3] : memref<128x128xf32, #tpu.memory_space<vmem>>, vector<128x128xf32>
    %dot_general3A = arith.constant dense<0.000000e+00> : vector<512x128xf32>
    %dot_general3A_5 = tpu.matmul %get3A_1, %get3A_4, %dot_general3A {dimension_numbers = #tpu.dot_dimension_numbers<[1], [0], [0], [1], [0, 0, 1, 1], [], []>, transpose_lhs_hint = false} : vector<512x128xf32>, vector<128x128xf32>, vector<512x128xf32> -> vector<512x128xf32>
    %swap3A = arith.constant 0 : index
    %swap3A_6 = arith.constant 0 : index
    %swap3A_7 = vector.load %arg4[%swap3A, %swap3A_6] : memref<512x128xf32, #tpu.memory_space<vmem>>, vector<512x128xf32>
    tpu.vector_store %arg4[%swap3A, %swap3A_6], %dot_general3A_5 {strides = array<i32>} : memref<512x128xf32, #tpu.memory_space<vmem>>, vector<512x128xf32>,
    %get3A_8 = arith.constant 0 : index
    %get3A_9 = arith.constant 0 : index
    %get3A_10 = vector.load %arg3[%get3A_8, %get3A_9] : memref<128x128xf32, #tpu.memory_space<vmem>>, vector<128x128xf32>
    %dot_general3A_11 = arith.constant dense<0.000000e+00> : vector<512x128xf32>
    %dot_general3A_12 = tpu.matmul %get3A_1, %get3A_10, %dot_general3A_11 {dimension_numbers = #tpu.dot_dimension_numbers<[1], [0], [0], [1], [0, 0, 1, 1], [], []>, transpose_lhs_hint = false} : vector<512x128xf32>, vector<128x128xf32>, vector<512x128xf32> -> vector<512x128xf32>
    %swap3A_13 = arith.constant 0 : index
    %swap3A_14 = arith.constant 0 : index
    %swap3A_15 = vector.load %arg5[%swap3A_13, %swap3A_14] : memref<512x128xf32, #tpu.memory_space<vmem>>, vector<512x128xf32>
    tpu.vector_store %arg5[%swap3A_13, %swap3A_14], %dot_general3A_12 {strides = array<i32>} : memref<512x128xf32, #tpu.memory_space<vmem>>, vector<512x128xf32>,
    return
  }
  func.func @transform_0(%arg0: i32) -> (i32, i32) {
    %c0_i32 = arith.constant 0 : i32
    %c0_i32_0 = arith.constant 0 : i32
    return %arg0, %c0_i32 : i32, i32
  }
  func.func @transform_1(%arg0: i32) -> (i32, i32) {
    %c0_i32 = arith.constant 0 : i32
    %c0_i32_0 = arith.constant 0 : i32
    %c0_i32_1 = arith.constant 0 : i32
    return %c0_i32, %c0_i32_0 : i32, i32
  }
  func.func @transform_2(%arg0: i32) -> (i32, i32) {
    %c0_i32 = arith.constant 0 : i32
    %c0_i32_0 = arith.constant 0 : i32
    %c0_i32_1 = arith.constant 0 : i32
    return %c0_i32, %c0_i32_0 : i32, i32
  }
  func.func @transform_3(%arg0: i32) -> (i32, i32) {
    %c0_i32 = arith.constant 0 : i32
    %c0_i32_0 = arith.constant 0 : i32
    return %arg0, %c0_i32 : i32, i32
  }
  func.func @transform_4(%arg0: i32) -> (i32, i32) {
    %c0_i32 = arith.constant 0 : i32
    %c0_i32_0 = arith.constant 0 : i32
    return %arg0, %c0_i32 : i32, i32
  }
}

module attributes {stable_mosaic.version = 14 : i64} {
  func.func @_combine_mm_body(%arg0: i32, %arg1: memref<512x144xf32, #tpu.memory_space<vmem>>, %arg2: memref<512x144xf32, #tpu.memory_space<vmem>>, %arg3: memref<1x128xf32, #tpu.memory_space<vmem>>, %arg4: memref<128x128xf32, #tpu.memory_space<vmem>>, %arg5: memref<128x128xf32, #tpu.memory_space<vmem>>, %arg6: memref<512x128xf32, #tpu.memory_space<vmem>>, %arg7: memref<512x128xf32, #tpu.memory_space<vmem>>) attributes {dimension_semantics = [#tpu.dimension_semantics<arbitrary>], iteration_bounds = array<i64: 20>, scalar_prefetch = 0 : i64, scratch_operands = 0 : i64, tpu.core_type = #tpu.core_type<tc>, window_params = [{transform_indices = @transform_0, window_bounds = array<i64: 512, 144>}, {transform_indices = @transform_1, window_bounds = array<i64: 512, 144>}, {pipeline_mode = #tpu.pipeline_mode<synchronous>, transform_indices = @transform_2, window_bounds = array<i64: 1, 128>}, {pipeline_mode = #tpu.pipeline_mode<synchronous>, transform_indices = @transform_3, window_bounds = array<i64: 128, 128>}, {pipeline_mode = #tpu.pipeline_mode<synchronous>, transform_indices = @transform_4, window_bounds = array<i64: 128, 128>}, {transform_indices = @transform_5, window_bounds = array<i64: 512, 128>}, {transform_indices = @transform_6, window_bounds = array<i64: 512, 128>}]} {
    %get3A = arith.constant 0 : index
    %get3A_0 = arith.constant 0 : index
    %get3A_1 = vector.load %arg1[%get3A, %get3A_0] : memref<512x144xf32, #tpu.memory_space<vmem>>, vector<512x144xf32>
    %get3A_2 = arith.constant 0 : index
    %get3A_3 = arith.constant 0 : index
    %get3A_4 = vector.load %arg2[%get3A_2, %get3A_3] : memref<512x144xf32, #tpu.memory_space<vmem>>, vector<512x144xf32>
    %add3A = arith.addf %get3A_1, %get3A_4 : vector<512x144xf32>
    %slice3A = vector.extract_strided_slice %add3A {offsets = [0, 0], sizes = [512, 128], strides = [1, 1]} : vector<512x144xf32> to vector<512x128xf32>
    %slice3A_5 = vector.extract_strided_slice %add3A {offsets = [0, 128], sizes = [512, 8], strides = [1, 1]} : vector<512x144xf32> to vector<512x8xf32>
    %iota3A = tpu.iota {dimensions = array<i32: 1>} : vector<8x128xi32>
    %iota3A_6 = tpu.iota {dimensions = array<i32: 0>} : vector<8x128xi32>
    %jit3A = arith.constant 16 : i32
    %div3A = vector.broadcast %jit3A : i32 to vector<8x128xi32>
    %div3A_7 = arith.divsi %iota3A, %div3A : vector<8x128xi32>
    %sign3A = arith.constant 0 : i32
    %sign3A_8 = vector.broadcast %sign3A : i32 to vector<8x128xi32>
    %sign3A_9 = arith.cmpi sgt, %iota3A, %sign3A_8 : vector<8x128xi32>
    %sign3A_10 = arith.extui %sign3A_9 : vector<8x128xi1> to vector<8x128xi32>
    %sign3A_11 = arith.constant 0 : i32
    %sign3A_12 = vector.broadcast %sign3A_11 : i32 to vector<8x128xi32>
    %sign3A_13 = arith.cmpi slt, %iota3A, %sign3A_12 : vector<8x128xi32>
    %sign3A_14 = arith.extui %sign3A_13 : vector<8x128xi1> to vector<8x128xi32>
    %sign3A_15 = arith.subi %sign3A_10, %sign3A_14 : vector<8x128xi32>
    %sign3A_16 = arith.constant 0 : i32
    %sign3A_17 = arith.cmpi sgt, %jit3A, %sign3A_16 : i32
    %sign3A_18 = arith.extui %sign3A_17 : i1 to i32
    %sign3A_19 = arith.constant 0 : i32
    %sign3A_20 = arith.cmpi slt, %jit3A, %sign3A_19 : i32
    %sign3A_21 = arith.extui %sign3A_20 : i1 to i32
    %sign3A_22 = arith.subi %sign3A_18, %sign3A_21 : i32
    %ne3A = vector.broadcast %sign3A_22 : i32 to vector<8x128xi32>
    %ne3A_23 = arith.cmpi ne, %sign3A_15, %ne3A : vector<8x128xi32>
    %rem3A = vector.broadcast %jit3A : i32 to vector<8x128xi32>
    %rem3A_24 = arith.remsi %iota3A, %rem3A : vector<8x128xi32>
    %ne3A_25 = arith.constant 0 : i32
    %ne3A_26 = vector.broadcast %ne3A_25 : i32 to vector<8x128xi32>
    %ne3A_27 = arith.cmpi ne, %rem3A_24, %ne3A_26 : vector<8x128xi32>
    %and3A = arith.andi %ne3A_23, %ne3A_27 : vector<8x128xi1>
    %sub3A = arith.constant 1 : i32
    %sub3A_28 = vector.broadcast %sub3A : i32 to vector<8x128xi32>
    %sub3A_29 = arith.subi %div3A_7, %sub3A_28 : vector<8x128xi32>
    %select_n3A = arith.select %and3A, %sub3A_29, %div3A_7 : vector<8x128xi1>, vector<8x128xi32>
    %eq3A = arith.cmpi eq, %select_n3A, %iota3A_6 : vector<8x128xi32>
    %jit3A_30 = arith.constant 1.000000e+00 : f32
    %jit3A_31 = arith.constant 0.000000e+00 : f32
    %broadcast_in_dim3A = vector.broadcast %jit3A_30 : f32 to vector<8x128xf32>
    %broadcast_in_dim3A_32 = vector.broadcast %jit3A_31 : f32 to vector<8x128xf32>
    %select_n3A_33 = arith.select %eq3A, %broadcast_in_dim3A, %broadcast_in_dim3A_32 : vector<8x128xi1>, vector<8x128xf32>
    %dot_general3A = arith.constant dense<0.000000e+00> : vector<512x128xf32>
    %dot_general3A_34 = tpu.matmul %slice3A_5, %select_n3A_33, %dot_general3A {dimension_numbers = #tpu.dot_dimension_numbers<[1], [0], [0], [1], [0, 0, 1, 1], [], []>, transpose_lhs_hint = false} : vector<512x8xf32>, vector<8x128xf32>, vector<512x128xf32> -> vector<512x128xf32>
    %add3A_35 = arith.constant 1.000000e-16 : f32
    %add3A_36 = vector.broadcast %add3A_35 : f32 to vector<512x128xf32>
    %add3A_37 = arith.addf %dot_general3A_34, %add3A_36 : vector<512x128xf32>
    %div3A_38 = arith.divf %slice3A, %add3A_37 : vector<512x128xf32>
    %get3A_39 = arith.constant 0 : index
    %get3A_40 = arith.constant 0 : index
    %get3A_41 = vector.load %arg3[%get3A_39, %get3A_40] : memref<1x128xf32, #tpu.memory_space<vmem>>, vector<1x128xf32>
    %add3A_42 = vector.broadcast %get3A_41 : vector<1x128xf32> to vector<512x128xf32>
    %add3A_43 = arith.addf %div3A_38, %add3A_42 : vector<512x128xf32>
    %max3A = arith.constant 0.000000e+00 : f32
    %max3A_44 = vector.broadcast %max3A : f32 to vector<512x128xf32>
    %max3A_45 = arith.maximumf %add3A_43, %max3A_44 : vector<512x128xf32>
    %get3A_46 = arith.constant 0 : index
    %get3A_47 = arith.constant 0 : index
    %get3A_48 = vector.load %arg4[%get3A_46, %get3A_47] : memref<128x128xf32, #tpu.memory_space<vmem>>, vector<128x128xf32>
    %dot_general3A_49 = arith.constant dense<0.000000e+00> : vector<512x128xf32>
    %dot_general3A_50 = tpu.matmul %max3A_45, %get3A_48, %dot_general3A_49 {dimension_numbers = #tpu.dot_dimension_numbers<[1], [0], [0], [1], [0, 0, 1, 1], [], []>, transpose_lhs_hint = false} : vector<512x128xf32>, vector<128x128xf32>, vector<512x128xf32> -> vector<512x128xf32>
    %swap3A = arith.constant 0 : index
    %swap3A_51 = arith.constant 0 : index
    %swap3A_52 = vector.load %arg6[%swap3A, %swap3A_51] : memref<512x128xf32, #tpu.memory_space<vmem>>, vector<512x128xf32>
    tpu.vector_store %arg6[%swap3A, %swap3A_51], %dot_general3A_50 {strides = array<i32>} : memref<512x128xf32, #tpu.memory_space<vmem>>, vector<512x128xf32>,
    %get3A_53 = arith.constant 0 : index
    %get3A_54 = arith.constant 0 : index
    %get3A_55 = vector.load %arg5[%get3A_53, %get3A_54] : memref<128x128xf32, #tpu.memory_space<vmem>>, vector<128x128xf32>
    %dot_general3A_56 = arith.constant dense<0.000000e+00> : vector<512x128xf32>
    %dot_general3A_57 = tpu.matmul %max3A_45, %get3A_55, %dot_general3A_56 {dimension_numbers = #tpu.dot_dimension_numbers<[1], [0], [0], [1], [0, 0, 1, 1], [], []>, transpose_lhs_hint = false} : vector<512x128xf32>, vector<128x128xf32>, vector<512x128xf32> -> vector<512x128xf32>
    %swap3A_58 = arith.constant 0 : index
    %swap3A_59 = arith.constant 0 : index
    %swap3A_60 = vector.load %arg7[%swap3A_58, %swap3A_59] : memref<512x128xf32, #tpu.memory_space<vmem>>, vector<512x128xf32>
    tpu.vector_store %arg7[%swap3A_58, %swap3A_59], %dot_general3A_57 {strides = array<i32>} : memref<512x128xf32, #tpu.memory_space<vmem>>, vector<512x128xf32>,
    return
  }
  func.func @transform_0(%arg0: i32) -> (i32, i32) {
    %c0_i32 = arith.constant 0 : i32
    %c0_i32_0 = arith.constant 0 : i32
    return %arg0, %c0_i32 : i32, i32
  }
  func.func @transform_1(%arg0: i32) -> (i32, i32) {
    %c0_i32 = arith.constant 0 : i32
    %c0_i32_0 = arith.constant 0 : i32
    return %arg0, %c0_i32 : i32, i32
  }
  func.func @transform_2(%arg0: i32) -> (i32, i32) {
    %c0_i32 = arith.constant 0 : i32
    %c0_i32_0 = arith.constant 0 : i32
    %c0_i32_1 = arith.constant 0 : i32
    return %c0_i32, %c0_i32_0 : i32, i32
  }
  func.func @transform_3(%arg0: i32) -> (i32, i32) {
    %c0_i32 = arith.constant 0 : i32
    %c0_i32_0 = arith.constant 0 : i32
    %c0_i32_1 = arith.constant 0 : i32
    return %c0_i32, %c0_i32_0 : i32, i32
  }
  func.func @transform_4(%arg0: i32) -> (i32, i32) {
    %c0_i32 = arith.constant 0 : i32
    %c0_i32_0 = arith.constant 0 : i32
    %c0_i32_1 = arith.constant 0 : i32
    return %c0_i32, %c0_i32_0 : i32, i32
  }
  func.func @transform_5(%arg0: i32) -> (i32, i32) {
    %c0_i32 = arith.constant 0 : i32
    %c0_i32_0 = arith.constant 0 : i32
    return %arg0, %c0_i32 : i32, i32
  }
  func.func @transform_6(%arg0: i32) -> (i32, i32) {
    %c0_i32 = arith.constant 0 : i32
    %c0_i32_0 = arith.constant 0 : i32
    return %arg0, %c0_i32 : i32, i32
  }
}

module attributes {stable_mosaic.version = 14 : i64} {
  func.func @_final_body(%arg0: i32, %arg1: memref<512x144xf32, #tpu.memory_space<vmem>>, %arg2: memref<512x144xf32, #tpu.memory_space<vmem>>, %arg3: memref<1x128xf32, #tpu.memory_space<vmem>>, %arg4: memref<512x128xf32, #tpu.memory_space<vmem>>) attributes {dimension_semantics = [#tpu.dimension_semantics<arbitrary>], iteration_bounds = array<i64: 20>, scalar_prefetch = 0 : i64, scratch_operands = 0 : i64, tpu.core_type = #tpu.core_type<tc>, window_params = [{transform_indices = @transform_0, window_bounds = array<i64: 512, 144>}, {transform_indices = @transform_1, window_bounds = array<i64: 512, 144>}, {pipeline_mode = #tpu.pipeline_mode<synchronous>, transform_indices = @transform_2, window_bounds = array<i64: 1, 128>}, {transform_indices = @transform_3, window_bounds = array<i64: 512, 128>}]} {
    %get3A = arith.constant 0 : index
    %get3A_0 = arith.constant 0 : index
    %get3A_1 = vector.load %arg1[%get3A, %get3A_0] : memref<512x144xf32, #tpu.memory_space<vmem>>, vector<512x144xf32>
    %get3A_2 = arith.constant 0 : index
    %get3A_3 = arith.constant 0 : index
    %get3A_4 = vector.load %arg2[%get3A_2, %get3A_3] : memref<512x144xf32, #tpu.memory_space<vmem>>, vector<512x144xf32>
    %add3A = arith.addf %get3A_1, %get3A_4 : vector<512x144xf32>
    %slice3A = vector.extract_strided_slice %add3A {offsets = [0, 128], sizes = [512, 1], strides = [1, 1]} : vector<512x144xf32> to vector<512x1xf32>
    %add3A_5 = arith.constant 1.000000e-16 : f32
    %add3A_6 = vector.broadcast %add3A_5 : f32 to vector<512x1xf32>
    %add3A_7 = arith.addf %slice3A, %add3A_6 : vector<512x1xf32>
    %slice3A_8 = vector.extract_strided_slice %add3A {offsets = [0, 0], sizes = [512, 128], strides = [1, 1]} : vector<512x144xf32> to vector<512x128xf32>
    %div3A = vector.broadcast %add3A_7 : vector<512x1xf32> to vector<512x128xf32>
    %div3A_9 = arith.divf %slice3A_8, %div3A : vector<512x128xf32>
    %get3A_10 = arith.constant 0 : index
    %get3A_11 = arith.constant 0 : index
    %get3A_12 = vector.load %arg3[%get3A_10, %get3A_11] : memref<1x128xf32, #tpu.memory_space<vmem>>, vector<1x128xf32>
    %add3A_13 = vector.broadcast %get3A_12 : vector<1x128xf32> to vector<512x128xf32>
    %add3A_14 = arith.addf %div3A_9, %add3A_13 : vector<512x128xf32>
    %max3A = arith.constant 0.000000e+00 : f32
    %max3A_15 = vector.broadcast %max3A : f32 to vector<512x128xf32>
    %max3A_16 = arith.maximumf %add3A_14, %max3A_15 : vector<512x128xf32>
    %swap3A = arith.constant 0 : index
    %swap3A_17 = arith.constant 0 : index
    %swap3A_18 = vector.load %arg4[%swap3A, %swap3A_17] : memref<512x128xf32, #tpu.memory_space<vmem>>, vector<512x128xf32>
    tpu.vector_store %arg4[%swap3A, %swap3A_17], %max3A_16 {strides = array<i32>} : memref<512x128xf32, #tpu.memory_space<vmem>>, vector<512x128xf32>,
    return
  }
  func.func @transform_0(%arg0: i32) -> (i32, i32) {
    %c0_i32 = arith.constant 0 : i32
    %c0_i32_0 = arith.constant 0 : i32
    return %arg0, %c0_i32 : i32, i32
  }
  func.func @transform_1(%arg0: i32) -> (i32, i32) {
    %c0_i32 = arith.constant 0 : i32
    %c0_i32_0 = arith.constant 0 : i32
    return %arg0, %c0_i32 : i32, i32
  }
  func.func @transform_2(%arg0: i32) -> (i32, i32) {
    %c0_i32 = arith.constant 0 : i32
    %c0_i32_0 = arith.constant 0 : i32
    %c0_i32_1 = arith.constant 0 : i32
    return %c0_i32, %c0_i32_0 : i32, i32
  }
  func.func @transform_3(%arg0: i32) -> (i32, i32) {
    %c0_i32 = arith.constant 0 : i32
    %c0_i32_0 = arith.constant 0 : i32
    return %arg0, %c0_i32 : i32, i32
  }
}

</mosaic_0001>

<sc_bundles>
// kernel: kernel.10.cloned.1.call-start
scs
__scs_entry_jumppad:
0x0: {  	(pc) =	sbr.rel $0x88, $3  }
0x1: {  	(tag) =	ssettag $0x0;
	lr =	simm.s32 $0x1  }
0x2: {  	[smem:$0x3F97] =	sst lr;
	_ =	strace $0xD0000000  }
0x3: {  	_ = 	snop  }
0x4: {  	_ = 	snop  }
0x5: {  	_ = 	snop  }
0x6: {  	_ = 	snop  }
0x7: {  	_ = 	snop  }
__scs_overlays_trampoline_lowered:
0x8: {  	[smem:$0x3FA6] =	sst s0  }
0x9: {  	[smem:$0x3FA7] =	sst s1  }
0xa: {  	[smem:$0x3FA8] =	sst s2  }
0xb: {  	[smem:$0x3FA9] =	sst s3  }
0xc: {  	[smem:$0x3FAA] =	sst s4  }
0xd: {  	[smem:$0x3FAB] =	sst s5  }
0xe: {  	[smem:$0x3FAC] =	sst s6  }
0xf: {  	[smem:$0x3FAD] =	sst s7  }
0x10: {  	[smem:$0x3FAE] =	sst s8  }
0x11: {  	[smem:$0x3FAF] =	sst s9;
	s0 =	simm.s32 @!p0 $0x0  }
0x12: {  	s1 =	sld [smem:$0x3F95];
	s0 =	simm.s32 @p0 $0x1  }
0x13: {  	[smem:$0x3FB0] =	sst s0;
	s0 =	simm.s32 @!p1 $0x0  }
0x14: {  	s2 =	sld [smem:$0x3F94];
	s0 =	simm.s32 @p1 $0x1  }
0x15: {  	[smem:$0x3FB1] =	sst s0;
	s0 =	simm.s32 @!p2 $0x0  }
0x16: {  	s3 =	sld [smem:$0x3FDB];
	s0 =	simm.s32 @p2 $0x1  }
0x17: {  	s4 =	simm.s32 $0x1BF5;
	[smem:$0x3FB3] =	sst s0  }
0x18: {  	s0 =	sld [smem:$0x3F96];
	_ =	swait.ge [sflag:s4], $0x0  }
0x19: {  	s7 =	sld [smem:$0x3F97]  }
0x1a: {  	s8 =	sadd.s32 $0xFFFFE003, lr  }
0x1b: {  	s9 =	sadd.s32 $0xFFFFFEF7, lr;
	s5 =	simm.s32 $0xFFFFFFFF;
	p2 =	slt.u32 s8, $0xFFFFF086  }
0x1c: {  	p1 =	slt.u32 s9, $0xF7A;
	s5 =	simm.s32 @!p2 $0x0  }
0x1d: {  	s5 =	simm.s32 @p1 $0x1;
	p0 =	seq.s32 s7, s2  }
0x1e: {  	s7 =	smul.u32 @!p0 $0xF7A, s2;
	p2 =	seq.s32 @!p0 s5, $0x0  }
0x1f: {  	s9 =	smul.u32 $0xF7A, s1;
	s8 =	simm.s32 @!p0 $0x1BF5;
	p2 =	por !p2, p0  }
0x20: {  	[sflag:s8] =	ssyncset.s32 @!p0 $0xFFFFF086;
	s6 =	sadd.s32 @!p0 s3, s7;
	s7 =	simm.s32 @!p0 $0x108  }
0x21: {  	s3 =	sadd.s32 s3, s9;
	s6 =	sadd.s32 @!p0 $0x88, s6;
	s7 =	simm.s32 @p2 $0x1082  }
0x22: {  	[simem:s7], [sflag:s8] =	dma.local @!p0 [hbm:s6], $0xF7A  }
0x23: {  	s9 =	sor.u32 $0xD0000000, s2;
	s6 =	simm.s32 $0x108;
	_ =	swait.ge @!p0 [sflag:s8], $0x0  }
0x24: {  	s3 =	sadd.s32 $0x88, s3;
	s6 =	simm.s32 @!p1 $0x1082;
	[sflag:s4] =	ssyncset.s32 $0xFFFFF086  }
0x25: {  	[simem:s6], [sflag:s4] =	dma.local [hbm:s3], $0xF7A  }
0x26: {  	[smem:$0x3F97] =	sst s1;
	(tag) =	ssettag s2;
	_ =	strace s9  }
0x27: {  	s1 =	sld [smem:$0x3FA7]  }
0x28: {  	s2 =	sld [smem:$0x3FA8]  }
0x29: {  	s4 =	sld [smem:$0x3FAA]  }
0x2a: {  	p0 =	seq.s32 s5, $0x0;
	s5 =	sld [smem:$0x3FAB]  }
0x2b: {  	s6 =	sld [smem:$0x3FAC]  }
0x2c: {  	s7 =	sld [smem:$0x3FAD]  }
0x2d: {  	s3 =	simm.s32 $0x108;
	s8 =	sld [smem:$0x3FAE]  }
0x2e: {  	s3 =	simm.s32 @!p0 $0x1082;
	s9 =	sld [smem:$0x3FAF]  }
0x2f: {  	lr =	sadd.s32 s0, s3;
	s0 =	sld [smem:$0x3FA6]  }
0x30: {  	s3 =	sld [smem:$0x3FA9]  }
0x31: {  	[smem:$0x3FB2] =	sst s10  }
0x32: {  	s10 =	sld [smem:$0x3FB0];
	_ =	sdelay $0x3  }
0x33: {  	p0 =	seq.s32 s10, $0x1;
	s10 =	sld [smem:$0x3FB2];
	_ =	sdelay $0x3  }
0x34: {  	[smem:$0x3FB2] =	sst s10  }
0x35: {  	s10 =	sld [smem:$0x3FB1];
	_ =	sdelay $0x3  }
0x36: {  	p1 =	seq.s32 s10, $0x1;
	s10 =	sld [smem:$0x3FB2];
	_ =	sdelay $0x3  }
0x37: {  	[smem:$0x3FB2] =	sst s10  }
0x38: {  	s10 =	sld [smem:$0x3FB3]  }
0x39: {  	_ = 	snop;
	(pc) =	sbr.ind lr, $3  }
0x3a: {  	_ = 	snop  }
0x3b: {  	_ = 	snop  }
0x3c: {  	p2 =	seq.s32 s10, $0x1;
	s10 =	sld [smem:$0x3FB2]  }
0x3d: {  	_ =	shalt  }
0x3e: {  	_ =	shalt  }
0x3f: {  	_ =	shalt  }
0x40: {  	_ =	shalt  }
0x41: {  	_ =	shalt  }
0x42: {  	_ =	shalt  }
0x43: {  	_ =	shalt  }
0x44: {  	_ =	shalt  }
0x45: {  	_ =	shalt  }
0x46: {  	_ =	shalt  }
0x47: {  	_ =	shalt  }
0x48: {  	_ =	shalt  }
0x49: {  	_ =	shalt  }
0x4a: {  	_ =	shalt  }
0x4b: {  	_ =	shalt  }
0x4c: {  	_ =	shalt  }
0x4d: {  	_ =	shalt  }
0x4e: {  	_ =	shalt  }
0x4f: {  	_ =	shalt  }
0x50: {  	_ =	shalt  }
0x51: {  	_ =	shalt  }
0x52: {  	_ =	shalt  }
0x53: {  	_ =	shalt  }
0x54: {  	_ =	shalt  }
0x55: {  	_ =	shalt  }
0x56: {  	_ =	shalt  }
0x57: {  	_ =	shalt  }
0x58: {  	_ =	shalt  }
0x59: {  	_ =	shalt  }
0x5a: {  	_ =	shalt  }
0x5b: {  	_ =	shalt  }
0x5c: {  	_ =	shalt  }
0x5d: {  	_ =	shalt  }
0x5e: {  	_ =	shalt  }
0x5f: {  	_ =	shalt  }
0x60: {  	_ =	shalt  }
0x61: {  	_ =	shalt  }
0x62: {  	_ =	shalt  }
0x63: {  	_ =	shalt  }
0x64: {  	_ =	shalt  }
0x65: {  	_ =	shalt  }
0x66: {  	_ =	shalt  }
0x67: {  	_ =	shalt  }
0x68: {  	_ =	shalt  }
0x69: {  	_ =	shalt  }
0x6a: {  	_ =	shalt  }
0x6b: {  	_ =	shalt  }
0x6c: {  	_ =	shalt  }
0x6d: {  	_ =	shalt  }
0x6e: {  	_ =	shalt  }
0x6f: {  	_ =	shalt  }
0x70: {  	_ =	shalt  }
0x71: {  	_ =	shalt  }
0x72: {  	_ =	shalt  }
0x73: {  	_ =	shalt  }
0x74: {  	_ =	shalt  }
0x75: {  	_ =	shalt  }
0x76: {  	_ =	shalt  }
0x77: {  	_ =	shalt  }
0x78: {  	_ =	shalt  }
0x79: {  	_ =	shalt  }
0x7a: {  	_ =	shalt  }
0x7b: {  	_ =	shalt  }
0x7c: {  	_ =	shalt  }
0x7d: {  	_ =	shalt  }
0x7e: {  	_ =	shalt  }
0x7f: {  	_ =	shalt  }
0x80: {  	_ =	shalt  }
0x81: {  	_ =	shalt  }
0x82: {  	_ =	shalt  }
0x83: {  	_ =	shalt  }
0x84: {  	_ =	shalt  }
0x85: {  	_ =	shalt  }
0x86: {  	_ =	shalt  }
0x87: {  	_ =	shalt  }
.Lfunc_end0:
.L_simem_size_0:
called_computation.1_lowered:
.L_overlay_start_0:
0x88: {  	s2 =	sld [smem:$0x3FD9]  }
0x89: {  	s3 =	sld [smem:$0x3FFE];
	_ =	sdelay $0x1  }
0x8a: {  	s1 =	srdreg.scid  }
0x8b: {  	s0 =	sand.u32 $0x1, s1  }
0x8c: {  	s17 =	sshll.u32 s0, $0xA;
	s2 =	sadd.s32 s3, s2  }
0x8d: {  	s2 =	sadd.s32 s2, s17  }
0x8e: {  	[smem:$0x3FBE] =	sst s2  }
0x8f: {  	_ = 	snop  }
0x90: {  	s2 =	sld [smem:$0x3FC1]  }
0x91: {  	s18 =	sld [smem:$0x3FD0];
	(tm) =	ssettm $0x1  }
0x92: {  	s4 =	sld [smem:$0x3FFB];
	_ =	sdelay $0x3  }
0x93: {  	_ =	strace s4  }
0x94: {  	s4 =	sld [smem:$0x3FFC];
	_ =	sdelay $0x3  }
0x95: {  	_ =	strace s4  }
0x96: {  	s4 =	sld [smem:$0x3FFD];
	_ =	sdelay $0x3  }
0x97: {  	_ =	strace s4  }
0x98: {  	_ =	strace $0x8FFFFFFF  }
0x99: {  	s19 =	sld [smem:$0x3FDB];
	_ =	sdelay $0x1  }
0x9a: {  	s5 =	simm.s32 $_scs_section_size  }
0x9b: {  	s6 =	simm.s32 $_size__tile_overlayer_lowered;
	s7 =	simm.s32 $_tile_overlayer_lowered  }
0x9c: {  	s22 =	simm.s32 $0x1BFF;
	s21 =	sshll.u32 s7, $0x1;
	s4 =	sadd.s32 s5, s19  }
0x9d: {  	s8 =	simm.s32 $0x0;
	s20 =	sshll.u32 s6, $0x1;
	s6 =	sadd.s32 s21, s4  }
0x9e: {  	[timem:s8], [sflag:s22] =	dma.local [hbm:s6], s20  }
0x9f: {  	_ =	swait.ge [sflag:s22], s20  }
0xa0: {  	s5 =	ssub.s32 $0x0, s20;
	[sflag:s22] =	ssyncset.done $0x0  }
0xa1: {  	[sflag:s22] =	ssyncadd.s32 s5;
	_ =	sdelay $0x1  }
0xa2: {  	s23 =	simm.s32 $0x1B8B  }
0xa3: {  	_ =	swait.ge [sflag:s23], $0x1  }
0xa4: {  	[sflag:s23] =	ssyncset.done $0x0  }
0xa5: {  	s25 =	simm.s32 $0x1B8E;
	s24 =	sld [smem:$0x3FFE];
	[sflag:s23] =	ssyncadd.s32 $0xFFFFFFFF  }
0xa6: {  	s26 =	simm.s32 $execute0_lowered;
	[smem:$0x3FD2] =	sst s25  }
0xa7: {  	s6 =	sshll.u32 s26, $0x1;
	_ =	strace $0x80000049;
	[dreg:$0x1] =	wrdreg $0xFFFFFFFF  }
0xa8: {  	s28 =	simm.s32 $_size_execute0_lowered;
	s4 =	sadd.s32 s4, s6;
	[dreg:$0x0] =	wrdreg $0x0  }
0xa9: {  	s6 =	sshll.u32 s28, $0x1;
	[dreg:$0x2] =	wrdreg s4  }
0xaa: {  	[dreg:$0x3] =	wrdreg s6  }
0xab: {  	[dreg:$0x4] =	wrdreg $0xC0  }
0xac: {  	_ =	task [dreg:s8], $0x5FFFF  }
0xad: {  	[dreg:$0x1] =	wrdreg $0xFFFFFFFF  }
0xae: {  	[dreg:$0x0] =	wrdreg $0x60  }
0xaf: {  	[dreg:$0x2] =	wrdreg s24  }
0xb0: {  	[dreg:$0x3] =	wrdreg s18  }
0xb1: {  	[dreg:$0x4] =	wrdreg s2  }
0xb2: {  	[dreg:$0x5] =	wrdreg $0x91500  }
0xb3: {  	[dreg:$0x6] =	wrdreg $0x9  }
0xb4: {  	_ =	task.clear_ibuf [dreg:s8], $0x7FFFF;
	_ =	strace $0x90000049  }
0xb5: {  	s29 =	simm.s32 $0x9;
	_ =	strace $0x8000004B  }
0xb6: {  	_ =	swait.ge [sflag:s29], $0x1  }
0xb7: {  	[sflag:s29] =	ssyncadd.s32 $0xFFFFFFFF  }
0xb8: {  	_ =	strace $0x9000004B  }
0xb9: {  	_ =	sfence  }
0xba: {  	s30 =	sld [smem:$0x0];
	_ =	sdelay $0x2  }
0xbb: {  	s31 =	sshll.u32 s1, $0xD;
	s1 =	sshrl.u32 s1, $0x2  }
0xbc: {  	s3 =	sand.u32 $0x4000, s31;
	s1 =	sadd.s32 s1, s30  }
0xbd: {  	s0 =	sor.u32 s3, s0;
	s1 =	sshll.u32 s1, $0x11  }
0xbe: {  	s0 =	sor.u32 s1, s0  }
0xbf: {  	s0 =	sadd.s32 $0x8F2B, s0  }
0xc0: {  	[sflag:s0] =	ssyncadd.remote.s32 $0x1  }
0xc1: {  	_ =	sfence.sel $0xFFFF  }
0xc2: {  	[dreg:$0x0] =	wrdreg $0xFFFFFFFF;
	(pc) =	sbr.abs _section_cstart, $3  }
0xc3: {  	[dreg:$0x1] =	wrdreg $0xFFFFFFFF  }
0xc4: {  	_ =	task.clear_ibuf [dreg:s8], $0x2FFFF;
	_ =	strace $0x9FFFFFFF  }
0xc5: {  	(tm) =	ssettm $0x7FFFFFFF  }
tec
execute0_lowered:
.L_overlay_start_1:
0x0: {  	(tag) =	ssettag $0x1  }
0x1: {  	s1 =	rddreg [dreg:$0x0]  }
0x2: {  	s0 =	rddreg [dreg:$0x1]  }
0x3: {  	s2 =	srdreg.scid;
	s4 =	rddreg [dreg:$0x3]  }
0x4: {  	s11 =	stileid.u32;
	s5 =	simm.s32 $0x0;
	s28 =	simm.s32 $0x7150  }
0x5: {  	s29 =	simm.s32 $0x5;
	s31 =	simm.s32 $0x38;
	s9 =	smul.u32 $0x15F90, s11  }
0x6: {  	s2 =	sand.u32 $0x1, s2;
	[smem:$0x7FF] =	sst s5;
	s8 =	smul.u32 $0x58080, s11  }
0x7: {  	s6 =	sadd.s32 $0x2400, s1;
	s7 =	sadd.s32 $0x2A400, s1;
	s3 =	smul.u32 $0x168000, s2  }
0x8: {  	v0 =	vimm.s32 $0xEFCDAB89;
	v1 =	vimm.s32 $0x67452301;
	_ =	strace $0x8000004A;
	s19 =	ssub.s32 $0x2, s2;
	s2 =	sshll.u32 s2, $0x4  }
0x9: {  	v2 =	vimm.s32 $0xDCFE98BA;
	v3 =	vimm.s32 $0x54761032;
	v4 =	vimm.s32 $0xBA98FEDC;
	s8 =	sshrl.u32 s8, $0x2;
	s10 =	sshrl.u32 s19, $0x1;
	s2 =	sor.u32 s11, s2  }
0xa: {  	v5 =	vimm.s32 $0x32107654;
	v6 =	vimm.s32 $0xFEDCBA98;
	s30 =	sadd.s32 s9, s4;
	s3 =	sadd.s32 s9, s3;
	s24 =	smul.u32 $0x5160, s2  }
0xb: {  	v7 =	vimm.s32 $0x76543210;
	vm0 =	vcmask $0x300;
	s8 =	sadd.s32 s8, s4;
	s25 =	smul.u32 $0xA2C, s2;
	s3 =	sshrl.u32 s3, $0x3  }
0xc: {  	v0 =	vunpack.c.l.s4.s8 v0;
	v1 =	vunpack.c.l.s4.s8 v1;
	v2 =	vunpack.c.l.s4.s8 v2;
	s12 =	sadd.s32 $0x1F80, s8;
	s20 =	sadd.s32 $0x3F00, s8;
	s21 =	sadd.s32 $0x5E80, s8  }
0xd: {  	v3 =	vunpack.c.l.s4.s8 v3;
	v4 =	vunpack.c.l.s4.s8 v4;
	v5 =	vunpack.c.l.s4.s8 v5;
	s22 =	sadd.s32 $0x7E00, s8;
	s23 =	sadd.s32 $0x9D80, s8;
	[dreg:$0x5] =	wrdreg s12  }
0xe: {  	v6 =	vunpack.c.l.s4.s8 v6;
	v7 =	vunpack.c.l.s4.s8 v7;
	v0 =	vunpack.c.0.s8.s32 v0;
	s14 =	sadd.s32 $0xBD00, s8;
	s15 =	sadd.s32 $0xDC80, s8;
	[dreg:$0x6] =	wrdreg s20  }
0xf: {  	v1 =	vunpack.c.0.s8.s32 v1;
	v2 =	vunpack.c.0.s8.s32 v2;
	v3 =	vunpack.c.0.s8.s32 v3;
	s16 =	sadd.s32 $0xFC00, s8;
	s17 =	sadd.s32 $0x11B80, s8;
	[dreg:$0x7] =	wrdreg s21  }
0x10: {  	v4 =	vunpack.c.0.s8.s32 v4;
	v5 =	vunpack.c.0.s8.s32 v5;
	v6 =	vunpack.c.0.s8.s32 v6;
	s18 =	sadd.s32 $0x13B00, s8;
	s1 =	sadd.s32 s3, s1;
	[dreg:$0x8] =	wrdreg s22  }
0x11: {  	v63 =	vunpack.c.0.s8.s32 v7;
	v0 =	vcombine.low v1, v0;
	v62 =	vcombine.low v3, v2;
	[dreg:$0x9] =	wrdreg s23;
	s3 =	ssub.s32 s19, s10;
	s11 =	sshrl.u32 s24, $0x3  }
0x12: {  	v3 =	vcombine.low v5, v4;
	v5 =	vimm.f32 $0.0e+00;
	v4 =	vand.u32 $0xF, v6;
	s19 =	smul.u32 $0xBA, s2;
	s20 =	sadd.s32 s0, s25;
	s25 =	sshrl.u32 s30, $0x3  }
0x13: {  	v46 =	vcombine.low v4, v63;
	v13 =	vsel vm0, $0x3F800000, v5;
	s26 =	sadd.s32 s0, s11;
	s23 =	sadd.s32 $0x52400, s1;
	s24 =	smax.u32 s3, $0x1  }
0x14: {  	v10 =	vand.u32 $0xF, v0;
	v11 =	vand.u32 $0xF, v62;
	v12 =	vand.u32 $0xF, v3;
	s21 =	sadd.s32 $0xE, s26;
	s22 =	sadd.s32 $0x1C, s26;
	s26 =	sadd.s32 $0x15A80, s8  }
.LBB2_1:
0x15: {  	s1 =	simm.s32 $0x0;
	s2 =	simm.s32 $0x240  }
.LBB2_2:
0x16: {  	p0 =	sne.s32 s2, $0x7BC0;
	[tilespmem:s1+$0x71D0] =	vst v5  }
0x17: {  	[tilespmem:s1+$0x7150] =	vst v5  }
0x18: {  	[tilespmem:s1+$0x7160] =	vst v5  }
0x19: {  	[tilespmem:s1+$0x7170] =	vst v5  }
.Ltmp0:
0x1a: {  	[tilespmem:s1+$0x7180] =	vst v5;
	(pc) =	sbr.rel @p0 .LBB2_2-.Ltmp0, $4  }
0x1b: {  	[tilespmem:s1+$0x7190] =	vst v5  }
0x1c: {  	[tilespmem:s1+$0x71A0] =	vst v5  }
0x1d: {  	[tilespmem:s1+$0x71B0] =	vst v5  }
0x1e: {  	[tilespmem:s1+$0x71C0] =	vst v5;
	s1 =	sshra.s32 s2, $0x2;
	s2 =	sadd.s32 $0x240, s2  }
0x1f: {  	[tilespmem:s1+$0x71D0] =	vst v5  }
0x20: {  	[tilespmem:s1+$0x7150] =	vst v5  }
0x21: {  	[tilespmem:s1+$0x7160] =	vst v5  }
0x22: {  	[tilespmem:s1+$0x7170] =	vst v5  }
0x23: {  	[tilespmem:s1+$0x7180] =	vst v5  }
0x24: {  	[tilespmem:s1+$0x7190] =	vst v5  }
0x25: {  	[tilespmem:s1+$0x71A0] =	vst v5  }
0x26: {  	[tilespmem:s1+$0x71B0] =	vst v5  }
0x27: {  	[tilespmem:s1+$0x71C0] =	vst v5  }
0x28: {  	[spmem:s8] =	stream.linear.scatter [tilespmem:s28], [sflag:$0x5], $0x1F80, $0x38;
	[tilespmem:$0x1F170] =	vst v63  }
0x29: {  	_ =	swait.ge [sflag:s29], $0x1F80  }
0x2a: {  	[sflag:s29] =	ssyncset.done $0x0  }
0x2b: {  	s13 =	rddreg [dreg:$0x5];
	[sflag:s29] =	ssyncadd.s32 $0xFFFFE080  }
0x2c: {  	[spmem:s13] =	stream.linear.scatter [tilespmem:s28], [sflag:$0x5], $0x1F80, $0x38;
	[tilespmem:$0x1F170] =	vst v63  }
0x2d: {  	_ =	swait.ge [sflag:s29], $0x1F80  }
0x2e: {  	[sflag:s29] =	ssyncset.done $0x0  }
0x2f: {  	s30 =	rddreg [dreg:$0x6];
	[sflag:s29] =	ssyncadd.s32 $0xFFFFE080  }
0x30: {  	[spmem:s30] =	stream.linear.scatter [tilespmem:s28], [sflag:$0x5], $0x1F80, $0x38;
	[tilespmem:$0x1F170] =	vst v63  }
0x31: {  	_ =	swait.ge [sflag:s29], $0x1F80  }
0x32: {  	[sflag:s29] =	ssyncset.done $0x0  }
0x33: {  	s2 =	rddreg [dreg:$0x7];
	[sflag:s29] =	ssyncadd.s32 $0xFFFFE080  }
0x34: {  	[spmem:s2] =	stream.linear.scatter [tilespmem:s28], [sflag:$0x5], $0x1F80, $0x38;
	[tilespmem:$0x1F170] =	vst v63  }
0x35: {  	_ =	swait.ge [sflag:s29], $0x1F80  }
0x36: {  	[sflag:s29] =	ssyncset.done $0x0  }
0x37: {  	s3 =	rddreg [dreg:$0x8];
	[sflag:s29] =	ssyncadd.s32 $0xFFFFE080  }
0x38: {  	[spmem:s3] =	stream.linear.scatter [tilespmem:s28], [sflag:$0x5], $0x1F80, $0x38;
	[tilespmem:$0x1F170] =	vst v63  }
0x39: {  	_ =	swait.ge [sflag:s29], $0x1F80  }
0x3a: {  	[sflag:s29] =	ssyncset.done $0x0  }
0x3b: {  	s9 =	rddreg [dreg:$0x9];
	[sflag:s29] =	ssyncadd.s32 $0xFFFFE080  }
0x3c: {  	[spmem:s9] =	stream.linear.scatter [tilespmem:s28], [sflag:$0x5], $0x1F80, $0x38;
	[tilespmem:$0x1F170] =	vst v63  }
0x3d: {  	_ =	swait.ge [sflag:s29], $0x1F80  }
0x3e: {  	[sflag:s29] =	ssyncset.done $0x0  }
0x3f: {  	[sflag:s29] =	ssyncadd.s32 $0xFFFFE080  }
0x40: {  	[spmem:s14] =	stream.linear.scatter [tilespmem:s28], [sflag:$0x5], $0x1F80, $0x38;
	[tilespmem:$0x1F170] =	vst v63  }
0x41: {  	_ =	swait.ge [sflag:s29], $0x1F80  }
0x42: {  	[sflag:s29] =	ssyncset.done $0x0  }
0x43: {  	[sflag:s29] =	ssyncadd.s32 $0xFFFFE080  }
0x44: {  	[spmem:s15] =	stream.linear.scatter [tilespmem:s28], [sflag:$0x5], $0x1F80, $0x38;
	[tilespmem:$0x1F170] =	vst v63  }
0x45: {  	_ =	swait.ge [sflag:s29], $0x1F80  }
0x46: {  	[sflag:s29] =	ssyncset.done $0x0  }
0x47: {  	[sflag:s29] =	ssyncadd.s32 $0xFFFFE080  }
0x48: {  	[spmem:s16] =	stream.linear.scatter [tilespmem:s28], [sflag:$0x5], $0x1F80, $0x38;
	[tilespmem:$0x1F170] =	vst v63  }
0x49: {  	_ =	swait.ge [sflag:s29], $0x1F80  }
0x4a: {  	[sflag:s29] =	ssyncset.done $0x0  }
0x4b: {  	[sflag:s29] =	ssyncadd.s32 $0xFFFFE080  }
0x4c: {  	[spmem:s17] =	stream.linear.scatter [tilespmem:s28], [sflag:$0x5], $0x1F80, $0x38;
	[tilespmem:$0x1F170] =	vst v63  }
0x4d: {  	_ =	swait.ge [sflag:s29], $0x1F80  }
0x4e: {  	[sflag:s29] =	ssyncset.done $0x0  }
0x4f: {  	[sflag:s29] =	ssyncadd.s32 $0xFFFFE080  }
0x50: {  	[spmem:s18] =	stream.linear.scatter [tilespmem:s28], [sflag:$0x5], $0x1F80, $0x38;
	[tilespmem:$0x1F170] =	vst v63  }
0x51: {  	_ =	swait.ge [sflag:s29], $0x1F80  }
0x52: {  	[sflag:s29] =	ssyncset.done $0x0  }
0x53: {  	[sflag:s29] =	ssyncadd.s32 $0xFFFFE080  }
0x54: {  	[spmem:s26] =	stream.linear.scatter [tilespmem:s28], [sflag:$0x5], $0x5A0, $0x38;
	[tilespmem:$0x1F170] =	vst v63  }
0x55: {  	_ =	swait.ge [sflag:s29], $0x5A0  }
0x56: {  	[sflag:s29] =	ssyncset.done $0x0  }
0x57: {  	[sflag:s29] =	ssyncadd.s32 $0xFFFFFA60  }
0x58: {  	[bflag:$0x0] =	sbarrier.arrive $0xFFFF  }
0x59: {  	s2 =	simm.s32 $0x90D0;
	s3 =	simm.s32 $0x0;
	s10 =	rddreg [dreg:$0x2]  }
0x5a: {  	[tilespmem:s2], [sflag:$0x5] =	stream.linear.gather [hbm4b:s10+s3], $0x80, $0x38;
	[tilespmem:$0x1F170] =	vst v63  }
0x5b: {  	_ =	swait.ge [sflag:s29], $0x80  }
0x5c: {  	[sflag:s29] =	ssyncset.done $0x0  }
0x5d: {  	[sflag:s29] =	ssyncadd.s32 $0xFFFFFF80  }
0x5e: {  	v16 =	vld [tilespmem:$0x90D0]  }
0x5f: {  	v9 =	vld [tilespmem:$0x90E0]  }
0x60: {  	v27 =	vld [tilespmem:$0x90F0]  }
0x61: {  	v28 =	vld [tilespmem:$0x9100]  }
0x62: {  	v17 =	vld [tilespmem:$0x9110]  }
0x63: {  	v18 =	vld [tilespmem:$0x9120]  }
0x64: {  	v29 =	vld [tilespmem:$0x9130]  }
0x65: {  	v15 =	vld [tilespmem:$0x9140];
	[tilespmem:s3], [sflag:$0x5] =	stream.linear.gather [hbm4b:s20+s3], $0x70, $0x38  }
0x66: {  	_ =	swait.ge [sflag:s29], $0x70  }
0x67: {  	[sflag:s29] =	ssyncset.done $0x0  }
0x68: {  	s11 =	simm.s32 $0x150;
	[sflag:s29] =	ssyncadd.s32 $0xFFFFFF90  }
0x69: {  	[tilespmem:s11], [sflag:$0x3] =	stream.indirect.gather [hbm4b:s6+s31], $0x80, s3, s31, $0xb8;
	[tilespmem:$0x1F170] =	vst v63  }
0x6a: {  	[tilespmem:$0x1FF80] =	vst v16  }
0x6b: {  	[tilespmem:$0x1FF90] =	vst v17  }
0x6c: {  	[tilespmem:$0x1FFA0] =	vst v18  }
0x6d: {  	[tilespmem:$0x1FFB0] =	vst v15  }
0x6e: {  	[tilespmem:$0x1FFC0] =	vst v9  }
0x6f: {  	s12 =	simm.s32 $0x3950;
	[tilespmem:$0x1FFD0] =	vst v27  }
0x70: {  	[tilespmem:s12], [sflag:$0x3] =	stream.indirect.gather [hbm4b:s7+s31], $0x80, s31, s31, $0xb8;
	[tilespmem:$0x1F170] =	vst v63  }
0x71: {  	s13 =	simm.s32 $0x70;
	[tilespmem:$0x1FFE0] =	vst v28  }
0x72: {  	[tilespmem:s13], [sflag:$0x2] =	stream.linear.gather [hbm4b:s21+s3], $0x70, $0x38;
	[tilespmem:$0x1F170] =	vst v63  }
0x73: {  	p0 =	por $0x0, $0x0;
	s30 =	simm.s32 $0xE0;
	[tilespmem:$0x1FFF0] =	vst v29  }
0x74: {  	[tilespmem:s30], [sflag:$0x1] =	stream.linear.gather [hbm4b:s22+s3], $0x70, $0x38;
	[tilespmem:$0x1F170] =	vst v63  }
.LBB2_4:
0x75: {  	s30 =	sadd.s32 $0x1, s3;
	p1 =	seq.s32 s3, $0xB9  }
0x76: {  	s1 =	sand.u32 @!p1 $0xFF, s30  }
0x77: {  	s1 =	smul.u32 @!p1 $0xAB, s1;
	_ =	sdelay $0x1  }
0x78: {  	s1 =	sshrl.u32 @!p1 s1, $0x9  }
0x79: {  	s2 =	sand.u32 @!p1 $0x1, s30;
	s11 =	sadd.s32 @!p1 $0xFFFFFFFF, s3;
	s1 =	smul.u32 @!p1 $0x3, s1  }
0x7a: {  	s12 =	simm.s32 @!p1 $0x38;
	s9 =	sadd.s32 @!p1 $0x1, s2;
	s10 =	smul.u32 @!p1 $0x1C00, s2  }
0x7b: {  	p2 =	sgt.u32 @!p1 s11, $0xB6;
	_ =	swait.ge @!p1 [sflag:s9], $0x70;
	s1 =	ssub.s32 @!p1 s30, s1  }
0x7c: {  	p2 =	por p2, p1;
	[sflag:s9] =	ssyncset.done @!p1 $0x0;
	s1 =	smul.u32 @!p1 $0x70, s1  }
0x7d: {  	s2 =	sadd.s32 @!p1 $0x3, s2;
	s11 =	sadd.s32 @!p2 $0x2, s3;
	[sflag:s9] =	ssyncadd.s32 @!p1 $0xFFFFFF90  }
0x7e: {  	s9 =	sor.u32 @!p1 $0x150, s10;
	s13 =	smul.u32 @!p2 $0xAB, s11;
	s1 =	sand.u32 @!p1 $0xF0, s1  }
0x7f: {  	[tilespmem:s9], [sflag:s2] =	stream.indirect.gather @!p1 [hbm4b:s6+s12], $0x80, s1, s12, $0xb8;
	[tilespmem:$0x1F170] =	vst v63  }
0x80: {  	s9 =	sshrl.u32 @!p2 s13, $0x9  }
0x81: {  	s9 =	sand.u32 @!p2 $0x7F, s9  }
0x82: {  	s10 =	sadd.s32 @!p1 $0x3950, s10;
	s1 =	sadd.s32 @!p1 $0x38, s1;
	s9 =	smul.u32 @!p2 $0x3, s9  }
0x83: {  	[tilespmem:s10], [sflag:s2] =	stream.indirect.gather @!p1 [hbm4b:s7+s12], $0x80, s1, s12, $0xb8;
	[tilespmem:$0x1F170] =	vst v63  }
0x84: {  	s2 =	sadd.s32 @!p2 s19, s11;
	s1 =	ssub.s32 @!p2 s11, s9  }
0x85: {  	s2 =	smul.u32 @!p2 $0xE, s2;
	s1 =	sand.u32 @!p2 $0xFF, s1  }
0x86: {  	s1 =	smul.u32 @!p2 $0x1C0, s1  }
0x87: {  	s9 =	sand.u32 $0x1, s3;
	s11 =	simm.s32 @!p2 $0x0  }
0x88: {  	s10 =	sadd.s32 @!p2 $0x1, s9;
	s2 =	sadd.s32 @!p2 s0, s2;
	s1 =	sshrl.u32 @!p2 s1, $0x2  }
0x89: {  	[tilespmem:s1], [sflag:s10] =	stream.linear.gather @!p2 [hbm4b:s2+s11], $0x70, $0x38;
	[tilespmem:$0x1F170] =	vst v63  }
0x8a: {  	s10 =	sadd.s32 $0x3, s9  }
0x8b: {  	s2 =	simm.s32 $0x1;
	_ =	swait.ge [sflag:s10], $0x1C00  }
0x8c: {  	s2 =	simm.s32 @!p0 $0x0;
	[sflag:s10] =	ssyncset.done $0x0  }
0x8d: {  	s2 =	smul.u32 $0x7000, s2;
	[sflag:s10] =	ssyncadd.s32 $0xFFFFE400  }
0x8e: {  	_ =	swait.ge [sflag:s10], $0x1C00  }
0x8f: {  	s11 =	sshrl.u32 s2, $0x2;
	[sflag:s10] =	ssyncset.done $0x0  }
0x90: {  	s2 =	sor.u32 $0x250, s11;
	[sflag:s10] =	ssyncadd.s32 $0xFFFFE400  }
0x91: {  	v49 =	vld [tilespmem:s2+$0x80]  }
0x92: {  	v58 =	vld [tilespmem:s2+$0x90]  }
0x93: {  	v8 =	vld [tilespmem:s2+$0xF0]  }
0x94: {  	v48 =	vld [tilespmem:s2+$0xA0]  }
0x95: {  	v57 =	vld [tilespmem:s2+$0xB0]  }
0x96: {  	v55 =	vld [tilespmem:s2+$0xC0]  }
0x97: {  	v56 =	vld [tilespmem:s2+$0xD0]  }
0x98: {  	s12 =	sadd.s32 $0x3A50, s11;
	v50 =	vld [tilespmem:s2+$0xE0];
	[tilespmem:$0x1FE00] =	vst v8  }
0x99: {  	v0 =	vld [tilespmem:s12+$0x80]  }
0x9a: {  	v1 =	vld [tilespmem:s12+$0x90]  }
0x9b: {  	v2 =	vld [tilespmem:s12+$0xA0]  }
0x9c: {  	v42 =	vld [tilespmem:s2+$0xFFFFFF10]  }
0x9d: {  	v3 =	vld [tilespmem:s12+$0xB0]  }
0x9e: {  	v4 =	vld [tilespmem:s12+$0xC0]  }
0x9f: {  	v5 =	vld [tilespmem:s12+$0xD0]  }
0xa0: {  	v6 =	vld [tilespmem:s12+$0xE0]  }
0xa1: {  	v7 =	vld [tilespmem:s12+$0xF0];
	[tilespmem:$0x1FE10] =	vst v42  }
0xa2: {  	v37 =	vld [tilespmem:s2+$0xFFFFFF30];
	_ =	sdelay $0x4  }
0xa3: {  	v62 =	vld [tilespmem:s2+$0xFFFFFF20];
	[tilespmem:$0x1FE20] =	vst v37  }
0xa4: {  	v40 =	vld [tilespmem:s2+$0xFFFFFF40];
	_ =	sdelay $0x4  }
0xa5: {  	[tilespmem:$0x1FE30] =	vst v40  }
0xa6: {  	v41 =	vld [tilespmem:s2+$0xFFFFFF50];
	_ =	sdelay $0x4  }
0xa7: {  	[tilespmem:$0x1FE40] =	vst v41  }
0xa8: {  	v38 =	vld [tilespmem:s2+$0xFFFFFF60];
	_ =	sdelay $0x4  }
0xa9: {  	[tilespmem:$0x1FE60] =	vst v38  }
0xaa: {  	v39 =	vld [tilespmem:s2+$0xFFFFFF70];
	_ =	sdelay $0x4  }
0xab: {  	v7 =	vadd.f32 v7, v8;
	v8 =	vld [tilespmem:$0x1FF80];
	[tilespmem:$0x1FE70] =	vst v39  }
0xac: {  	v14 =	vadd.f32 v0, v49;
	v0 =	vld [tilespmem:s12+$0xFFFFFF00]  }
0xad: {  	v15 =	vld [tilespmem:s12+$0xFFFFFF10]  }
0xae: {  	v17 =	vld [tilespmem:s12+$0xFFFFFF20]  }
0xaf: {  	v1 =	vadd.f32 v1, v58;
	v32 =	vld [tilespmem:s2+$0xFFFFFF80]  }
0xb0: {  	v2 =	vadd.f32 v2, v48;
	v20 =	vld [tilespmem:s12+$0xFFFFFF30]  }
0xb1: {  	v18 =	vmul.f32 $2.000000030e-01, v1;
	v23 =	vld [tilespmem:s12+$0xFFFFFF40]  }
0xb2: {  	v19 =	vmul.f32 $2.000000030e-01, v2;
	v26 =	vld [tilespmem:s12+$0xFFFFFF50]  }
0xb3: {  	v1 =	vmax.f32 v1, v18;
	v18 =	vld [tilespmem:s12+$0xFFFFFF60]  }
0xb4: {  	v2 =	vmax.f32 v2, v19;
	v19 =	vld [tilespmem:s12+$0xFFFFFF70];
	[tilespmem:$0x1FEC0] =	vst v32  }
0xb5: {  	v34 =	vld [tilespmem:s2+$0xFFFFFF90];
	_ =	sdelay $0x1  }
0xb6: {  	v16 =	vmul.f32 $2.000000030e-01, v14;
	_ =	sdelay $0x1  }
0xb7: {  	v14 =	vmax.f32 v14, v16  }
0xb8: {  	v4 =	vadd.f32 v4, v55;
	v14 =	vmul.f32 v14, v8;
	v8 =	vld [tilespmem:$0x1FF90];
	[tilespmem:$0x1FF10] =	vst v34  }
0xb9: {  	v35 =	vld [tilespmem:s2+$0xFFFFFFA0]  }
0xba: {  	v22 =	vmul.f32 $2.000000030e-01, v4;
	_ =	sdelay $0x1  }
0xbb: {  	v4 =	vmax.f32 v4, v22  }
0xbc: {  	v5 =	vadd.f32 v5, v56;
	v4 =	vmul.f32 v4, v8;
	v8 =	vld [tilespmem:$0x1FFA0]  }
0xbd: {  	[tilespmem:$0x1FF20] =	vst v35  }
0xbe: {  	v24 =	vmul.f32 $2.000000030e-01, v5;
	v33 =	vld [tilespmem:s2+$0xFFFFFFB0];
	_ =	sdelay $0x1  }
0xbf: {  	v3 =	vadd.f32 v3, v57;
	v6 =	vadd.f32 v6, v50;
	v5 =	vmax.f32 v5, v24  }
0xc0: {  	v5 =	vmul.f32 v5, v8;
	v8 =	vld [tilespmem:$0x1FFB0]  }
0xc1: {  	v21 =	vmul.f32 $2.000000030e-01, v3;
	v25 =	vmul.f32 $2.000000030e-01, v6  }
0xc2: {  	v16 =	vmul.f32 $2.000000030e-01, v7;
	[tilespmem:$0x1FF30] =	vst v33  }
0xc3: {  	v3 =	vmax.f32 v3, v21;
	v6 =	vmax.f32 v6, v25;
	v1 =	vmul.f32 v1, v9;
	v30 =	vld [tilespmem:s2+$0xFFFFFFC0]  }
0xc4: {  	v2 =	vmul.f32 v2, v27;
	v3 =	vmul.f32 v3, v28;
	v7 =	vmax.f32 v7, v16  }
0xc5: {  	v6 =	vmul.f32 v6, v29;
	v7 =	vmul.f32 v7, v8  }
0xc6: {  	v1 =	vadd.f32 v1, v14;
	v2 =	vadd.f32 v3, v2  }
0xc7: {  	v3 =	vadd.f32 v5, v4;
	v4 =	vadd.f32 v7, v6  }
0xc8: {  	v1 =	vadd.f32 v2, v1;
	v8 =	vld [tilespmem:$0x1FF90];
	[tilespmem:$0x1FF40] =	vst v30  }
0xc9: {  	v2 =	vadd.f32 v4, v3;
	v4 =	vadd.f32 v23, v40;
	v31 =	vld [tilespmem:s2+$0xFFFFFFD0];
	_ =	sdelay $0x1  }
0xca: {  	v16 =	vadd.f32 v18, v38;
	v18 =	vmul.f32 $2.000000030e-01, v4;
	_ =	sdelay $0x1  }
0xcb: {  	v4 =	vmax.f32 v4, v18  }
0xcc: {  	v7 =	vadd.f32 v26, v41;
	v4 =	vmul.f32 v4, v8;
	v8 =	vld [tilespmem:$0x1FFA0];
	[tilespmem:$0x1FF50] =	vst v31  }
0xcd: {  	v36 =	vld [tilespmem:s2+$0xFFFFFFE0]  }
0xce: {  	v3 =	vadd.f32 v20, v37;
	v20 =	vmul.f32 $2.000000030e-01, v7;
	_ =	sdelay $0x1  }
0xcf: {  	v1 =	vadd.f32 v2, v1;
	v7 =	vmax.f32 v7, v20  }
0xd0: {  	v19 =	vadd.f32 v19, v39;
	v2 =	vmul.f32 $2.000000030e-01, v3;
	v7 =	vmul.f32 v7, v8;
	v8 =	vld [tilespmem:$0x1FFB0]  }
0xd1: {  	[tilespmem:$0x1FF60] =	vst v36  }
0xd2: {  	v23 =	vmul.f32 $2.000000030e-01, v16;
	v2 =	vmax.f32 v3, v2;
	v3 =	vmul.f32 $2.000000030e-01, v19;
	v52 =	vld [tilespmem:s2+$0xFFFFFFF0]  }
0xd3: {  	v22 =	vadd.f32 v15, v42;
	v15 =	vperm.xlane v1, v10  }
0xd4: {  	v16 =	vmax.f32 v16, v23;
	v3 =	vmax.f32 v19, v3  }
0xd5: {  	v1 =	vadd.f32 v1, v15;
	v15 =	vmul.f32 v16, v29;
	v3 =	vmul.f32 v3, v8  }
0xd6: {  	v16 =	vld [tilespmem:$0x1FF80]  }
0xd7: {  	v3 =	vadd.f32 v3, v15;
	v15 =	vld [tilespmem:$0x1FFB0];
	[tilespmem:$0x1FF70] =	vst v52  }
0xd8: {  	v5 =	vadd.f32 v17, v62;
	v14 =	vld [tilespmem:s12+$0xFFFFFF80]  }
0xd9: {  	v17 =	vld [tilespmem:s12+$0xFFFFFF90]  }
0xda: {  	v6 =	vmul.f32 $2.000000030e-01, v5;
	v21 =	vld [tilespmem:s12+$0xFFFFFFA0]  }
0xdb: {  	v24 =	vld [tilespmem:s12+$0xFFFFFFB0]  }
0xdc: {  	v5 =	vmax.f32 v5, v6;
	v6 =	vld [tilespmem:s12+$0xFFFFFFC0]  }
0xdd: {  	v18 =	vld [tilespmem:s12+$0xFFFFFFD0]  }
0xde: {  	v20 =	vld [tilespmem:s12+$0xFFFFFFE0]  }
0xdf: {  	v23 =	vld [tilespmem:s12+$0xFFFFFFF0]  }
0xe0: {  	v5 =	vmul.f32 v5, v27;
	v2 =	vmul.f32 v2, v28;
	v53 =	vld [tilespmem:s2+$0x0]  }
0xe1: {  	v8 =	vld [tilespmem:s2+$0x10]  }
0xe2: {  	v2 =	vadd.f32 v2, v5;
	v47 =	vld [tilespmem:s2+$0x20]  }
0xe3: {  	v4 =	vadd.f32 v7, v4;
	v54 =	vld [tilespmem:s2+$0x30];
	v5 =	vadd.f32 v17, v34  }
0xe4: {  	v19 =	vmul.f32 $2.000000030e-01, v22;
	v59 =	vld [tilespmem:s2+$0x40];
	v25 =	vadd.f32 v14, v32  }
0xe5: {  	v3 =	vadd.f32 v3, v4;
	v40 =	vld [tilespmem:s2+$0x50];
	v4 =	vadd.f32 v21, v35;
	v21 =	vmul.f32 $2.000000030e-01, v5  }
0xe6: {  	v41 =	vld [tilespmem:s2+$0x70];
	v24 =	vadd.f32 v24, v33;
	v26 =	vadd.f32 v18, v31;
	v7 =	vmul.f32 $2.000000030e-01, v25  }
0xe7: {  	v22 =	vmax.f32 v22, v19;
	v17 =	vld [tilespmem:$0x1FF90];
	v6 =	vadd.f32 v6, v30;
	v23 =	vadd.f32 v23, v52  }
0xe8: {  	v19 =	vmovc v27;
	v18 =	vld [tilespmem:$0x1FFA0];
	v27 =	vmul.f32 $2.000000030e-01, v24;
	v30 =	vmul.f32 $2.000000030e-01, v26;
	v7 =	vmax.f32 v25, v7  }
0xe9: {  	v14 =	vmovc v9;
	v9 =	vld [tilespmem:s2+$0x60];
	v25 =	vmul.f32 $2.000000030e-01, v4;
	v5 =	vmax.f32 v5, v21;
	v21 =	vmovc v28;
	v28 =	vadd.f32 v20, v36  }
0xea: {  	v24 =	vmax.f32 v24, v27;
	v27 =	vld [tilespmem:s12+$0x0];
	v26 =	vmax.f32 v26, v30;
	v20 =	vmovc v29;
	v29 =	vmul.f32 $2.000000030e-01, v6  }
0xeb: {  	v31 =	vld [tilespmem:s12+$0x10];
	v7 =	vmul.f32 v7, v16;
	v4 =	vmax.f32 v4, v25;
	v25 =	vmul.f32 $2.000000030e-01, v28  }
0xec: {  	v30 =	vld [tilespmem:s12+$0x20];
	v5 =	vmul.f32 v5, v14;
	v6 =	vmax.f32 v6, v29;
	v29 =	vmul.f32 $2.000000030e-01, v23  }
0xed: {  	v26 =	vmul.f32 v26, v18;
	v4 =	vmul.f32 v4, v19;
	v25 =	vmax.f32 v28, v25;
	v28 =	vld [tilespmem:s12+$0x30]  }
0xee: {  	v24 =	vmul.f32 v24, v21;
	v5 =	vadd.f32 v5, v7;
	v23 =	vmax.f32 v23, v29;
	v29 =	vld [tilespmem:s12+$0x40]  }
0xef: {  	v6 =	vmul.f32 v6, v17;
	v27 =	vadd.f32 v27, v53;
	v7 =	vmul.f32 v23, v15;
	v23 =	vld [tilespmem:s12+$0x50];
	[tilespmem:$0x1FD40] =	vst v53  }
0xf0: {  	v4 =	vadd.f32 v24, v4;
	v24 =	vadd.f32 v31, v8;
	v25 =	vmul.f32 v25, v20;
	[tilespmem:$0x1FD50] =	vst v8  }
0xf1: {  	v30 =	vadd.f32 v30, v47;
	v6 =	vadd.f32 v26, v6;
	v26 =	vmul.f32 $2.000000030e-01, v27;
	v61 =	vld [tilespmem:s2+$0xFFFFFF00]  }
0xf2: {  	v22 =	vmul.f32 v22, v14;
	v31 =	vmul.f32 $2.000000030e-01, v24;
	v7 =	vadd.f32 v7, v25  }
0xf3: {  	v4 =	vadd.f32 v4, v5;
	v5 =	vld [tilespmem:s12+$0x70];
	v26 =	vmax.f32 v27, v26;
	v27 =	vmul.f32 $2.000000030e-01, v30  }
0xf4: {  	v25 =	vld [tilespmem:s12+$0x60];
	v24 =	vmax.f32 v24, v31;
	v6 =	vadd.f32 v7, v6;
	v7 =	vadd.f32 v28, v54  }
0xf5: {  	v26 =	vmul.f32 v26, v16;
	v24 =	vmul.f32 v24, v14;
	v28 =	vadd.f32 v29, v59  }
0xf6: {  	v27 =	vmax.f32 v30, v27;
	v29 =	vmul.f32 $2.000000030e-01, v7;
	v0 =	vadd.f32 v0, v61  }
0xf7: {  	v23 =	vadd.f32 v23, v40;
	v27 =	vmul.f32 v27, v19;
	v30 =	vmul.f32 $2.000000030e-01, v28  }
0xf8: {  	[tilespmem:$0x1FD60] =	vst v54;
	v5 =	vadd.f32 v5, v41;
	v7 =	vmax.f32 v7, v29;
	v29 =	vmul.f32 $2.000000030e-01, v0  }
0xf9: {  	[tilespmem:$0x1FD70] =	vst v59;
	v24 =	vadd.f32 v24, v26;
	v25 =	vadd.f32 v25, v9;
	v31 =	vmul.f32 $2.000000030e-01, v23  }
0xfa: {  	[tilespmem:$0x1FD80] =	vst v40;
	v28 =	vmax.f32 v28, v30;
	v42 =	vmul.f32 $2.000000030e-01, v5;
	v0 =	vmax.f32 v0, v29  }
0xfb: {  	[tilespmem:$0x1FD90] =	vst v9;
	v30 =	vmul.f32 $2.000000030e-01, v25;
	v23 =	vmax.f32 v23, v31;
	v0 =	vmul.f32 v0, v16  }
0xfc: {  	s1 =	sadd.s32 $0x200, s12;
	[tilespmem:$0x1FDA0] =	vst v41;
	v7 =	vmul.f32 v7, v21;
	v28 =	vmul.f32 v28, v17;
	v5 =	vmax.f32 v5, v42  }
0xfd: {  	v43 =	vld [tilespmem:s1+$0xC0];
	v23 =	vmul.f32 v23, v18;
	v25 =	vmax.f32 v25, v30;
	v0 =	vadd.f32 v22, v0  }
0xfe: {  	v8 =	vld [tilespmem:s1+$0xD0];
	v4 =	vadd.f32 v6, v4;
	v5 =	vmul.f32 v5, v15;
	v25 =	vmul.f32 v25, v20  }
0xff: {  	s13 =	sadd.s32 $0x200, s2;
	v31 =	vld [tilespmem:s1+$0x90];
	v7 =	vadd.f32 v7, v27;
	v0 =	vadd.f32 v2, v0  }
0x100: {  	v29 =	vld [tilespmem:s13+$0x90];
	v5 =	vadd.f32 v5, v25;
	v2 =	vadd.f32 v23, v28  }
0x101: {  	v6 =	vperm.xlane v4, v10;
	v23 =	vld [tilespmem:s13+$0xC0];
	v0 =	vadd.f32 v3, v0;
	v3 =	vperm.xlane v1, v11  }
0x102: {  	v22 =	vld [tilespmem:s13+$0x80];
	v7 =	vadd.f32 v7, v24;
	v2 =	vadd.f32 v5, v2  }
0x103: {  	v5 =	vperm.xlane v0, v10;
	v1 =	vadd.f32 v1, v3;
	v3 =	vadd.f32 v4, v6;
	v6 =	vld [tilespmem:s1+$0x80]  }
0x104: {  	v27 =	vld [tilespmem:s13+$0xA0];
	v2 =	vadd.f32 v2, v7  }
0x105: {  	v24 =	vld [tilespmem:s13+$0xD0];
	v0 =	vadd.f32 v0, v5;
	v4 =	vperm.xlane v1, v12;
	v5 =	vperm.xlane v3, v11  }
0x106: {  	v28 =	vld [tilespmem:s13+$0xB0];
	v31 =	vadd.f32 v31, v29;
	v32 =	vadd.f32 v43, v23;
	v7 =	vperm.xlane v2, v10  }
0x107: {  	v30 =	vperm.xlane v0, v11;
	v1 =	vadd.f32 v1, v4;
	v3 =	vadd.f32 v3, v5;
	v4 =	vld [tilespmem:s1+$0xA0]  }
0x108: {  	v53 =	vmul.f32 $2.000000030e-01, v31;
	v2 =	vadd.f32 v2, v7;
	v5 =	vld [tilespmem:s1+$0xB0];
	v6 =	vadd.f32 v6, v22  }
0x109: {  	v0 =	vadd.f32 v0, v30;
	v7 =	vperm.xlane v1, v46;
	v30 =	vperm.xlane v3, v12  }
0x10a: {  	v8 =	vadd.f32 v8, v24;
	v60 =	vmul.f32 $2.000000030e-01, v32;
	v44 =	vperm.xlane v2, v11  }
0x10b: {  	v35 =	vld [tilespmem:s13+$0xFFFFFF10];
	v52 =	vmul.f32 $2.000000030e-01, v6;
	v1 =	vadd.f32 v1, v7;
	v3 =	vadd.f32 v3, v30  }
0x10c: {  	v26 =	vld [tilespmem:s13+$0xF0];
	v45 =	vperm.xlane v0, v12;
	v2 =	vadd.f32 v2, v44;
	v4 =	vadd.f32 v4, v27  }
0x10d: {  	v30 =	vld [tilespmem:s1+$0xF0];
	v5 =	vadd.f32 v5, v28;
	v6 =	vmax.f32 v6, v52;
	v51 =	vperm.xlane v3, v46  }
0x10e: {  	v9 =	vld [tilespmem:s13+$0xFFFFFF30];
	v0 =	vadd.f32 v0, v45;
	v34 =	vperm.xlane v2, v12;
	v45 =	vmul.f32 $2.000000030e-01, v8  }
0x10f: {  	v25 =	vld [tilespmem:s13+$0xE0];
	v6 =	vmul.f32 v6, v16;
	v1 =	vmul.f32 $1.442695020e+00, v1  }
0x110: {  	v7 =	vld [tilespmem:s1+$0xE0];
	v54 =	vmul.f32 $2.000000030e-01, v4;
	v59 =	vmul.f32 $2.000000030e-01, v5  }
0x111: {  	v3 =	vadd.f32 v3, v51;
	v51 =	vmax.f32 v31, v53;
	v53 =	vmax.f32 v32, v60;
	v31 =	vld [tilespmem:s13+$0xFFFFFF60]  }
0x112: {  	v2 =	vadd.f32 v2, v34;
	v60 =	vperm.xlane v0, v46;
	v63 =	vadd.f32 v30, v26;
	v30 =	vld [tilespmem:s13+$0xFFFFFF20]  }
0x113: {  	(erf) = vpow2.f32 v1;
	v4 =	vmax.f32 v4, v54;
	v5 =	vmax.f32 v5, v59;
	v59 =	vld [tilespmem:s13+$0xFFFFFF40]  }
0x114: {  	v36 =	vmul.f32 v51, v14;
	v54 =	vmax.f32 v8, v45;
	v8 =	vld [tilespmem:s13+$0xFFFFFF50];
	v38 =	vmul.f32 v53, v17  }
0x115: {  	v7 =	vadd.f32 v7, v25;
	v45 =	vld [tilespmem:s1+$0xFFFFFF40];
	v4 =	vmul.f32 v4, v19;
	v5 =	vmul.f32 v5, v21  }
0x116: {  	v51 =	vld [tilespmem:s1+$0xFFFFFF50];
	v34 =	vperm.xlane v2, v46;
	v0 =	vadd.f32 v0, v60;
	v3 =	vmul.f32 $1.442695020e+00, v3  }
0x117: {  	v43 =	vmul.f32 $2.000000030e-01, v7;
	v52 =	vmul.f32 $2.000000030e-01, v63;
	v4 =	vadd.f32 v5, v4;
	v5 =	vld [tilespmem:s1+$0xFFFFFF30]  }
0x118: {  	v39 =	vmul.f32 v54, v18;
	v1 =	vadd.f32 v2, v34;
	v0 =	vmul.f32 $1.442695020e+00, v0;
	v2 =	vld [tilespmem:s1+$0xFFFFFF60]  }
0x119: {  	(erf) = vpow2.f32 v3;
	v7 =	vmax.f32 v7, v43;
	v37 =	vmax.f32 v63, v52;
	v63 =	vld [tilespmem:s1+$0xFFFFFF20]  }
0x11a: {  	v52 =	vld [tilespmem:s13+$0xFFFFFF70];
	v7 =	vmul.f32 v7, v20;
	v37 =	vmul.f32 v37, v15  }
0x11b: {  	v6 =	vadd.f32 v36, v6;
	(erf) = vpow2.f32 v0;
	v0 =	vld [tilespmem:s1+$0xFFFFFF70]  }
0x11c: {  	v33 =	vadd.f32 v39, v38;
	v7 =	vadd.f32 v37, v7;
	v37 =	vld [tilespmem:s1+$0xFFFFFF00];
	[tilespmem:$0x1FDB0] =	vst v9  }
0x11d: {  	v39 =	vld [tilespmem:s13+$0xFFFFFF80];
	[tilespmem:$0x1FDC0] =	vst v59  }
0x11e: {  	v4 =	vadd.f32 v4, v6;
	[tilespmem:$0x1FDD0] =	vst v8;
	v6 =	vadd.f32 v7, v33  }
0x11f: {  	v32 =	vld [tilespmem:s13+$0xFFFFFF90]  }
0x120: {  	v5 =	vadd.f32 v5, v9;
	v33 =	vld [tilespmem:s13+$0xFFFFFFA0];
	[tilespmem:$0x1FDE0] =	vst v31;
	v3 =	vadd.f32 v6, v4  }
0x121: {  	v2 =	vadd.f32 v2, v31;
	[tilespmem:$0x1FDF0] =	vst v52  }
0x122: {  	v54 =	vmul.f32 $2.000000030e-01, v5;
	v31 =	vld [tilespmem:s13+$0xFFFFFFB0];
	v6 =	vadd.f32 v63, v30;
	v7 =	vperm.xlane v3, v10  }
0x123: {  	v53 =	vadd.f32 v51, v8;
	v0 =	vadd.f32 v0, v52;
	v8 =	vld [tilespmem:s1+$0xFFFFFFB0];
	v4 =	vmul.f32 $1.442695020e+00, v1  }
0x124: {  	v5 =	vmax.f32 v5, v54;
	v1 =	vmul.f32 $2.000000030e-01, v6;
	v3 =	vadd.f32 v3, v7  }
0x125: {  	(erf) = vpow2.f32 v4;
	v4 =	vadd.f32 v45, v59;
	v59 =	vmul.f32 $2.000000030e-01, v53  }
0x126: {  	v60 =	vld [tilespmem:s1+$0xFFFFFF90];
	v5 =	vmul.f32 v5, v21;
	v6 =	vmax.f32 v6, v1;
	v1 =	vperm.xlane v3, v11  }
0x127: {  	v45 =	vld [tilespmem:s1+$0xFFFFFF80];
	v44 =	vmul.f32 $2.000000030e-01, v4;
	v7 =	vmul.f32 $2.000000030e-01, v2;
	v43 =	vmax.f32 v53, v59  }
0x128: {  	v38 =	vadd.f32 v8, v31;
	v6 =	vmul.f32 v6, v19;
	v3 =	vadd.f32 v3, v1  }
0x129: {  	v43 =	vmul.f32 v43, v18;
	v4 =	vmax.f32 v4, v44;
	v1 =	vmul.f32 $2.000000030e-01, v0  }
0x12a: {  	v2 =	vmax.f32 v2, v7;
	v36 =	vadd.f32 v5, v6;
	v6 =	vperm.xlane v3, v12  }
0x12b: {  	v34 =	vld [tilespmem:s13+$0xFFFFFFC0];
	v4 =	vmul.f32 v4, v17;
	v1 =	vmax.f32 v0, v1;
	v0 =	vadd.f32 v60, v32  }
0x12c: {  	v42 =	vld [tilespmem:s13+$0xFFFFFFD0];
	v45 =	vadd.f32 v45, v39;
	v5 =	vmul.f32 v2, v20;
	v3 =	vadd.f32 v3, v6  }
0x12d: {  	v59 =	vld [tilespmem:s1+$0xFFFFFFE0];
	v60 =	vadd.f32 v43, v4;
	v2 =	vmul.f32 v1, v15;
	v4 =	vmul.f32 $2.000000030e-01, v0  }
0x12e: {  	v7 =	vld [tilespmem:s1+$0xFFFFFFA0];
	v63 =	vmul.f32 $2.000000030e-01, v45;
	v1 =	vperm.xlane v3, v46  }
0x12f: {  	v44 =	vld [tilespmem:s13+$0xFFFFFFE0];
	v51 =	vadd.f32 v2, v5;
	v5 =	vmax.f32 v0, v4;
	v0 =	vmul.f32 $2.000000030e-01, v38  }
0x130: {  	v43 =	vld [tilespmem:s13+$0xFFFFFFF0];
	v9 =	vmax.f32 v45, v63;
	v54 =	vadd.f32 v3, v1;
	v3 =	vpop (erf)  }
0x131: {  	v6 =	vld [tilespmem:s1+$0xFFFFFFC0];
	v63 =	vmul.f32 v3, v48;
	v48 =	vmax.f32 v38, v0;
	v0 =	vmul.f32 v3, v57  }
0x132: {  	v2 =	vld [tilespmem:s1+$0xFFFFFFD0]  }
0x133: {  	v1 =	vld [tilespmem:s1+$0xFFFFFFF0];
	[tilespmem:$0x1FE50] =	vst v0;
	v0 =	vmul.f32 v3, v55;
	_ =	sdelay $0x1  }
0x134: {  	v45 =	vld [tilespmem:s1+$0xFFFFFF10];
	[tilespmem:$0x1FE80] =	vst v0;
	v0 =	vmul.f32 v3, v56;
	_ =	sdelay $0x1  }
0x135: {  	[tilespmem:$0x1FE90] =	vst v0;
	v0 =	vmul.f32 v3, v50  }
0x136: {  	v7 =	vadd.f32 v7, v33;
	v57 =	vld [tilespmem:s13+$0x0]  }
0x137: {  	v6 =	vadd.f32 v6, v34;
	[tilespmem:$0x1FEA0] =	vst v0;
	v0 =	vld [tilespmem:$0x1FE00]  }
0x138: {  	v4 =	vmul.f32 $2.000000030e-01, v7;
	v53 =	vmul.f32 v3, v49;
	v2 =	vadd.f32 v2, v42  }
0x139: {  	v52 =	vmul.f32 v3, v58;
	v49 =	vmul.f32 $2.000000030e-01, v6  }
0x13a: {  	v4 =	vmax.f32 v7, v4;
	v40 =	vmul.f32 $1.442695020e+00, v54;
	v38 =	vmul.f32 $2.000000030e-01, v2  }
0x13b: {  	v7 =	vmax.f32 v6, v49;
	v1 =	vadd.f32 v1, v43;
	v6 =	vmul.f32 v5, v14;
	v58 =	vld [tilespmem:s13+$0x10]  }
0x13c: {  	v5 =	vmul.f32 v4, v19;
	v54 =	vld [tilespmem:s13+$0x30];
	v41 =	vmul.f32 v3, v0;
	v0 =	vadd.f32 v59, v44  }
0x13d: {  	v8 =	vmax.f32 v2, v38;
	v4 =	vmul.f32 $2.000000030e-01, v1;
	v2 =	vadd.f32 v45, v35;
	v55 =	vld [tilespmem:s13+$0x40]  }
0x13e: {  	v50 =	vmul.f32 v13, v3;
	v56 =	vld [tilespmem:s13+$0x50];
	v3 =	vmul.f32 $2.000000030e-01, v0  }
0x13f: {  	v1 =	vmax.f32 v1, v4;
	v4 =	vmul.f32 v8, v18;
	v45 =	vld [tilespmem:s13+$0x60];
	v8 =	vmul.f32 $2.000000030e-01, v2  }
0x140: {  	v7 =	vmul.f32 v7, v17;
	v38 =	vadd.f32 v51, v60;
	v60 =	vld [tilespmem:s1+$0x10];
	v0 =	vmax.f32 v0, v3  }
0x141: {  	v1 =	vmul.f32 v1, v15;
	v2 =	vmax.f32 v2, v8;
	v59 =	vld [tilespmem:s13+$0x20];
	v0 =	vmul.f32 v0, v20  }
0x142: {  	v3 =	vmul.f32 v48, v21;
	v48 =	vld [tilespmem:s1+$0x0];
	[tilespmem:$0x1FEB0] =	vst v2  }
0x143: {  	s2 =	simm.s32 $0x7270;
	v4 =	vadd.f32 v4, v7;
	v7 =	vld [tilespmem:s1+$0x30];
	v0 =	vadd.f32 v1, v0  }
0x144: {  	[tilespmem:s2+$0x110] =	vst v50;
	v49 =	vld [tilespmem:s1+$0x40]  }
0x145: {  	[tilespmem:s2+$0x90] =	vst v53;
	v3 =	vadd.f32 v3, v5;
	v5 =	vld [tilespmem:s1+$0x20];
	v0 =	vadd.f32 v0, v4  }
0x146: {  	v2 =	vld [tilespmem:$0x1FE10];
	[tilespmem:s2+$0xA0] =	vst v52  }
0x147: {  	[tilespmem:$0x1FF00] =	vst v0;
	v0 =	vld [tilespmem:$0x1FE20];
	_ =	sdelay $0x2  }
0x148: {  	v8 =	vpop (erf)  }
0x149: {  	v1 =	vpop (erf);
	[tilespmem:s2+$0xB0] =	vst v63  }
0x14a: {  	v52 =	vmul.f32 v1, v62;
	v62 =	vmul.f32 v1, v0;
	v0 =	vld [tilespmem:$0x1FE30];
	_ =	sdelay $0x4  }
0x14b: {  	v63 =	vmul.f32 v1, v0;
	v0 =	vld [tilespmem:$0x1FE40];
	_ =	sdelay $0x2  }
0x14c: {  	v51 =	vmul.f32 v1, v61;
	v61 =	vmul.f32 v1, v2;
	v2 =	vld [tilespmem:$0x1FE50];
	_ =	sdelay $0x1  }
0x14d: {  	v0 =	vmul.f32 v1, v0;
	_ =	sdelay $0x1  }
0x14e: {  	v53 =	vld [tilespmem:s13+$0x70];
	[tilespmem:$0x1FED0] =	vst v0  }
0x14f: {  	[tilespmem:s2+$0xC0] =	vst v2  }
0x150: {  	v2 =	vld [tilespmem:$0x1FE60];
	_ =	sdelay $0x3  }
0x151: {  	v9 =	vmul.f32 v9, v16  }
0x152: {  	v2 =	vmul.f32 v1, v2  }
0x153: {  	v6 =	vadd.f32 v6, v9;
	v9 =	vld [tilespmem:s1+$0x50]  }
0x154: {  	[tilespmem:$0x1FEE0] =	vst v2;
	v2 =	vld [tilespmem:$0x1FE70];
	_ =	sdelay $0x4  }
0x155: {  	v2 =	vmul.f32 v1, v2;
	_ =	sdelay $0x1  }
0x156: {  	[tilespmem:$0x1FEF0] =	vst v2;
	v2 =	vld [tilespmem:$0x1FE80];
	_ =	sdelay $0x4  }
0x157: {  	[tilespmem:s2+$0xD0] =	vst v2  }
0x158: {  	(erf) = vpow2.f32 v40;
	v40 =	vadd.f32 v3, v6;
	v3 =	vld [tilespmem:$0x1FE90];
	_ =	sdelay $0x4  }
0x159: {  	[tilespmem:s2+$0xE0] =	vst v3  }
0x15a: {  	v50 =	vld [tilespmem:$0x1FEA0]  }
0x15b: {  	v0 =	vadd.f32 v48, v57  }
0x15c: {  	[tilespmem:s2+$0x100] =	vst v41  }
0x15d: {  	v7 =	vadd.f32 v7, v54;
	v6 =	vld [tilespmem:s1+$0x60];
	v2 =	vmul.f32 $2.000000030e-01, v0;
	[tilespmem:s2+$0xFFFFFEE0] =	vst v51  }
0x15e: {  	v3 =	vmul.f32 v13, v1;
	[tilespmem:s2+$0xFFFFFEF0] =	vst v61  }
0x15f: {  	[tilespmem:s2+$0xF0] =	vst v50;
	v50 =	vmax.f32 v0, v2;
	v0 =	vmul.f32 $2.000000030e-01, v7  }
0x160: {  	v9 =	vadd.f32 v9, v56;
	[tilespmem:s2+$0xFFFFFF60] =	vst v3  }
0x161: {  	v60 =	vadd.f32 v60, v58;
	v0 =	vmax.f32 v7, v0;
	v7 =	vld [tilespmem:$0x1FEB0]  }
0x162: {  	v3 =	vadd.f32 v6, v45;
	v6 =	vmul.f32 $2.000000030e-01, v9  }
0x163: {  	v1 =	vmul.f32 $2.000000030e-01, v60;
	[tilespmem:s2+$0xFFFFFF00] =	vst v52  }
0x164: {  	v6 =	vmax.f32 v9, v6;
	v9 =	vld [tilespmem:$0x1FEC0];
	[tilespmem:s2+$0xFFFFFF10] =	vst v62  }
0x165: {  	v1 =	vmax.f32 v60, v1;
	[tilespmem:s2+$0xFFFFFF20] =	vst v63  }
0x166: {  	v1 =	vmul.f32 v1, v14;
	v7 =	vmul.f32 v7, v14;
	v14 =	vld [tilespmem:$0x1FED0];
	_ =	sdelay $0x4  }
0x167: {  	[tilespmem:s2+$0xFFFFFF30] =	vst v14  }
0x168: {  	v14 =	vld [tilespmem:$0x1FEE0]  }
0x169: {  	v48 =	vld [tilespmem:s13+$0xFFFFFF00];
	_ =	sdelay $0x1  }
0x16a: {  	v5 =	vadd.f32 v5, v59  }
0x16b: {  	v49 =	vadd.f32 v49, v55  }
0x16c: {  	v2 =	vmul.f32 $2.000000030e-01, v5;
	[tilespmem:s2+$0xFFFFFF40] =	vst v14  }
0x16d: {  	v41 =	vmul.f32 $2.000000030e-01, v49;
	v60 =	vadd.f32 v37, v48;
	v14 =	vld [tilespmem:$0x1FEF0]  }
0x16e: {  	v61 =	vmul.f32 $2.000000030e-01, v3;
	v2 =	vmax.f32 v5, v2;
	v9 =	vmul.f32 v8, v9  }
0x16f: {  	v4 =	vld [tilespmem:s1+$0x70];
	v5 =	vmax.f32 v49, v41;
	v41 =	vmul.f32 $2.000000030e-01, v60;
	v52 =	vmul.f32 v13, v8  }
0x170: {  	[tilespmem:s2+$0xFFFFFF70] =	vst v9  }
0x171: {  	v2 =	vmul.f32 v2, v19;
	v0 =	vmul.f32 v0, v21;
	v49 =	vmax.f32 v60, v41;
	v60 =	vpop (erf);
	[tilespmem:s2+$0xFFFFFFF0] =	vst v52  }
0x172: {  	v3 =	vmax.f32 v3, v61;
	v5 =	vmul.f32 v5, v17;
	v61 =	vpop (erf);
	[tilespmem:s2+$0xFFFFFF50] =	vst v14  }
0x173: {  	v0 =	vadd.f32 v0, v2;
	v2 =	vmul.f32 v6, v18;
	v6 =	vmul.f32 v13, v61;
	v9 =	vld [tilespmem:$0x1FF10]  }
0x174: {  	s9 =	simm.s32 $0x74B0;
	v4 =	vadd.f32 v4, v53  }
0x175: {  	v2 =	vadd.f32 v2, v5;
	v5 =	vld [tilespmem:$0x1FF00];
	[tilespmem:s9+$0x110] =	vst v6  }
0x176: {  	v37 =	vmul.f32 $2.000000030e-01, v4;
	v6 =	vld [tilespmem:$0x1FF20]  }
0x177: {  	v49 =	vmul.f32 v49, v16  }
0x178: {  	v4 =	vmax.f32 v4, v37;
	v9 =	vmul.f32 v8, v9  }
0x179: {  	v4 =	vmul.f32 v4, v15;
	v3 =	vmul.f32 v3, v20;
	v7 =	vadd.f32 v7, v49  }
0x17a: {  	[tilespmem:s2+$0xFFFFFF80] =	vst v9  }
0x17b: {  	v3 =	vadd.f32 v4, v3;
	v4 =	vadd.f32 v36, v7;
	v6 =	vmul.f32 v8, v6;
	v7 =	vld [tilespmem:$0x1FF30];
	_ =	sdelay $0x1  }
0x17c: {  	v50 =	vmul.f32 v50, v16;
	[tilespmem:s2+$0xFFFFFF90] =	vst v6  }
0x17d: {  	v9 =	vadd.f32 v3, v2;
	v3 =	vld [tilespmem:$0x1FF40]  }
0x17e: {  	v1 =	vadd.f32 v1, v50;
	v5 =	vadd.f32 v5, v40  }
0x17f: {  	v7 =	vmul.f32 v8, v7  }
0x180: {  	v1 =	vadd.f32 v0, v1;
	v0 =	vperm.xlane v5, v10  }
0x181: {  	[tilespmem:s2+$0xFFFFFFA0] =	vst v7  }
0x182: {  	v2 =	vadd.f32 v38, v4;
	v4 =	vmul.f32 v8, v3;
	v3 =	vadd.f32 v5, v0;
	v0 =	vld [tilespmem:$0x1FF50];
	_ =	sdelay $0x4  }
0x183: {  	v7 =	vmul.f32 v8, v0;
	v0 =	vld [tilespmem:$0x1FF60];
	_ =	sdelay $0x3  }
0x184: {  	[tilespmem:s2+$0xFFFFFFB0] =	vst v4  }
0x185: {  	v5 =	vmul.f32 v8, v0;
	v0 =	vld [tilespmem:$0x1FF70];
	_ =	sdelay $0x3  }
0x186: {  	v6 =	vperm.xlane v2, v10;
	[tilespmem:s2+$0xFFFFFFC0] =	vst v7;
	v7 =	vperm.xlane v3, v11  }
0x187: {  	s10 =	simm.s32 $0x4;
	s11 =	sadd.s32 $0x200, s13;
	v1 =	vadd.f32 v9, v1;
	v4 =	vmul.f32 v8, v0;
	v0 =	vmul.f32 v13, v60  }
.LBB2_5:
0x188: {  	[tilespmem:s2+$0xFFFFFFD0] =	vst v5;
	v5 =	vld [tilespmem:$0x1FD40];
	_ =	sdelay $0x4  }
0x189: {  	v5 =	vmul.f32 v60, v5  }
0x18a: {  	[tilespmem:s2+$0xFFFFFFE0] =	vst v4  }
0x18b: {  	v4 =	vld [tilespmem:$0x1FD50];
	[tilespmem:s2+$0x0] =	vst v5;
	v5 =	vmul.f32 v60, v47  }
0x18c: {  	v3 =	vadd.f32 v3, v7;
	v7 =	vld [tilespmem:$0x1FD60]  }
0x18d: {  	v8 =	vmov v44;
	[tilespmem:s2+$0x20] =	vst v5;
	v5 =	vld [tilespmem:$0x1FD70]  }
0x18e: {  	v50 =	vld [tilespmem:s11+$0x80];
	v49 =	vperm.xlane v1, v10;
	v9 =	vmov v42  }
0x18f: {  	v42 =	vld [tilespmem:s11+$0x90];
	[tilespmem:$0x1FD10] =	vst v9  }
0x190: {  	v44 =	vld [tilespmem:s11+$0xB0];
	[tilespmem:$0x1FD20] =	vst v8;
	v1 =	vadd.f32 v1, v49;
	v8 =	vmov v58  }
0x191: {  	[tilespmem:$0x1FD50] =	vst v8;
	v8 =	vld [tilespmem:$0x1FDA0];
	v14 =	vmul.f32 v60, v4;
	v7 =	vmul.f32 v60, v7;
	v4 =	vmov v57  }
0x192: {  	v38 =	vperm.xlane v1, v11;
	[tilespmem:$0x1FD40] =	vst v4;
	v4 =	vld [tilespmem:s11+$0xC0];
	v5 =	vmul.f32 v60, v5  }
0x193: {  	v2 =	vadd.f32 v2, v6;
	[tilespmem:s2+$0x30] =	vst v7;
	v7 =	vld [tilespmem:$0x1FD80]  }
0x194: {  	v1 =	vadd.f32 v1, v38;
	[tilespmem:s2+$0x40] =	vst v5;
	v5 =	vld [tilespmem:$0x1FD90]  }
0x195: {  	v52 =	vld [tilespmem:s11+$0xD0];
	[tilespmem:s2+$0x80] =	vst v0;
	v19 =	vperm.xlane v2, v11;
	v51 =	vperm.xlane v3, v12;
	v9 =	vmov v43  }
0x196: {  	v21 =	vld [tilespmem:s11+$0xF0];
	[tilespmem:$0x1FD30] =	vst v9;
	v62 =	vperm.xlane v1, v12  }
0x197: {  	s1 =	sadd.s32 $0x200, s1;
	v6 =	vld [tilespmem:s11+$0xA0];
	v2 =	vadd.f32 v2, v19;
	v3 =	vadd.f32 v3, v51;
	[tilespmem:s2+$0x10] =	vst v14;
	v20 =	vmul.f32 v60, v8  }
0x198: {  	v0 =	vld [tilespmem:s1+$0xB0];
	v1 =	vadd.f32 v1, v62;
	v62 =	vmul.f32 v61, v23;
	v14 =	vmul.f32 v60, v7;
	v7 =	vmovc v55  }
0x199: {  	v51 =	vld [tilespmem:s11+$0xE0];
	v23 =	vmovc v4;
	v4 =	vmov v45;
	[tilespmem:$0x1FD70] =	vst v7;
	v9 =	vmul.f32 v60, v5;
	v60 =	vperm.xlane v3, v46  }
0x19a: {  	v63 =	vmul.f32 v61, v22;
	v22 =	vmov v50;
	v50 =	vld [tilespmem:s1+$0xA0];
	[tilespmem:$0x1FD90] =	vst v4;
	v5 =	vmov v56  }
0x19b: {  	v36 =	vmul.f32 v61, v29;
	v47 =	vperm.xlane v2, v12;
	v7 =	vld [tilespmem:s1+$0x80];
	[tilespmem:$0x1FD80] =	vst v5;
	v3 =	vadd.f32 v3, v60  }
0x19c: {  	v37 =	vmul.f32 v61, v27;
	v5 =	vld [tilespmem:s1+$0x90];
	[tilespmem:s9+$0x90] =	vst v63  }
0x19d: {  	v38 =	vmul.f32 v61, v28;
	v27 =	vmovc v6;
	v2 =	vadd.f32 v2, v47;
	v6 =	vld [tilespmem:s1+$0xC0];
	[tilespmem:s9+$0xA0] =	vst v36;
	v3 =	vmul.f32 $1.442695020e+00, v3  }
0x19e: {  	v4 =	vld [tilespmem:s1+$0xD0];
	[tilespmem:s9+$0xB0] =	vst v37  }
0x19f: {  	v47 =	vperm.xlane v2, v46;
	(erf) = vpow2.f32 v3;
	v3 =	vld [tilespmem:s1+$0xE0];
	[tilespmem:s9+$0xC0] =	vst v38  }
0x1a0: {  	v41 =	vmov v31;
	v40 =	vmov v34;
	v38 =	vld [tilespmem:s1+$0xF0]  }
0x1a1: {  	v28 =	vmovc v44;
	v44 =	vadd.f32 v50, v27;
	v2 =	vadd.f32 v2, v47;
	v63 =	vmul.f32 v61, v24  }
0x1a2: {  	v31 =	vld [tilespmem:$0x1FFC0];
	v24 =	vmovc v52;
	v60 =	vperm.xlane v1, v46;
	v37 =	vmul.f32 v61, v26;
	v6 =	vadd.f32 v6, v23  }
0x1a3: {  	v34 =	vld [tilespmem:$0x1FFF0];
	v36 =	vmul.f32 v61, v25;
	v25 =	vmovc v51;
	v51 =	vadd.f32 v7, v22;
	v4 =	vadd.f32 v4, v24  }
0x1a4: {  	v43 =	vld [tilespmem:s11+$0xFFFFFF10];
	v8 =	vmovc v54;
	v2 =	vmul.f32 $1.442695020e+00, v2;
	v26 =	vmovc v21;
	v1 =	vadd.f32 v1, v60;
	[tilespmem:s9+$0x100] =	vst v37;
	v37 =	vmul.f32 $2.000000030e-01, v6  }
0x1a5: {  	v49 =	vmovc v59;
	v59 =	vld [tilespmem:s1+$0xFFFFFF50];
	v29 =	vmovc v42;
	v50 =	vmul.f32 $2.000000030e-01, v51;
	v52 =	vadd.f32 v38, v26;
	v38 =	vmul.f32 $2.000000030e-01, v4  }
0x1a6: {  	v0 =	vadd.f32 v0, v28;
	v54 =	vld [tilespmem:s1+$0xFFFFFF10];
	v5 =	vadd.f32 v5, v29;
	(erf) = vpow2.f32 v2  }
0x1a7: {  	[tilespmem:$0x1FD60] =	vst v8;
	v8 =	vmovc v53;
	v45 =	vld [tilespmem:s11+$0xFFFFFF40];
	v47 =	vmul.f32 $2.000000030e-01, v44;
	v1 =	vmul.f32 $1.442695020e+00, v1;
	v42 =	vmax.f32 v51, v50  }
0x1a8: {  	[tilespmem:$0x1FDA0] =	vst v8;
	v8 =	vmul.f32 $2.000000030e-01, v5;
	v3 =	vadd.f32 v3, v25;
	v6 =	vmax.f32 v6, v37;
	v37 =	vmovc v32;
	v32 =	vld [tilespmem:$0x1FFD0]  }
0x1a9: {  	[tilespmem:s9+$0xF0] =	vst v36;
	v36 =	vmul.f32 $2.000000030e-01, v0;
	v42 =	vmul.f32 v42, v16;
	v4 =	vmax.f32 v4, v38;
	v38 =	vmovc v33;
	v33 =	vld [tilespmem:$0x1FFE0]  }
0x1aa: {  	v55 =	vld [tilespmem:s1+$0xFFFFFF20];
	v5 =	vmax.f32 v5, v8;
	v58 =	vmul.f32 $2.000000030e-01, v3;
	v60 =	vmul.f32 $2.000000030e-01, v52  }
0x1ab: {  	v44 =	vmax.f32 v44, v47;
	v7 =	vld [tilespmem:s11+$0xFFFFFF20];
	[tilespmem:s9+$0xD0] =	vst v62;
	v5 =	vmul.f32 v5, v31;
	v62 =	vmul.f32 v6, v17  }
0x1ac: {  	v61 =	vld [tilespmem:s11+$0xFFFFFF60];
	v3 =	vmax.f32 v3, v58;
	v4 =	vmul.f32 v4, v18;
	v52 =	vmax.f32 v52, v60  }
0x1ad: {  	v2 =	vld [tilespmem:s11+$0xFFFFFF50];
	v0 =	vmax.f32 v0, v36;
	v3 =	vmul.f32 v3, v34;
	v52 =	vmul.f32 v52, v15  }
0x1ae: {  	[tilespmem:s9+$0xE0] =	vst v63;
	v63 =	vld [tilespmem:s11+$0xFFFFFF70];
	v50 =	vpop (erf);
	v44 =	vmul.f32 v44, v32;
	v0 =	vmul.f32 v0, v33  }
0x1af: {  	v5 =	vadd.f32 v5, v42;
	v42 =	vld [tilespmem:s1+$0xFFFFFF60];
	v6 =	vpop (erf);
	(erf) = vpow2.f32 v1;
	v1 =	vadd.f32 v4, v62  }
0x1b0: {  	v58 =	vld [tilespmem:s1+$0xFFFFFF40];
	v4 =	vadd.f32 v52, v3;
	v0 =	vadd.f32 v0, v44  }
0x1b1: {  	v55 =	vadd.f32 v55, v7;
	v60 =	vld [tilespmem:s1+$0xFFFFFF70]  }
0x1b2: {  	v53 =	vld [tilespmem:s11+$0xFFFFFF30];
	v48 =	vmul.f32 v6, v48;
	v4 =	vadd.f32 v4, v1;
	v5 =	vadd.f32 v0, v5  }
0x1b3: {  	v54 =	vadd.f32 v54, v43;
	v56 =	vld [tilespmem:s1+$0xFFFFFF30];
	v47 =	vmul.f32 $2.000000030e-01, v55;
	v36 =	vmul.f32 v13, v6  }
0x1b4: {  	v51 =	vld [tilespmem:s1+$0xFFFFFF00];
	v62 =	vmul.f32 v6, v35;
	[tilespmem:s9+$0xFFFFFEE0] =	vst v48;
	v48 =	vadd.f32 v59, v2;
	v4 =	vadd.f32 v4, v5  }
0x1b5: {  	[tilespmem:s2+$0x50] =	vst v14;
	v35 =	vmul.f32 $2.000000030e-01, v54;
	v8 =	vadd.f32 v42, v61;
	v58 =	vadd.f32 v58, v45  }
0x1b6: {  	[tilespmem:s2+$0x60] =	vst v9;
	v9 =	vmul.f32 $2.000000030e-01, v48;
	v57 =	vadd.f32 v60, v63;
	v14 =	vperm.xlane v4, v10  }
0x1b7: {  	v55 =	vmax.f32 v55, v47;
	[tilespmem:s9+$0xFFFFFF60] =	vst v36;
	v36 =	vmovc v43;
	v43 =	vmul.f32 $2.000000030e-01, v8;
	v59 =	vmul.f32 $2.000000030e-01, v58  }
0x1b8: {  	v47 =	vmovc v10;
	v3 =	vld [tilespmem:s11+$0xFFFFFF80];
	v54 =	vmax.f32 v54, v35;
	v35 =	vmul.f32 $2.000000030e-01, v57;
	v10 =	vadd.f32 v4, v14  }
0x1b9: {  	[tilespmem:s9+$0xFFFFFEF0] =	vst v62;
	v62 =	vld [tilespmem:s11+$0xFFFFFFC0];
	v9 =	vmax.f32 v48, v9;
	v8 =	vmax.f32 v8, v43;
	v58 =	vmax.f32 v58, v59  }
0x1ba: {  	v9 =	vmul.f32 v9, v18;
	v0 =	vld [tilespmem:s11+$0xFFFFFF90];
	v48 =	vmax.f32 v57, v35;
	v35 =	vperm.xlane v10, v11  }
0x1bb: {  	v56 =	vadd.f32 v56, v53;
	v8 =	vmul.f32 v8, v34;
	v57 =	vld [tilespmem:s1+$0xFFFFFF90];
	v58 =	vmul.f32 v58, v17  }
0x1bc: {  	v48 =	vmul.f32 v48, v15;
	v4 =	vmul.f32 v54, v31;
	v54 =	vld [tilespmem:s1+$0xFFFFFF80]  }
0x1bd: {  	v5 =	vmul.f32 $2.000000030e-01, v56;
	v9 =	vadd.f32 v9, v58;
	v14 =	vld [tilespmem:$0x1FDB0]  }
0x1be: {  	v43 =	vld [tilespmem:s11+$0xFFFFFFF0];
	v10 =	vadd.f32 v10, v35;
	v35 =	vmov v7;
	v7 =	vadd.f32 v48, v8  }
0x1bf: {  	v5 =	vmax.f32 v56, v5;
	v56 =	vld [tilespmem:s1+$0xFFFFFFC0]  }
0x1c0: {  	v58 =	vperm.xlane v10, v12;
	v7 =	vadd.f32 v7, v9;
	v9 =	vld [tilespmem:s1+$0xFFFFFFF0]  }
0x1c1: {  	v42 =	vld [tilespmem:s11+$0xFFFFFFD0];
	v48 =	vadd.f32 v54, v3  }
0x1c2: {  	v21 =	vmovc v12;
	v52 =	vld [tilespmem:s11+$0xFFFFFFB0];
	v54 =	vmul.f32 v6, v14;
	v12 =	vadd.f32 v57, v0;
	v10 =	vadd.f32 v10, v58  }
0x1c3: {  	v19 =	vmov v46;
	v55 =	vmul.f32 v55, v32;
	v1 =	vld [tilespmem:s11+$0xFFFFFFA0];
	v5 =	vmul.f32 v5, v33  }
0x1c4: {  	v44 =	vld [tilespmem:s11+$0xFFFFFFE0];
	v14 =	vmovc v45;
	[tilespmem:s9+$0xFFFFFF10] =	vst v54;
	v45 =	vmul.f32 $2.000000030e-01, v12;
	v54 =	vperm.xlane v10, v46;
	v46 =	vadd.f32 v56, v62  }
0x1c5: {  	v59 =	vld [tilespmem:s1+$0xFFFFFFA0];
	v5 =	vadd.f32 v5, v55;
	v9 =	vadd.f32 v9, v43  }
0x1c6: {  	[tilespmem:s2+$0x70] =	vst v20;
	v20 =	vmovc v11;
	v55 =	vld [tilespmem:s1+$0xFFFFFFB0];
	v11 =	vmul.f32 v6, v30;
	v12 =	vmax.f32 v12, v45;
	v45 =	vmul.f32 $2.000000030e-01, v46  }
0x1c7: {  	v8 =	vld [tilespmem:s1+$0xFFFFFFD0];
	v16 =	vmul.f32 $2.000000030e-01, v9  }
0x1c8: {  	[tilespmem:s9+$0xFFFFFF00] =	vst v11;
	v11 =	vld [tilespmem:$0x1FDC0];
	v46 =	vmax.f32 v46, v45  }
0x1c9: {  	v10 =	vadd.f32 v10, v54;
	v9 =	vmax.f32 v9, v16;
	v16 =	vmul.f32 v46, v17;
	v17 =	vld [tilespmem:$0x1FFB0]  }
0x1ca: {  	v15 =	vmov v53;
	v53 =	vld [tilespmem:s1+$0xFFFFFFE0]  }
0x1cb: {  	v30 =	vmov v13;
	v13 =	vadd.f32 v59, v1;
	v59 =	vld [tilespmem:s11+$0x20];
	v10 =	vmul.f32 $1.442695020e+00, v10  }
0x1cc: {  	v57 =	vld [tilespmem:s11+$0x0];
	v58 =	vmul.f32 $2.000000030e-01, v48;
	v8 =	vadd.f32 v8, v42  }
0x1cd: {  	v60 =	vpop (erf);
	[tilespmem:$0x1FDB0] =	vst v15;
	v11 =	vmul.f32 v6, v11;
	(erf) = vpow2.f32 v10;
	v10 =	vld [tilespmem:$0x1FF80]  }
0x1ce: {  	[tilespmem:$0x1FDC0] =	vst v14;
	v14 =	vadd.f32 v55, v52;
	v15 =	vmul.f32 $2.000000030e-01, v8;
	v9 =	vmul.f32 v9, v17;
	v17 =	vld [tilespmem:$0x1FDD0]  }
0x1cf: {  	v53 =	vadd.f32 v53, v44;
	v55 =	vld [tilespmem:s11+$0x40];
	[tilespmem:s9+$0xFFFFFF20] =	vst v11;
	v11 =	vmax.f32 v48, v58;
	v48 =	vmul.f32 $2.000000030e-01, v13  }
0x1d0: {  	v56 =	vmul.f32 $2.000000030e-01, v14;
	v58 =	vld [tilespmem:s11+$0x10];
	v8 =	vmax.f32 v8, v15  }
0x1d1: {  	v54 =	vld [tilespmem:s11+$0x30];
	v13 =	vmax.f32 v13, v48;
	v48 =	vmul.f32 $2.000000030e-01, v53;
	v8 =	vmul.f32 v8, v18  }
0x1d2: {  	v14 =	vmax.f32 v14, v56;
	v56 =	vld [tilespmem:s11+$0x50];
	v10 =	vmul.f32 v11, v10  }
0x1d3: {  	v11 =	vmax.f32 v53, v48;
	v48 =	vmul.f32 v6, v17;
	v17 =	vmovc v2;
	v2 =	vadd.f32 v8, v16;
	v16 =	vld [tilespmem:$0x1FDE0]  }
0x1d4: {  	v45 =	vld [tilespmem:s11+$0x60]  }
0x1d5: {  	v15 =	vld [tilespmem:s1+$0x0]  }
0x1d6: {  	v12 =	vmul.f32 v12, v31;
	[tilespmem:$0x1FDD0] =	vst v17;
	v17 =	vld [tilespmem:$0x1FDF0]  }
0x1d7: {  	v14 =	vmul.f32 v14, v33;
	v13 =	vmul.f32 v13, v32;
	v46 =	vld [tilespmem:s1+$0x10]  }
0x1d8: {  	v10 =	vadd.f32 v12, v10;
	v12 =	vld [tilespmem:s1+$0x20];
	v16 =	vmul.f32 v6, v16  }
0x1d9: {  	v13 =	vadd.f32 v14, v13;
	v14 =	vld [tilespmem:s1+$0x30];
	v11 =	vmul.f32 v11, v34  }
0x1da: {  	v8 =	vld [tilespmem:s1+$0x40];
	[tilespmem:s9+$0xFFFFFF40] =	vst v16;
	v16 =	vmul.f32 v50, v39  }
0x1db: {  	v15 =	vadd.f32 v15, v57;
	v9 =	vadd.f32 v9, v11;
	v11 =	vld [tilespmem:s1+$0x50];
	v6 =	vmul.f32 v6, v17  }
0x1dc: {  	v46 =	vadd.f32 v46, v58;
	v10 =	vadd.f32 v13, v10;
	v13 =	vld [tilespmem:s1+$0x60];
	[tilespmem:s9+$0xFFFFFF30] =	vst v48  }
0x1dd: {  	v12 =	vadd.f32 v12, v59;
	v2 =	vadd.f32 v9, v2;
	[tilespmem:s9+$0xFFFFFF50] =	vst v6  }
0x1de: {  	v53 =	vld [tilespmem:s11+$0x70];
	v17 =	vmov v61;
	v61 =	vpop (erf);
	v39 =	vmul.f32 $2.000000030e-01, v15;
	[tilespmem:s9+$0xFFFFFF70] =	vst v16;
	v16 =	vmov v63  }
0x1df: {  	v9 =	vld [tilespmem:s1+$0x70];
	v8 =	vadd.f32 v8, v55;
	v18 =	vmul.f32 v30, v61;
	[tilespmem:$0x1FDF0] =	vst v16;
	v16 =	vmul.f32 $2.000000030e-01, v12  }
0x1e0: {  	s2 =	smov.u32 s9;
	v14 =	vadd.f32 v14, v54;
	v11 =	vadd.f32 v11, v56;
	v6 =	vmul.f32 $2.000000030e-01, v46;
	v48 =	vld [tilespmem:s11+$0xFFFFFF00];
	s9 =	sadd.s32 $0x240, s9  }
0x1e1: {  	v13 =	vadd.f32 v13, v45;
	[tilespmem:s9+$0x110] =	vst v18;
	v18 =	vld [tilespmem:$0x1FF80];
	v12 =	vmax.f32 v12, v16;
	v16 =	vmul.f32 $2.000000030e-01, v8  }
0x1e2: {  	v15 =	vmax.f32 v15, v39;
	v39 =	vmovc v3;
	v3 =	vmax.f32 v46, v6;
	v6 =	vmul.f32 $2.000000030e-01, v14  }
0x1e3: {  	[tilespmem:$0x1FDE0] =	vst v17;
	v17 =	vmul.f32 v30, v50;
	v8 =	vmax.f32 v8, v16;
	v16 =	vmul.f32 $2.000000030e-01, v13  }
0x1e4: {  	v9 =	vadd.f32 v9, v53;
	v6 =	vmax.f32 v14, v6  }
0x1e5: {  	[tilespmem:s2+$0xFFFFFFF0] =	vst v17;
	v14 =	vmul.f32 $2.000000030e-01, v11;
	v17 =	vadd.f32 v51, v48;
	v13 =	vmax.f32 v13, v16;
	v16 =	vld [tilespmem:$0x1FF80]  }
0x1e6: {  	v3 =	vmul.f32 v3, v31;
	v15 =	vmul.f32 v15, v18  }
0x1e7: {  	v11 =	vmax.f32 v11, v14;
	v14 =	vmul.f32 $2.000000030e-01, v9;
	v18 =	vmul.f32 $2.000000030e-01, v17  }
0x1e8: {  	v10 =	vadd.f32 v2, v10;
	v3 =	vadd.f32 v3, v15;
	v15 =	vld [tilespmem:$0x1FFB0]  }
0x1e9: {  	v2 =	vmul.f32 v50, v37;
	v9 =	vmax.f32 v9, v14;
	v14 =	vmax.f32 v17, v18;
	v18 =	vld [tilespmem:$0x1FFA0]  }
0x1ea: {  	v17 =	vld [tilespmem:$0x1FF90];
	v14 =	vmul.f32 v14, v16  }
0x1eb: {  	[tilespmem:s2+$0xFFFFFF80] =	vst v2;
	v2 =	vld [tilespmem:$0x1FD10]  }
0x1ec: {  	v4 =	vadd.f32 v4, v14  }
0x1ed: {  	v46 =	vmov v19;
	v6 =	vmul.f32 v6, v33;
	v19 =	vmul.f32 v12, v32  }
0x1ee: {  	v33 =	vmovc v1;
	v34 =	vmul.f32 v13, v34;
	v9 =	vmul.f32 v9, v15;
	v1 =	vadd.f32 v5, v4  }
0x1ef: {  	v8 =	vmul.f32 v8, v17;
	v31 =	vmul.f32 v11, v18  }
0x1f0: {  	v32 =	vmovc v0;
	v0 =	vadd.f32 v9, v34;
	v9 =	vmul.f32 v50, v2;
	v2 =	vadd.f32 v7, v1;
	v1 =	vld [tilespmem:$0x1FD20]  }
0x1f1: {  	v6 =	vadd.f32 v6, v19;
	v8 =	vadd.f32 v31, v8;
	_ =	sdelay $0x1  }
0x1f2: {  	v6 =	vadd.f32 v6, v3;
	v5 =	vmul.f32 v50, v41;
	v0 =	vadd.f32 v0, v8  }
0x1f3: {  	s10 =	sadd.s32 $0x4, s10;
	v3 =	vmul.f32 v50, v38  }
0x1f4: {  	p1 =	slt.u32 s10, $0x34;
	v4 =	vperm.xlane v10, v47;
	[tilespmem:s2+$0xFFFFFFA0] =	vst v5;
	v5 =	vmul.f32 v50, v1;
	v1 =	vadd.f32 v0, v6;
	v0 =	vld [tilespmem:$0x1FD30]  }
.Ltmp1:
0x1f5: {  	_ = 	snop;
	(pc) =	sbr.rel @p1 .LBB2_5-.Ltmp1, $4  }
0x1f6: {  	v12 =	vmov v21;
	[tilespmem:s2+$0xFFFFFF90] =	vst v3;
	v3 =	vadd.f32 v10, v4  }
0x1f7: {  	v13 =	vmovc v30;
	v30 =	vmovc v35;
	v35 =	vmov v36;
	v8 =	vmul.f32 v50, v40;
	v10 =	vmov v47  }
0x1f8: {  	v11 =	vmovc v20;
	v34 =	vmov v62;
	[tilespmem:s2+$0xFFFFFFC0] =	vst v9;
	v7 =	vperm.xlane v3, v20;
	v6 =	vperm.xlane v2, v10  }
0x1f9: {  	s11 =	sadd.s32 $0x200, s11;
	v31 =	vmovc v52;
	v47 =	vmov v49;
	[tilespmem:s2+$0xFFFFFFB0] =	vst v8;
	v4 =	vmul.f32 v50, v0;
	v0 =	vmul.f32 v13, v60  }
0x1fa: {  	[tilespmem:s2+$0xFFFFFFD0] =	vst v5  }
0x1fb: {  	v5 =	vld [tilespmem:$0x1FD40];
	[tilespmem:s2+$0xFFFFFFE0] =	vst v4  }
0x1fc: {  	v4 =	vld [tilespmem:$0x1FD50];
	_ =	sdelay $0x1  }
0x1fd: {  	v2 =	vadd.f32 v2, v6;
	_ =	sdelay $0x1  }
0x1fe: {  	v6 =	vperm.xlane v2, v11;
	v5 =	vmul.f32 v60, v5  }
0x1ff: {  	v3 =	vadd.f32 v3, v7;
	v4 =	vmul.f32 v60, v4  }
0x200: {  	v38 =	vmul.f32 v60, v47;
	v2 =	vadd.f32 v2, v6;
	[tilespmem:s2+$0x0] =	vst v5  }
0x201: {  	v36 =	vperm.xlane v3, v12;
	v8 =	vld [tilespmem:$0x1FD60];
	[tilespmem:s2+$0x10] =	vst v4  }
0x202: {  	v37 =	vperm.xlane v2, v12;
	[tilespmem:s2+$0x20] =	vst v38  }
0x203: {  	v3 =	vadd.f32 v3, v36;
	v4 =	vld [tilespmem:$0x1FD70]  }
0x204: {  	v2 =	vadd.f32 v2, v37  }
0x205: {  	v6 =	vperm.xlane v3, v46  }
0x206: {  	v7 =	vperm.xlane v2, v46  }
0x207: {  	v3 =	vadd.f32 v3, v6;
	v8 =	vmul.f32 v60, v8  }
0x208: {  	v2 =	vadd.f32 v2, v7;
	v4 =	vmul.f32 v60, v4  }
0x209: {  	v3 =	vmul.f32 $1.442695020e+00, v3;
	[tilespmem:s2+$0x30] =	vst v8  }
0x20a: {  	v2 =	vmul.f32 $1.442695020e+00, v2;
	v5 =	vld [tilespmem:$0x1FD80];
	[tilespmem:s2+$0x40] =	vst v4  }
0x20b: {  	v47 =	vmul.f32 v61, v22;
	(erf) = vpow2.f32 v3;
	v4 =	vld [tilespmem:$0x1FD90]  }
0x20c: {  	v49 =	vmul.f32 v61, v29;
	(erf) = vpow2.f32 v2;
	v41 =	vld [tilespmem:$0x1FDA0];
	[tilespmem:s2+$0x80] =	vst v0  }
0x20d: {  	v51 =	vmul.f32 v61, v27;
	[tilespmem:s9+$0x90] =	vst v47  }
0x20e: {  	v52 =	vmul.f32 v61, v28;
	[tilespmem:s9+$0xA0] =	vst v49  }
0x20f: {  	v62 =	vmul.f32 v61, v24;
	[tilespmem:s9+$0xB0] =	vst v51  }
0x210: {  	v40 =	vperm.xlane v1, v10;
	v16 =	vmul.f32 v61, v25;
	[tilespmem:s9+$0xC0] =	vst v52  }
0x211: {  	v18 =	vmul.f32 v61, v26;
	[tilespmem:s9+$0xE0] =	vst v62  }
0x212: {  	v1 =	vadd.f32 v1, v40;
	[tilespmem:s9+$0xF0] =	vst v16;
	v5 =	vmul.f32 v60, v5  }
0x213: {  	[tilespmem:s9+$0x100] =	vst v18;
	v4 =	vmul.f32 v60, v4  }
0x214: {  	v50 =	vperm.xlane v1, v11;
	v17 =	vpop (erf);
	v3 =	vmul.f32 v60, v41;
	[tilespmem:s2+$0x50] =	vst v5  }
0x215: {  	v60 =	vmul.f32 v61, v23;
	[tilespmem:s2+$0x60] =	vst v4;
	v19 =	vpop (erf)  }
0x216: {  	v0 =	vadd.f32 v1, v50;
	[tilespmem:s2+$0x70] =	vst v3;
	v20 =	vmul.f32 v13, v19  }
0x217: {  	[tilespmem:s9+$0xD0] =	vst v60;
	v21 =	vmul.f32 v19, v48  }
0x218: {  	v63 =	vperm.xlane v0, v12;
	v23 =	vmul.f32 v19, v35;
	[tilespmem:s9+$0xFFFFFF60] =	vst v20  }
0x219: {  	v35 =	vmul.f32 v19, v30;
	[tilespmem:s9+$0xFFFFFEE0] =	vst v21  }
0x21a: {  	v0 =	vadd.f32 v0, v63;
	[tilespmem:s9+$0xFFFFFEF0] =	vst v23  }
0x21b: {  	v4 =	vld [tilespmem:$0x1FDB0];
	[tilespmem:s9+$0xFFFFFF00] =	vst v35  }
0x21c: {  	v22 =	vperm.xlane v0, v46;
	v2 =	vld [tilespmem:$0x1FDC0];
	_ =	sdelay $0x1  }
0x21d: {  	v0 =	vadd.f32 v0, v22;
	_ =	sdelay $0x1  }
0x21e: {  	v0 =	vmul.f32 $1.442695020e+00, v0;
	v4 =	vmul.f32 v19, v4  }
0x21f: {  	v2 =	vmul.f32 v19, v2  }
0x220: {  	(erf) = vpow2.f32 v0;
	[tilespmem:s9+$0xFFFFFF10] =	vst v4  }
0x221: {  	v37 =	vmul.f32 v17, v39;
	v4 =	vld [tilespmem:$0x1FDD0];
	[tilespmem:s9+$0xFFFFFF20] =	vst v2  }
0x222: {  	v38 =	vmul.f32 v13, v17;
	v2 =	vld [tilespmem:$0x1FDE0]  }
0x223: {  	v39 =	vmul.f32 v17, v32;
	v36 =	vld [tilespmem:$0x1FDF0];
	[tilespmem:s9+$0xFFFFFF70] =	vst v37  }
0x224: {  	v40 =	vmul.f32 v17, v33;
	[tilespmem:s9+$0xFFFFFFF0] =	vst v38  }
0x225: {  	v41 =	vmul.f32 v17, v31;
	[tilespmem:s9+$0xFFFFFF80] =	vst v39  }
0x226: {  	v47 =	vmul.f32 v17, v34;
	[tilespmem:s9+$0xFFFFFF90] =	vst v40  }
0x227: {  	v48 =	vmul.f32 v17, v42;
	[tilespmem:s9+$0xFFFFFFA0] =	vst v41  }
0x228: {  	v49 =	vmul.f32 v17, v44;
	[tilespmem:s9+$0xFFFFFFB0] =	vst v47  }
0x229: {  	v1 =	vmul.f32 v17, v43;
	[tilespmem:s9+$0xFFFFFFC0] =	vst v48;
	v50 =	vpop (erf)  }
0x22a: {  	[tilespmem:s9+$0xFFFFFFD0] =	vst v49;
	v51 =	vmul.f32 v50, v57  }
0x22b: {  	[tilespmem:s9+$0xFFFFFFE0] =	vst v1;
	v52 =	vmul.f32 v50, v58  }
0x22c: {  	v57 =	vmul.f32 v50, v59;
	[tilespmem:s9+$0x0] =	vst v51  }
0x22d: {  	v58 =	vmul.f32 v50, v54;
	[tilespmem:s9+$0x10] =	vst v52  }
0x22e: {  	s1 =	smulhi.u32 $0xAAAAAAAB, s3;
	v59 =	vmul.f32 v50, v55;
	[tilespmem:s9+$0x20] =	vst v57  }
0x22f: {  	v60 =	vmul.f32 v50, v56;
	[tilespmem:s9+$0x30] =	vst v58  }
0x230: {  	s1 =	sshrl.u32 s1, $0x1;
	v61 =	vmul.f32 v50, v45;
	[tilespmem:s9+$0x40] =	vst v59  }
0x231: {  	s1 =	smul.u32 $0x3, s1;
	v62 =	vmul.f32 v50, v53;
	[tilespmem:s9+$0x50] =	vst v60  }
0x232: {  	v63 =	vmul.f32 v13, v50;
	[tilespmem:s9+$0x60] =	vst v61  }
0x233: {  	s1 =	ssub.s32 s3, s1;
	v4 =	vmul.f32 v19, v4;
	[tilespmem:s9+$0x70] =	vst v62  }
0x234: {  	s1 =	smul.u32 $0x1C0, s1;
	[tilespmem:s9+$0x80] =	vst v63;
	v2 =	vmul.f32 v19, v2  }
0x235: {  	v0 =	vmul.f32 v19, v36;
	[tilespmem:s9+$0xFFFFFF30] =	vst v4  }
0x236: {  	s1 =	sshrl.u32 s1, $0x2;
	[tilespmem:s9+$0xFFFFFF40] =	vst v2  }
0x237: {  	p1 =	sne.s32 s30, $0xBA;
	s1 =	sadd.s32 $0x38, s1;
	[tilespmem:s9+$0xFFFFFF50] =	vst v0  }
0x238: {  	[spmem:s4] =	stream.indirect.scatter.add.f32 [tilespmem:s28], [sflag:$0x5], $0x90, s1, s31, $0xb8;
	[tilespmem:$0x1F170] =	vst v63  }
.Ltmp2:
0x239: {  	_ =	swait.ge [sflag:s29], $0x1F80;
	(pc) =	sbr.rel @p1 .LBB2_4-.Ltmp2, $4  }
0x23a: {  	v9 =	vld [tilespmem:$0x1FFC0]  }
0x23b: {  	v27 =	vld [tilespmem:$0x1FFD0]  }
0x23c: {  	[sflag:s29] =	ssyncset.done $0x0;
	v28 =	vld [tilespmem:$0x1FFE0]  }
0x23d: {  	p0 =	por !p0, !p0;
	s3 =	smov.u32 s30;
	v29 =	vld [tilespmem:$0x1FFF0];
	[sflag:s29] =	ssyncadd.s32 $0xFFFFE080  }
0x23e: {  	s1 =	stileid.u32;
	s5 =	sadd.s32 $0x1, s5  }
0x23f: {  	s1 =	sshll.u32 s1, $0x6;
	p0 =	sne.s32 s5, s24  }
.Ltmp3:
0x240: {  	[bflag:$0x0] =	sbarrier.arrive $0xFFFF;
	s1 =	sor.u32 $0x1C05, s1;
	(pc) =	sbr.rel @p0 .LBB2_1-.Ltmp3, $4  }
0x241: {  	[hbm:s23], [sflag:s1] =	dma.local [spmem:s25], $0x2BF2  }
0x242: {  	_ =	swait.ge [sflag:s29], $0x2BF2  }
0x243: {  	[sflag:s29] =	ssyncset.done $0x0  }
0x244: {  	v5 =	vimm.f32 $0.0e+00;
	[sflag:s29] =	ssyncadd.s32 $0xFFFFD40E  }
0x245: {  	_ =	sfence.sel $0x180000  }
0x246: {  	[bflag:$0x0] =	sbarrier.arrive $0xFFFF  }
0x247: {  	_ =	strace $0x9000004A  }
0x248: {  	s0 =	stileid.u32;
	[bflag:$0x2] =	sbarrier.arrive $0xFFFF  }
0x249: {  	p0 =	sne.s32 s0, $0x0;
	s0 =	rddreg [dreg:$0x4]  }
0x24a: {  	s0 =	sadd.s32 @!p0 $0x100000, s0  }
0x24b: {  	[sflag:s0] =	ssyncadd.tile.s32 @!p0 $0x1;
	_ =	shalt  }
.Lfunc_end2:
_tile_overlayer_lowered:
.L_overlay_start_2:
0x24c: {  	(tag) =	ssettag $0x2  }
0x24d: {  	s0 =	rddreg [dreg:$0x0];
	s2 =	stileid.u32  }
0x24e: {  	s1 =	rddreg [dreg:$0x1];
	p0 =	sne.s32 s2, $0x0  }
0x24f: {  	s3 =	rddreg [dreg:$0x2];
	[bflag:$0x3] =	sbarrier.arrive $0xFFFF;
	s2 =	simm.s32 @!p0 $0x1C05  }
0x250: {  	[timem:s3], [sflag:s2] =	dma.local @!p0 [hbm:s0], s1  }
0x251: {  	s0 =	simm.s32 @!p0 $0x5  }
0x252: {  	_ =	swait.ge @!p0 [sflag:s0], s1  }
0x253: {  	s1 =	ssub.s32 @!p0 $0x0, s1;
	[sflag:s0] =	ssyncset.done @!p0 $0x0  }
0x254: {  	[sflag:s0] =	ssyncadd.s32 @!p0 s1  }
0x255: {  	[bflag:$0x3] =	sbarrier.arrive $0xFFFF  }
0x256: {  	_ =	shalt  }

// kernel: kernel.7.cloned.1.call-start
scs
__scs_entry_jumppad:
0x0: {  	(pc) =	sbr.rel $0x88, $3  }
0x1: {  	(tag) =	ssettag $0x0;
	lr =	simm.s32 $0x1  }
0x2: {  	[smem:$0x3F97] =	sst lr;
	_ =	strace $0xD0000000  }
0x3: {  	_ = 	snop  }
0x4: {  	_ = 	snop  }
0x5: {  	_ = 	snop  }
0x6: {  	_ = 	snop  }
0x7: {  	_ = 	snop  }
__scs_overlays_trampoline_lowered:
0x8: {  	[smem:$0x3FA6] =	sst s0  }
0x9: {  	[smem:$0x3FA7] =	sst s1  }
0xa: {  	[smem:$0x3FA8] =	sst s2  }
0xb: {  	[smem:$0x3FA9] =	sst s3  }
0xc: {  	[smem:$0x3FAA] =	sst s4  }
0xd: {  	[smem:$0x3FAB] =	sst s5  }
0xe: {  	[smem:$0x3FAC] =	sst s6  }
0xf: {  	[smem:$0x3FAD] =	sst s7  }
0x10: {  	[smem:$0x3FAE] =	sst s8  }
0x11: {  	[smem:$0x3FAF] =	sst s9;
	s0 =	simm.s32 @!p0 $0x0  }
0x12: {  	s1 =	sld [smem:$0x3F95];
	s0 =	simm.s32 @p0 $0x1  }
0x13: {  	[smem:$0x3FB0] =	sst s0;
	s0 =	simm.s32 @!p1 $0x0  }
0x14: {  	s2 =	sld [smem:$0x3F94];
	s0 =	simm.s32 @p1 $0x1  }
0x15: {  	[smem:$0x3FB1] =	sst s0;
	s0 =	simm.s32 @!p2 $0x0  }
0x16: {  	s3 =	sld [smem:$0x3FDB];
	s0 =	simm.s32 @p2 $0x1  }
0x17: {  	s4 =	simm.s32 $0x1BF5;
	[smem:$0x3FB3] =	sst s0  }
0x18: {  	s0 =	sld [smem:$0x3F96];
	_ =	swait.ge [sflag:s4], $0x0  }
0x19: {  	s7 =	sld [smem:$0x3F97]  }
0x1a: {  	s8 =	sadd.s32 $0xFFFFE003, lr  }
0x1b: {  	s9 =	sadd.s32 $0xFFFFFEF7, lr;
	s5 =	simm.s32 $0xFFFFFFFF;
	p2 =	slt.u32 s8, $0xFFFFF086  }
0x1c: {  	p1 =	slt.u32 s9, $0xF7A;
	s5 =	simm.s32 @!p2 $0x0  }
0x1d: {  	s5 =	simm.s32 @p1 $0x1;
	p0 =	seq.s32 s7, s2  }
0x1e: {  	s7 =	smul.u32 @!p0 $0xF7A, s2;
	p2 =	seq.s32 @!p0 s5, $0x0  }
0x1f: {  	s9 =	smul.u32 $0xF7A, s1;
	s8 =	simm.s32 @!p0 $0x1BF5;
	p2 =	por !p2, p0  }
0x20: {  	[sflag:s8] =	ssyncset.s32 @!p0 $0xFFFFF086;
	s6 =	sadd.s32 @!p0 s3, s7;
	s7 =	simm.s32 @!p0 $0x108  }
0x21: {  	s3 =	sadd.s32 s3, s9;
	s6 =	sadd.s32 @!p0 $0x88, s6;
	s7 =	simm.s32 @p2 $0x1082  }
0x22: {  	[simem:s7], [sflag:s8] =	dma.local @!p0 [hbm:s6], $0xF7A  }
0x23: {  	s9 =	sor.u32 $0xD0000000, s2;
	s6 =	simm.s32 $0x108;
	_ =	swait.ge @!p0 [sflag:s8], $0x0  }
0x24: {  	s3 =	sadd.s32 $0x88, s3;
	s6 =	simm.s32 @!p1 $0x1082;
	[sflag:s4] =	ssyncset.s32 $0xFFFFF086  }
0x25: {  	[simem:s6], [sflag:s4] =	dma.local [hbm:s3], $0xF7A  }
0x26: {  	[smem:$0x3F97] =	sst s1;
	(tag) =	ssettag s2;
	_ =	strace s9  }
0x27: {  	s1 =	sld [smem:$0x3FA7]  }
0x28: {  	s2 =	sld [smem:$0x3FA8]  }
0x29: {  	s4 =	sld [smem:$0x3FAA]  }
0x2a: {  	p0 =	seq.s32 s5, $0x0;
	s5 =	sld [smem:$0x3FAB]  }
0x2b: {  	s6 =	sld [smem:$0x3FAC]  }
0x2c: {  	s7 =	sld [smem:$0x3FAD]  }
0x2d: {  	s3 =	simm.s32 $0x108;
	s8 =	sld [smem:$0x3FAE]  }
0x2e: {  	s3 =	simm.s32 @!p0 $0x1082;
	s9 =	sld [smem:$0x3FAF]  }
0x2f: {  	lr =	sadd.s32 s0, s3;
	s0 =	sld [smem:$0x3FA6]  }
0x30: {  	s3 =	sld [smem:$0x3FA9]  }
0x31: {  	[smem:$0x3FB2] =	sst s10  }
0x32: {  	s10 =	sld [smem:$0x3FB0];
	_ =	sdelay $0x3  }
0x33: {  	p0 =	seq.s32 s10, $0x1;
	s10 =	sld [smem:$0x3FB2];
	_ =	sdelay $0x3  }
0x34: {  	[smem:$0x3FB2] =	sst s10  }
0x35: {  	s10 =	sld [smem:$0x3FB1];
	_ =	sdelay $0x3  }
0x36: {  	p1 =	seq.s32 s10, $0x1;
	s10 =	sld [smem:$0x3FB2];
	_ =	sdelay $0x3  }
0x37: {  	[smem:$0x3FB2] =	sst s10  }
0x38: {  	s10 =	sld [smem:$0x3FB3]  }
0x39: {  	_ = 	snop;
	(pc) =	sbr.ind lr, $3  }
0x3a: {  	_ = 	snop  }
0x3b: {  	_ = 	snop  }
0x3c: {  	p2 =	seq.s32 s10, $0x1;
	s10 =	sld [smem:$0x3FB2]  }
0x3d: {  	_ =	shalt  }
0x3e: {  	_ =	shalt  }
0x3f: {  	_ =	shalt  }
0x40: {  	_ =	shalt  }
0x41: {  	_ =	shalt  }
0x42: {  	_ =	shalt  }
0x43: {  	_ =	shalt  }
0x44: {  	_ =	shalt  }
0x45: {  	_ =	shalt  }
0x46: {  	_ =	shalt  }
0x47: {  	_ =	shalt  }
0x48: {  	_ =	shalt  }
0x49: {  	_ =	shalt  }
0x4a: {  	_ =	shalt  }
0x4b: {  	_ =	shalt  }
0x4c: {  	_ =	shalt  }
0x4d: {  	_ =	shalt  }
0x4e: {  	_ =	shalt  }
0x4f: {  	_ =	shalt  }
0x50: {  	_ =	shalt  }
0x51: {  	_ =	shalt  }
0x52: {  	_ =	shalt  }
0x53: {  	_ =	shalt  }
0x54: {  	_ =	shalt  }
0x55: {  	_ =	shalt  }
0x56: {  	_ =	shalt  }
0x57: {  	_ =	shalt  }
0x58: {  	_ =	shalt  }
0x59: {  	_ =	shalt  }
0x5a: {  	_ =	shalt  }
0x5b: {  	_ =	shalt  }
0x5c: {  	_ =	shalt  }
0x5d: {  	_ =	shalt  }
0x5e: {  	_ =	shalt  }
0x5f: {  	_ =	shalt  }
0x60: {  	_ =	shalt  }
0x61: {  	_ =	shalt  }
0x62: {  	_ =	shalt  }
0x63: {  	_ =	shalt  }
0x64: {  	_ =	shalt  }
0x65: {  	_ =	shalt  }
0x66: {  	_ =	shalt  }
0x67: {  	_ =	shalt  }
0x68: {  	_ =	shalt  }
0x69: {  	_ =	shalt  }
0x6a: {  	_ =	shalt  }
0x6b: {  	_ =	shalt  }
0x6c: {  	_ =	shalt  }
0x6d: {  	_ =	shalt  }
0x6e: {  	_ =	shalt  }
0x6f: {  	_ =	shalt  }
0x70: {  	_ =	shalt  }
0x71: {  	_ =	shalt  }
0x72: {  	_ =	shalt  }
0x73: {  	_ =	shalt  }
0x74: {  	_ =	shalt  }
0x75: {  	_ =	shalt  }
0x76: {  	_ =	shalt  }
0x77: {  	_ =	shalt  }
0x78: {  	_ =	shalt  }
0x79: {  	_ =	shalt  }
0x7a: {  	_ =	shalt  }
0x7b: {  	_ =	shalt  }
0x7c: {  	_ =	shalt  }
0x7d: {  	_ =	shalt  }
0x7e: {  	_ =	shalt  }
0x7f: {  	_ =	shalt  }
0x80: {  	_ =	shalt  }
0x81: {  	_ =	shalt  }
0x82: {  	_ =	shalt  }
0x83: {  	_ =	shalt  }
0x84: {  	_ =	shalt  }
0x85: {  	_ =	shalt  }
0x86: {  	_ =	shalt  }
0x87: {  	_ =	shalt  }
.Lfunc_end0:
.L_simem_size_0:
called_computation_lowered:
.L_overlay_start_0:
0x88: {  	s2 =	sld [smem:$0x3FD9]  }
0x89: {  	s3 =	sld [smem:$0x3FFE];
	_ =	sdelay $0x1  }
0x8a: {  	s1 =	srdreg.scid  }
0x8b: {  	s0 =	sand.u32 $0x1, s1  }
0x8c: {  	s17 =	sshll.u32 s0, $0xA;
	s2 =	sadd.s32 s3, s2  }
0x8d: {  	s2 =	sadd.s32 s2, s17  }
0x8e: {  	[smem:$0x3FBE] =	sst s2  }
0x8f: {  	_ = 	snop  }
0x90: {  	s2 =	sld [smem:$0x3FD0];
	(tm) =	ssettm $0x1  }
0x91: {  	s18 =	sld [smem:$0x3FFB];
	_ =	sdelay $0x3  }
0x92: {  	_ =	strace s18  }
0x93: {  	s3 =	sld [smem:$0x3FFC];
	_ =	sdelay $0x3  }
0x94: {  	_ =	strace s3  }
0x95: {  	s3 =	sld [smem:$0x3FFD];
	_ =	sdelay $0x3  }
0x96: {  	_ =	strace s3  }
0x97: {  	_ =	strace $0x8FFFFFFF  }
0x98: {  	s19 =	sld [smem:$0x3FDB];
	_ =	sdelay $0x1  }
0x99: {  	s4 =	simm.s32 $_scs_section_size  }
0x9a: {  	s5 =	simm.s32 $_size__tile_overlayer_lowered;
	s6 =	simm.s32 $_tile_overlayer_lowered  }
0x9b: {  	s22 =	simm.s32 $0x1BFF;
	s21 =	sshll.u32 s6, $0x1;
	s3 =	sadd.s32 s4, s19  }
0x9c: {  	s7 =	simm.s32 $0x0;
	s20 =	sshll.u32 s5, $0x1;
	s5 =	sadd.s32 s21, s3  }
0x9d: {  	[timem:s7], [sflag:s22] =	dma.local [hbm:s5], s20  }
0x9e: {  	_ =	swait.ge [sflag:s22], s20  }
0x9f: {  	s4 =	ssub.s32 $0x0, s20;
	[sflag:s22] =	ssyncset.done $0x0  }
0xa0: {  	[sflag:s22] =	ssyncadd.s32 s4;
	_ =	sdelay $0x1  }
0xa1: {  	s23 =	simm.s32 $0x1B8B  }
0xa2: {  	_ =	swait.ge [sflag:s23], $0x1  }
0xa3: {  	[sflag:s23] =	ssyncset.done $0x0  }
0xa4: {  	s25 =	simm.s32 $0x1B8E;
	s24 =	sld [smem:$0x3FFE];
	[sflag:s23] =	ssyncadd.s32 $0xFFFFFFFF  }
0xa5: {  	s26 =	simm.s32 $execute0_lowered;
	[smem:$0x3FD2] =	sst s25  }
0xa6: {  	s5 =	sshll.u32 s26, $0x1;
	_ =	strace $0x80000046;
	[dreg:$0x1] =	wrdreg $0xFFFFFFFF  }
0xa7: {  	s28 =	simm.s32 $_size_execute0_lowered;
	s3 =	sadd.s32 s3, s5;
	[dreg:$0x0] =	wrdreg $0x0  }
0xa8: {  	s5 =	sshll.u32 s28, $0x1;
	[dreg:$0x2] =	wrdreg s3  }
0xa9: {  	[dreg:$0x3] =	wrdreg s5  }
0xaa: {  	[dreg:$0x4] =	wrdreg $0xC0  }
0xab: {  	_ =	task [dreg:s7], $0x5FFFF  }
0xac: {  	[dreg:$0x1] =	wrdreg $0xFFFFFFFF  }
0xad: {  	[dreg:$0x0] =	wrdreg $0x60  }
0xae: {  	[dreg:$0x2] =	wrdreg s24  }
0xaf: {  	[dreg:$0x3] =	wrdreg s2  }
0xb0: {  	[dreg:$0x4] =	wrdreg $0x91500  }
0xb1: {  	[dreg:$0x5] =	wrdreg $0x9  }
0xb2: {  	_ =	task.clear_ibuf [dreg:s7], $0x6FFFF;
	_ =	strace $0x90000046  }
0xb3: {  	s29 =	simm.s32 $0x9;
	_ =	strace $0x80000048  }
0xb4: {  	_ =	swait.ge [sflag:s29], $0x1  }
0xb5: {  	[sflag:s29] =	ssyncadd.s32 $0xFFFFFFFF  }
0xb6: {  	_ =	strace $0x90000048  }
0xb7: {  	_ =	sfence  }
0xb8: {  	s30 =	sld [smem:$0x0];
	_ =	sdelay $0x2  }
0xb9: {  	s31 =	sshll.u32 s1, $0xD;
	s1 =	sshrl.u32 s1, $0x2  }
0xba: {  	s3 =	sand.u32 $0x4000, s31;
	s1 =	sadd.s32 s1, s30  }
0xbb: {  	s0 =	sor.u32 s3, s0;
	s1 =	sshll.u32 s1, $0x11  }
0xbc: {  	s0 =	sor.u32 s1, s0  }
0xbd: {  	s0 =	sadd.s32 $0x8F2B, s0  }
0xbe: {  	[sflag:s0] =	ssyncadd.remote.s32 $0x1  }
0xbf: {  	_ =	sfence.sel $0xFFFF  }
0xc0: {  	[dreg:$0x0] =	wrdreg $0xFFFFFFFF;
	(pc) =	sbr.abs _section_cstart, $3  }
0xc1: {  	[dreg:$0x1] =	wrdreg $0xFFFFFFFF  }
0xc2: {  	_ =	task.clear_ibuf [dreg:s7], $0x2FFFF;
	_ =	strace $0x9FFFFFFF  }
0xc3: {  	(tm) =	ssettm $0x7FFFFFFF  }
tec
execute0_lowered:
.L_overlay_start_1:
0x0: {  	(tag) =	ssettag $0x1  }
0x1: {  	s3 =	rddreg [dreg:$0x0]  }
0x2: {  	s1 =	rddreg [dreg:$0x1]  }
0x3: {  	s2 =	rddreg [dreg:$0x2]  }
0x4: {  	s0 =	srdreg.scid;
	v0 =	vimm.s32 $0xEFCDAB89;
	s4 =	simm.s32 $0x0;
	s10 =	stileid.u32;
	v1 =	vimm.s32 $0x67452301  }
0x5: {  	v2 =	vimm.s32 $0xDCFE98BA;
	v3 =	vimm.s32 $0x54761032;
	s28 =	simm.s32 $0x7150;
	s29 =	simm.s32 $0x5;
	s31 =	simm.s32 $0x38  }
0x6: {  	v4 =	vimm.s32 $0xBA98FEDC;
	v5 =	vimm.s32 $0x32107654;
	s7 =	sand.u32 $0x1, s0;
	[smem:$0x7FF] =	sst s4;
	s13 =	smul.u32 $0x15F90, s10  }
0x7: {  	v6 =	vimm.f32 $0.0e+00;
	vm10 =	vcmask $0xB08;
	s5 =	sadd.s32 $0x2600, s3;
	s9 =	smul.u32 $0x58080, s10;
	s11 =	sadd.s32 $0x2400, s3  }
0x8: {  	vm11 =	vcmask $0xF0C;
	v0 =	vunpack.c.l.s4.s8 v0;
	v1 =	vunpack.c.l.s4.s8 v1;
	s6 =	smul.u32 $0x168000, s7;
	_ =	strace $0x80000047;
	[dreg:$0x4] =	wrdreg s11  }
0x9: {  	vm12 =	vcmask $0x1310;
	vm13 =	vcmask $0x1714;
	vm14 =	vcmask $0x1B18;
	s20 =	sshll.u32 s7, $0x4;
	s7 =	ssub.s32 $0x2, s7;
	s9 =	sshrl.u32 s9, $0x2  }
0xa: {  	v2 =	vunpack.c.l.s4.s8 v2;
	v0 =	vunpack.c.0.s8.s32 v0;
	v1 =	vunpack.c.0.s8.s32 v1;
	s10 =	sor.u32 s10, s20;
	s25 =	sshrl.u32 s7, $0x1;
	s0 =	sadd.s32 s13, s2  }
0xb: {  	v3 =	vunpack.c.l.s4.s8 v3;
	v4 =	vunpack.c.l.s4.s8 v4;
	v5 =	vunpack.c.l.s4.s8 v5;
	s8 =	sadd.s32 s13, s6;
	s6 =	sadd.s32 $0x2A600, s3;
	s19 =	smul.u32 $0x5160, s10  }
0xc: {  	v20 =	vsel vm10, $0x3F800000, v6;
	v2 =	vunpack.c.0.s8.s32 v2;
	s7 =	ssub.s32 s7, s25;
	s26 =	smul.u32 $0xA2C, s10;
	s8 =	sshrl.u32 s8, $0x3;
	v0 =	vcombine.low v1, v0  }
0xd: {  	v3 =	vunpack.c.0.s8.s32 v3;
	v4 =	vunpack.c.0.s8.s32 v4;
	v5 =	vunpack.c.0.s8.s32 v5;
	s25 =	sshrl.u32 s0, $0x3;
	s3 =	sadd.s32 s8, s3;
	s8 =	sadd.s32 s9, s2  }
0xe: {  	v21 =	vsel vm11, $0x3F800000, v6;
	v22 =	vsel vm12, $0x3F800000, v6;
	[tilespmem:$0x1FF80] =	vst v20;
	s20 =	sadd.s32 s1, s26;
	s9 =	sadd.s32 $0x1F80, s8;
	s21 =	sadd.s32 $0x3F00, s8;
	v1 =	vand.u32 $0xF, v0  }
0xf: {  	[tilespmem:$0x1FF90] =	vst v21;
	s22 =	sadd.s32 $0x5E80, s8;
	s23 =	sadd.s32 $0x7E00, s8;
	v0 =	vcombine.low v3, v2;
	v2 =	vcombine.low v5, v4;
	v4 =	vimm.s32 $0xFEDCBA98;
	[dreg:$0x5] =	wrdreg s9  }
0x10: {  	v23 =	vsel vm13, $0x3F800000, v6;
	[tilespmem:$0x1FFA0] =	vst v22;
	s24 =	sadd.s32 $0x9D80, s8;
	s14 =	sadd.s32 $0xBD00, s8;
	v3 =	vimm.s32 $0x76543210;
	[dreg:$0x6] =	wrdreg s21;
	v4 =	vunpack.c.l.s4.s8 v4  }
0x11: {  	vm15 =	vcmask $0x1F1C;
	v24 =	vsel vm14, $0x3F800000, v6;
	[tilespmem:$0x1FFB0] =	vst v23;
	s15 =	sadd.s32 $0xDC80, s8;
	s16 =	sadd.s32 $0xFC00, s8;
	[dreg:$0x7] =	wrdreg s22;
	v3 =	vunpack.c.l.s4.s8 v3  }
0x12: {  	vm0 =	vcmask $0x300;
	v31 =	vsel vm15, $0x3F800000, v6;
	[tilespmem:$0x1FFC0] =	vst v24;
	s17 =	sadd.s32 $0x11B80, s8;
	s18 =	sadd.s32 $0x13B00, s8;
	[dreg:$0x8] =	wrdreg s23;
	v4 =	vunpack.c.0.s8.s32 v4  }
0x13: {  	vm9 =	vcmask $0x704;
	v45 =	vsel vm0, $0x3F800000, v6;
	[tilespmem:$0x1FFD0] =	vst v31;
	s26 =	sadd.s32 $0x15A80, s8;
	[dreg:$0x9] =	wrdreg s24;
	s21 =	sshrl.u32 s19, $0x3;
	v3 =	vunpack.c.0.s8.s32 v3  }
0x14: {  	v30 =	vsel vm9, $0x3F800000, v6;
	[tilespmem:$0x1FFE0] =	vst v45;
	s19 =	smul.u32 $0xBA, s10;
	s23 =	sadd.s32 $0x52600, s3;
	s30 =	sadd.s32 s1, s21;
	v4 =	vand.u32 $0xF, v4  }
0x15: {  	[tilespmem:$0x1FFF0] =	vst v30;
	s24 =	smax.u32 s7, $0x1;
	v10 =	vand.u32 $0xF, v0;
	v11 =	vand.u32 $0xF, v2;
	s21 =	sadd.s32 $0xE, s30;
	s22 =	sadd.s32 $0x1C, s30;
	v8 =	vcombine.low v4, v3  }
.LBB2_1:
0x16: {  	s0 =	simm.s32 $0x0;
	s3 =	simm.s32 $0x240  }
.LBB2_2:
0x17: {  	p0 =	sne.s32 s3, $0x7BC0;
	[tilespmem:s0+$0x71D0] =	vst v6  }
0x18: {  	[tilespmem:s0+$0x7150] =	vst v6  }
0x19: {  	[tilespmem:s0+$0x7160] =	vst v6  }
0x1a: {  	[tilespmem:s0+$0x7170] =	vst v6  }
.Ltmp0:
0x1b: {  	[tilespmem:s0+$0x7180] =	vst v6;
	(pc) =	sbr.rel @p0 .LBB2_2-.Ltmp0, $4  }
0x1c: {  	[tilespmem:s0+$0x7190] =	vst v6  }
0x1d: {  	[tilespmem:s0+$0x71A0] =	vst v6  }
0x1e: {  	[tilespmem:s0+$0x71B0] =	vst v6  }
0x1f: {  	[tilespmem:s0+$0x71C0] =	vst v6;
	s0 =	sshra.s32 s3, $0x2;
	s3 =	sadd.s32 $0x240, s3  }
0x20: {  	[tilespmem:s0+$0x71D0] =	vst v6  }
0x21: {  	[tilespmem:s0+$0x7150] =	vst v6  }
0x22: {  	[tilespmem:s0+$0x7160] =	vst v6  }
0x23: {  	[tilespmem:s0+$0x7170] =	vst v6  }
0x24: {  	[tilespmem:s0+$0x7180] =	vst v6  }
0x25: {  	[tilespmem:s0+$0x7190] =	vst v6  }
0x26: {  	[tilespmem:s0+$0x71A0] =	vst v6  }
0x27: {  	[tilespmem:s0+$0x71B0] =	vst v6  }
0x28: {  	[tilespmem:s0+$0x71C0] =	vst v6  }
0x29: {  	[spmem:s8] =	stream.linear.scatter [tilespmem:s28], [sflag:$0x5], $0x1F80, $0x38;
	[tilespmem:$0x1F170] =	vst v63  }
0x2a: {  	_ =	swait.ge [sflag:s29], $0x1F80  }
0x2b: {  	[sflag:s29] =	ssyncset.done $0x0  }
0x2c: {  	s30 =	rddreg [dreg:$0x5];
	[sflag:s29] =	ssyncadd.s32 $0xFFFFE080  }
0x2d: {  	[spmem:s30] =	stream.linear.scatter [tilespmem:s28], [sflag:$0x5], $0x1F80, $0x38;
	[tilespmem:$0x1F170] =	vst v63  }
0x2e: {  	_ =	swait.ge [sflag:s29], $0x1F80  }
0x2f: {  	[sflag:s29] =	ssyncset.done $0x0  }
0x30: {  	s3 =	rddreg [dreg:$0x6];
	[sflag:s29] =	ssyncadd.s32 $0xFFFFE080  }
0x31: {  	[spmem:s3] =	stream.linear.scatter [tilespmem:s28], [sflag:$0x5], $0x1F80, $0x38;
	[tilespmem:$0x1F170] =	vst v63  }
0x32: {  	_ =	swait.ge [sflag:s29], $0x1F80  }
0x33: {  	[sflag:s29] =	ssyncset.done $0x0  }
0x34: {  	s7 =	rddreg [dreg:$0x7];
	[sflag:s29] =	ssyncadd.s32 $0xFFFFE080  }
0x35: {  	[spmem:s7] =	stream.linear.scatter [tilespmem:s28], [sflag:$0x5], $0x1F80, $0x38;
	[tilespmem:$0x1F170] =	vst v63  }
0x36: {  	_ =	swait.ge [sflag:s29], $0x1F80  }
0x37: {  	[sflag:s29] =	ssyncset.done $0x0  }
0x38: {  	s9 =	rddreg [dreg:$0x8];
	[sflag:s29] =	ssyncadd.s32 $0xFFFFE080  }
0x39: {  	[spmem:s9] =	stream.linear.scatter [tilespmem:s28], [sflag:$0x5], $0x1F80, $0x38;
	[tilespmem:$0x1F170] =	vst v63  }
0x3a: {  	_ =	swait.ge [sflag:s29], $0x1F80  }
0x3b: {  	[sflag:s29] =	ssyncset.done $0x0  }
0x3c: {  	s10 =	rddreg [dreg:$0x9];
	[sflag:s29] =	ssyncadd.s32 $0xFFFFE080  }
0x3d: {  	[spmem:s10] =	stream.linear.scatter [tilespmem:s28], [sflag:$0x5], $0x1F80, $0x38;
	[tilespmem:$0x1F170] =	vst v63  }
0x3e: {  	_ =	swait.ge [sflag:s29], $0x1F80  }
0x3f: {  	[sflag:s29] =	ssyncset.done $0x0  }
0x40: {  	[sflag:s29] =	ssyncadd.s32 $0xFFFFE080  }
0x41: {  	[spmem:s14] =	stream.linear.scatter [tilespmem:s28], [sflag:$0x5], $0x1F80, $0x38;
	[tilespmem:$0x1F170] =	vst v63  }
0x42: {  	_ =	swait.ge [sflag:s29], $0x1F80  }
0x43: {  	[sflag:s29] =	ssyncset.done $0x0  }
0x44: {  	[sflag:s29] =	ssyncadd.s32 $0xFFFFE080  }
0x45: {  	[spmem:s15] =	stream.linear.scatter [tilespmem:s28], [sflag:$0x5], $0x1F80, $0x38;
	[tilespmem:$0x1F170] =	vst v63  }
0x46: {  	_ =	swait.ge [sflag:s29], $0x1F80  }
0x47: {  	[sflag:s29] =	ssyncset.done $0x0  }
0x48: {  	[sflag:s29] =	ssyncadd.s32 $0xFFFFE080  }
0x49: {  	[spmem:s16] =	stream.linear.scatter [tilespmem:s28], [sflag:$0x5], $0x1F80, $0x38;
	[tilespmem:$0x1F170] =	vst v63  }
0x4a: {  	_ =	swait.ge [sflag:s29], $0x1F80  }
0x4b: {  	[sflag:s29] =	ssyncset.done $0x0  }
0x4c: {  	[sflag:s29] =	ssyncadd.s32 $0xFFFFE080  }
0x4d: {  	[spmem:s17] =	stream.linear.scatter [tilespmem:s28], [sflag:$0x5], $0x1F80, $0x38;
	[tilespmem:$0x1F170] =	vst v63  }
0x4e: {  	_ =	swait.ge [sflag:s29], $0x1F80  }
0x4f: {  	[sflag:s29] =	ssyncset.done $0x0  }
0x50: {  	[sflag:s29] =	ssyncadd.s32 $0xFFFFE080  }
0x51: {  	[spmem:s18] =	stream.linear.scatter [tilespmem:s28], [sflag:$0x5], $0x1F80, $0x38;
	[tilespmem:$0x1F170] =	vst v63  }
0x52: {  	_ =	swait.ge [sflag:s29], $0x1F80  }
0x53: {  	[sflag:s29] =	ssyncset.done $0x0  }
0x54: {  	[sflag:s29] =	ssyncadd.s32 $0xFFFFE080  }
0x55: {  	[spmem:s26] =	stream.linear.scatter [tilespmem:s28], [sflag:$0x5], $0x5A0, $0x38;
	[tilespmem:$0x1F170] =	vst v63  }
0x56: {  	_ =	swait.ge [sflag:s29], $0x5A0  }
0x57: {  	[sflag:s29] =	ssyncset.done $0x0  }
0x58: {  	[sflag:s29] =	ssyncadd.s32 $0xFFFFFA60  }
0x59: {  	[bflag:$0x0] =	sbarrier.arrive $0xFFFF  }
0x5a: {  	s0 =	simm.s32 $0x0;
	s7 =	simm.s32 $0x90D0;
	s3 =	rddreg [dreg:$0x4]  }
0x5b: {  	[tilespmem:s7], [sflag:$0x5] =	stream.linear.gather [hbm4b:s3+s0], $0x80, $0x38;
	[tilespmem:$0x1F170] =	vst v63  }
0x5c: {  	_ =	swait.ge [sflag:s29], $0x80  }
0x5d: {  	[sflag:s29] =	ssyncset.done $0x0  }
0x5e: {  	[sflag:s29] =	ssyncadd.s32 $0xFFFFFF80  }
0x5f: {  	v25 =	vld [tilespmem:$0x90D0]  }
0x60: {  	v27 =	vld [tilespmem:$0x90E0]  }
0x61: {  	v28 =	vld [tilespmem:$0x90F0]  }
0x62: {  	v32 =	vld [tilespmem:$0x9100]  }
0x63: {  	v33 =	vld [tilespmem:$0x9110]  }
0x64: {  	v34 =	vld [tilespmem:$0x9120]  }
0x65: {  	v35 =	vld [tilespmem:$0x9130]  }
0x66: {  	v36 =	vld [tilespmem:$0x9140];
	[tilespmem:s0], [sflag:$0x5] =	stream.linear.gather [hbm4b:s20+s0], $0x70, $0x38  }
0x67: {  	_ =	swait.ge [sflag:s29], $0x70  }
0x68: {  	[sflag:s29] =	ssyncset.done $0x0  }
0x69: {  	s11 =	simm.s32 $0x150;
	[sflag:s29] =	ssyncadd.s32 $0xFFFFFF90  }
0x6a: {  	[tilespmem:s11], [sflag:$0x3] =	stream.indirect.gather [hbm4b:s5+s31], $0x80, s0, s31, $0xb8;
	[tilespmem:$0x1F170] =	vst v63  }
0x6b: {  	[tilespmem:$0x1FF00] =	vst v25  }
0x6c: {  	[tilespmem:$0x1FF10] =	vst v27  }
0x6d: {  	[tilespmem:$0x1FF20] =	vst v28  }
0x6e: {  	[tilespmem:$0x1FF30] =	vst v32  }
0x6f: {  	[tilespmem:$0x1FF40] =	vst v33  }
0x70: {  	s12 =	simm.s32 $0x3950;
	[tilespmem:$0x1FF50] =	vst v34  }
0x71: {  	[tilespmem:s12], [sflag:$0x3] =	stream.indirect.gather [hbm4b:s6+s31], $0x80, s31, s31, $0xb8;
	[tilespmem:$0x1F170] =	vst v63  }
0x72: {  	s13 =	simm.s32 $0x70;
	[tilespmem:$0x1FF60] =	vst v35  }
0x73: {  	[tilespmem:s13], [sflag:$0x2] =	stream.linear.gather [hbm4b:s21+s0], $0x70, $0x38;
	[tilespmem:$0x1F170] =	vst v63  }
0x74: {  	p0 =	por $0x0, $0x0;
	s30 =	simm.s32 $0xE0;
	[tilespmem:$0x1FF70] =	vst v36  }
0x75: {  	[tilespmem:s30], [sflag:$0x1] =	stream.linear.gather [hbm4b:s22+s0], $0x70, $0x38;
	[tilespmem:$0x1F170] =	vst v63  }
.LBB2_4:
0x76: {  	s30 =	sadd.s32 $0x1, s0;
	p1 =	seq.s32 s0, $0xB9  }
0x77: {  	s3 =	sand.u32 @!p1 $0xFF, s30  }
0x78: {  	s3 =	smul.u32 @!p1 $0xAB, s3;
	_ =	sdelay $0x1  }
0x79: {  	s3 =	sshrl.u32 @!p1 s3, $0x9  }
0x7a: {  	s7 =	sand.u32 @!p1 $0x1, s30;
	s11 =	sadd.s32 @!p1 $0xFFFFFFFF, s0;
	s3 =	smul.u32 @!p1 $0x3, s3  }
0x7b: {  	s12 =	simm.s32 @!p1 $0x38;
	s9 =	sadd.s32 @!p1 $0x1, s7;
	s10 =	smul.u32 @!p1 $0x1C00, s7  }
0x7c: {  	p2 =	sgt.u32 @!p1 s11, $0xB6;
	_ =	swait.ge @!p1 [sflag:s9], $0x70;
	s3 =	ssub.s32 @!p1 s30, s3  }
0x7d: {  	p2 =	por p2, p1;
	[sflag:s9] =	ssyncset.done @!p1 $0x0;
	s3 =	smul.u32 @!p1 $0x70, s3  }
0x7e: {  	s7 =	sadd.s32 @!p1 $0x3, s7;
	s11 =	sadd.s32 @!p2 $0x2, s0;
	[sflag:s9] =	ssyncadd.s32 @!p1 $0xFFFFFF90  }
0x7f: {  	s9 =	sor.u32 @!p1 $0x150, s10;
	s13 =	smul.u32 @!p2 $0xAB, s11;
	s3 =	sand.u32 @!p1 $0xF0, s3  }
0x80: {  	[tilespmem:s9], [sflag:s7] =	stream.indirect.gather @!p1 [hbm4b:s5+s12], $0x80, s3, s12, $0xb8;
	[tilespmem:$0x1F170] =	vst v63  }
0x81: {  	s9 =	sshrl.u32 @!p2 s13, $0x9  }
0x82: {  	s9 =	sand.u32 @!p2 $0x7F, s9  }
0x83: {  	s10 =	sadd.s32 @!p1 $0x3950, s10;
	s3 =	sadd.s32 @!p1 $0x38, s3;
	s9 =	smul.u32 @!p2 $0x3, s9  }
0x84: {  	[tilespmem:s10], [sflag:s7] =	stream.indirect.gather @!p1 [hbm4b:s6+s12], $0x80, s3, s12, $0xb8;
	[tilespmem:$0x1F170] =	vst v63  }
0x85: {  	s7 =	sadd.s32 @!p2 s19, s11;
	s3 =	ssub.s32 @!p2 s11, s9  }
0x86: {  	s7 =	smul.u32 @!p2 $0xE, s7;
	s3 =	sand.u32 @!p2 $0xFF, s3  }
0x87: {  	s9 =	sand.u32 $0x1, s0;
	s3 =	smul.u32 @!p2 $0x1C0, s3  }
0x88: {  	s11 =	simm.s32 @!p2 $0x0;
	s10 =	sadd.s32 @!p2 $0x1, s9  }
0x89: {  	s7 =	sadd.s32 @!p2 s1, s7;
	s12 =	sadd.s32 $0x3, s9;
	s3 =	sshrl.u32 @!p2 s3, $0x2  }
0x8a: {  	[tilespmem:s3], [sflag:s10] =	stream.linear.gather @!p2 [hbm4b:s7+s11], $0x70, $0x38;
	[tilespmem:$0x1F170] =	vst v63  }
0x8b: {  	s7 =	simm.s32 $0x1;
	_ =	swait.ge [sflag:s12], $0x1C00  }
0x8c: {  	s7 =	simm.s32 @!p0 $0x0;
	[sflag:s12] =	ssyncset.done $0x0  }
0x8d: {  	s7 =	smul.u32 $0x7000, s7;
	[sflag:s12] =	ssyncadd.s32 $0xFFFFE400  }
0x8e: {  	_ =	swait.ge [sflag:s12], $0x1C00  }
0x8f: {  	s7 =	sshrl.u32 s7, $0x2;
	[sflag:s12] =	ssyncset.done $0x0  }
0x90: {  	s13 =	sor.u32 $0x250, s7;
	[sflag:s12] =	ssyncadd.s32 $0xFFFFE400  }
0x91: {  	s3 =	sadd.s32 $0x3A50, s7;
	v12 =	vld [tilespmem:s13+$0xF0]  }
0x92: {  	v0 =	vld [tilespmem:s3+$0xF0]  }
0x93: {  	v15 =	vld [tilespmem:s13+$0xE0]  }
0x94: {  	v2 =	vld [tilespmem:s3+$0xE0]  }
0x95: {  	v13 =	vld [tilespmem:s13+$0xD0]  }
0x96: {  	v3 =	vld [tilespmem:s3+$0xD0]  }
0x97: {  	v14 =	vld [tilespmem:s13+$0xC0]  }
0x98: {  	v4 =	vld [tilespmem:s3+$0xC0]  }
0x99: {  	v16 =	vld [tilespmem:s13+$0xB0]  }
0x9a: {  	v5 =	vld [tilespmem:s3+$0xB0]  }
0x9b: {  	v18 =	vld [tilespmem:s13+$0xA0]  }
0x9c: {  	v6 =	vld [tilespmem:s3+$0xA0]  }
0x9d: {  	v19 =	vld [tilespmem:s13+$0x90]  }
0x9e: {  	v7 =	vld [tilespmem:s3+$0x90]  }
0x9f: {  	v17 =	vld [tilespmem:s13+$0x80]  }
0xa0: {  	v9 =	vld [tilespmem:s3+$0x80];
	[tilespmem:$0x1FDA0] =	vst v15  }
0xa1: {  	v2 =	vadd.f32 v2, v15;
	[tilespmem:$0x1FDB0] =	vst v12;
	v0 =	vadd.f32 v0, v12  }
0xa2: {  	[tilespmem:$0x1FDC0] =	vst v14;
	v4 =	vadd.f32 v4, v14;
	v3 =	vadd.f32 v3, v13  }
0xa3: {  	[tilespmem:$0x1FDD0] =	vst v13;
	v6 =	vadd.f32 v6, v18;
	v5 =	vadd.f32 v5, v16  }
0xa4: {  	[tilespmem:$0x1FDE0] =	vst v18;
	v7 =	vadd.f32 v7, v19;
	v12 =	vmul.f32 $2.000000030e-01, v2;
	v13 =	vmul.f32 $2.000000030e-01, v0  }
0xa5: {  	[tilespmem:$0x1FDF0] =	vst v16;
	v9 =	vadd.f32 v9, v17;
	v14 =	vmul.f32 $2.000000030e-01, v4;
	v15 =	vmul.f32 $2.000000030e-01, v3  }
0xa6: {  	[tilespmem:$0x1FE10] =	vst v17;
	v16 =	vmul.f32 $2.000000030e-01, v6;
	v17 =	vmul.f32 $2.000000030e-01, v5  }
0xa7: {  	[tilespmem:$0x1FE00] =	vst v19;
	v18 =	vmul.f32 $2.000000030e-01, v9;
	v19 =	vmul.f32 $2.000000030e-01, v7;
	v3 =	vmax.f32 v3, v15  }
0xa8: {  	v2 =	vmax.f32 v2, v12;
	v0 =	vmax.f32 v0, v13;
	v4 =	vmax.f32 v4, v14  }
0xa9: {  	v9 =	vmax.f32 v9, v18;
	v0 =	vmul.f32 v0, v36;
	v3 =	vmul.f32 v3, v34  }
0xaa: {  	v6 =	vmax.f32 v6, v16;
	v2 =	vmul.f32 v2, v35;
	v9 =	vmul.f32 v9, v25  }
0xab: {  	v7 =	vmax.f32 v7, v19;
	v4 =	vmul.f32 v4, v33;
	v6 =	vmul.f32 v6, v28  }
0xac: {  	v5 =	vmax.f32 v5, v17;
	v7 =	vmul.f32 v7, v27;
	v13 =	vperm.xlane v9, v1  }
0xad: {  	v5 =	vmul.f32 v5, v32;
	v15 =	vperm.xlane v0, v1  }
0xae: {  	v16 =	vperm.xlane v3, v1;
	v9 =	vadd.f32 v13, v9;
	v13 =	vperm.xlane v7, v1  }
0xaf: {  	v14 =	vperm.xlane v2, v1;
	v17 =	vperm.xlane v6, v1;
	v0 =	vadd.f32 v15, v0  }
0xb0: {  	v3 =	vadd.f32 v16, v3;
	v19 =	vperm.xlane v9, v10;
	v7 =	vadd.f32 v13, v7  }
0xb1: {  	v18 =	vperm.xlane v4, v1;
	v2 =	vadd.f32 v14, v2;
	v6 =	vadd.f32 v17, v6  }
0xb2: {  	v13 =	vperm.xlane v5, v1;
	v9 =	vadd.f32 v19, v9;
	v14 =	vperm.xlane v7, v10  }
0xb3: {  	v4 =	vadd.f32 v18, v4;
	v15 =	vperm.xlane v0, v10;
	v18 =	vperm.xlane v3, v10  }
0xb4: {  	v5 =	vadd.f32 v13, v5;
	v16 =	vperm.xlane v9, v11;
	v7 =	vadd.f32 v14, v7  }
0xb5: {  	v13 =	vperm.xlane v2, v10;
	v14 =	vperm.xlane v6, v10  }
0xb6: {  	v17 =	vperm.xlane v5, v10;
	v9 =	vadd.f32 v16, v9;
	v16 =	vperm.xlane v7, v11  }
0xb7: {  	v0 =	vadd.f32 v15, v0;
	v6 =	vadd.f32 v14, v6;
	v14 =	vperm.xlane v4, v10  }
0xb8: {  	v5 =	vadd.f32 v17, v5;
	v15 =	vperm.xlane v9, v8;
	v7 =	vadd.f32 v16, v7  }
0xb9: {  	v60 =	vld [tilespmem:s13+$0xFFFFFF00];
	v2 =	vadd.f32 v13, v2;
	v16 =	vperm.xlane v6, v11;
	v4 =	vadd.f32 v14, v4  }
0xba: {  	v12 =	vld [tilespmem:s3+$0xFFFFFF00];
	v17 =	vperm.xlane v5, v11;
	v9 =	vadd.f32 v15, v9;
	v13 =	vperm.xlane v7, v8  }
0xbb: {  	v3 =	vadd.f32 v18, v3;
	v6 =	vadd.f32 v16, v6;
	v14 =	vperm.xlane v4, v11  }
0xbc: {  	v41 =	vld [tilespmem:s13+$0x0];
	v5 =	vadd.f32 v17, v5;
	v9 =	vmul.f32 $1.442695020e+00, v9;
	v7 =	vadd.f32 v13, v7  }
0xbd: {  	v26 =	vld [tilespmem:s13+$0xFFFFFF90];
	v13 =	vperm.xlane v6, v8;
	v4 =	vadd.f32 v14, v4;
	v14 =	vperm.xlane v3, v11  }
0xbe: {  	v17 =	vld [tilespmem:s13+$0xFFFFFF80];
	v7 =	vmul.f32 $1.442695020e+00, v7;
	(erf) = vpow2.f32 v9  }
0xbf: {  	v12 =	vadd.f32 v12, v60;
	v15 =	vld [tilespmem:s3+$0xFFFFFF80];
	v16 =	vperm.xlane v5, v8;
	v6 =	vadd.f32 v13, v6  }
0xc0: {  	v18 =	vld [tilespmem:s13+$0xFFFFFF10];
	v3 =	vadd.f32 v14, v3;
	v14 =	vperm.xlane v2, v11;
	(erf) = vpow2.f32 v7  }
0xc1: {  	v9 =	vld [tilespmem:s3+$0x0];
	v13 =	vperm.xlane v4, v8;
	v5 =	vadd.f32 v16, v5;
	v6 =	vmul.f32 $1.442695020e+00, v6  }
0xc2: {  	v7 =	vld [tilespmem:s3+$0xFFFFFF10];
	v16 =	vperm.xlane v3, v8;
	v2 =	vadd.f32 v14, v2;
	v14 =	vperm.xlane v0, v11  }
0xc3: {  	v5 =	vmul.f32 $1.442695020e+00, v5;
	v4 =	vadd.f32 v13, v4;
	(erf) = vpow2.f32 v6;
	v6 =	vld [tilespmem:s3+$0xFFFFFF90];
	[tilespmem:$0x1FE20] =	vst v17  }
0xc4: {  	v13 =	vadd.f32 v15, v17;
	v15 =	vmul.f32 $2.000000030e-01, v12;
	v0 =	vadd.f32 v14, v0;
	v19 =	vld [tilespmem:s13+$0x10]  }
0xc5: {  	v17 =	vperm.xlane v2, v8;
	v4 =	vmul.f32 $1.442695020e+00, v4;
	v3 =	vadd.f32 v16, v3;
	v14 =	vld [tilespmem:s3+$0x10]  }
0xc6: {  	v9 =	vadd.f32 v9, v41;
	(erf) = vpow2.f32 v5;
	v37 =	vld [tilespmem:s13+$0xFFFFFF20];
	v16 =	vperm.xlane v0, v8  }
0xc7: {  	v2 =	vadd.f32 v17, v2;
	v3 =	vmul.f32 $1.442695020e+00, v3;
	v17 =	vld [tilespmem:s3+$0xFFFFFF20];
	[tilespmem:$0x1FE30] =	vst v18;
	v7 =	vadd.f32 v7, v18;
	v18 =	vpop (erf)  }
0xc8: {  	v5 =	vmul.f32 $2.000000030e-01, v13;
	(erf) = vpow2.f32 v4;
	v29 =	vld [tilespmem:s13+$0xFFFFFFA0];
	v0 =	vadd.f32 v16, v0;
	[tilespmem:$0x1FE40] =	vst v18  }
0xc9: {  	(erf) = vpow2.f32 v3;
	v3 =	vmax.f32 v12, v15;
	v16 =	vmul.f32 v45, v18;
	v18 =	vld [tilespmem:s3+$0xFFFFFFA0];
	[tilespmem:$0x1FE50] =	vst v26;
	v15 =	vpop (erf)  }
0xca: {  	v4 =	vmul.f32 $2.000000030e-01, v9;
	v5 =	vmax.f32 v13, v5;
	v6 =	vadd.f32 v6, v26;
	v26 =	vld [tilespmem:s13+$0x20];
	[tilespmem:$0x1FE60] =	vst v15  }
0xcb: {  	v2 =	vmul.f32 $1.442695020e+00, v2;
	v12 =	vadd.f32 $0.0e+00, v16;
	v15 =	vmul.f32 v30, v15;
	v16 =	vld [tilespmem:s3+$0x20];
	[tilespmem:$0x1FE70] =	vst v19  }
0xcc: {  	v5 =	vmul.f32 v5, v25;
	v4 =	vmax.f32 v9, v4;
	v3 =	vmul.f32 v3, v25;
	v13 =	vpop (erf);
	v39 =	vld [tilespmem:s13+$0xFFFFFF30]  }
0xcd: {  	v0 =	vmul.f32 $1.442695020e+00, v0;
	v14 =	vadd.f32 v14, v19;
	v9 =	vadd.f32 v15, v12;
	v12 =	vld [tilespmem:s3+$0xFFFFFF30];
	[tilespmem:$0x1FE80] =	vst v13  }
0xce: {  	(erf) = vpow2.f32 v2;
	v2 =	vmul.f32 $2.000000030e-01, v7;
	[tilespmem:$0x1FE90] =	vst v37  }
0xcf: {  	(erf) = vpow2.f32 v0;
	v0 =	vadd.f32 v17, v37;
	v17 =	vmul.f32 $2.000000030e-01, v14;
	v38 =	vld [tilespmem:s13+$0xFFFFFFB0];
	[tilespmem:$0x1FEA0] =	vst v29  }
0xd0: {  	v4 =	vmul.f32 v4, v25;
	v2 =	vmax.f32 v7, v2;
	v13 =	vmul.f32 v20, v13;
	v47 =	vpop (erf);
	v19 =	vld [tilespmem:s3+$0xFFFFFFB0]  }
0xd1: {  	v15 =	vmul.f32 $2.000000030e-01, v6;
	v7 =	vmax.f32 v14, v17;
	v14 =	vmul.f32 $2.000000030e-01, v0;
	v49 =	vpop (erf);
	v42 =	vld [tilespmem:s13+$0x30];
	[tilespmem:$0x1FEB0] =	vst v26  }
0xd2: {  	v18 =	vadd.f32 v18, v29;
	v9 =	vadd.f32 v13, v9;
	v13 =	vmul.f32 v21, v47;
	v29 =	vmovc v20;
	v20 =	vld [tilespmem:s3+$0x30]  }
0xd3: {  	v2 =	vmul.f32 v2, v27;
	v6 =	vmax.f32 v6, v15;
	v0 =	vmax.f32 v0, v14;
	v17 =	vpop (erf);
	v46 =	vld [tilespmem:s13+$0xFFFFFF40]  }
0xd4: {  	v6 =	vmul.f32 v6, v27;
	v9 =	vadd.f32 v13, v9;
	v13 =	vmul.f32 v22, v49;
	v15 =	vld [tilespmem:s3+$0xFFFFFF40];
	[tilespmem:$0x1FEC0] =	vst v17  }
0xd5: {  	v7 =	vmul.f32 v7, v27;
	v0 =	vmul.f32 v0, v28;
	v16 =	vadd.f32 v16, v26;
	[tilespmem:$0x1FED0] =	vst v39  }
0xd6: {  	v12 =	vadd.f32 v12, v39;
	v27 =	vperm.xlane v6, v1;
	v9 =	vadd.f32 v13, v9;
	v44 =	vld [tilespmem:s13+$0xFFFFFFC0];
	[tilespmem:$0x1FEE0] =	vst v38  }
0xd7: {  	v37 =	vmovc v21;
	v13 =	vmul.f32 v23, v17;
	v17 =	vmul.f32 $2.000000030e-01, v18;
	v19 =	vadd.f32 v19, v38;
	v38 =	vmovc v22;
	v22 =	vld [tilespmem:s3+$0xFFFFFFC0]  }
0xd8: {  	v50 =	vpop (erf);
	v39 =	vmov v23;
	v21 =	vmul.f32 $2.000000030e-01, v16;
	v23 =	vperm.xlane v3, v1;
	v25 =	vld [tilespmem:s13+$0x40];
	[tilespmem:$0x1FEF0] =	vst v42  }
0xd9: {  	v6 =	vadd.f32 v27, v6;
	v9 =	vadd.f32 v13, v9;
	v13 =	vmul.f32 v24, v50;
	v26 =	vld [tilespmem:s3+$0x40]  }
0xda: {  	v40 =	vmovc v24;
	v24 =	vperm.xlane v5, v1;
	v53 =	vld [tilespmem:s13+$0xFFFFFF50];
	v14 =	vmax.f32 v18, v17;
	v16 =	vmax.f32 v16, v21  }
0xdb: {  	v17 =	vld [tilespmem:s3+$0xFFFFFF50];
	v3 =	vadd.f32 v23, v3;
	v23 =	vperm.xlane v2, v1;
	v20 =	vadd.f32 v20, v42  }
0xdc: {  	v51 =	vpop (erf);
	v52 =	vld [tilespmem:s13+$0xFFFFFFD0];
	v15 =	vadd.f32 v15, v46;
	v14 =	vmul.f32 v14, v28;
	v16 =	vmul.f32 v16, v28  }
0xdd: {  	v18 =	vld [tilespmem:s3+$0xFFFFFFD0];
	v9 =	vadd.f32 v13, v9;
	v13 =	vmul.f32 v31, v51;
	v5 =	vadd.f32 v24, v5  }
0xde: {  	v57 =	vperm.xlane v3, v10;
	v2 =	vadd.f32 v23, v2;
	v42 =	vmovc v25;
	v25 =	vperm.xlane v4, v1  }
0xdf: {  	v48 =	vld [tilespmem:s13+$0x50];
	v59 =	vadd.f32 v13, v9;
	v9 =	vmul.f32 $2.000000030e-01, v12;
	v13 =	vmul.f32 $2.000000030e-01, v19  }
0xe0: {  	v55 =	vld [tilespmem:s13+$0xFFFFFFE0];
	v21 =	vadd.f32 v22, v44;
	v22 =	vmul.f32 $2.000000030e-01, v20;
	v3 =	vadd.f32 v57, v3  }
0xe1: {  	v24 =	vld [tilespmem:s3+$0x50];
	v58 =	vperm.xlane v5, v10;
	v26 =	vadd.f32 v26, v42;
	v17 =	vadd.f32 v17, v53  }
0xe2: {  	v23 =	vld [tilespmem:s3+$0xFFFFFFE0];
	v18 =	vadd.f32 v18, v52;
	v4 =	vadd.f32 v25, v4;
	v9 =	vmax.f32 v12, v9  }
0xe3: {  	v12 =	vperm.xlane v7, v1;
	v13 =	vmax.f32 v19, v13;
	v19 =	vmul.f32 $2.000000030e-01, v15  }
0xe4: {  	v25 =	vmul.f32 $2.000000030e-01, v21;
	v20 =	vmax.f32 v20, v22;
	v28 =	vmul.f32 $2.000000030e-01, v26  }
0xe5: {  	v5 =	vadd.f32 v58, v5;
	v9 =	vmul.f32 v9, v32;
	v13 =	vmul.f32 v13, v32  }
0xe6: {  	v24 =	vadd.f32 v24, v48;
	v20 =	vmul.f32 v20, v32;
	v61 =	vmul.f32 $2.000000030e-01, v17  }
0xe7: {  	v56 =	vld [tilespmem:s13+$0xFFFFFF60];
	v23 =	vadd.f32 v23, v55;
	v27 =	vperm.xlane v4, v10;
	v7 =	vadd.f32 v12, v7  }
0xe8: {  	v22 =	vld [tilespmem:s3+$0xFFFFFF60];
	v12 =	vmax.f32 v15, v19;
	v15 =	vperm.xlane v0, v1;
	v19 =	vmax.f32 v21, v25  }
0xe9: {  	v25 =	vmax.f32 v26, v28;
	v26 =	vperm.xlane v14, v1;
	v28 =	vperm.xlane v16, v1  }
0xea: {  	v17 =	vmax.f32 v17, v61;
	v63 =	vmul.f32 $2.000000030e-01, v23;
	v12 =	vmul.f32 v12, v33  }
0xeb: {  	v19 =	vmul.f32 v19, v33;
	v4 =	vadd.f32 v27, v4;
	v27 =	vmul.f32 $2.000000030e-01, v18  }
0xec: {  	v54 =	vld [tilespmem:s13+$0x60];
	v0 =	vadd.f32 v15, v0;
	v15 =	vmul.f32 $2.000000030e-01, v24;
	v62 =	vperm.xlane v7, v10  }
0xed: {  	v21 =	vld [tilespmem:s3+$0x60];
	v17 =	vmul.f32 v17, v34;
	v22 =	vadd.f32 v22, v56;
	v14 =	vadd.f32 v26, v14  }
0xee: {  	v26 =	vperm.xlane v2, v10;
	v16 =	vadd.f32 v28, v16;
	v28 =	vperm.xlane v6, v10  }
0xef: {  	v23 =	vmax.f32 v23, v63;
	v18 =	vmax.f32 v18, v27;
	v27 =	vperm.xlane v9, v1  }
0xf0: {  	v15 =	vmax.f32 v24, v15;
	v24 =	vperm.xlane v13, v1;
	v61 =	vperm.xlane v4, v11  }
0xf1: {  	v7 =	vadd.f32 v62, v7;
	v62 =	vperm.xlane v0, v10;
	v23 =	vmul.f32 v23, v35  }
0xf2: {  	v21 =	vadd.f32 v21, v54;
	v2 =	vadd.f32 v26, v2;
	v26 =	vperm.xlane v20, v1  }
0xf3: {  	v43 =	vld [tilespmem:s13+$0xFFFFFFF0];
	v6 =	vadd.f32 v28, v6;
	v63 =	vperm.xlane v14, v10;
	v18 =	vmul.f32 v18, v34  }
0xf4: {  	v57 =	vld [tilespmem:s13+$0x70];
	v15 =	vmul.f32 v15, v34;
	v9 =	vadd.f32 v27, v9;
	v27 =	vmul.f32 $2.000000030e-01, v22  }
0xf5: {  	v58 =	vld [tilespmem:s13+$0xFFFFFF70];
	v34 =	vperm.xlane v17, v1;
	v13 =	vadd.f32 v24, v13;
	v24 =	vmul.f32 $2.000000030e-01, v21  }
0xf6: {  	v20 =	vadd.f32 v26, v20;
	v26 =	vld [tilespmem:s3+$0xFFFFFFF0];
	v22 =	vmax.f32 v22, v27;
	v27 =	vperm.xlane v3, v11  }
0xf7: {  	v28 =	vld [tilespmem:s3+$0xFFFFFF70];
	v4 =	vadd.f32 v61, v4;
	v21 =	vmax.f32 v21, v24;
	v24 =	vperm.xlane v5, v11  }
0xf8: {  	v0 =	vadd.f32 v62, v0;
	v61 =	vperm.xlane v19, v1;
	v3 =	vadd.f32 v27, v3;
	v27 =	vld [tilespmem:s3+$0x70]  }
0xf9: {  	v17 =	vadd.f32 v34, v17;
	v5 =	vadd.f32 v24, v5;
	v24 =	vperm.xlane v16, v10  }
0xfa: {  	v19 =	vadd.f32 v61, v19;
	v22 =	vmul.f32 v22, v35;
	v21 =	vmul.f32 v21, v35  }
0xfb: {  	v26 =	vadd.f32 v26, v43;
	v16 =	vadd.f32 v24, v16;
	v24 =	vmul.f32 v25, v33  }
0xfc: {  	v25 =	vadd.f32 v28, v58;
	v28 =	vperm.xlane v12, v1;
	v34 =	vperm.xlane v5, v8  }
0xfd: {  	v33 =	vmul.f32 $2.000000030e-01, v26;
	v27 =	vadd.f32 v27, v57;
	v32 =	vperm.xlane v24, v1  }
0xfe: {  	v12 =	vadd.f32 v28, v12;
	v28 =	vmul.f32 $2.000000030e-01, v25;
	v5 =	vadd.f32 v34, v5  }
0xff: {  	v34 =	vperm.xlane v19, v10;
	v26 =	vmax.f32 v26, v33;
	v33 =	vperm.xlane v6, v11  }
0x100: {  	v24 =	vadd.f32 v32, v24;
	v32 =	vmul.f32 $2.000000030e-01, v27;
	v25 =	vmax.f32 v25, v28  }
0x101: {  	v28 =	vperm.xlane v2, v11;
	v19 =	vadd.f32 v34, v19;
	v34 =	vperm.xlane v21, v1  }
0x102: {  	v14 =	vadd.f32 v63, v14;
	v26 =	vmul.f32 v26, v36;
	v5 =	vmul.f32 $1.442695020e+00, v5  }
0x103: {  	v6 =	vadd.f32 v33, v6;
	v33 =	vperm.xlane v13, v10;
	v25 =	vmul.f32 v25, v36  }
0x104: {  	v27 =	vmax.f32 v27, v32;
	v2 =	vadd.f32 v28, v2;
	v28 =	vperm.xlane v7, v11  }
0x105: {  	v32 =	vperm.xlane v9, v10;
	v21 =	vadd.f32 v34, v21;
	v34 =	vperm.xlane v17, v10  }
0x106: {  	v13 =	vadd.f32 v33, v13;
	v33 =	vperm.xlane v3, v8;
	v35 =	vperm.xlane v6, v8  }
0x107: {  	v27 =	vmul.f32 v27, v36;
	v36 =	vperm.xlane v25, v1;
	v7 =	vadd.f32 v28, v7  }
0x108: {  	v28 =	vperm.xlane v20, v10;
	v9 =	vadd.f32 v32, v9;
	v17 =	vadd.f32 v34, v17  }
0x109: {  	v32 =	vperm.xlane v15, v1;
	v3 =	vadd.f32 v33, v3;
	v6 =	vadd.f32 v35, v6  }
0x10a: {  	v33 =	vperm.xlane v16, v11;
	v25 =	vadd.f32 v36, v25;
	v20 =	vadd.f32 v28, v20  }
0x10b: {  	v28 =	vperm.xlane v18, v1;
	v15 =	vadd.f32 v32, v15;
	v32 =	vperm.xlane v0, v11  }
0x10c: {  	v16 =	vadd.f32 v33, v16;
	v33 =	vperm.xlane v23, v1;
	v3 =	vmul.f32 $1.442695020e+00, v3  }
0x10d: {  	v6 =	vmul.f32 $1.442695020e+00, v6;
	v18 =	vadd.f32 v28, v18;
	v28 =	vperm.xlane v4, v8  }
0x10e: {  	v0 =	vadd.f32 v32, v0;
	v32 =	vperm.xlane v24, v10;
	v35 =	vperm.xlane v15, v10  }
0x10f: {  	v23 =	vadd.f32 v33, v23;
	v33 =	vperm.xlane v13, v11;
	(erf) = vpow2.f32 v3  }
0x110: {  	v3 =	vperm.xlane v27, v1;
	v4 =	vadd.f32 v28, v4;
	v28 =	vperm.xlane v14, v11  }
0x111: {  	v24 =	vadd.f32 v32, v24;
	v32 =	vperm.xlane v7, v8;
	v15 =	vadd.f32 v35, v15  }
0x112: {  	(erf) = vpow2.f32 v5;
	v5 =	vperm.xlane v16, v8;
	v3 =	vadd.f32 v3, v27  }
0x113: {  	v14 =	vadd.f32 v28, v14;
	v28 =	vperm.xlane v12, v10;
	v7 =	vadd.f32 v32, v7  }
0x114: {  	v4 =	vmul.f32 $1.442695020e+00, v4;
	v5 =	vadd.f32 v5, v16;
	v16 =	vperm.xlane v19, v11  }
0x115: {  	v12 =	vadd.f32 v28, v12;
	v28 =	vperm.xlane v22, v1;
	v27 =	vperm.xlane v14, v8  }
0x116: {  	(erf) = vpow2.f32 v4;
	v16 =	vadd.f32 v16, v19;
	v19 =	vperm.xlane v23, v10  }
0x117: {  	v7 =	vmul.f32 $1.442695020e+00, v7;
	v22 =	vadd.f32 v28, v22;
	v28 =	vperm.xlane v2, v8  }
0x118: {  	v13 =	vadd.f32 v33, v13;
	v5 =	vmul.f32 $1.442695020e+00, v5;
	v4 =	vperm.xlane v12, v11  }
0x119: {  	v14 =	vadd.f32 v27, v14;
	v27 =	vperm.xlane v24, v11;
	v2 =	vadd.f32 v28, v2  }
0x11a: {  	v28 =	vperm.xlane v9, v11;
	v4 =	vadd.f32 v4, v12;
	v12 =	vperm.xlane v22, v10  }
0x11b: {  	v24 =	vadd.f32 v27, v24;
	v27 =	vperm.xlane v21, v10;
	v14 =	vmul.f32 $1.442695020e+00, v14  }
0x11c: {  	v9 =	vadd.f32 v28, v9;
	v28 =	vperm.xlane v20, v11;
	v2 =	vmul.f32 $1.442695020e+00, v2  }
0x11d: {  	v12 =	vadd.f32 v12, v22;
	v22 =	vperm.xlane v13, v8;
	v21 =	vadd.f32 v27, v21  }
0x11e: {  	v27 =	vperm.xlane v15, v11;
	v20 =	vadd.f32 v28, v20;
	v28 =	vperm.xlane v18, v10  }
0x11f: {  	(erf) = vpow2.f32 v2;
	v2 =	vperm.xlane v9, v8;
	v13 =	vadd.f32 v22, v13  }
0x120: {  	v15 =	vadd.f32 v27, v15;
	v27 =	vperm.xlane v24, v8;
	(erf) = vpow2.f32 v6  }
0x121: {  	v6 =	vperm.xlane v17, v11;
	v18 =	vadd.f32 v28, v18;
	v28 =	vperm.xlane v26, v1  }
0x122: {  	v19 =	vadd.f32 v19, v23;
	v23 =	vperm.xlane v20, v8;
	(erf) = vpow2.f32 v7  }
0x123: {  	v2 =	vadd.f32 v2, v9;
	v7 =	vperm.xlane v25, v10;
	v13 =	vmul.f32 $1.442695020e+00, v13  }
0x124: {  	v6 =	vadd.f32 v6, v17;
	v17 =	vperm.xlane v4, v8;
	v26 =	vadd.f32 v28, v26  }
0x125: {  	v28 =	vperm.xlane v0, v8;
	v9 =	vperm.xlane v18, v11;
	v20 =	vadd.f32 v23, v20  }
0x126: {  	v23 =	vperm.xlane v3, v10;
	v7 =	vadd.f32 v7, v25;
	v25 =	vperm.xlane v19, v11  }
0x127: {  	v2 =	vmul.f32 $1.442695020e+00, v2;
	v4 =	vadd.f32 v17, v4;
	v0 =	vadd.f32 v28, v0  }
0x128: {  	v22 =	vperm.xlane v26, v10;
	v9 =	vadd.f32 v9, v18;
	v18 =	vperm.xlane v16, v8  }
0x129: {  	v3 =	vadd.f32 v23, v3;
	v4 =	vmul.f32 $1.442695020e+00, v4;
	v0 =	vmul.f32 $1.442695020e+00, v0  }
0x12a: {  	v22 =	vadd.f32 v22, v26;
	v26 =	vperm.xlane v21, v11;
	v16 =	vadd.f32 v18, v16  }
0x12b: {  	v17 =	vperm.xlane v9, v8;
	v18 =	vadd.f32 v27, v24;
	v24 =	vperm.xlane v3, v11  }
0x12c: {  	(erf) = vpow2.f32 v0;
	v0 =	vperm.xlane v12, v11  }
0x12d: {  	v19 =	vadd.f32 v25, v19;
	v23 =	vperm.xlane v22, v11;
	(erf) = vpow2.f32 v14  }
0x12e: {  	v25 =	vpop (erf);
	v9 =	vadd.f32 v17, v9;
	v14 =	vmul.f32 $1.442695020e+00, v20;
	v20 =	vperm.xlane v15, v8  }
0x12f: {  	v63 =	vpop (erf);
	(erf) = vpow2.f32 v5;
	v5 =	vperm.xlane v6, v8  }
0x130: {  	v62 =	vpop (erf);
	v0 =	vadd.f32 v0, v12;
	v12 =	vperm.xlane v7, v11;
	v9 =	vmul.f32 $1.442695020e+00, v9  }
0x131: {  	(erf) = vpow2.f32 v2;
	v15 =	vadd.f32 v20, v15;
	v20 =	vmul.f32 v45, v62  }
0x132: {  	(erf) = vpow2.f32 v13;
	v5 =	vadd.f32 v5, v6;
	v6 =	vmul.f32 $1.442695020e+00, v16  }
0x133: {  	v2 =	vadd.f32 v26, v21;
	v13 =	vperm.xlane v0, v8;
	v16 =	vperm.xlane v19, v8  }
0x134: {  	(erf) = vpow2.f32 v14;
	v14 =	vmul.f32 $1.442695020e+00, v18  }
0x135: {  	v7 =	vadd.f32 v12, v7;
	v17 =	vperm.xlane v2, v8;
	v12 =	vmul.f32 $1.442695020e+00, v15  }
0x136: {  	v18 =	vadd.f32 v24, v3;
	v5 =	vmul.f32 $1.442695020e+00, v5;
	(erf) = vpow2.f32 v4  }
0x137: {  	v4 =	vadd.f32 v23, v22;
	v15 =	vadd.f32 v16, v19;
	v16 =	vmul.f32 v45, v25  }
0x138: {  	(erf) = vpow2.f32 v6;
	v6 =	vadd.f32 v13, v0;
	v13 =	vperm.xlane v7, v8  }
0x139: {  	v3 =	vpop (erf);
	v19 =	vperm.xlane v18, v8;
	v2 =	vadd.f32 v17, v2;
	v17 =	vmul.f32 v45, v63  }
0x13a: {  	v0 =	vpop (erf);
	(erf) = vpow2.f32 v14;
	v14 =	vperm.xlane v4, v8  }
0x13b: {  	v61 =	vpop (erf);
	v7 =	vadd.f32 v13, v7;
	v21 =	vmul.f32 $1.442695020e+00, v6;
	(erf) = vpow2.f32 v5  }
0x13c: {  	v22 =	vmul.f32 v30, v61;
	v5 =	vadd.f32 v14, v4;
	v14 =	vmul.f32 $1.442695020e+00, v15  }
0x13d: {  	(erf) = vpow2.f32 v9;
	v9 =	vadd.f32 $0.0e+00, v16;
	v15 =	vmul.f32 $1.442695020e+00, v2  }
0x13e: {  	v16 =	vadd.f32 $0.0e+00, v17;
	v17 =	vmul.f32 v30, v0;
	v6 =	vpop (erf);
	(erf) = vpow2.f32 v12  }
0x13f: {  	v12 =	vmul.f32 v30, v3;
	v23 =	vmul.f32 $1.442695020e+00, v7;
	v4 =	vpop (erf)  }
0x140: {  	v20 =	vadd.f32 $0.0e+00, v20;
	(erf) = vpow2.f32 v21;
	v21 =	vmul.f32 $1.442695020e+00, v5;
	v2 =	vpop (erf)  }
0x141: {  	v9 =	vadd.f32 v12, v9;
	(erf) = vpow2.f32 v14;
	v12 =	vmul.f32 v29, v6;
	v13 =	vpop (erf)  }
0x142: {  	v17 =	vadd.f32 v17, v16;
	(erf) = vpow2.f32 v15;
	v15 =	vmul.f32 v29, v4;
	v7 =	vpop (erf)  }
0x143: {  	v14 =	vadd.f32 v22, v20;
	v20 =	vmul.f32 v29, v2;
	v22 =	vadd.f32 v12, v9;
	v5 =	vpop (erf)  }
0x144: {  	v15 =	vadd.f32 v15, v17;
	v17 =	vmul.f32 v37, v13;
	v16 =	vpop (erf);
	(erf) = vpow2.f32 v23  }
0x145: {  	v14 =	vadd.f32 v20, v14;
	v12 =	vpop (erf);
	(erf) = vpow2.f32 v21;
	v21 =	vmul.f32 v37, v5  }
0x146: {  	v18 =	vadd.f32 v19, v18;
	v20 =	vmul.f32 v37, v7;
	v22 =	vadd.f32 v17, v22  }
0x147: {  	v23 =	vmul.f32 v38, v16;
	v9 =	vpop (erf);
	v14 =	vadd.f32 v21, v14;
	v21 =	vmul.f32 v38, v12  }
0x148: {  	v20 =	vadd.f32 v20, v15;
	v19 =	vpop (erf)  }
0x149: {  	v18 =	vmul.f32 $1.442695020e+00, v18;
	v22 =	vadd.f32 v23, v22;
	v23 =	vmul.f32 v38, v9;
	v17 =	vpop (erf)  }
0x14a: {  	v15 =	vpop (erf);
	v24 =	vadd.f32 v21, v20  }
0x14b: {  	v60 =	vmul.f32 v25, v60;
	v26 =	vmul.f32 v39, v19;
	v14 =	vadd.f32 v23, v14;
	v21 =	vpop (erf)  }
0x14c: {  	v27 =	vmul.f32 v39, v17;
	v23 =	vmul.f32 v39, v15;
	v20 =	vpop (erf)  }
0x14d: {  	(erf) = vpow2.f32 v18;
	v22 =	vadd.f32 v26, v22;
	v26 =	vmul.f32 v40, v21;
	v18 =	vpop (erf)  }
0x14e: {  	s7 =	simm.s32 $0x7270;
	v28 =	vadd.f32 v27, v24;
	v27 =	vadd.f32 v23, v14;
	v23 =	vmul.f32 v40, v20;
	v24 =	vpop (erf)  }
0x14f: {  	s9 =	simm.s32 $0x0;
	s10 =	sadd.s32 $0x200, s13;
	[tilespmem:s7+$0x110] =	vst v59;
	v22 =	vadd.f32 v26, v22;
	v26 =	vmul.f32 v40, v18;
	v25 =	vmul.f32 v31, v24;
	v14 =	vpop (erf)  }
.LBB2_5:
0x150: {  	v29 =	vld [tilespmem:s10+$0xF0]  }
0x151: {  	v32 =	vld [tilespmem:$0x1FE30]  }
0x152: {  	v33 =	vld [tilespmem:s10+$0xE0]  }
0x153: {  	v45 =	vld [tilespmem:$0x1FE90]  }
0x154: {  	v59 =	vld [tilespmem:$0x1FED0]  }
0x155: {  	v34 =	vld [tilespmem:$0x1FE40]  }
0x156: {  	v35 =	vld [tilespmem:$0x1FE60]  }
0x157: {  	s3 =	sadd.s32 $0x200, s3;
	v16 =	vmul.f32 v16, v46;
	v46 =	vld [tilespmem:$0x1FE80]  }
0x158: {  	v19 =	vmul.f32 v19, v53;
	v30 =	vld [tilespmem:s3+$0xF0]  }
0x159: {  	v21 =	vmul.f32 v21, v56;
	[tilespmem:s7+$0xFFFFFEE0] =	vst v60;
	v60 =	vld [tilespmem:$0x1FE50]  }
0x15a: {  	v23 =	vadd.f32 v23, v28;
	v28 =	vmul.f32 v31, v14;
	[tilespmem:s7+$0xFFFFFF30] =	vst v19;
	v19 =	vld [tilespmem:$0x1FEB0]  }
0x15b: {  	[tilespmem:s7+$0xFFFFFF40] =	vst v21;
	v21 =	vld [tilespmem:s10+$0x90]  }
0x15c: {  	v23 =	vadd.f32 v28, v23;
	v28 =	vld [tilespmem:s3+$0xE0]  }
0x15d: {  	[tilespmem:s7+$0xFFFFFF20] =	vst v16;
	v16 =	vmul.f32 v62, v41;
	v62 =	vld [tilespmem:$0x1FE00]  }
0x15e: {  	v24 =	vmul.f32 v24, v58;
	v26 =	vadd.f32 v26, v27;
	v27 =	vpop (erf);
	[tilespmem:s7+$0xFFFFFFF0] =	vst v23;
	v23 =	vld [tilespmem:s3+$0xD0]  }
0x15f: {  	v22 =	vadd.f32 v25, v22;
	v25 =	vmul.f32 v31, v27;
	v31 =	vld [tilespmem:$0x1FE70]  }
0x160: {  	[tilespmem:s7+$0xFFFFFF50] =	vst v24;
	v24 =	vmul.f32 v27, v57;
	v27 =	vld [tilespmem:s3+$0x90]  }
0x161: {  	v6 =	vmul.f32 v6, v45;
	v45 =	vld [tilespmem:$0x1FF50]  }
0x162: {  	v13 =	vmul.f32 v13, v59;
	v59 =	vld [tilespmem:$0x1FF60]  }
0x163: {  	v0 =	vmul.f32 v0, v60;
	v60 =	vld [tilespmem:$0x1FF70]  }
0x164: {  	[tilespmem:s7+$0xFFFFFF60] =	vst v22;
	v3 =	vmul.f32 v3, v32;
	v22 =	vadd.f32 v25, v26;
	v25 =	vld [tilespmem:s10+$0xD0]  }
0x165: {  	v26 =	vld [tilespmem:$0x1FE20]  }
0x166: {  	[tilespmem:s7+$0xFFFFFEF0] =	vst v3;
	v3 =	vld [tilespmem:$0x1FEA0]  }
0x167: {  	[tilespmem:s7+$0xFFFFFF00] =	vst v6;
	v6 =	vmul.f32 v12, v44;
	v12 =	vmul.f32 v17, v52;
	v17 =	vld [tilespmem:s10+$0xB0]  }
0x168: {  	[tilespmem:s7+$0xFFFFFF10] =	vst v13;
	v13 =	vmul.f32 v20, v55;
	v20 =	vld [tilespmem:s3+$0xB0]  }
0x169: {  	v19 =	vmul.f32 v2, v19;
	v2 =	vld [tilespmem:$0x1FEF0]  }
0x16a: {  	[tilespmem:s7+$0xFFFFFF80] =	vst v0;
	v0 =	vld [tilespmem:$0x1FDE0]  }
0x16b: {  	[tilespmem:s7+$0x80] =	vst v22;
	v22 =	vld [tilespmem:s10+$0xC0]  }
0x16c: {  	v31 =	vmul.f32 v61, v31;
	v61 =	vld [tilespmem:s10+$0xA0]  }
0x16d: {  	v3 =	vmul.f32 v4, v3;
	v4 =	vld [tilespmem:$0x1FEE0]  }
0x16e: {  	v5 =	vmul.f32 v5, v2;
	v2 =	vld [tilespmem:s3+$0xA0]  }
0x16f: {  	v26 =	vmul.f32 v63, v26;
	v63 =	vld [tilespmem:s10+$0x80]  }
0x170: {  	v40 =	vmov v17;
	v17 =	vld [tilespmem:$0x1FEC0]  }
0x171: {  	v37 =	vmul.f32 v46, v0;
	v0 =	vld [tilespmem:$0x1FDF0]  }
0x172: {  	[tilespmem:s7+$0xFFFFFF90] =	vst v3;
	v3 =	vld [tilespmem:$0x1FDC0];
	v4 =	vmul.f32 v7, v4  }
0x173: {  	v7 =	vld [tilespmem:s3+$0xC0]  }
0x174: {  	[tilespmem:s7+$0xFFFFFFA0] =	vst v4;
	v4 =	vld [tilespmem:$0x1FDA0]  }
0x175: {  	[tilespmem:s7+$0xFFFFFF70] =	vst v26;
	v26 =	vld [tilespmem:$0x1FE10]  }
0x176: {  	[tilespmem:$0x1FDF0] =	vst v40;
	v36 =	vmovc v22;
	v22 =	vadd.f32 v30, v29;
	v30 =	vmov v33;
	v38 =	vmul.f32 v47, v0;
	v0 =	vld [tilespmem:s3+$0x80]  }
0x177: {  	v39 =	vmul.f32 v49, v3;
	v3 =	vld [tilespmem:$0x1FDD0];
	[tilespmem:$0x1FDA0] =	vst v30  }
0x178: {  	v14 =	vmul.f32 v14, v43;
	v47 =	vmov v25;
	v43 =	vld [tilespmem:s10+$0xFFFFFF80];
	[tilespmem:s7+$0xFFFFFFB0] =	vst v6  }
0x179: {  	v25 =	vmul.f32 v50, v4;
	v4 =	vadd.f32 v7, v36;
	v7 =	vadd.f32 v23, v47;
	v23 =	vld [tilespmem:s3+$0xFFFFFF80];
	[tilespmem:s7+$0xFFFFFFC0] =	vst v12  }
0x17a: {  	v9 =	vmul.f32 v9, v42;
	v52 =	vld [tilespmem:$0x1FF40];
	v20 =	vadd.f32 v20, v40;
	[tilespmem:s7+$0xFFFFFFD0] =	vst v13  }
0x17b: {  	v15 =	vmul.f32 v15, v48;
	v18 =	vmul.f32 v18, v54;
	v46 =	vld [tilespmem:$0x1FF30];
	v13 =	vmov v61;
	[tilespmem:s7+$0xFFFFFFE0] =	vst v14  }
0x17c: {  	v48 =	vmovc v29;
	v40 =	vmul.f32 $2.000000030e-01, v20;
	v29 =	vmul.f32 $2.000000030e-01, v22;
	v49 =	vld [tilespmem:s10+$0x0];
	v0 =	vadd.f32 v0, v63;
	[tilespmem:$0x1FDE0] =	vst v13  }
0x17d: {  	v26 =	vmul.f32 v34, v26;
	v41 =	vmul.f32 v17, v3;
	v3 =	vadd.f32 v28, v33;
	v13 =	vld [tilespmem:s3+$0x0];
	[tilespmem:s7+$0x0] =	vst v16  }
0x17e: {  	v34 =	vmul.f32 v35, v62;
	v17 =	vld [tilespmem:s3+$0xFFFFFF00];
	v28 =	vadd.f32 v2, v61;
	v16 =	vmul.f32 $2.000000030e-01, v0;
	[tilespmem:s7+$0x10] =	vst v31  }
0x17f: {  	v12 =	vadd.f32 v27, v21;
	v2 =	vmovc v21;
	v50 =	vld [tilespmem:s10+$0xFFFFFF00];
	[tilespmem:s7+$0x20] =	vst v19;
	v27 =	vmul.f32 $2.000000030e-01, v3;
	v21 =	vmul.f32 $2.000000030e-01, v4  }
0x180: {  	v33 =	vld [tilespmem:$0x1FF10];
	v19 =	vmax.f32 v20, v40;
	[tilespmem:s7+$0x30] =	vst v5;
	v30 =	vmul.f32 $2.000000030e-01, v7;
	v14 =	vmul.f32 $2.000000030e-01, v28  }
0x181: {  	[tilespmem:s7+$0x40] =	vst v9;
	v42 =	vmul.f32 $2.000000030e-01, v12;
	v27 =	vmax.f32 v3, v27;
	v3 =	vmax.f32 v22, v29;
	v29 =	vld [tilespmem:$0x1FF00]  }
0x182: {  	v0 =	vmax.f32 v0, v16;
	v7 =	vmax.f32 v7, v30;
	v30 =	vld [tilespmem:s10+$0x10];
	[tilespmem:s7+$0x50] =	vst v15;
	v15 =	vmul.f32 v19, v46  }
0x183: {  	v4 =	vmax.f32 v4, v21;
	v20 =	vmul.f32 v3, v60;
	v21 =	vmul.f32 v27, v59  }
0x184: {  	v35 =	vld [tilespmem:$0x1FF20];
	[tilespmem:s7+$0x90] =	vst v26;
	v16 =	vmul.f32 v7, v45;
	v22 =	vmul.f32 v4, v52;
	v4 =	vmax.f32 v12, v42  }
0x185: {  	v7 =	vld [tilespmem:s3+$0x10];
	[tilespmem:s7+$0x60] =	vst v18;
	v17 =	vadd.f32 v17, v50;
	v4 =	vmul.f32 v4, v33;
	v18 =	vperm.xlane v21, v1  }
0x186: {  	v6 =	vld [tilespmem:$0x1FDB0];
	[tilespmem:$0x1FE20] =	vst v43;
	v9 =	vadd.f32 v23, v43;
	v19 =	vperm.xlane v20, v1;
	v5 =	vmul.f32 v0, v29  }
0x187: {  	[tilespmem:s7+$0x70] =	vst v24;
	v43 =	vadd.f32 v13, v49;
	v24 =	vperm.xlane v16, v1;
	v26 =	vperm.xlane v22, v1  }
0x188: {  	v0 =	vmax.f32 v28, v14;
	v19 =	vadd.f32 v19, v20;
	v12 =	vperm.xlane v5, v1  }
0x189: {  	[tilespmem:$0x1FDB0] =	vst v48;
	v48 =	vld [tilespmem:s10+$0x50];
	v20 =	vperm.xlane v15, v1;
	v24 =	vadd.f32 v24, v16;
	v16 =	vadd.f32 v18, v21  }
0x18a: {  	[tilespmem:$0x1FE10] =	vst v63;
	v63 =	vld [tilespmem:s3+$0x50];
	v14 =	vmul.f32 v0, v35;
	v23 =	vadd.f32 v12, v5;
	v12 =	vperm.xlane v4, v1  }
0x18b: {  	v32 =	vld [tilespmem:s10+$0xFFFFFF10];
	v6 =	vmul.f32 v51, v6;
	v22 =	vadd.f32 v26, v22;
	v15 =	vadd.f32 v20, v15  }
0x18c: {  	v57 =	vld [tilespmem:s10+$0xFFFFFF50];
	[tilespmem:s7+$0xD0] =	vst v39;
	v13 =	vperm.xlane v14, v1;
	v27 =	vperm.xlane v23, v10;
	v28 =	vadd.f32 v12, v4  }
0x18d: {  	v39 =	vld [tilespmem:$0x1FFE0];
	[tilespmem:s7+$0x100] =	vst v6;
	v7 =	vadd.f32 v7, v30;
	v20 =	vperm.xlane v16, v10;
	v6 =	vperm.xlane v15, v10  }
0x18e: {  	[tilespmem:$0x1FDD0] =	vst v47;
	v47 =	vld [tilespmem:s3+$0xFFFFFF20];
	v13 =	vadd.f32 v13, v14;
	v18 =	vadd.f32 v27, v23;
	v21 =	vperm.xlane v28, v10  }
0x18f: {  	[tilespmem:s7+$0xE0] =	vst v41;
	v41 =	vld [tilespmem:s10+$0xFFFFFFB0];
	v26 =	vperm.xlane v24, v10;
	v63 =	vadd.f32 v63, v48;
	v15 =	vadd.f32 v6, v15  }
0x190: {  	[tilespmem:s7+$0xF0] =	vst v25;
	v0 =	vld [tilespmem:s10+$0xFFFFFFC0];
	v27 =	vperm.xlane v13, v10;
	v25 =	vperm.xlane v18, v11;
	v21 =	vadd.f32 v21, v28  }
0x191: {  	v20 =	vadd.f32 v20, v16;
	v16 =	vld [tilespmem:s3+$0xFFFFFFC0];
	v23 =	vperm.xlane v19, v10;
	v28 =	vperm.xlane v15, v11  }
0x192: {  	v14 =	vld [tilespmem:s3+$0xFFFFFFB0];
	v13 =	vadd.f32 v27, v13;
	v18 =	vadd.f32 v25, v18;
	v25 =	vperm.xlane v21, v11  }
0x193: {  	[tilespmem:$0x1FE00] =	vst v2;
	v2 =	vld [tilespmem:s3+$0xFFFFFF10];
	v27 =	vperm.xlane v22, v10;
	v19 =	vadd.f32 v23, v19;
	v15 =	vadd.f32 v28, v15  }
0x194: {  	v31 =	vld [tilespmem:s10+$0xFFFFFF90];
	v23 =	vperm.xlane v18, v8;
	v21 =	vadd.f32 v25, v21;
	v25 =	vperm.xlane v13, v11  }
0x195: {  	[tilespmem:$0x1FD90] =	vst v50;
	v50 =	vld [tilespmem:s10+$0xFFFFFF30];
	v24 =	vadd.f32 v26, v24;
	v22 =	vadd.f32 v27, v22;
	v27 =	vperm.xlane v15, v8  }
0x196: {  	[tilespmem:s7+$0xA0] =	vst v34;
	v34 =	vld [tilespmem:s10+$0x20];
	v18 =	vadd.f32 v23, v18;
	v23 =	vperm.xlane v21, v8;
	v13 =	vadd.f32 v25, v13  }
0x197: {  	v12 =	vld [tilespmem:s3+$0x20];
	v16 =	vadd.f32 v16, v0;
	v14 =	vadd.f32 v14, v41;
	v25 =	vperm.xlane v22, v11  }
0x198: {  	v4 =	vld [tilespmem:s3+$0xFFFFFF30];
	v15 =	vadd.f32 v27, v15;
	v21 =	vadd.f32 v23, v21;
	v23 =	vperm.xlane v13, v8  }
0x199: {  	[tilespmem:$0x1FD80] =	vst v49;
	v49 =	vld [tilespmem:s10+$0xFFFFFF40];
	v26 =	vmul.f32 $1.442695020e+00, v18;
	v22 =	vadd.f32 v25, v22;
	v25 =	vperm.xlane v24, v11  }
0x19a: {  	v6 =	vld [tilespmem:s3+$0xFFFFFF40];
	v15 =	vmul.f32 $1.442695020e+00, v15;
	v21 =	vmul.f32 $1.442695020e+00, v21;
	v23 =	vadd.f32 v23, v13  }
0x19b: {  	v40 =	vld [tilespmem:s10+$0xFFFFFF20];
	(erf) = vpow2.f32 v26;
	v26 =	vperm.xlane v22, v8;
	v24 =	vadd.f32 v25, v24  }
0x19c: {  	[tilespmem:$0x1FDC0] =	vst v36;
	v36 =	vld [tilespmem:s10+$0xFFFFFFA0];
	v12 =	vadd.f32 v12, v34;
	v25 =	vperm.xlane v20, v11;
	v23 =	vmul.f32 $1.442695020e+00, v23  }
0x19d: {  	v4 =	vadd.f32 v4, v50;
	v13 =	vld [tilespmem:s3+$0xFFFFFF50];
	(erf) = vpow2.f32 v21;
	v21 =	vperm.xlane v24, v8  }
0x19e: {  	v53 =	vld [tilespmem:s10+$0xFFFFFFD0];
	v20 =	vadd.f32 v25, v20;
	v25 =	vperm.xlane v19, v11;
	v22 =	vadd.f32 v26, v22  }
0x19f: {  	v3 =	vld [tilespmem:s3+$0xFFFFFF90];
	v6 =	vadd.f32 v6, v49;
	(erf) = vpow2.f32 v23;
	v23 =	vmul.f32 $2.000000030e-01, v17  }
0x1a0: {  	v42 =	vld [tilespmem:s10+$0x30];
	v26 =	vperm.xlane v20, v8;
	v19 =	vadd.f32 v25, v19;
	v22 =	vmul.f32 $1.442695020e+00, v22  }
0x1a1: {  	v51 =	vld [tilespmem:s3+$0x30];
	v21 =	vadd.f32 v21, v24;
	v24 =	vmul.f32 $2.000000030e-01, v9;
	(erf) = vpow2.f32 v15  }
0x1a2: {  	[tilespmem:s7+$0xB0] =	vst v37;
	v37 =	vld [tilespmem:s10+$0xFFFFFFF0];
	v13 =	vadd.f32 v13, v57;
	v20 =	vadd.f32 v26, v20;
	v27 =	vperm.xlane v19, v8  }
0x1a3: {  	v44 =	vld [tilespmem:s10+$0x40];
	v26 =	vadd.f32 v2, v32;
	v28 =	vmul.f32 $1.442695020e+00, v21;
	(erf) = vpow2.f32 v22  }
0x1a4: {  	[tilespmem:s7+$0xC0] =	vst v38;
	v38 =	vld [tilespmem:s3+$0xFFFFFFF0];
	v21 =	vmul.f32 $2.000000030e-01, v43;
	v17 =	vmax.f32 v17, v23;
	v9 =	vmax.f32 v9, v24  }
0x1a5: {  	v61 =	vld [tilespmem:s3+$0xFFFFFFD0];
	[tilespmem:$0x1FE50] =	vst v31;
	v22 =	vadd.f32 v3, v31;
	v17 =	vmul.f32 v17, v29;
	v9 =	vmul.f32 v9, v29;
	v25 =	vpop (erf)  }
0x1a6: {  	v18 =	vld [tilespmem:s3+$0x40];
	v31 =	vadd.f32 v51, v42;
	v20 =	vmul.f32 $1.442695020e+00, v20;
	[tilespmem:$0x1FE40] =	vst v25;
	v25 =	vmul.f32 v39, v25  }
0x1a7: {  	[tilespmem:$0x1FE70] =	vst v30;
	v5 =	vld [tilespmem:s3+$0xFFFFFFA0];
	v19 =	vadd.f32 v27, v19;
	v21 =	vmax.f32 v43, v21;
	v27 =	vmul.f32 $2.000000030e-01, v7  }
0x1a8: {  	[tilespmem:$0x1FEF0] =	vst v42;
	v42 =	vmovc v44;
	(erf) = vpow2.f32 v28;
	v21 =	vmul.f32 v21, v29;
	v23 =	vadd.f32 $0.0e+00, v25;
	v25 =	vld [tilespmem:$0x1FFF0]  }
0x1a9: {  	v54 =	vld [tilespmem:s10+$0x60];
	v44 =	vmovc v0;
	v0 =	vadd.f32 v38, v37;
	v29 =	vperm.xlane v17, v1;
	v30 =	vperm.xlane v9, v1  }
0x1aa: {  	v43 =	vld [tilespmem:$0x1FF80];
	v19 =	vmul.f32 $1.442695020e+00, v19;
	v7 =	vmax.f32 v7, v27;
	v27 =	vmul.f32 $2.000000030e-01, v12  }
0x1ab: {  	v3 =	vld [tilespmem:s3+$0x60];
	v18 =	vadd.f32 v18, v42;
	v2 =	vpop (erf);
	(erf) = vpow2.f32 v20;
	v20 =	vmul.f32 $2.000000030e-01, v26  }
0x1ac: {  	[tilespmem:$0x1FE30] =	vst v32;
	v28 =	vadd.f32 v5, v36;
	v5 =	vld [tilespmem:$0x1FF90];
	v32 =	vperm.xlane v21, v1;
	v7 =	vmul.f32 v7, v33  }
0x1ad: {  	v17 =	vadd.f32 v29, v17;
	v9 =	vadd.f32 v30, v9;
	v25 =	vmul.f32 v25, v2  }
0x1ae: {  	[tilespmem:$0x1FE90] =	vst v40;
	v29 =	vmul.f32 $2.000000030e-01, v16;
	v24 =	vpop (erf);
	(erf) = vpow2.f32 v19;
	v19 =	vadd.f32 v47, v40;
	v40 =	vld [tilespmem:$0x1FFA0]  }
0x1af: {  	v55 =	vld [tilespmem:s10+$0xFFFFFFE0];
	v30 =	vadd.f32 v61, v53;
	[tilespmem:$0x1FE80] =	vst v24;
	v24 =	vmul.f32 v43, v24;
	v23 =	vadd.f32 v25, v23  }
0x1b0: {  	v62 =	vld [tilespmem:s3+$0xFFFFFFE0];
	v3 =	vadd.f32 v3, v54;
	v12 =	vmax.f32 v12, v27;
	v27 =	vmul.f32 $2.000000030e-01, v31;
	v47 =	vpop (erf)  }
0x1b1: {  	v20 =	vmax.f32 v26, v20;
	v23 =	vadd.f32 v24, v23;
	v24 =	vmul.f32 v5, v47  }
0x1b2: {  	v56 =	vld [tilespmem:s10+$0xFFFFFF60];
	[tilespmem:$0x1FEB0] =	vst v34;
	v21 =	vadd.f32 v32, v21;
	v27 =	vmax.f32 v31, v27;
	v31 =	vmul.f32 $2.000000030e-01, v18;
	v34 =	vpop (erf)  }
0x1b3: {  	v15 =	vld [tilespmem:s3+$0xFFFFFF60];
	v12 =	vmul.f32 v12, v35;
	v23 =	vadd.f32 v24, v23;
	v24 =	vmul.f32 v40, v34  }
0x1b4: {  	v32 =	vperm.xlane v17, v10;
	v61 =	vperm.xlane v9, v10;
	v18 =	vmax.f32 v18, v31  }
0x1b5: {  	v31 =	vadd.f32 v62, v55;
	v62 =	vmul.f32 $2.000000030e-01, v63;
	v23 =	vadd.f32 v24, v23;
	v24 =	vld [tilespmem:$0x1FFB0]  }
0x1b6: {  	v16 =	vmax.f32 v16, v29;
	v29 =	vmul.f32 $2.000000030e-01, v30;
	v20 =	vmul.f32 v20, v33  }
0x1b7: {  	[tilespmem:$0x1FEE0] =	vst v41;
	v41 =	vld [tilespmem:$0x1FFC0];
	v62 =	vmax.f32 v63, v62;
	v63 =	vmul.f32 $2.000000030e-01, v3;
	v25 =	vmul.f32 $2.000000030e-01, v22  }
0x1b8: {  	v15 =	vadd.f32 v15, v56;
	v16 =	vmul.f32 v16, v52;
	v18 =	vmul.f32 v18, v52  }
0x1b9: {  	v26 =	vpop (erf);
	v3 =	vmax.f32 v3, v63;
	v22 =	vmax.f32 v22, v25;
	v25 =	vmul.f32 $2.000000030e-01, v19  }
0x1ba: {  	[tilespmem:$0x1FED0] =	vst v50;
	v9 =	vadd.f32 v61, v9;
	v3 =	vmul.f32 v3, v59;
	v24 =	vmul.f32 v24, v26  }
0x1bb: {  	[tilespmem:$0x1FEC0] =	vst v26;
	v50 =	vpop (erf);
	v22 =	vmul.f32 v22, v33;
	v19 =	vmax.f32 v19, v25;
	v26 =	vmul.f32 $2.000000030e-01, v28  }
0x1bc: {  	v58 =	vld [tilespmem:s10+$0xFFFFFF70];
	v19 =	vmul.f32 v19, v35;
	v23 =	vadd.f32 v24, v23;
	v24 =	vmul.f32 v41, v50  }
0x1bd: {  	[tilespmem:$0x1FE60] =	vst v2;
	v2 =	vld [tilespmem:s3+$0xFFFFFF70];
	v25 =	vmax.f32 v28, v26;
	v26 =	vmul.f32 $2.000000030e-01, v14;
	v28 =	vperm.xlane v22, v1  }
0x1be: {  	v17 =	vadd.f32 v32, v17;
	v25 =	vmul.f32 v25, v35;
	v35 =	vperm.xlane v9, v11  }
0x1bf: {  	[tilespmem:$0x1FEA0] =	vst v36;
	v36 =	vld [tilespmem:s10+$0x70];
	v23 =	vadd.f32 v24, v23;
	v14 =	vmax.f32 v14, v26;
	v26 =	vmul.f32 $2.000000030e-01, v6  }
0x1c0: {  	v24 =	vld [tilespmem:$0x1FFD0];
	v22 =	vadd.f32 v28, v22;
	v28 =	vperm.xlane v19, v1;
	v33 =	vperm.xlane v25, v1  }
0x1c1: {  	v5 =	vld [tilespmem:s3+$0x70];
	v6 =	vmax.f32 v6, v26;
	v26 =	vmul.f32 v27, v46;
	v27 =	vmul.f32 $2.000000030e-01, v13  }
0x1c2: {  	v2 =	vadd.f32 v2, v58;
	v14 =	vmul.f32 v14, v46;
	v61 =	vperm.xlane v22, v10  }
0x1c3: {  	v19 =	vadd.f32 v28, v19;
	v6 =	vmul.f32 v6, v52;
	v13 =	vmax.f32 v13, v27  }
0x1c4: {  	v51 =	vpop (erf);
	v27 =	vmax.f32 v30, v29;
	v29 =	vmul.f32 $2.000000030e-01, v15;
	v30 =	vmul.f32 $2.000000030e-01, v31  }
0x1c5: {  	v22 =	vadd.f32 v61, v22;
	v61 =	vperm.xlane v19, v10;
	v24 =	vmul.f32 v24, v51  }
0x1c6: {  	v5 =	vadd.f32 v5, v36;
	v13 =	vmul.f32 v13, v45;
	v27 =	vmul.f32 v27, v45  }
0x1c7: {  	v15 =	vmax.f32 v15, v29;
	v29 =	vmax.f32 v31, v30;
	v30 =	vmul.f32 v62, v45  }
0x1c8: {  	v9 =	vadd.f32 v35, v9;
	v31 =	vmul.f32 $2.000000030e-01, v2;
	v62 =	vmul.f32 $2.000000030e-01, v0  }
0x1c9: {  	v63 =	vperm.xlane v22, v11;
	v23 =	vadd.f32 v24, v23;
	v24 =	vmul.f32 $2.000000030e-01, v4  }
0x1ca: {  	v19 =	vadd.f32 v61, v19;
	v15 =	vmul.f32 v15, v59;
	v29 =	vmul.f32 v29, v59  }
0x1cb: {  	s7 =	sadd.s32 $0x240, s7;
	v2 =	vmax.f32 v2, v31;
	v0 =	vmax.f32 v0, v62;
	v62 =	vperm.xlane v9, v8  }
0x1cc: {  	[tilespmem:s7+$0x110] =	vst v23;
	v23 =	vperm.xlane v20, v1;
	v4 =	vmax.f32 v4, v24;
	v24 =	vperm.xlane v7, v1  }
0x1cd: {  	v22 =	vadd.f32 v63, v22;
	v2 =	vmul.f32 v2, v60;
	v0 =	vmul.f32 v0, v60  }
0x1ce: {  	v4 =	vmul.f32 v4, v46;
	v46 =	vmovc v49;
	v49 =	vmov v34;
	v34 =	vperm.xlane v17, v11  }
0x1cf: {  	v9 =	vadd.f32 v62, v9;
	v62 =	vperm.xlane v22, v8;
	v20 =	vadd.f32 v23, v20  }
0x1d0: {  	v23 =	vperm.xlane v21, v10;
	v7 =	vadd.f32 v24, v7;
	v24 =	vperm.xlane v12, v1  }
0x1d1: {  	v28 =	vperm.xlane v4, v1;
	v17 =	vadd.f32 v34, v17;
	v34 =	vmul.f32 $2.000000030e-01, v5  }
0x1d2: {  	v9 =	vmul.f32 $1.442695020e+00, v9;
	v22 =	vadd.f32 v62, v22;
	v32 =	vperm.xlane v20, v10  }
0x1d3: {  	v21 =	vadd.f32 v23, v21;
	v23 =	vadd.f32 v33, v25;
	v25 =	vperm.xlane v7, v10  }
0x1d4: {  	v33 =	vperm.xlane v14, v1;
	v12 =	vadd.f32 v24, v12;
	v24 =	vperm.xlane v26, v1  }
0x1d5: {  	v52 =	vmovc v53;
	v4 =	vadd.f32 v28, v4;
	v28 =	vperm.xlane v6, v1;
	v31 =	vperm.xlane v17, v8  }
0x1d6: {  	v53 =	vmovc v57;
	v5 =	vmax.f32 v5, v34;
	v20 =	vadd.f32 v32, v20;
	v32 =	vperm.xlane v21, v11  }
0x1d7: {  	v57 =	vmovc v36;
	v36 =	vperm.xlane v23, v10;
	v7 =	vadd.f32 v25, v7;
	v14 =	vadd.f32 v33, v14  }
0x1d8: {  	v25 =	vperm.xlane v12, v10;
	v33 =	vperm.xlane v16, v1;
	v24 =	vadd.f32 v24, v26  }
0x1d9: {  	v26 =	vperm.xlane v18, v1;
	v5 =	vmul.f32 v5, v60;
	v6 =	vadd.f32 v28, v6  }
0x1da: {  	v28 =	vperm.xlane v13, v1;
	v17 =	vadd.f32 v31, v17;
	v35 =	vperm.xlane v20, v11  }
0x1db: {  	v21 =	vadd.f32 v32, v21;
	v23 =	vadd.f32 v36, v23;
	v32 =	vperm.xlane v7, v11  }
0x1dc: {  	v36 =	vperm.xlane v4, v10;
	v45 =	vperm.xlane v14, v10;
	v12 =	vadd.f32 v25, v12  }
0x1dd: {  	v16 =	vadd.f32 v33, v16;
	v25 =	vperm.xlane v24, v10;
	v33 =	vperm.xlane v27, v1  }
0x1de: {  	v18 =	vadd.f32 v26, v18;
	v26 =	vperm.xlane v30, v1;
	v59 =	vperm.xlane v6, v10  }
0x1df: {  	v13 =	vadd.f32 v28, v13;
	v28 =	vperm.xlane v15, v1;
	v17 =	vmul.f32 $1.442695020e+00, v17  }
0x1e0: {  	v20 =	vadd.f32 v35, v20;
	v34 =	vperm.xlane v21, v8;
	v35 =	vperm.xlane v19, v11  }
0x1e1: {  	v63 =	vperm.xlane v23, v11;
	v7 =	vadd.f32 v32, v7;
	v4 =	vadd.f32 v36, v4  }
0x1e2: {  	v14 =	vadd.f32 v45, v14;
	v32 =	vperm.xlane v12, v11;
	v45 =	vperm.xlane v16, v10  }
0x1e3: {  	v24 =	vadd.f32 v25, v24;
	v25 =	vadd.f32 v33, v27;
	v27 =	vperm.xlane v18, v10  }
0x1e4: {  	v33 =	vperm.xlane v29, v1;
	v26 =	vadd.f32 v26, v30;
	v30 =	vperm.xlane v3, v1  }
0x1e5: {  	v6 =	vadd.f32 v59, v6;
	v59 =	vperm.xlane v13, v10;
	v15 =	vadd.f32 v28, v15  }
0x1e6: {  	(erf) = vpow2.f32 v17;
	v31 =	vperm.xlane v20, v8;
	v21 =	vadd.f32 v34, v21  }
0x1e7: {  	v19 =	vadd.f32 v35, v19;
	v23 =	vadd.f32 v63, v23;
	v34 =	vperm.xlane v7, v8  }
0x1e8: {  	v35 =	vperm.xlane v4, v11;
	v63 =	vperm.xlane v14, v11;
	v12 =	vadd.f32 v32, v12  }
0x1e9: {  	v16 =	vadd.f32 v45, v16;
	v32 =	vperm.xlane v24, v11;
	v45 =	vperm.xlane v25, v10  }
0x1ea: {  	v18 =	vadd.f32 v27, v18;
	v27 =	vadd.f32 v33, v29;
	v28 =	vperm.xlane v26, v10  }
0x1eb: {  	v29 =	vperm.xlane v2, v1;
	v33 =	vperm.xlane v0, v1;
	v3 =	vadd.f32 v30, v3  }
0x1ec: {  	v30 =	vperm.xlane v5, v1;
	(erf) = vpow2.f32 v9;
	v13 =	vadd.f32 v59, v13  }
0x1ed: {  	v59 =	vperm.xlane v15, v10;
	v20 =	vadd.f32 v31, v20;
	v21 =	vmul.f32 $1.442695020e+00, v21  }
0x1ee: {  	v31 =	vperm.xlane v19, v8;
	v62 =	vperm.xlane v23, v8;
	v7 =	vadd.f32 v34, v7  }
0x1ef: {  	v4 =	vadd.f32 v35, v4;
	v14 =	vadd.f32 v63, v14;
	v34 =	vperm.xlane v12, v8  }
0x1f0: {  	v35 =	vperm.xlane v6, v11;
	v63 =	vperm.xlane v16, v11;
	v24 =	vadd.f32 v32, v24  }
0x1f1: {  	v25 =	vadd.f32 v45, v25;
	v32 =	vperm.xlane v18, v11;
	v26 =	vadd.f32 v28, v26  }
0x1f2: {  	v45 =	vperm.xlane v27, v10;
	v2 =	vadd.f32 v29, v2;
	v0 =	vadd.f32 v33, v0  }
0x1f3: {  	v28 =	vperm.xlane v3, v10;
	v5 =	vadd.f32 v30, v5;
	v29 =	vperm.xlane v13, v11  }
0x1f4: {  	v15 =	vadd.f32 v59, v15;
	v20 =	vmul.f32 $1.442695020e+00, v20;
	v17 =	vadd.f32 v31, v19  }
0x1f5: {  	v19 =	vmul.f32 $1.442695020e+00, v22;
	v9 =	vadd.f32 v62, v23;
	v7 =	vmul.f32 $1.442695020e+00, v7  }
0x1f6: {  	(erf) = vpow2.f32 v21;
	v21 =	vperm.xlane v4, v8;
	v12 =	vadd.f32 v34, v12  }
0x1f7: {  	v22 =	vperm.xlane v14, v8;
	v6 =	vadd.f32 v35, v6;
	v16 =	vadd.f32 v63, v16  }
0x1f8: {  	v23 =	vperm.xlane v24, v8;
	v30 =	vperm.xlane v25, v11;
	v18 =	vadd.f32 v32, v18  }
0x1f9: {  	v27 =	vadd.f32 v45, v27;
	v31 =	vperm.xlane v26, v11;
	v59 =	vperm.xlane v2, v10  }
0x1fa: {  	v33 =	vperm.xlane v0, v10;
	v28 =	vadd.f32 v28, v3;
	v13 =	vadd.f32 v29, v13  }
0x1fb: {  	v3 =	vadd.f32 v21, v4;
	v4 =	vperm.xlane v5, v10;
	(erf) = vpow2.f32 v20  }
0x1fc: {  	v17 =	vmul.f32 $1.442695020e+00, v17;
	v20 =	vadd.f32 v22, v14;
	v9 =	vmul.f32 $1.442695020e+00, v9  }
0x1fd: {  	v12 =	vmul.f32 $1.442695020e+00, v12;
	v21 =	vperm.xlane v16, v8;
	v22 =	vadd.f32 v30, v25  }
0x1fe: {  	v25 =	vperm.xlane v27, v11;
	v26 =	vadd.f32 v31, v26;
	v14 =	vpop (erf);
	(erf) = vpow2.f32 v19  }
0x1ff: {  	v2 =	vadd.f32 v59, v2;
	v30 =	vperm.xlane v28, v11;
	v63 =	vpop (erf);
	(erf) = vpow2.f32 v7  }
0x200: {  	v19 =	vadd.f32 v23, v24;
	v23 =	vperm.xlane v18, v8;
	v7 =	vperm.xlane v6, v8  }
0x201: {  	v29 =	vadd.f32 v33, v0;
	v24 =	vperm.xlane v15, v11;
	v31 =	vmul.f32 $1.442695020e+00, v3  }
0x202: {  	v5 =	vadd.f32 v4, v5;
	v4 =	vadd.f32 v7, v6;
	v6 =	vmul.f32 $1.442695020e+00, v20  }
0x203: {  	v7 =	vadd.f32 v21, v16;
	v16 =	vperm.xlane v22, v8;
	v20 =	vperm.xlane v2, v11  }
0x204: {  	v21 =	vperm.xlane v29, v11;
	v62 =	vpop (erf);
	(erf) = vpow2.f32 v17  }
0x205: {  	v15 =	vadd.f32 v24, v15;
	v24 =	vmul.f32 $1.442695020e+00, v4;
	(erf) = vpow2.f32 v9  }
0x206: {  	v17 =	vadd.f32 v23, v18;
	v7 =	vmul.f32 $1.442695020e+00, v7;
	v3 =	vpop (erf);
	(erf) = vpow2.f32 v12  }
0x207: {  	v18 =	vadd.f32 v25, v27;
	v9 =	vmul.f32 $1.442695020e+00, v19;
	v19 =	vperm.xlane v26, v8;
	v0 =	vpop (erf)  }
0x208: {  	v23 =	vadd.f32 v30, v28;
	v12 =	vperm.xlane v13, v8;
	v61 =	vpop (erf);
	(erf) = vpow2.f32 v31  }
0x209: {  	v16 =	vadd.f32 v16, v22;
	v17 =	vmul.f32 $1.442695020e+00, v17;
	(erf) = vpow2.f32 v6  }
0x20a: {  	v20 =	vadd.f32 v20, v2;
	v22 =	vperm.xlane v18, v8;
	(erf) = vpow2.f32 v9  }
0x20b: {  	v25 =	vperm.xlane v23, v8;
	v12 =	vadd.f32 v12, v13;
	v13 =	vperm.xlane v5, v11  }
0x20c: {  	v27 =	vperm.xlane v20, v8;
	v9 =	vperm.xlane v15, v8  }
0x20d: {  	v19 =	vadd.f32 v19, v26;
	v12 =	vmul.f32 $1.442695020e+00, v12;
	v26 =	vadd.f32 v13, v5;
	v6 =	vpop (erf)  }
0x20e: {  	v5 =	vadd.f32 v9, v15;
	v9 =	vmul.f32 $1.442695020e+00, v16;
	v4 =	vpop (erf);
	(erf) = vpow2.f32 v24  }
0x20f: {  	v21 =	vadd.f32 v21, v29;
	v16 =	vmul.f32 $1.442695020e+00, v19;
	v2 =	vpop (erf);
	(erf) = vpow2.f32 v7  }
0x210: {  	v15 =	vadd.f32 v22, v18;
	v19 =	vmul.f32 v39, v14;
	(erf) = vpow2.f32 v17  }
0x211: {  	v18 =	vadd.f32 v25, v23;
	v22 =	vperm.xlane v26, v8;
	v23 =	vmul.f32 v39, v63;
	v13 =	vpop (erf)  }
0x212: {  	v25 =	vmul.f32 $1.442695020e+00, v5;
	v7 =	vpop (erf);
	(erf) = vpow2.f32 v12;
	v12 =	vld [tilespmem:$0x1FFF0]  }
0x213: {  	v17 =	vperm.xlane v21, v8;
	v5 =	vpop (erf);
	(erf) = vpow2.f32 v9  }
0x214: {  	v20 =	vadd.f32 v27, v20;
	v24 =	vmul.f32 v39, v62;
	v15 =	vmul.f32 $1.442695020e+00, v15  }
0x215: {  	v28 =	vadd.f32 $0.0e+00, v19;
	v18 =	vmul.f32 $1.442695020e+00, v18;
	v17 =	vadd.f32 v17, v21  }
0x216: {  	v21 =	vadd.f32 v22, v26;
	v22 =	vadd.f32 $0.0e+00, v23;
	(erf) = vpow2.f32 v16  }
0x217: {  	v23 =	vadd.f32 $0.0e+00, v24;
	v16 =	vpop (erf);
	v19 =	vmul.f32 v12, v3;
	v24 =	vmul.f32 v12, v0  }
0x218: {  	v26 =	vmul.f32 v12, v61;
	v12 =	vpop (erf);
	(erf) = vpow2.f32 v25  }
0x219: {  	v20 =	vmul.f32 $1.442695020e+00, v20;
	v9 =	vpop (erf);
	(erf) = vpow2.f32 v15  }
0x21a: {  	v22 =	vadd.f32 v24, v22;
	v24 =	vmul.f32 $1.442695020e+00, v17;
	(erf) = vpow2.f32 v18  }
0x21b: {  	v27 =	vadd.f32 v19, v28;
	v19 =	vpop (erf);
	(erf) = vpow2.f32 v20  }
0x21c: {  	v17 =	vpop (erf);
	(erf) = vpow2.f32 v24;
	v24 =	vld [tilespmem:$0x1FF90];
	_ =	sdelay $0x2  }
0x21d: {  	v18 =	vmul.f32 v43, v4;
	v28 =	vld [tilespmem:$0x1FFB0]  }
0x21e: {  	v25 =	vmul.f32 v43, v6  }
0x21f: {  	v15 =	vadd.f32 v26, v23;
	v18 =	vadd.f32 v18, v22;
	v26 =	vmul.f32 v24, v7  }
0x220: {  	v21 =	vmul.f32 $1.442695020e+00, v21;
	v23 =	vmul.f32 v43, v2;
	v20 =	vadd.f32 v25, v27  }
0x221: {  	v25 =	vmul.f32 v40, v12;
	v22 =	vmul.f32 v24, v13;
	v30 =	vadd.f32 v26, v18  }
0x222: {  	v23 =	vadd.f32 v23, v15;
	v27 =	vmul.f32 v28, v17;
	v24 =	vmul.f32 v24, v5  }
0x223: {  	v29 =	vadd.f32 v22, v20;
	v22 =	vmul.f32 v40, v16;
	v25 =	vadd.f32 v25, v30  }
0x224: {  	s9 =	sadd.s32 $0x4, s9;
	v31 =	vld [tilespmem:$0x1FFD0];
	v15 =	vpop (erf);
	v23 =	vadd.f32 v24, v23;
	v24 =	vmul.f32 v40, v9;
	v26 =	vmul.f32 v28, v19  }
0x225: {  	p1 =	slt.u32 s9, $0x34;
	v22 =	vadd.f32 v22, v29;
	v29 =	vmul.f32 v28, v15;
	v28 =	vadd.f32 v27, v25;
	v25 =	vld [tilespmem:$0x1FD90]  }
.Ltmp1:
0x226: {  	(erf) = vpow2.f32 v21;
	v21 =	vpop (erf);
	(pc) =	sbr.rel @p1 .LBB2_5-.Ltmp1, $4  }
0x227: {  	v20 =	vpop (erf);
	v60 =	vadd.f32 v24, v23  }
0x228: {  	v43 =	vmov v37;
	v18 =	vpop (erf);
	v30 =	vmul.f32 v41, v21;
	v22 =	vadd.f32 v26, v22  }
0x229: {  	v23 =	vmul.f32 v41, v20;
	v27 =	vadd.f32 v29, v60;
	v26 =	vmul.f32 v41, v18;
	v24 =	vpop (erf)  }
0x22a: {  	s10 =	sadd.s32 $0x200, s10;
	v41 =	vld [tilespmem:$0x1FD80];
	v22 =	vadd.f32 v30, v22;
	v60 =	vmul.f32 v14, v25;
	v25 =	vmul.f32 v31, v24;
	v14 =	vpop (erf)  }
0x22b: {  	_ =	sdelay $0x2  }
0x22c: {  	v23 =	vadd.f32 v23, v28;
	v28 =	vmul.f32 v31, v14  }
0x22d: {  	v22 =	vadd.f32 v25, v22;
	v29 =	vpop (erf)  }
0x22e: {  	v26 =	vadd.f32 v26, v27;
	[tilespmem:s7+$0xFFFFFEE0] =	vst v60;
	v23 =	vadd.f32 v28, v23;
	v25 =	vmul.f32 v31, v29  }
0x22f: {  	[tilespmem:s7+$0xFFFFFF60] =	vst v22  }
0x230: {  	v22 =	vadd.f32 v25, v26;
	v25 =	vld [tilespmem:$0x1FE30];
	[tilespmem:s7+$0xFFFFFFF0] =	vst v23  }
0x231: {  	v23 =	vld [tilespmem:$0x1FE90]  }
0x232: {  	[tilespmem:s7+$0x80] =	vst v22  }
0x233: {  	v22 =	vld [tilespmem:$0x1FED0];
	_ =	sdelay $0x1  }
0x234: {  	v3 =	vmul.f32 v3, v25  }
0x235: {  	v6 =	vmul.f32 v6, v23  }
0x236: {  	[tilespmem:s7+$0xFFFFFEF0] =	vst v3;
	v3 =	vmul.f32 v16, v46  }
0x237: {  	v13 =	vmul.f32 v13, v22;
	[tilespmem:s7+$0xFFFFFF00] =	vst v6  }
0x238: {  	v6 =	vmul.f32 v19, v53;
	[tilespmem:s7+$0xFFFFFF20] =	vst v3  }
0x239: {  	[tilespmem:s7+$0xFFFFFF10] =	vst v13  }
0x23a: {  	[tilespmem:s7+$0xFFFFFF30] =	vst v6  }
0x23b: {  	v56 =	vmul.f32 v21, v56;
	v6 =	vld [tilespmem:$0x1FE20];
	_ =	sdelay $0x1  }
0x23c: {  	v3 =	vmul.f32 v24, v58;
	[tilespmem:s7+$0xFFFFFF40] =	vst v56  }
0x23d: {  	v13 =	vld [tilespmem:$0x1FE50]  }
0x23e: {  	[tilespmem:s7+$0xFFFFFF50] =	vst v3  }
0x23f: {  	v3 =	vld [tilespmem:$0x1FEA0];
	v6 =	vmul.f32 v63, v6;
	_ =	sdelay $0x1  }
0x240: {  	[tilespmem:s7+$0xFFFFFF70] =	vst v6  }
0x241: {  	v0 =	vmul.f32 v0, v13;
	v59 =	vld [tilespmem:$0x1FEE0]  }
0x242: {  	v60 =	vmul.f32 v20, v55  }
0x243: {  	v3 =	vmul.f32 v4, v3;
	[tilespmem:s7+$0xFFFFFF80] =	vst v0  }
0x244: {  	v0 =	vmul.f32 v12, v44;
	[tilespmem:s7+$0xFFFFFFD0] =	vst v60  }
0x245: {  	[tilespmem:s7+$0xFFFFFF90] =	vst v3;
	v3 =	vmul.f32 v17, v52  }
0x246: {  	[tilespmem:s7+$0xFFFFFFB0] =	vst v0;
	v4 =	vmul.f32 v7, v59  }
0x247: {  	v0 =	vmul.f32 v14, v43;
	[tilespmem:s7+$0xFFFFFFC0] =	vst v3  }
0x248: {  	[tilespmem:s7+$0xFFFFFFA0] =	vst v4  }
0x249: {  	v4 =	vld [tilespmem:$0x1FE70];
	[tilespmem:s7+$0xFFFFFFE0] =	vst v0  }
0x24a: {  	v0 =	vld [tilespmem:$0x1FEB0];
	_ =	sdelay $0x1  }
0x24b: {  	v3 =	vmul.f32 v62, v41;
	_ =	sdelay $0x1  }
0x24c: {  	[tilespmem:s7+$0x0] =	vst v3  }
0x24d: {  	v0 =	vmul.f32 v2, v0;
	v2 =	vld [tilespmem:$0x1FEF0]  }
0x24e: {  	v3 =	vmul.f32 v9, v42;
	_ =	sdelay $0x1  }
0x24f: {  	v4 =	vmul.f32 v61, v4;
	[tilespmem:s7+$0x40] =	vst v3  }
0x250: {  	[tilespmem:s7+$0x20] =	vst v0;
	v0 =	vmul.f32 v15, v48  }
0x251: {  	[tilespmem:s7+$0x10] =	vst v4;
	v2 =	vmul.f32 v5, v2  }
0x252: {  	[tilespmem:s7+$0x50] =	vst v0  }
0x253: {  	[tilespmem:s7+$0x30] =	vst v2;
	v2 =	vmul.f32 v18, v54  }
0x254: {  	v0 =	vld [tilespmem:$0x1FE10]  }
0x255: {  	v4 =	vld [tilespmem:$0x1FE40];
	[tilespmem:s7+$0x60] =	vst v2  }
0x256: {  	v2 =	vld [tilespmem:$0x1FE00]  }
0x257: {  	v61 =	vld [tilespmem:$0x1FE60]  }
0x258: {  	v3 =	vmul.f32 v29, v57;
	_ =	sdelay $0x1  }
0x259: {  	[tilespmem:s7+$0x70] =	vst v3  }
0x25a: {  	v3 =	vld [tilespmem:$0x1FDE0];
	v0 =	vmul.f32 v4, v0  }
0x25b: {  	v62 =	vld [tilespmem:$0x1FE80];
	v2 =	vmul.f32 v61, v2  }
0x25c: {  	[tilespmem:s7+$0x90] =	vst v0  }
0x25d: {  	v0 =	vld [tilespmem:$0x1FDF0];
	[tilespmem:s7+$0xA0] =	vst v2  }
0x25e: {  	v2 =	vld [tilespmem:$0x1FDC0];
	_ =	sdelay $0x1  }
0x25f: {  	v3 =	vmul.f32 v62, v3;
	_ =	sdelay $0x1  }
0x260: {  	[tilespmem:s7+$0xB0] =	vst v3;
	v0 =	vmul.f32 v47, v0  }
0x261: {  	v3 =	vld [tilespmem:$0x1FDD0];
	v2 =	vmul.f32 v49, v2  }
0x262: {  	s3 =	smulhi.u32 $0xAAAAAAAB, s0;
	v63 =	vld [tilespmem:$0x1FEC0];
	[tilespmem:s7+$0xC0] =	vst v0  }
0x263: {  	v0 =	vld [tilespmem:$0x1FDA0];
	[tilespmem:s7+$0xD0] =	vst v2  }
0x264: {  	s3 =	sshrl.u32 s3, $0x1;
	v2 =	vld [tilespmem:$0x1FDB0]  }
0x265: {  	s3 =	smul.u32 $0x3, s3;
	_ =	sdelay $0x1  }
0x266: {  	s13 =	ssub.s32 s0, s3;
	v3 =	vmul.f32 v63, v3  }
0x267: {  	s0 =	smul.u32 $0x1C0, s13;
	v0 =	vmul.f32 v50, v0  }
0x268: {  	[tilespmem:s7+$0xE0] =	vst v3;
	v2 =	vmul.f32 v51, v2  }
0x269: {  	s0 =	sshrl.u32 s0, $0x2;
	[tilespmem:s7+$0xF0] =	vst v0  }
0x26a: {  	s0 =	sadd.s32 $0x38, s0;
	[tilespmem:s7+$0x100] =	vst v2  }
0x26b: {  	[spmem:s2] =	stream.indirect.scatter.add.f32 [tilespmem:s28], [sflag:$0x5], $0x90, s0, s31, $0xb8;
	[tilespmem:$0x1F170] =	vst v63  }
0x26c: {  	_ =	swait.ge [sflag:s29], $0x1F80  }
0x26d: {  	v45 =	vld [tilespmem:$0x1FFE0]  }
0x26e: {  	v30 =	vld [tilespmem:$0x1FFF0]  }
0x26f: {  	v20 =	vld [tilespmem:$0x1FF80]  }
0x270: {  	v21 =	vld [tilespmem:$0x1FF90]  }
0x271: {  	v22 =	vld [tilespmem:$0x1FFA0]  }
0x272: {  	v23 =	vld [tilespmem:$0x1FFB0]  }
0x273: {  	v24 =	vld [tilespmem:$0x1FFC0]  }
0x274: {  	v25 =	vld [tilespmem:$0x1FF00]  }
0x275: {  	v27 =	vld [tilespmem:$0x1FF10]  }
0x276: {  	p1 =	sne.s32 s30, $0xBA;
	v28 =	vld [tilespmem:$0x1FF20]  }
.Ltmp2:
0x277: {  	v32 =	vld [tilespmem:$0x1FF30];
	(pc) =	sbr.rel @p1 .LBB2_4-.Ltmp2, $4  }
0x278: {  	v33 =	vld [tilespmem:$0x1FF40]  }
0x279: {  	v34 =	vld [tilespmem:$0x1FF50]  }
0x27a: {  	[sflag:s29] =	ssyncset.done $0x0;
	v35 =	vld [tilespmem:$0x1FF60]  }
0x27b: {  	p0 =	por !p0, !p0;
	s0 =	smov.u32 s30;
	v36 =	vld [tilespmem:$0x1FF70];
	[sflag:s29] =	ssyncadd.s32 $0xFFFFE080  }
0x27c: {  	s0 =	stileid.u32;
	s4 =	sadd.s32 $0x1, s4  }
0x27d: {  	s0 =	sshll.u32 s0, $0x6;
	p0 =	sne.s32 s4, s24  }
.Ltmp3:
0x27e: {  	[bflag:$0x0] =	sbarrier.arrive $0xFFFF;
	s0 =	sor.u32 $0x1C05, s0;
	(pc) =	sbr.rel @p0 .LBB2_1-.Ltmp3, $4  }
0x27f: {  	[hbm:s23], [sflag:s0] =	dma.local [spmem:s25], $0x2BF2  }
0x280: {  	_ =	swait.ge [sflag:s29], $0x2BF2  }
0x281: {  	[sflag:s29] =	ssyncset.done $0x0  }
0x282: {  	v6 =	vimm.f32 $0.0e+00;
	[sflag:s29] =	ssyncadd.s32 $0xFFFFD40E  }
0x283: {  	_ =	sfence.sel $0x180000  }
0x284: {  	[bflag:$0x0] =	sbarrier.arrive $0xFFFF  }
0x285: {  	_ =	strace $0x90000047  }
0x286: {  	s0 =	stileid.u32;
	[bflag:$0x2] =	sbarrier.arrive $0xFFFF  }
0x287: {  	p0 =	sne.s32 s0, $0x0;
	s0 =	rddreg [dreg:$0x3]  }
0x288: {  	s0 =	sadd.s32 @!p0 $0x100000, s0  }
0x289: {  	[sflag:s0] =	ssyncadd.tile.s32 @!p0 $0x1;
	_ =	shalt  }
.Lfunc_end2:
_tile_overlayer_lowered:
.L_overlay_start_2:
0x28a: {  	(tag) =	ssettag $0x2  }
0x28b: {  	s0 =	rddreg [dreg:$0x0];
	s2 =	stileid.u32  }
0x28c: {  	s1 =	rddreg [dreg:$0x1];
	p0 =	sne.s32 s2, $0x0  }
0x28d: {  	s3 =	rddreg [dreg:$0x2];
	[bflag:$0x3] =	sbarrier.arrive $0xFFFF;
	s2 =	simm.s32 @!p0 $0x1C05  }
0x28e: {  	[timem:s3], [sflag:s2] =	dma.local @!p0 [hbm:s0], s1  }
0x28f: {  	s0 =	simm.s32 @!p0 $0x5  }
0x290: {  	_ =	swait.ge @!p0 [sflag:s0], s1  }
0x291: {  	s1 =	ssub.s32 @!p0 $0x0, s1;
	[sflag:s0] =	ssyncset.done @!p0 $0x0  }
0x292: {  	[sflag:s0] =	ssyncadd.s32 @!p0 s1  }
0x293: {  	[bflag:$0x3] =	sbarrier.arrive $0xFFFF  }
0x294: {  	_ =	shalt  }

</sc_bundles>
